<compile_context>
chip_gen: v7x
topology: tpu7x:2x2x1
jax: 0.10.2.dev20260603
libtpu: 0.0.44.dev20260713+nightly
codegen_flags: <defaults>
</compile_context>

<pallas_src>
import functools

import jax
import jax.numpy as jnp
from jax import lax
from jax.experimental import pallas as pl
from jax.experimental.pallas import tpu as pltpu
from jax.experimental.pallas import tpu_sc as plsc

N, E, DIN, H, DOUT = 10000, 320000, 128, 64, 128

NC, NS = 2, 16
NW = NC * NS
EPT = E // NW
CHUNK = 100
EPT_P = EPT
NCHUNKS = EPT_P // CHUNK
NBUF = 4
NITER = NCHUNKS // NBUF
NPAD = 10240
ROWS_PT = NPAD // NS
ZR = 128

_PREC = jax.lax.Precision.HIGHEST


def _dot(a, b):
    return jax.lax.dot_general(a, b, (((1,), (0,)), ((), ())),
                               precision=_PREC,
                               preferred_element_type=jnp.float32)


def _sc_segment_sum(p, src3, dst3, zeros_z):
    mesh = plsc.VectorSubcoreMesh(core_axis_name="c", subcore_axis_name="s")

    @functools.partial(
        pl.kernel,
        mesh=mesh,
        compiler_params=pltpu.CompilerParams(use_tc_tiling_on_sc=False),
        out_type=jax.ShapeDtypeStruct((NC, NPAD, H), jnp.float32),
        scratch_types=[
            pltpu.VMEM((NCHUNKS, CHUNK), jnp.int32),
            pltpu.VMEM((NCHUNKS, CHUNK), jnp.int32),
            pltpu.VMEM((CHUNK, H), jnp.float32),
            pltpu.VMEM((CHUNK, H), jnp.float32),
            pltpu.VMEM((CHUNK, H), jnp.float32),
            pltpu.VMEM((CHUNK, H), jnp.float32),
            pltpu.VMEM((ZR, H), jnp.float32),
            pltpu.VMEM_SHARED((NPAD, H), jnp.float32),
            pltpu.SemaphoreType.DMA,
            pltpu.SemaphoreType.DMA,
            pltpu.SemaphoreType.DMA,
            pltpu.SemaphoreType.DMA,
        ],
    )
    def k(p_hbm, src_hbm, dst_hbm, z_hbm, out_hbm, sbuf, dbuf,
          r0, r1, r2, r3, zbuf, acc, g0, g1, g2, g3):
        rows = [r0, r1, r2, r3]
        gsem = [g0, g1, g2, g3]
        c = lax.axis_index("c")
        s = lax.axis_index("s")
        w = c * NS + s

        pltpu.sync_copy(src_hbm.at[w], sbuf)
        pltpu.sync_copy(dst_hbm.at[w], dbuf)
        for b in range(NBUF):
            pltpu.async_copy(p_hbm.at[sbuf.at[b]], rows[b], gsem[b])

        pltpu.sync_copy(z_hbm, zbuf)
        for j in range(ROWS_PT // ZR):
            pltpu.sync_copy(zbuf, acc.at[pl.ds(s * ROWS_PT + j * ZR, ZR)])
        plsc.subcore_barrier()

        def body(i, _):
            for b in range(NBUF):
                j = i * NBUF + b
                pltpu.make_async_copy(
                    p_hbm.at[sbuf.at[j]], rows[b], gsem[b]).wait()
                pltpu.sync_copy(rows[b], acc.at[dbuf.at[j]], add=True)

                @pl.when(i < NITER - 1)
                def _():
                    pltpu.async_copy(
                        p_hbm.at[sbuf.at[j + NBUF]], rows[b], gsem[b])
            return 0

        lax.fori_loop(0, NITER, body, 0)
        plsc.subcore_barrier()

        for j in range(ROWS_PT // ZR):
            r0_ = s * ROWS_PT + j * ZR
            pltpu.async_copy(acc.at[pl.ds(r0_, ZR)],
                             out_hbm.at[c].at[pl.ds(r0_, ZR)], gsem[j % NBUF])
        for j in range(ROWS_PT // ZR):
            r0_ = s * ROWS_PT + j * ZR
            pltpu.make_async_copy(acc.at[pl.ds(r0_, ZR)],
                                  out_hbm.at[c].at[pl.ds(r0_, ZR)],
                                  gsem[j % NBUF]).wait()

    return k(p, src3, dst3, zeros_z)


_BR = 2000


def _tc_project0(x, W1):
    def body(x_ref, w_ref, o_ref):
        o_ref[...] = _dot(x_ref[...], w_ref[...])

    return pl.pallas_call(
        body,
        grid=(N // _BR,),
        in_specs=[
            pl.BlockSpec((_BR, DIN), lambda i: (i, 0)),
            pl.BlockSpec((DIN, H), lambda i: (0, 0)),
        ],
        out_specs=pl.BlockSpec((_BR, H), lambda i: (i, 0)),
        out_shape=jax.ShapeDtypeStruct((N, H), jnp.float32),
    )(x, W1)


def _tc_block(p, acc2, b1, W2, b2, g, be, W1n):

    def body(p_ref, a_ref, b1_ref, w2_ref, b2_ref, g_ref, be_ref, w1n_ref,
             o_ref):
        t = p_ref[...] + a_ref[0] + a_ref[1] + b1_ref[...]
        t = jnp.maximum(t, 0.0)
        u = _dot(t, w2_ref[...]) + b2_ref[...]
        mu = jnp.mean(u, axis=-1, keepdims=True)
        var = jnp.mean((u - mu) ** 2, axis=-1, keepdims=True)
        v = (u - mu) / jnp.sqrt(var + 1e-5) * g_ref[...] + be_ref[...]
        v = jnp.maximum(v, 0.0)
        o_ref[...] = _dot(v, w1n_ref[...])

    return pl.pallas_call(
        body,
        grid=(N // _BR,),
        in_specs=[
            pl.BlockSpec((_BR, H), lambda i: (i, 0)),
            pl.BlockSpec((NC, _BR, H), lambda i: (0, i, 0)),
            pl.BlockSpec((1, H), lambda i: (0, 0)),
            pl.BlockSpec((H, H), lambda i: (0, 0)),
            pl.BlockSpec((1, H), lambda i: (0, 0)),
            pl.BlockSpec((1, H), lambda i: (0, 0)),
            pl.BlockSpec((1, H), lambda i: (0, 0)),
            pl.BlockSpec((H, H), lambda i: (0, 0)),
        ],
        out_specs=pl.BlockSpec((_BR, H), lambda i: (i, 0)),
        out_shape=jax.ShapeDtypeStruct((N, H), jnp.float32),
    )(p, acc2, b1.reshape(1, H), W2, b2.reshape(1, H), g.reshape(1, H),
      be.reshape(1, H), W1n)


def _tc_final(p, acc2, b1, W2, b2):
    def body(p_ref, a_ref, b1_ref, w2_ref, b2_ref, o_ref):
        t = p_ref[...] + a_ref[0] + a_ref[1] + b1_ref[...]
        t = jnp.maximum(t, 0.0)
        o_ref[...] = _dot(t, w2_ref[...]) + b2_ref[...]

    return pl.pallas_call(
        body,
        grid=(N // _BR,),
        in_specs=[
            pl.BlockSpec((_BR, H), lambda i: (i, 0)),
            pl.BlockSpec((NC, _BR, H), lambda i: (0, i, 0)),
            pl.BlockSpec((1, H), lambda i: (0, 0)),
            pl.BlockSpec((H, DOUT), lambda i: (0, 0)),
            pl.BlockSpec((1, DOUT), lambda i: (0, 0)),
        ],
        out_specs=pl.BlockSpec((_BR, DOUT), lambda i: (i, 0)),
        out_shape=jax.ShapeDtypeStruct((N, DOUT), jnp.float32),
    )(p, acc2, b1.reshape(1, H), W2, b2.reshape(1, DOUT))


def kernel(x, edge_index,
           W1_0, b1_0, W2_0, b2_0, g_0, be_0,
           W1_1, b1_1, W2_1, b2_1, g_1, be_1,
           W1_2, b1_2, W2_2, b2_2, g_2, be_2,
           W1_3, b1_3, W2_3, b2_3):
    src3 = edge_index[0].astype(jnp.int32).reshape(NW, NCHUNKS, CHUNK)
    dst3 = edge_index[1].astype(jnp.int32).reshape(NW, NCHUNKS, CHUNK)
    zeros_z = jnp.zeros((ZR, H), jnp.float32)

    p = _tc_project0(x, W1_0)
    acc2 = _sc_segment_sum(p, src3, dst3, zeros_z)
    p = _tc_block(p, acc2, b1_0, W2_0, b2_0, g_0, be_0, W1_1)
    acc2 = _sc_segment_sum(p, src3, dst3, zeros_z)
    p = _tc_block(p, acc2, b1_1, W2_1, b2_1, g_1, be_1, W1_2)
    acc2 = _sc_segment_sum(p, src3, dst3, zeros_z)
    p = _tc_block(p, acc2, b1_2, W2_2, b2_2, g_2, be_2, W1_3)
    acc2 = _sc_segment_sum(p, src3, dst3, zeros_z)
    return _tc_final(p, acc2, b1_3, W2_3, b2_3)

# --- scband reference (transcript-rebuilt; emitter-appended) ---
"""Pipeline reference for scband-ginv2-38689065402516 (READ-ONLY COPY).

The authoritative reference and input builder live on the scoring server;
editing this copy changes nothing except your own understanding.
"""

import jax, jax.numpy as jnp
import numpy as np

N, E, DIN, H, DOUT = 10000, 320000, 128, 64, 128
# block dims: (in, hidden, out); blocks 0-2 have layernorm+relu, block 3 is plain
DIMS = [(DIN, H, H), (H, H, H), (H, H, H), (H, H, DOUT)]


def setup_inputs(seed: int = 0) -> dict:
    key = jax.random.key(seed)
    ks = jax.random.split(key, 40)
    inp = {}
    inp["x"] = jax.random.normal(ks[0], (N, DIN), dtype=jnp.float32)
    inp["edge_index"] = jax.random.randint(ks[1], (2, E), 0, N).astype(jnp.int64)
    ki = 2
    for i, (din, dh, dout) in enumerate(DIMS):
        inp[f"W1_{i}"] = jax.random.normal(ks[ki], (din, dh), dtype=jnp.float32) * 0.05; ki += 1
        inp[f"b1_{i}"] = jnp.zeros((dh,), dtype=jnp.float32)
        inp[f"W2_{i}"] = jax.random.normal(ks[ki], (dh, dout), dtype=jnp.float32) * 0.05; ki += 1
        inp[f"b2_{i}"] = jnp.zeros((dout,), dtype=jnp.float32)
        if i < 3:
            inp[f"g_{i}"] = jnp.ones((dout,), dtype=jnp.float32)
            inp[f"be_{i}"] = jnp.zeros((dout,), dtype=jnp.float32)
    return inp


def _gin_conv(x, src, dst, W1, b1, W2, b2):
    # GINConv with eps=0: mlp((1+eps)*x + sum_{j->i} x_j)
    agg = jax.ops.segment_sum(jnp.take(x, src, axis=0), dst, num_segments=N)
    h = x + agg
    h = jnp.maximum(jnp.dot(h, W1) + b1, 0.0)
    h = jnp.dot(h, W2) + b2
    return h


def _layernorm(h, g, b):
    mu = jnp.mean(h, axis=-1, keepdims=True)
    var = jnp.mean((h - mu) ** 2, axis=-1, keepdims=True)
    return (h - mu) / jnp.sqrt(var + 1e-5) * g + b


def reference(x, edge_index,
              W1_0, b1_0, W2_0, b2_0, g_0, be_0,
              W1_1, b1_1, W2_1, b2_1, g_1, be_1,
              W1_2, b1_2, W2_2, b2_2, g_2, be_2,
              W1_3, b1_3, W2_3, b2_3):
    src = edge_index[0]
    dst = edge_index[1]
    # block 0
    h = _gin_conv(x, src, dst, W1_0, b1_0, W2_0, b2_0)
    h = jnp.maximum(_layernorm(h, g_0, be_0), 0.0)
    # block 1
    h = _gin_conv(h, src, dst, W1_1, b1_1, W2_1, b2_1)
    h = jnp.maximum(_layernorm(h, g_1, be_1), 0.0)
    # block 2
    h = _gin_conv(h, src, dst, W1_2, b1_2, W2_2, b2_2)
    h = jnp.maximum(_layernorm(h, g_2, be_2), 0.0)
    # block 3 (no norm, no act)
    h = _gin_conv(h, src, dst, W1_3, b1_3, W2_3, b2_3)
    return h

if __name__ == "__main__":
    import jax
    _d = setup_inputs()
    print(jax.jit(kernel)(*tuple(_d.values())))

</pallas_src>

<mosaic_0001>
#map = affine_map<(d0, d1) -> (0, 0)>
#map1 = affine_map<(d0, d1) -> (0, 0, 0)>
module attributes {stable_mosaic.version = 14 : i64} {
  func.func @k(%arg0: i32, %arg1: i32, %arg2: memref<10000x64xf32, #tpu.memory_space<hbm>>, %arg3: memref<32x100x100xi32, #tpu.memory_space<hbm>>, %arg4: memref<32x100x100xi32, #tpu.memory_space<hbm>>, %arg5: memref<128x64xf32, #tpu.memory_space<hbm>>, %arg6: memref<2x10240x64xf32, #tpu.memory_space<hbm>>, %arg7: memref<100x100xi32, #tpu.memory_space<vmem>>, %arg8: memref<100x100xi32, #tpu.memory_space<vmem>>, %arg9: memref<100x64xf32, #tpu.memory_space<vmem>>, %arg10: memref<100x64xf32, #tpu.memory_space<vmem>>, %arg11: memref<100x64xf32, #tpu.memory_space<vmem>>, %arg12: memref<100x64xf32, #tpu.memory_space<vmem>>, %arg13: memref<128x64xf32, #tpu.memory_space<vmem>>, %arg14: memref<10240x64xf32, #tpu.memory_space<vmem_shared>>, %arg15: memref<!tpu.dma_semaphore, #tpu.memory_space<semaphore_mem>>, %arg16: memref<!tpu.dma_semaphore, #tpu.memory_space<semaphore_mem>>, %arg17: memref<!tpu.dma_semaphore, #tpu.memory_space<semaphore_mem>>, %arg18: memref<!tpu.dma_semaphore, #tpu.memory_space<semaphore_mem>>) attributes {dimension_semantics = [#tpu.dimension_semantics<core_parallel>, #tpu.dimension_semantics<subcore_parallel>], iteration_bounds = array<i64: 2, 16>, scalar_prefetch = 0 : i64, scratch_operands = 12 : i64, tpu.core_type = #tpu.core_type<sc_vector_subcore>, window_params = [{transform_indices = #map}, {transform_indices = #map1}, {transform_indices = #map1}, {transform_indices = #map}, {transform_indices = #map1}]} {
    %mul3A = arith.constant 16 : i32
    %mul3A_0 = arith.muli %arg0, %mul3A : i32
    %add3A = arith.addi %mul3A_0, %arg1 : i32
    "tpu.region"() ({
      %run_scoped3A = tpu.sem_alloc : memref<!tpu.dma_semaphore, #tpu.memory_space<semaphore_mem>>
      %dma_start3A_174 = arith.constant 0 : i32
      %dma_start3A_175 = arith.constant 0 : i32
      %dma_start3A_176 = tpu.memref_slice %arg3[%add3A, %dma_start3A_174, %dma_start3A_175] : memref<32x100x100xi32, #tpu.memory_space<hbm>> -> memref<1x100x100xi32, #tpu.memory_space<hbm>>
      %dma_start3A_177 = tpu.memref_squeeze %dma_start3A_176 : memref<1x100x100xi32, #tpu.memory_space<hbm>> -> memref<100x100xi32, #tpu.memory_space<hbm>>
      %dma_start3A_178 = arith.constant 0 : i32
      %dma_start3A_179 = arith.constant 0 : i32
      %dma_start3A_180 = tpu.memref_slice %arg3[%add3A, %dma_start3A_178, %dma_start3A_179] : memref<32x100x100xi32, #tpu.memory_space<hbm>> -> memref<1x100x100xi32, #tpu.memory_space<hbm>>
      %dma_start3A_181 = tpu.memref_squeeze %dma_start3A_180 : memref<1x100x100xi32, #tpu.memory_space<hbm>> -> memref<100x100xi32, #tpu.memory_space<hbm>>
      tpu.enqueue_dma source(%dma_start3A_181 : memref<100x100xi32, #tpu.memory_space<hbm>>) target(%arg7 : memref<100x100xi32, #tpu.memory_space<vmem>>) target_semaphore(%run_scoped3A : memref<!tpu.dma_semaphore, #tpu.memory_space<semaphore_mem>>)
      %dma_wait3A_182 = arith.constant 0 : i32
      %dma_wait3A_183 = arith.constant 0 : i32
      %dma_wait3A_184 = tpu.memref_slice %arg3[%add3A, %dma_wait3A_182, %dma_wait3A_183] : memref<32x100x100xi32, #tpu.memory_space<hbm>> -> memref<1x100x100xi32, #tpu.memory_space<hbm>>
      %dma_wait3A_185 = tpu.memref_squeeze %dma_wait3A_184 : memref<1x100x100xi32, #tpu.memory_space<hbm>> -> memref<100x100xi32, #tpu.memory_space<hbm>>
      %dma_wait3A_186 = arith.constant 0 : i32
      %dma_wait3A_187 = arith.constant 0 : i32
      %dma_wait3A_188 = tpu.memref_slice %arg3[%add3A, %dma_wait3A_186, %dma_wait3A_187] : memref<32x100x100xi32, #tpu.memory_space<hbm>> -> memref<1x100x100xi32, #tpu.memory_space<hbm>>
      %dma_wait3A_189 = tpu.memref_squeeze %dma_wait3A_188 : memref<1x100x100xi32, #tpu.memory_space<hbm>> -> memref<100x100xi32, #tpu.memory_space<hbm>>
      tpu.wait_dma2 semaphore(%run_scoped3A : memref<!tpu.dma_semaphore, #tpu.memory_space<semaphore_mem>>) src(%dma_wait3A_189 : memref<100x100xi32, #tpu.memory_space<hbm>>) dst(%arg7 : memref<100x100xi32, #tpu.memory_space<vmem>>)
      tpu.yield
    }) : () -> ()
    "tpu.region"() ({
      %run_scoped3A = tpu.sem_alloc : memref<!tpu.dma_semaphore, #tpu.memory_space<semaphore_mem>>
      %dma_start3A_174 = arith.constant 0 : i32
      %dma_start3A_175 = arith.constant 0 : i32
      %dma_start3A_176 = tpu.memref_slice %arg4[%add3A, %dma_start3A_174, %dma_start3A_175] : memref<32x100x100xi32, #tpu.memory_space<hbm>> -> memref<1x100x100xi32, #tpu.memory_space<hbm>>
      %dma_start3A_177 = tpu.memref_squeeze %dma_start3A_176 : memref<1x100x100xi32, #tpu.memory_space<hbm>> -> memref<100x100xi32, #tpu.memory_space<hbm>>
      %dma_start3A_178 = arith.constant 0 : i32
      %dma_start3A_179 = arith.constant 0 : i32
      %dma_start3A_180 = tpu.memref_slice %arg4[%add3A, %dma_start3A_178, %dma_start3A_179] : memref<32x100x100xi32, #tpu.memory_space<hbm>> -> memref<1x100x100xi32, #tpu.memory_space<hbm>>
      %dma_start3A_181 = tpu.memref_squeeze %dma_start3A_180 : memref<1x100x100xi32, #tpu.memory_space<hbm>> -> memref<100x100xi32, #tpu.memory_space<hbm>>
      tpu.enqueue_dma source(%dma_start3A_181 : memref<100x100xi32, #tpu.memory_space<hbm>>) target(%arg8 : memref<100x100xi32, #tpu.memory_space<vmem>>) target_semaphore(%run_scoped3A : memref<!tpu.dma_semaphore, #tpu.memory_space<semaphore_mem>>)
      %dma_wait3A_182 = arith.constant 0 : i32
      %dma_wait3A_183 = arith.constant 0 : i32
      %dma_wait3A_184 = tpu.memref_slice %arg4[%add3A, %dma_wait3A_182, %dma_wait3A_183] : memref<32x100x100xi32, #tpu.memory_space<hbm>> -> memref<1x100x100xi32, #tpu.memory_space<hbm>>
      %dma_wait3A_185 = tpu.memref_squeeze %dma_wait3A_184 : memref<1x100x100xi32, #tpu.memory_space<hbm>> -> memref<100x100xi32, #tpu.memory_space<hbm>>
      %dma_wait3A_186 = arith.constant 0 : i32
      %dma_wait3A_187 = arith.constant 0 : i32
      %dma_wait3A_188 = tpu.memref_slice %arg4[%add3A, %dma_wait3A_186, %dma_wait3A_187] : memref<32x100x100xi32, #tpu.memory_space<hbm>> -> memref<1x100x100xi32, #tpu.memory_space<hbm>>
      %dma_wait3A_189 = tpu.memref_squeeze %dma_wait3A_188 : memref<1x100x100xi32, #tpu.memory_space<hbm>> -> memref<100x100xi32, #tpu.memory_space<hbm>>
      tpu.wait_dma2 semaphore(%run_scoped3A : memref<!tpu.dma_semaphore, #tpu.memory_space<semaphore_mem>>) src(%dma_wait3A_189 : memref<100x100xi32, #tpu.memory_space<hbm>>) dst(%arg8 : memref<100x100xi32, #tpu.memory_space<vmem>>)
      tpu.yield
    }) : () -> ()
    %dma_start3A = arith.constant 0 : i32
    %dma_start3A_1 = arith.constant 0 : i32
    %dma_start3A_2 = tpu.memref_slice %arg7[%dma_start3A, %dma_start3A_1] : memref<100x100xi32, #tpu.memory_space<vmem>> -> memref<1x100xi32, #tpu.memory_space<vmem>>
    %dma_start3A_3 = tpu.memref_squeeze %dma_start3A_2 : memref<1x100xi32, #tpu.memory_space<vmem>> -> memref<100xi32, #tpu.memory_space<vmem>>
    %dma_start3A_4 = arith.constant 0 : i32
    %dma_start3A_5 = arith.constant 0 : i32
    %dma_start3A_6 = tpu.memref_slice %arg2[%dma_start3A_4, %dma_start3A_5] : memref<10000x64xf32, #tpu.memory_space<hbm>> -> memref<10000x64xf32, #tpu.memory_space<hbm>>
    tpu.enqueue_indirect_dma source(%dma_start3A_6 : memref<10000x64xf32, #tpu.memory_space<hbm>>) target(%arg9 : memref<100x64xf32, #tpu.memory_space<vmem>>) offsets(%dma_start3A_3 : memref<100xi32, #tpu.memory_space<vmem>>) semaphore(%arg15 : memref<!tpu.dma_semaphore, #tpu.memory_space<semaphore_mem>>)
    %dma_start3A_7 = arith.constant 1 : i32
    %dma_start3A_8 = arith.constant 0 : i32
    %dma_start3A_9 = tpu.memref_slice %arg7[%dma_start3A_7, %dma_start3A_8] : memref<100x100xi32, #tpu.memory_space<vmem>> -> memref<1x100xi32, #tpu.memory_space<vmem>>
    %dma_start3A_10 = tpu.memref_squeeze %dma_start3A_9 : memref<1x100xi32, #tpu.memory_space<vmem>> -> memref<100xi32, #tpu.memory_space<vmem>>
    %dma_start3A_11 = arith.constant 0 : i32
    %dma_start3A_12 = arith.constant 0 : i32
    %dma_start3A_13 = tpu.memref_slice %arg2[%dma_start3A_11, %dma_start3A_12] : memref<10000x64xf32, #tpu.memory_space<hbm>> -> memref<10000x64xf32, #tpu.memory_space<hbm>>
    tpu.enqueue_indirect_dma source(%dma_start3A_13 : memref<10000x64xf32, #tpu.memory_space<hbm>>) target(%arg10 : memref<100x64xf32, #tpu.memory_space<vmem>>) offsets(%dma_start3A_10 : memref<100xi32, #tpu.memory_space<vmem>>) semaphore(%arg16 : memref<!tpu.dma_semaphore, #tpu.memory_space<semaphore_mem>>)
    %dma_start3A_14 = arith.constant 2 : i32
    %dma_start3A_15 = arith.constant 0 : i32
    %dma_start3A_16 = tpu.memref_slice %arg7[%dma_start3A_14, %dma_start3A_15] : memref<100x100xi32, #tpu.memory_space<vmem>> -> memref<1x100xi32, #tpu.memory_space<vmem>>
    %dma_start3A_17 = tpu.memref_squeeze %dma_start3A_16 : memref<1x100xi32, #tpu.memory_space<vmem>> -> memref<100xi32, #tpu.memory_space<vmem>>
    %dma_start3A_18 = arith.constant 0 : i32
    %dma_start3A_19 = arith.constant 0 : i32
    %dma_start3A_20 = tpu.memref_slice %arg2[%dma_start3A_18, %dma_start3A_19] : memref<10000x64xf32, #tpu.memory_space<hbm>> -> memref<10000x64xf32, #tpu.memory_space<hbm>>
    tpu.enqueue_indirect_dma source(%dma_start3A_20 : memref<10000x64xf32, #tpu.memory_space<hbm>>) target(%arg11 : memref<100x64xf32, #tpu.memory_space<vmem>>) offsets(%dma_start3A_17 : memref<100xi32, #tpu.memory_space<vmem>>) semaphore(%arg17 : memref<!tpu.dma_semaphore, #tpu.memory_space<semaphore_mem>>)
    %dma_start3A_21 = arith.constant 3 : i32
    %dma_start3A_22 = arith.constant 0 : i32
    %dma_start3A_23 = tpu.memref_slice %arg7[%dma_start3A_21, %dma_start3A_22] : memref<100x100xi32, #tpu.memory_space<vmem>> -> memref<1x100xi32, #tpu.memory_space<vmem>>
    %dma_start3A_24 = tpu.memref_squeeze %dma_start3A_23 : memref<1x100xi32, #tpu.memory_space<vmem>> -> memref<100xi32, #tpu.memory_space<vmem>>
    %dma_start3A_25 = arith.constant 0 : i32
    %dma_start3A_26 = arith.constant 0 : i32
    %dma_start3A_27 = tpu.memref_slice %arg2[%dma_start3A_25, %dma_start3A_26] : memref<10000x64xf32, #tpu.memory_space<hbm>> -> memref<10000x64xf32, #tpu.memory_space<hbm>>
    tpu.enqueue_indirect_dma source(%dma_start3A_27 : memref<10000x64xf32, #tpu.memory_space<hbm>>) target(%arg12 : memref<100x64xf32, #tpu.memory_space<vmem>>) offsets(%dma_start3A_24 : memref<100xi32, #tpu.memory_space<vmem>>) semaphore(%arg18 : memref<!tpu.dma_semaphore, #tpu.memory_space<semaphore_mem>>)
    "tpu.region"() ({
      %run_scoped3A = tpu.sem_alloc : memref<!tpu.dma_semaphore, #tpu.memory_space<semaphore_mem>>
      tpu.enqueue_dma source(%arg5 : memref<128x64xf32, #tpu.memory_space<hbm>>) target(%arg13 : memref<128x64xf32, #tpu.memory_space<vmem>>) target_semaphore(%run_scoped3A : memref<!tpu.dma_semaphore, #tpu.memory_space<semaphore_mem>>)
      tpu.wait_dma2 semaphore(%run_scoped3A : memref<!tpu.dma_semaphore, #tpu.memory_space<semaphore_mem>>) src(%arg5 : memref<128x64xf32, #tpu.memory_space<hbm>>) dst(%arg13 : memref<128x64xf32, #tpu.memory_space<vmem>>)
      tpu.yield
    }) : () -> ()
    %mul3A_28 = arith.constant 640 : i32
    %mul3A_29 = arith.muli %arg1, %mul3A_28 : i32
    %add3A_30 = arith.constant 0 : i32
    %add3A_31 = arith.addi %mul3A_29, %add3A_30 : i32
    "tpu.region"() ({
      %run_scoped3A = tpu.sem_alloc : memref<!tpu.dma_semaphore, #tpu.memory_space<semaphore_mem>>
      %dma_start3A_174 = arith.constant 0 : i32
      %dma_start3A_175 = tpu.memref_slice %arg14[%add3A_31, %dma_start3A_174] : memref<10240x64xf32, #tpu.memory_space<vmem_shared>> -> memref<128x64xf32, #tpu.memory_space<vmem_shared>>
      %dma_start3A_176 = arith.constant 0 : i32
      %dma_start3A_177 = tpu.memref_slice %arg14[%add3A_31, %dma_start3A_176] : memref<10240x64xf32, #tpu.memory_space<vmem_shared>> -> memref<128x64xf32, #tpu.memory_space<vmem_shared>>
      tpu.enqueue_dma source(%arg13 : memref<128x64xf32, #tpu.memory_space<vmem>>) target(%dma_start3A_177 : memref<128x64xf32, #tpu.memory_space<vmem_shared>>) target_semaphore(%run_scoped3A : memref<!tpu.dma_semaphore, #tpu.memory_space<semaphore_mem>>)
      %dma_wait3A_178 = arith.constant 0 : i32
      %dma_wait3A_179 = tpu.memref_slice %arg14[%add3A_31, %dma_wait3A_178] : memref<10240x64xf32, #tpu.memory_space<vmem_shared>> -> memref<128x64xf32, #tpu.memory_space<vmem_shared>>
      %dma_wait3A_180 = arith.constant 0 : i32
      %dma_wait3A_181 = tpu.memref_slice %arg14[%add3A_31, %dma_wait3A_180] : memref<10240x64xf32, #tpu.memory_space<vmem_shared>> -> memref<128x64xf32, #tpu.memory_space<vmem_shared>>
      tpu.wait_dma2 semaphore(%run_scoped3A : memref<!tpu.dma_semaphore, #tpu.memory_space<semaphore_mem>>) src(%arg13 : memref<128x64xf32, #tpu.memory_space<vmem>>) dst(%dma_wait3A_181 : memref<128x64xf32, #tpu.memory_space<vmem_shared>>)
      tpu.yield
    }) : () -> ()
    %mul3A_32 = arith.constant 640 : i32
    %mul3A_33 = arith.muli %arg1, %mul3A_32 : i32
    %add3A_34 = arith.constant 128 : i32
    %add3A_35 = arith.addi %mul3A_33, %add3A_34 : i32
    "tpu.region"() ({
      %run_scoped3A = tpu.sem_alloc : memref<!tpu.dma_semaphore, #tpu.memory_space<semaphore_mem>>
      %dma_start3A_174 = arith.constant 0 : i32
      %dma_start3A_175 = tpu.memref_slice %arg14[%add3A_35, %dma_start3A_174] : memref<10240x64xf32, #tpu.memory_space<vmem_shared>> -> memref<128x64xf32, #tpu.memory_space<vmem_shared>>
      %dma_start3A_176 = arith.constant 0 : i32
      %dma_start3A_177 = tpu.memref_slice %arg14[%add3A_35, %dma_start3A_176] : memref<10240x64xf32, #tpu.memory_space<vmem_shared>> -> memref<128x64xf32, #tpu.memory_space<vmem_shared>>
      tpu.enqueue_dma source(%arg13 : memref<128x64xf32, #tpu.memory_space<vmem>>) target(%dma_start3A_177 : memref<128x64xf32, #tpu.memory_space<vmem_shared>>) target_semaphore(%run_scoped3A : memref<!tpu.dma_semaphore, #tpu.memory_space<semaphore_mem>>)
      %dma_wait3A_178 = arith.constant 0 : i32
      %dma_wait3A_179 = tpu.memref_slice %arg14[%add3A_35, %dma_wait3A_178] : memref<10240x64xf32, #tpu.memory_space<vmem_shared>> -> memref<128x64xf32, #tpu.memory_space<vmem_shared>>
      %dma_wait3A_180 = arith.constant 0 : i32
      %dma_wait3A_181 = tpu.memref_slice %arg14[%add3A_35, %dma_wait3A_180] : memref<10240x64xf32, #tpu.memory_space<vmem_shared>> -> memref<128x64xf32, #tpu.memory_space<vmem_shared>>
      tpu.wait_dma2 semaphore(%run_scoped3A : memref<!tpu.dma_semaphore, #tpu.memory_space<semaphore_mem>>) src(%arg13 : memref<128x64xf32, #tpu.memory_space<vmem>>) dst(%dma_wait3A_181 : memref<128x64xf32, #tpu.memory_space<vmem_shared>>)
      tpu.yield
    }) : () -> ()
    %mul3A_36 = arith.constant 640 : i32
    %mul3A_37 = arith.muli %arg1, %mul3A_36 : i32
    %add3A_38 = arith.constant 256 : i32
    %add3A_39 = arith.addi %mul3A_37, %add3A_38 : i32
    "tpu.region"() ({
      %run_scoped3A = tpu.sem_alloc : memref<!tpu.dma_semaphore, #tpu.memory_space<semaphore_mem>>
      %dma_start3A_174 = arith.constant 0 : i32
      %dma_start3A_175 = tpu.memref_slice %arg14[%add3A_39, %dma_start3A_174] : memref<10240x64xf32, #tpu.memory_space<vmem_shared>> -> memref<128x64xf32, #tpu.memory_space<vmem_shared>>
      %dma_start3A_176 = arith.constant 0 : i32
      %dma_start3A_177 = tpu.memref_slice %arg14[%add3A_39, %dma_start3A_176] : memref<10240x64xf32, #tpu.memory_space<vmem_shared>> -> memref<128x64xf32, #tpu.memory_space<vmem_shared>>
      tpu.enqueue_dma source(%arg13 : memref<128x64xf32, #tpu.memory_space<vmem>>) target(%dma_start3A_177 : memref<128x64xf32, #tpu.memory_space<vmem_shared>>) target_semaphore(%run_scoped3A : memref<!tpu.dma_semaphore, #tpu.memory_space<semaphore_mem>>)
      %dma_wait3A_178 = arith.constant 0 : i32
      %dma_wait3A_179 = tpu.memref_slice %arg14[%add3A_39, %dma_wait3A_178] : memref<10240x64xf32, #tpu.memory_space<vmem_shared>> -> memref<128x64xf32, #tpu.memory_space<vmem_shared>>
      %dma_wait3A_180 = arith.constant 0 : i32
      %dma_wait3A_181 = tpu.memref_slice %arg14[%add3A_39, %dma_wait3A_180] : memref<10240x64xf32, #tpu.memory_space<vmem_shared>> -> memref<128x64xf32, #tpu.memory_space<vmem_shared>>
      tpu.wait_dma2 semaphore(%run_scoped3A : memref<!tpu.dma_semaphore, #tpu.memory_space<semaphore_mem>>) src(%arg13 : memref<128x64xf32, #tpu.memory_space<vmem>>) dst(%dma_wait3A_181 : memref<128x64xf32, #tpu.memory_space<vmem_shared>>)
      tpu.yield
    }) : () -> ()
    %mul3A_40 = arith.constant 640 : i32
    %mul3A_41 = arith.muli %arg1, %mul3A_40 : i32
    %add3A_42 = arith.constant 384 : i32
    %add3A_43 = arith.addi %mul3A_41, %add3A_42 : i32
    "tpu.region"() ({
      %run_scoped3A = tpu.sem_alloc : memref<!tpu.dma_semaphore, #tpu.memory_space<semaphore_mem>>
      %dma_start3A_174 = arith.constant 0 : i32
      %dma_start3A_175 = tpu.memref_slice %arg14[%add3A_43, %dma_start3A_174] : memref<10240x64xf32, #tpu.memory_space<vmem_shared>> -> memref<128x64xf32, #tpu.memory_space<vmem_shared>>
      %dma_start3A_176 = arith.constant 0 : i32
      %dma_start3A_177 = tpu.memref_slice %arg14[%add3A_43, %dma_start3A_176] : memref<10240x64xf32, #tpu.memory_space<vmem_shared>> -> memref<128x64xf32, #tpu.memory_space<vmem_shared>>
      tpu.enqueue_dma source(%arg13 : memref<128x64xf32, #tpu.memory_space<vmem>>) target(%dma_start3A_177 : memref<128x64xf32, #tpu.memory_space<vmem_shared>>) target_semaphore(%run_scoped3A : memref<!tpu.dma_semaphore, #tpu.memory_space<semaphore_mem>>)
      %dma_wait3A_178 = arith.constant 0 : i32
      %dma_wait3A_179 = tpu.memref_slice %arg14[%add3A_43, %dma_wait3A_178] : memref<10240x64xf32, #tpu.memory_space<vmem_shared>> -> memref<128x64xf32, #tpu.memory_space<vmem_shared>>
      %dma_wait3A_180 = arith.constant 0 : i32
      %dma_wait3A_181 = tpu.memref_slice %arg14[%add3A_43, %dma_wait3A_180] : memref<10240x64xf32, #tpu.memory_space<vmem_shared>> -> memref<128x64xf32, #tpu.memory_space<vmem_shared>>
      tpu.wait_dma2 semaphore(%run_scoped3A : memref<!tpu.dma_semaphore, #tpu.memory_space<semaphore_mem>>) src(%arg13 : memref<128x64xf32, #tpu.memory_space<vmem>>) dst(%dma_wait3A_181 : memref<128x64xf32, #tpu.memory_space<vmem_shared>>)
      tpu.yield
    }) : () -> ()
    %mul3A_44 = arith.constant 640 : i32
    %mul3A_45 = arith.muli %arg1, %mul3A_44 : i32
    %add3A_46 = arith.constant 512 : i32
    %add3A_47 = arith.addi %mul3A_45, %add3A_46 : i32
    "tpu.region"() ({
      %run_scoped3A = tpu.sem_alloc : memref<!tpu.dma_semaphore, #tpu.memory_space<semaphore_mem>>
      %dma_start3A_174 = arith.constant 0 : i32
      %dma_start3A_175 = tpu.memref_slice %arg14[%add3A_47, %dma_start3A_174] : memref<10240x64xf32, #tpu.memory_space<vmem_shared>> -> memref<128x64xf32, #tpu.memory_space<vmem_shared>>
      %dma_start3A_176 = arith.constant 0 : i32
      %dma_start3A_177 = tpu.memref_slice %arg14[%add3A_47, %dma_start3A_176] : memref<10240x64xf32, #tpu.memory_space<vmem_shared>> -> memref<128x64xf32, #tpu.memory_space<vmem_shared>>
      tpu.enqueue_dma source(%arg13 : memref<128x64xf32, #tpu.memory_space<vmem>>) target(%dma_start3A_177 : memref<128x64xf32, #tpu.memory_space<vmem_shared>>) target_semaphore(%run_scoped3A : memref<!tpu.dma_semaphore, #tpu.memory_space<semaphore_mem>>)
      %dma_wait3A_178 = arith.constant 0 : i32
      %dma_wait3A_179 = tpu.memref_slice %arg14[%add3A_47, %dma_wait3A_178] : memref<10240x64xf32, #tpu.memory_space<vmem_shared>> -> memref<128x64xf32, #tpu.memory_space<vmem_shared>>
      %dma_wait3A_180 = arith.constant 0 : i32
      %dma_wait3A_181 = tpu.memref_slice %arg14[%add3A_47, %dma_wait3A_180] : memref<10240x64xf32, #tpu.memory_space<vmem_shared>> -> memref<128x64xf32, #tpu.memory_space<vmem_shared>>
      tpu.wait_dma2 semaphore(%run_scoped3A : memref<!tpu.dma_semaphore, #tpu.memory_space<semaphore_mem>>) src(%arg13 : memref<128x64xf32, #tpu.memory_space<vmem>>) dst(%dma_wait3A_181 : memref<128x64xf32, #tpu.memory_space<vmem_shared>>)
      tpu.yield
    }) : () -> ()
    %barrier3A = arith.constant 0 : index
    tpu.barrier barrier_id(%barrier3A)
    %scan3A = arith.constant 0 : i32
    %scan3A_48 = arith.constant 0 : i32
    %scan3A_49 = arith.constant 25 : i32
    %scan3A_50 = arith.addi %scan3A_48, %scan3A_49 : i32
    %scan3A_51 = arith.constant 1 : i32
    %scan3A_52 = scf.for %scan3A_174 = %scan3A_48 to %scan3A_50 step %scan3A_51 iter_args(%scan3A_175 = %scan3A) -> (i32)  : i32 {
      %mul3A_176 = arith.constant 4 : i32
      %mul3A_177 = arith.muli %scan3A_174, %mul3A_176 : i32
      %add3A_178 = arith.constant 0 : i32
      %add3A_179 = arith.addi %mul3A_177, %add3A_178 : i32
      %dma_wait3A_180 = arith.constant 0 : i32
      %dma_wait3A_181 = tpu.memref_slice %arg7[%add3A_179, %dma_wait3A_180] : memref<100x100xi32, #tpu.memory_space<vmem>> -> memref<1x100xi32, #tpu.memory_space<vmem>>
      %dma_wait3A_182 = tpu.memref_squeeze %dma_wait3A_181 : memref<1x100xi32, #tpu.memory_space<vmem>> -> memref<100xi32, #tpu.memory_space<vmem>>
      %dma_wait3A_183 = arith.constant 0 : i32
      %dma_wait3A_184 = arith.constant 0 : i32
      %dma_wait3A_185 = tpu.memref_slice %arg2[%dma_wait3A_183, %dma_wait3A_184] : memref<10000x64xf32, #tpu.memory_space<hbm>> -> memref<10000x64xf32, #tpu.memory_space<hbm>>
      tpu.wait_indirect_dma semaphore(%arg15 : memref<!tpu.dma_semaphore, #tpu.memory_space<semaphore_mem>>) src(%dma_wait3A_185 : memref<10000x64xf32, #tpu.memory_space<hbm>>) dst(%arg9 : memref<100x64xf32, #tpu.memory_space<vmem>>)
      "tpu.region"() ({
        %run_scoped3A = tpu.sem_alloc : memref<!tpu.dma_semaphore, #tpu.memory_space<semaphore_mem>>
        %dma_start3A_234 = arith.constant 0 : i32
        %dma_start3A_235 = tpu.memref_slice %arg8[%add3A_179, %dma_start3A_234] : memref<100x100xi32, #tpu.memory_space<vmem>> -> memref<1x100xi32, #tpu.memory_space<vmem>>
        %dma_start3A_236 = tpu.memref_squeeze %dma_start3A_235 : memref<1x100xi32, #tpu.memory_space<vmem>> -> memref<100xi32, #tpu.memory_space<vmem>>
        %dma_start3A_237 = arith.constant 0 : i32
        %dma_start3A_238 = arith.constant 0 : i32
        %dma_start3A_239 = tpu.memref_slice %arg14[%dma_start3A_237, %dma_start3A_238] : memref<10240x64xf32, #tpu.memory_space<vmem_shared>> -> memref<10240x64xf32, #tpu.memory_space<vmem_shared>>
        tpu.enqueue_indirect_dma source(%arg9 : memref<100x64xf32, #tpu.memory_space<vmem>>) target(%dma_start3A_239 : memref<10240x64xf32, #tpu.memory_space<vmem_shared>>) offsets(%dma_start3A_236 : memref<100xi32, #tpu.memory_space<vmem>>) semaphore(%run_scoped3A : memref<!tpu.dma_semaphore, #tpu.memory_space<semaphore_mem>>) {add = true}
        %dma_wait3A_240 = arith.constant 0 : i32
        %dma_wait3A_241 = tpu.memref_slice %arg8[%add3A_179, %dma_wait3A_240] : memref<100x100xi32, #tpu.memory_space<vmem>> -> memref<1x100xi32, #tpu.memory_space<vmem>>
        %dma_wait3A_242 = tpu.memref_squeeze %dma_wait3A_241 : memref<1x100xi32, #tpu.memory_space<vmem>> -> memref<100xi32, #tpu.memory_space<vmem>>
        %dma_wait3A_243 = arith.constant 0 : i32
        %dma_wait3A_244 = arith.constant 0 : i32
        %dma_wait3A_245 = tpu.memref_slice %arg14[%dma_wait3A_243, %dma_wait3A_244] : memref<10240x64xf32, #tpu.memory_space<vmem_shared>> -> memref<10240x64xf32, #tpu.memory_space<vmem_shared>>
        tpu.wait_indirect_dma semaphore(%run_scoped3A : memref<!tpu.dma_semaphore, #tpu.memory_space<semaphore_mem>>) src(%arg9 : memref<100x64xf32, #tpu.memory_space<vmem>>) dst(%dma_wait3A_245 : memref<10240x64xf32, #tpu.memory_space<vmem_shared>>)
        tpu.yield
      }) : () -> ()
      %lt3A = arith.constant 24 : i32
      %lt3A_186 = arith.cmpi slt, %scan3A_174, %lt3A : i32
      %convert_element_type3A = arith.extui %lt3A_186 : i1 to i32
      %cond3A = arith.constant 0 : i32
      %cond3A_187 = arith.cmpi ne, %convert_element_type3A, %cond3A : i32
      scf.if %cond3A_187 {
        %add3A_234 = arith.constant 4 : i32
        %add3A_235 = arith.addi %add3A_179, %add3A_234 : i32
        %dma_start3A_236 = arith.constant 0 : i32
        %dma_start3A_237 = tpu.memref_slice %arg7[%add3A_235, %dma_start3A_236] : memref<100x100xi32, #tpu.memory_space<vmem>> -> memref<1x100xi32, #tpu.memory_space<vmem>>
        %dma_start3A_238 = tpu.memref_squeeze %dma_start3A_237 : memref<1x100xi32, #tpu.memory_space<vmem>> -> memref<100xi32, #tpu.memory_space<vmem>>
        %dma_start3A_239 = arith.constant 0 : i32
        %dma_start3A_240 = arith.constant 0 : i32
        %dma_start3A_241 = tpu.memref_slice %arg2[%dma_start3A_239, %dma_start3A_240] : memref<10000x64xf32, #tpu.memory_space<hbm>> -> memref<10000x64xf32, #tpu.memory_space<hbm>>
        tpu.enqueue_indirect_dma source(%dma_start3A_241 : memref<10000x64xf32, #tpu.memory_space<hbm>>) target(%arg9 : memref<100x64xf32, #tpu.memory_space<vmem>>) offsets(%dma_start3A_238 : memref<100xi32, #tpu.memory_space<vmem>>) semaphore(%arg15 : memref<!tpu.dma_semaphore, #tpu.memory_space<semaphore_mem>>)
      } else {
      }
      %mul3A_188 = arith.constant 4 : i32
      %mul3A_189 = arith.muli %scan3A_174, %mul3A_188 : i32
      %add3A_190 = arith.constant 1 : i32
      %add3A_191 = arith.addi %mul3A_189, %add3A_190 : i32
      %dma_wait3A_192 = arith.constant 0 : i32
      %dma_wait3A_193 = tpu.memref_slice %arg7[%add3A_191, %dma_wait3A_192] : memref<100x100xi32, #tpu.memory_space<vmem>> -> memref<1x100xi32, #tpu.memory_space<vmem>>
      %dma_wait3A_194 = tpu.memref_squeeze %dma_wait3A_193 : memref<1x100xi32, #tpu.memory_space<vmem>> -> memref<100xi32, #tpu.memory_space<vmem>>
      %dma_wait3A_195 = arith.constant 0 : i32
      %dma_wait3A_196 = arith.constant 0 : i32
      %dma_wait3A_197 = tpu.memref_slice %arg2[%dma_wait3A_195, %dma_wait3A_196] : memref<10000x64xf32, #tpu.memory_space<hbm>> -> memref<10000x64xf32, #tpu.memory_space<hbm>>
      tpu.wait_indirect_dma semaphore(%arg16 : memref<!tpu.dma_semaphore, #tpu.memory_space<semaphore_mem>>) src(%dma_wait3A_197 : memref<10000x64xf32, #tpu.memory_space<hbm>>) dst(%arg10 : memref<100x64xf32, #tpu.memory_space<vmem>>)
      "tpu.region"() ({
        %run_scoped3A = tpu.sem_alloc : memref<!tpu.dma_semaphore, #tpu.memory_space<semaphore_mem>>
        %dma_start3A_234 = arith.constant 0 : i32
        %dma_start3A_235 = tpu.memref_slice %arg8[%add3A_191, %dma_start3A_234] : memref<100x100xi32, #tpu.memory_space<vmem>> -> memref<1x100xi32, #tpu.memory_space<vmem>>
        %dma_start3A_236 = tpu.memref_squeeze %dma_start3A_235 : memref<1x100xi32, #tpu.memory_space<vmem>> -> memref<100xi32, #tpu.memory_space<vmem>>
        %dma_start3A_237 = arith.constant 0 : i32
        %dma_start3A_238 = arith.constant 0 : i32
        %dma_start3A_239 = tpu.memref_slice %arg14[%dma_start3A_237, %dma_start3A_238] : memref<10240x64xf32, #tpu.memory_space<vmem_shared>> -> memref<10240x64xf32, #tpu.memory_space<vmem_shared>>
        tpu.enqueue_indirect_dma source(%arg10 : memref<100x64xf32, #tpu.memory_space<vmem>>) target(%dma_start3A_239 : memref<10240x64xf32, #tpu.memory_space<vmem_shared>>) offsets(%dma_start3A_236 : memref<100xi32, #tpu.memory_space<vmem>>) semaphore(%run_scoped3A : memref<!tpu.dma_semaphore, #tpu.memory_space<semaphore_mem>>) {add = true}
        %dma_wait3A_240 = arith.constant 0 : i32
        %dma_wait3A_241 = tpu.memref_slice %arg8[%add3A_191, %dma_wait3A_240] : memref<100x100xi32, #tpu.memory_space<vmem>> -> memref<1x100xi32, #tpu.memory_space<vmem>>
        %dma_wait3A_242 = tpu.memref_squeeze %dma_wait3A_241 : memref<1x100xi32, #tpu.memory_space<vmem>> -> memref<100xi32, #tpu.memory_space<vmem>>
        %dma_wait3A_243 = arith.constant 0 : i32
        %dma_wait3A_244 = arith.constant 0 : i32
        %dma_wait3A_245 = tpu.memref_slice %arg14[%dma_wait3A_243, %dma_wait3A_244] : memref<10240x64xf32, #tpu.memory_space<vmem_shared>> -> memref<10240x64xf32, #tpu.memory_space<vmem_shared>>
        tpu.wait_indirect_dma semaphore(%run_scoped3A : memref<!tpu.dma_semaphore, #tpu.memory_space<semaphore_mem>>) src(%arg10 : memref<100x64xf32, #tpu.memory_space<vmem>>) dst(%dma_wait3A_245 : memref<10240x64xf32, #tpu.memory_space<vmem_shared>>)
        tpu.yield
      }) : () -> ()
      %lt3A_198 = arith.constant 24 : i32
      %lt3A_199 = arith.cmpi slt, %scan3A_174, %lt3A_198 : i32
      %convert_element_type3A_200 = arith.extui %lt3A_199 : i1 to i32
      %cond3A_201 = arith.constant 0 : i32
      %cond3A_202 = arith.cmpi ne, %convert_element_type3A_200, %cond3A_201 : i32
      scf.if %cond3A_202 {
        %add3A_234 = arith.constant 4 : i32
        %add3A_235 = arith.addi %add3A_191, %add3A_234 : i32
        %dma_start3A_236 = arith.constant 0 : i32
        %dma_start3A_237 = tpu.memref_slice %arg7[%add3A_235, %dma_start3A_236] : memref<100x100xi32, #tpu.memory_space<vmem>> -> memref<1x100xi32, #tpu.memory_space<vmem>>
        %dma_start3A_238 = tpu.memref_squeeze %dma_start3A_237 : memref<1x100xi32, #tpu.memory_space<vmem>> -> memref<100xi32, #tpu.memory_space<vmem>>
        %dma_start3A_239 = arith.constant 0 : i32
        %dma_start3A_240 = arith.constant 0 : i32
        %dma_start3A_241 = tpu.memref_slice %arg2[%dma_start3A_239, %dma_start3A_240] : memref<10000x64xf32, #tpu.memory_space<hbm>> -> memref<10000x64xf32, #tpu.memory_space<hbm>>
        tpu.enqueue_indirect_dma source(%dma_start3A_241 : memref<10000x64xf32, #tpu.memory_space<hbm>>) target(%arg10 : memref<100x64xf32, #tpu.memory_space<vmem>>) offsets(%dma_start3A_238 : memref<100xi32, #tpu.memory_space<vmem>>) semaphore(%arg16 : memref<!tpu.dma_semaphore, #tpu.memory_space<semaphore_mem>>)
      } else {
      }
      %mul3A_203 = arith.constant 4 : i32
      %mul3A_204 = arith.muli %scan3A_174, %mul3A_203 : i32
      %add3A_205 = arith.constant 2 : i32
      %add3A_206 = arith.addi %mul3A_204, %add3A_205 : i32
      %dma_wait3A_207 = arith.constant 0 : i32
      %dma_wait3A_208 = tpu.memref_slice %arg7[%add3A_206, %dma_wait3A_207] : memref<100x100xi32, #tpu.memory_space<vmem>> -> memref<1x100xi32, #tpu.memory_space<vmem>>
      %dma_wait3A_209 = tpu.memref_squeeze %dma_wait3A_208 : memref<1x100xi32, #tpu.memory_space<vmem>> -> memref<100xi32, #tpu.memory_space<vmem>>
      %dma_wait3A_210 = arith.constant 0 : i32
      %dma_wait3A_211 = arith.constant 0 : i32
      %dma_wait3A_212 = tpu.memref_slice %arg2[%dma_wait3A_210, %dma_wait3A_211] : memref<10000x64xf32, #tpu.memory_space<hbm>> -> memref<10000x64xf32, #tpu.memory_space<hbm>>
      tpu.wait_indirect_dma semaphore(%arg17 : memref<!tpu.dma_semaphore, #tpu.memory_space<semaphore_mem>>) src(%dma_wait3A_212 : memref<10000x64xf32, #tpu.memory_space<hbm>>) dst(%arg11 : memref<100x64xf32, #tpu.memory_space<vmem>>)
      "tpu.region"() ({
        %run_scoped3A = tpu.sem_alloc : memref<!tpu.dma_semaphore, #tpu.memory_space<semaphore_mem>>
        %dma_start3A_234 = arith.constant 0 : i32
        %dma_start3A_235 = tpu.memref_slice %arg8[%add3A_206, %dma_start3A_234] : memref<100x100xi32, #tpu.memory_space<vmem>> -> memref<1x100xi32, #tpu.memory_space<vmem>>
        %dma_start3A_236 = tpu.memref_squeeze %dma_start3A_235 : memref<1x100xi32, #tpu.memory_space<vmem>> -> memref<100xi32, #tpu.memory_space<vmem>>
        %dma_start3A_237 = arith.constant 0 : i32
        %dma_start3A_238 = arith.constant 0 : i32
        %dma_start3A_239 = tpu.memref_slice %arg14[%dma_start3A_237, %dma_start3A_238] : memref<10240x64xf32, #tpu.memory_space<vmem_shared>> -> memref<10240x64xf32, #tpu.memory_space<vmem_shared>>
        tpu.enqueue_indirect_dma source(%arg11 : memref<100x64xf32, #tpu.memory_space<vmem>>) target(%dma_start3A_239 : memref<10240x64xf32, #tpu.memory_space<vmem_shared>>) offsets(%dma_start3A_236 : memref<100xi32, #tpu.memory_space<vmem>>) semaphore(%run_scoped3A : memref<!tpu.dma_semaphore, #tpu.memory_space<semaphore_mem>>) {add = true}
        %dma_wait3A_240 = arith.constant 0 : i32
        %dma_wait3A_241 = tpu.memref_slice %arg8[%add3A_206, %dma_wait3A_240] : memref<100x100xi32, #tpu.memory_space<vmem>> -> memref<1x100xi32, #tpu.memory_space<vmem>>
        %dma_wait3A_242 = tpu.memref_squeeze %dma_wait3A_241 : memref<1x100xi32, #tpu.memory_space<vmem>> -> memref<100xi32, #tpu.memory_space<vmem>>
        %dma_wait3A_243 = arith.constant 0 : i32
        %dma_wait3A_244 = arith.constant 0 : i32
        %dma_wait3A_245 = tpu.memref_slice %arg14[%dma_wait3A_243, %dma_wait3A_244] : memref<10240x64xf32, #tpu.memory_space<vmem_shared>> -> memref<10240x64xf32, #tpu.memory_space<vmem_shared>>
        tpu.wait_indirect_dma semaphore(%run_scoped3A : memref<!tpu.dma_semaphore, #tpu.memory_space<semaphore_mem>>) src(%arg11 : memref<100x64xf32, #tpu.memory_space<vmem>>) dst(%dma_wait3A_245 : memref<10240x64xf32, #tpu.memory_space<vmem_shared>>)
        tpu.yield
      }) : () -> ()
      %lt3A_213 = arith.constant 24 : i32
      %lt3A_214 = arith.cmpi slt, %scan3A_174, %lt3A_213 : i32
      %convert_element_type3A_215 = arith.extui %lt3A_214 : i1 to i32
      %cond3A_216 = arith.constant 0 : i32
      %cond3A_217 = arith.cmpi ne, %convert_element_type3A_215, %cond3A_216 : i32
      scf.if %cond3A_217 {
        %add3A_234 = arith.constant 4 : i32
        %add3A_235 = arith.addi %add3A_206, %add3A_234 : i32
        %dma_start3A_236 = arith.constant 0 : i32
        %dma_start3A_237 = tpu.memref_slice %arg7[%add3A_235, %dma_start3A_236] : memref<100x100xi32, #tpu.memory_space<vmem>> -> memref<1x100xi32, #tpu.memory_space<vmem>>
        %dma_start3A_238 = tpu.memref_squeeze %dma_start3A_237 : memref<1x100xi32, #tpu.memory_space<vmem>> -> memref<100xi32, #tpu.memory_space<vmem>>
        %dma_start3A_239 = arith.constant 0 : i32
        %dma_start3A_240 = arith.constant 0 : i32
        %dma_start3A_241 = tpu.memref_slice %arg2[%dma_start3A_239, %dma_start3A_240] : memref<10000x64xf32, #tpu.memory_space<hbm>> -> memref<10000x64xf32, #tpu.memory_space<hbm>>
        tpu.enqueue_indirect_dma source(%dma_start3A_241 : memref<10000x64xf32, #tpu.memory_space<hbm>>) target(%arg11 : memref<100x64xf32, #tpu.memory_space<vmem>>) offsets(%dma_start3A_238 : memref<100xi32, #tpu.memory_space<vmem>>) semaphore(%arg17 : memref<!tpu.dma_semaphore, #tpu.memory_space<semaphore_mem>>)
      } else {
      }
      %mul3A_218 = arith.constant 4 : i32
      %mul3A_219 = arith.muli %scan3A_174, %mul3A_218 : i32
      %add3A_220 = arith.constant 3 : i32
      %add3A_221 = arith.addi %mul3A_219, %add3A_220 : i32
      %dma_wait3A_222 = arith.constant 0 : i32
      %dma_wait3A_223 = tpu.memref_slice %arg7[%add3A_221, %dma_wait3A_222] : memref<100x100xi32, #tpu.memory_space<vmem>> -> memref<1x100xi32, #tpu.memory_space<vmem>>
      %dma_wait3A_224 = tpu.memref_squeeze %dma_wait3A_223 : memref<1x100xi32, #tpu.memory_space<vmem>> -> memref<100xi32, #tpu.memory_space<vmem>>
      %dma_wait3A_225 = arith.constant 0 : i32
      %dma_wait3A_226 = arith.constant 0 : i32
      %dma_wait3A_227 = tpu.memref_slice %arg2[%dma_wait3A_225, %dma_wait3A_226] : memref<10000x64xf32, #tpu.memory_space<hbm>> -> memref<10000x64xf32, #tpu.memory_space<hbm>>
      tpu.wait_indirect_dma semaphore(%arg18 : memref<!tpu.dma_semaphore, #tpu.memory_space<semaphore_mem>>) src(%dma_wait3A_227 : memref<10000x64xf32, #tpu.memory_space<hbm>>) dst(%arg12 : memref<100x64xf32, #tpu.memory_space<vmem>>)
      "tpu.region"() ({
        %run_scoped3A = tpu.sem_alloc : memref<!tpu.dma_semaphore, #tpu.memory_space<semaphore_mem>>
        %dma_start3A_234 = arith.constant 0 : i32
        %dma_start3A_235 = tpu.memref_slice %arg8[%add3A_221, %dma_start3A_234] : memref<100x100xi32, #tpu.memory_space<vmem>> -> memref<1x100xi32, #tpu.memory_space<vmem>>
        %dma_start3A_236 = tpu.memref_squeeze %dma_start3A_235 : memref<1x100xi32, #tpu.memory_space<vmem>> -> memref<100xi32, #tpu.memory_space<vmem>>
        %dma_start3A_237 = arith.constant 0 : i32
        %dma_start3A_238 = arith.constant 0 : i32
        %dma_start3A_239 = tpu.memref_slice %arg14[%dma_start3A_237, %dma_start3A_238] : memref<10240x64xf32, #tpu.memory_space<vmem_shared>> -> memref<10240x64xf32, #tpu.memory_space<vmem_shared>>
        tpu.enqueue_indirect_dma source(%arg12 : memref<100x64xf32, #tpu.memory_space<vmem>>) target(%dma_start3A_239 : memref<10240x64xf32, #tpu.memory_space<vmem_shared>>) offsets(%dma_start3A_236 : memref<100xi32, #tpu.memory_space<vmem>>) semaphore(%run_scoped3A : memref<!tpu.dma_semaphore, #tpu.memory_space<semaphore_mem>>) {add = true}
        %dma_wait3A_240 = arith.constant 0 : i32
        %dma_wait3A_241 = tpu.memref_slice %arg8[%add3A_221, %dma_wait3A_240] : memref<100x100xi32, #tpu.memory_space<vmem>> -> memref<1x100xi32, #tpu.memory_space<vmem>>
        %dma_wait3A_242 = tpu.memref_squeeze %dma_wait3A_241 : memref<1x100xi32, #tpu.memory_space<vmem>> -> memref<100xi32, #tpu.memory_space<vmem>>
        %dma_wait3A_243 = arith.constant 0 : i32
        %dma_wait3A_244 = arith.constant 0 : i32
        %dma_wait3A_245 = tpu.memref_slice %arg14[%dma_wait3A_243, %dma_wait3A_244] : memref<10240x64xf32, #tpu.memory_space<vmem_shared>> -> memref<10240x64xf32, #tpu.memory_space<vmem_shared>>
        tpu.wait_indirect_dma semaphore(%run_scoped3A : memref<!tpu.dma_semaphore, #tpu.memory_space<semaphore_mem>>) src(%arg12 : memref<100x64xf32, #tpu.memory_space<vmem>>) dst(%dma_wait3A_245 : memref<10240x64xf32, #tpu.memory_space<vmem_shared>>)
        tpu.yield
      }) : () -> ()
      %lt3A_228 = arith.constant 24 : i32
      %lt3A_229 = arith.cmpi slt, %scan3A_174, %lt3A_228 : i32
      %convert_element_type3A_230 = arith.extui %lt3A_229 : i1 to i32
      %cond3A_231 = arith.constant 0 : i32
      %cond3A_232 = arith.cmpi ne, %convert_element_type3A_230, %cond3A_231 : i32
      scf.if %cond3A_232 {
        %add3A_234 = arith.constant 4 : i32
        %add3A_235 = arith.addi %add3A_221, %add3A_234 : i32
        %dma_start3A_236 = arith.constant 0 : i32
        %dma_start3A_237 = tpu.memref_slice %arg7[%add3A_235, %dma_start3A_236] : memref<100x100xi32, #tpu.memory_space<vmem>> -> memref<1x100xi32, #tpu.memory_space<vmem>>
        %dma_start3A_238 = tpu.memref_squeeze %dma_start3A_237 : memref<1x100xi32, #tpu.memory_space<vmem>> -> memref<100xi32, #tpu.memory_space<vmem>>
        %dma_start3A_239 = arith.constant 0 : i32
        %dma_start3A_240 = arith.constant 0 : i32
        %dma_start3A_241 = tpu.memref_slice %arg2[%dma_start3A_239, %dma_start3A_240] : memref<10000x64xf32, #tpu.memory_space<hbm>> -> memref<10000x64xf32, #tpu.memory_space<hbm>>
        tpu.enqueue_indirect_dma source(%dma_start3A_241 : memref<10000x64xf32, #tpu.memory_space<hbm>>) target(%arg12 : memref<100x64xf32, #tpu.memory_space<vmem>>) offsets(%dma_start3A_238 : memref<100xi32, #tpu.memory_space<vmem>>) semaphore(%arg18 : memref<!tpu.dma_semaphore, #tpu.memory_space<semaphore_mem>>)
      } else {
      }
      %scan3A_233 = arith.constant 0 : i32
      scf.yield %scan3A_233 : i32
    }
    %scan3A_53 = arith.constant 25 : i32
    %barrier3A_54 = arith.constant 0 : index
    tpu.barrier barrier_id(%barrier3A_54)
    %mul3A_55 = arith.constant 640 : i32
    %mul3A_56 = arith.muli %arg1, %mul3A_55 : i32
    %add3A_57 = arith.constant 0 : i32
    %add3A_58 = arith.addi %mul3A_56, %add3A_57 : i32
    %dma_start3A_59 = arith.constant 0 : i32
    %dma_start3A_60 = arith.constant 0 : i32
    %dma_start3A_61 = tpu.memref_slice %arg6[%arg0, %dma_start3A_59, %dma_start3A_60] : memref<2x10240x64xf32, #tpu.memory_space<hbm>> -> memref<1x10240x64xf32, #tpu.memory_space<hbm>>
    %dma_start3A_62 = tpu.memref_squeeze %dma_start3A_61 : memref<1x10240x64xf32, #tpu.memory_space<hbm>> -> memref<10240x64xf32, #tpu.memory_space<hbm>>
    %dma_start3A_63 = arith.constant 0 : i32
    %dma_start3A_64 = tpu.memref_slice %dma_start3A_62[%add3A_58, %dma_start3A_63] : memref<10240x64xf32, #tpu.memory_space<hbm>> -> memref<128x64xf32, #tpu.memory_space<hbm>>
    %dma_start3A_65 = arith.constant 0 : i32
    %dma_start3A_66 = tpu.memref_slice %arg14[%add3A_58, %dma_start3A_65] : memref<10240x64xf32, #tpu.memory_space<vmem_shared>> -> memref<128x64xf32, #tpu.memory_space<vmem_shared>>
    tpu.enqueue_dma source(%dma_start3A_66 : memref<128x64xf32, #tpu.memory_space<vmem_shared>>) target(%dma_start3A_64 : memref<128x64xf32, #tpu.memory_space<hbm>>) target_semaphore(%arg15 : memref<!tpu.dma_semaphore, #tpu.memory_space<semaphore_mem>>)
    %mul3A_67 = arith.constant 640 : i32
    %mul3A_68 = arith.muli %arg1, %mul3A_67 : i32
    %add3A_69 = arith.constant 128 : i32
    %add3A_70 = arith.addi %mul3A_68, %add3A_69 : i32
    %dma_start3A_71 = arith.constant 0 : i32
    %dma_start3A_72 = arith.constant 0 : i32
    %dma_start3A_73 = tpu.memref_slice %arg6[%arg0, %dma_start3A_71, %dma_start3A_72] : memref<2x10240x64xf32, #tpu.memory_space<hbm>> -> memref<1x10240x64xf32, #tpu.memory_space<hbm>>
    %dma_start3A_74 = tpu.memref_squeeze %dma_start3A_73 : memref<1x10240x64xf32, #tpu.memory_space<hbm>> -> memref<10240x64xf32, #tpu.memory_space<hbm>>
    %dma_start3A_75 = arith.constant 0 : i32
    %dma_start3A_76 = tpu.memref_slice %dma_start3A_74[%add3A_70, %dma_start3A_75] : memref<10240x64xf32, #tpu.memory_space<hbm>> -> memref<128x64xf32, #tpu.memory_space<hbm>>
    %dma_start3A_77 = arith.constant 0 : i32
    %dma_start3A_78 = tpu.memref_slice %arg14[%add3A_70, %dma_start3A_77] : memref<10240x64xf32, #tpu.memory_space<vmem_shared>> -> memref<128x64xf32, #tpu.memory_space<vmem_shared>>
    tpu.enqueue_dma source(%dma_start3A_78 : memref<128x64xf32, #tpu.memory_space<vmem_shared>>) target(%dma_start3A_76 : memref<128x64xf32, #tpu.memory_space<hbm>>) target_semaphore(%arg16 : memref<!tpu.dma_semaphore, #tpu.memory_space<semaphore_mem>>)
    %mul3A_79 = arith.constant 640 : i32
    %mul3A_80 = arith.muli %arg1, %mul3A_79 : i32
    %add3A_81 = arith.constant 256 : i32
    %add3A_82 = arith.addi %mul3A_80, %add3A_81 : i32
    %dma_start3A_83 = arith.constant 0 : i32
    %dma_start3A_84 = arith.constant 0 : i32
    %dma_start3A_85 = tpu.memref_slice %arg6[%arg0, %dma_start3A_83, %dma_start3A_84] : memref<2x10240x64xf32, #tpu.memory_space<hbm>> -> memref<1x10240x64xf32, #tpu.memory_space<hbm>>
    %dma_start3A_86 = tpu.memref_squeeze %dma_start3A_85 : memref<1x10240x64xf32, #tpu.memory_space<hbm>> -> memref<10240x64xf32, #tpu.memory_space<hbm>>
    %dma_start3A_87 = arith.constant 0 : i32
    %dma_start3A_88 = tpu.memref_slice %dma_start3A_86[%add3A_82, %dma_start3A_87] : memref<10240x64xf32, #tpu.memory_space<hbm>> -> memref<128x64xf32, #tpu.memory_space<hbm>>
    %dma_start3A_89 = arith.constant 0 : i32
    %dma_start3A_90 = tpu.memref_slice %arg14[%add3A_82, %dma_start3A_89] : memref<10240x64xf32, #tpu.memory_space<vmem_shared>> -> memref<128x64xf32, #tpu.memory_space<vmem_shared>>
    tpu.enqueue_dma source(%dma_start3A_90 : memref<128x64xf32, #tpu.memory_space<vmem_shared>>) target(%dma_start3A_88 : memref<128x64xf32, #tpu.memory_space<hbm>>) target_semaphore(%arg17 : memref<!tpu.dma_semaphore, #tpu.memory_space<semaphore_mem>>)
    %mul3A_91 = arith.constant 640 : i32
    %mul3A_92 = arith.muli %arg1, %mul3A_91 : i32
    %add3A_93 = arith.constant 384 : i32
    %add3A_94 = arith.addi %mul3A_92, %add3A_93 : i32
    %dma_start3A_95 = arith.constant 0 : i32
    %dma_start3A_96 = arith.constant 0 : i32
    %dma_start3A_97 = tpu.memref_slice %arg6[%arg0, %dma_start3A_95, %dma_start3A_96] : memref<2x10240x64xf32, #tpu.memory_space<hbm>> -> memref<1x10240x64xf32, #tpu.memory_space<hbm>>
    %dma_start3A_98 = tpu.memref_squeeze %dma_start3A_97 : memref<1x10240x64xf32, #tpu.memory_space<hbm>> -> memref<10240x64xf32, #tpu.memory_space<hbm>>
    %dma_start3A_99 = arith.constant 0 : i32
    %dma_start3A_100 = tpu.memref_slice %dma_start3A_98[%add3A_94, %dma_start3A_99] : memref<10240x64xf32, #tpu.memory_space<hbm>> -> memref<128x64xf32, #tpu.memory_space<hbm>>
    %dma_start3A_101 = arith.constant 0 : i32
    %dma_start3A_102 = tpu.memref_slice %arg14[%add3A_94, %dma_start3A_101] : memref<10240x64xf32, #tpu.memory_space<vmem_shared>> -> memref<128x64xf32, #tpu.memory_space<vmem_shared>>
    tpu.enqueue_dma source(%dma_start3A_102 : memref<128x64xf32, #tpu.memory_space<vmem_shared>>) target(%dma_start3A_100 : memref<128x64xf32, #tpu.memory_space<hbm>>) target_semaphore(%arg18 : memref<!tpu.dma_semaphore, #tpu.memory_space<semaphore_mem>>)
    %mul3A_103 = arith.constant 640 : i32
    %mul3A_104 = arith.muli %arg1, %mul3A_103 : i32
    %add3A_105 = arith.constant 512 : i32
    %add3A_106 = arith.addi %mul3A_104, %add3A_105 : i32
    %dma_start3A_107 = arith.constant 0 : i32
    %dma_start3A_108 = arith.constant 0 : i32
    %dma_start3A_109 = tpu.memref_slice %arg6[%arg0, %dma_start3A_107, %dma_start3A_108] : memref<2x10240x64xf32, #tpu.memory_space<hbm>> -> memref<1x10240x64xf32, #tpu.memory_space<hbm>>
    %dma_start3A_110 = tpu.memref_squeeze %dma_start3A_109 : memref<1x10240x64xf32, #tpu.memory_space<hbm>> -> memref<10240x64xf32, #tpu.memory_space<hbm>>
    %dma_start3A_111 = arith.constant 0 : i32
    %dma_start3A_112 = tpu.memref_slice %dma_start3A_110[%add3A_106, %dma_start3A_111] : memref<10240x64xf32, #tpu.memory_space<hbm>> -> memref<128x64xf32, #tpu.memory_space<hbm>>
    %dma_start3A_113 = arith.constant 0 : i32
    %dma_start3A_114 = tpu.memref_slice %arg14[%add3A_106, %dma_start3A_113] : memref<10240x64xf32, #tpu.memory_space<vmem_shared>> -> memref<128x64xf32, #tpu.memory_space<vmem_shared>>
    tpu.enqueue_dma source(%dma_start3A_114 : memref<128x64xf32, #tpu.memory_space<vmem_shared>>) target(%dma_start3A_112 : memref<128x64xf32, #tpu.memory_space<hbm>>) target_semaphore(%arg15 : memref<!tpu.dma_semaphore, #tpu.memory_space<semaphore_mem>>)
    %mul3A_115 = arith.constant 640 : i32
    %mul3A_116 = arith.muli %arg1, %mul3A_115 : i32
    %add3A_117 = arith.constant 0 : i32
    %add3A_118 = arith.addi %mul3A_116, %add3A_117 : i32
    %dma_wait3A = arith.constant 0 : i32
    %dma_wait3A_119 = arith.constant 0 : i32
    %dma_wait3A_120 = tpu.memref_slice %arg6[%arg0, %dma_wait3A, %dma_wait3A_119] : memref<2x10240x64xf32, #tpu.memory_space<hbm>> -> memref<1x10240x64xf32, #tpu.memory_space<hbm>>
    %dma_wait3A_121 = tpu.memref_squeeze %dma_wait3A_120 : memref<1x10240x64xf32, #tpu.memory_space<hbm>> -> memref<10240x64xf32, #tpu.memory_space<hbm>>
    %dma_wait3A_122 = arith.constant 0 : i32
    %dma_wait3A_123 = tpu.memref_slice %dma_wait3A_121[%add3A_118, %dma_wait3A_122] : memref<10240x64xf32, #tpu.memory_space<hbm>> -> memref<128x64xf32, #tpu.memory_space<hbm>>
    %dma_wait3A_124 = arith.constant 0 : i32
    %dma_wait3A_125 = tpu.memref_slice %arg14[%add3A_118, %dma_wait3A_124] : memref<10240x64xf32, #tpu.memory_space<vmem_shared>> -> memref<128x64xf32, #tpu.memory_space<vmem_shared>>
    tpu.wait_dma2 semaphore(%arg15 : memref<!tpu.dma_semaphore, #tpu.memory_space<semaphore_mem>>) src(%dma_wait3A_125 : memref<128x64xf32, #tpu.memory_space<vmem_shared>>) dst(%dma_wait3A_123 : memref<128x64xf32, #tpu.memory_space<hbm>>)
    %mul3A_126 = arith.constant 640 : i32
    %mul3A_127 = arith.muli %arg1, %mul3A_126 : i32
    %add3A_128 = arith.constant 128 : i32
    %add3A_129 = arith.addi %mul3A_127, %add3A_128 : i32
    %dma_wait3A_130 = arith.constant 0 : i32
    %dma_wait3A_131 = arith.constant 0 : i32
    %dma_wait3A_132 = tpu.memref_slice %arg6[%arg0, %dma_wait3A_130, %dma_wait3A_131] : memref<2x10240x64xf32, #tpu.memory_space<hbm>> -> memref<1x10240x64xf32, #tpu.memory_space<hbm>>
    %dma_wait3A_133 = tpu.memref_squeeze %dma_wait3A_132 : memref<1x10240x64xf32, #tpu.memory_space<hbm>> -> memref<10240x64xf32, #tpu.memory_space<hbm>>
    %dma_wait3A_134 = arith.constant 0 : i32
    %dma_wait3A_135 = tpu.memref_slice %dma_wait3A_133[%add3A_129, %dma_wait3A_134] : memref<10240x64xf32, #tpu.memory_space<hbm>> -> memref<128x64xf32, #tpu.memory_space<hbm>>
    %dma_wait3A_136 = arith.constant 0 : i32
    %dma_wait3A_137 = tpu.memref_slice %arg14[%add3A_129, %dma_wait3A_136] : memref<10240x64xf32, #tpu.memory_space<vmem_shared>> -> memref<128x64xf32, #tpu.memory_space<vmem_shared>>
    tpu.wait_dma2 semaphore(%arg16 : memref<!tpu.dma_semaphore, #tpu.memory_space<semaphore_mem>>) src(%dma_wait3A_137 : memref<128x64xf32, #tpu.memory_space<vmem_shared>>) dst(%dma_wait3A_135 : memref<128x64xf32, #tpu.memory_space<hbm>>)
    %mul3A_138 = arith.constant 640 : i32
    %mul3A_139 = arith.muli %arg1, %mul3A_138 : i32
    %add3A_140 = arith.constant 256 : i32
    %add3A_141 = arith.addi %mul3A_139, %add3A_140 : i32
    %dma_wait3A_142 = arith.constant 0 : i32
    %dma_wait3A_143 = arith.constant 0 : i32
    %dma_wait3A_144 = tpu.memref_slice %arg6[%arg0, %dma_wait3A_142, %dma_wait3A_143] : memref<2x10240x64xf32, #tpu.memory_space<hbm>> -> memref<1x10240x64xf32, #tpu.memory_space<hbm>>
    %dma_wait3A_145 = tpu.memref_squeeze %dma_wait3A_144 : memref<1x10240x64xf32, #tpu.memory_space<hbm>> -> memref<10240x64xf32, #tpu.memory_space<hbm>>
    %dma_wait3A_146 = arith.constant 0 : i32
    %dma_wait3A_147 = tpu.memref_slice %dma_wait3A_145[%add3A_141, %dma_wait3A_146] : memref<10240x64xf32, #tpu.memory_space<hbm>> -> memref<128x64xf32, #tpu.memory_space<hbm>>
    %dma_wait3A_148 = arith.constant 0 : i32
    %dma_wait3A_149 = tpu.memref_slice %arg14[%add3A_141, %dma_wait3A_148] : memref<10240x64xf32, #tpu.memory_space<vmem_shared>> -> memref<128x64xf32, #tpu.memory_space<vmem_shared>>
    tpu.wait_dma2 semaphore(%arg17 : memref<!tpu.dma_semaphore, #tpu.memory_space<semaphore_mem>>) src(%dma_wait3A_149 : memref<128x64xf32, #tpu.memory_space<vmem_shared>>) dst(%dma_wait3A_147 : memref<128x64xf32, #tpu.memory_space<hbm>>)
    %mul3A_150 = arith.constant 640 : i32
    %mul3A_151 = arith.muli %arg1, %mul3A_150 : i32
    %add3A_152 = arith.constant 384 : i32
    %add3A_153 = arith.addi %mul3A_151, %add3A_152 : i32
    %dma_wait3A_154 = arith.constant 0 : i32
    %dma_wait3A_155 = arith.constant 0 : i32
    %dma_wait3A_156 = tpu.memref_slice %arg6[%arg0, %dma_wait3A_154, %dma_wait3A_155] : memref<2x10240x64xf32, #tpu.memory_space<hbm>> -> memref<1x10240x64xf32, #tpu.memory_space<hbm>>
    %dma_wait3A_157 = tpu.memref_squeeze %dma_wait3A_156 : memref<1x10240x64xf32, #tpu.memory_space<hbm>> -> memref<10240x64xf32, #tpu.memory_space<hbm>>
    %dma_wait3A_158 = arith.constant 0 : i32
    %dma_wait3A_159 = tpu.memref_slice %dma_wait3A_157[%add3A_153, %dma_wait3A_158] : memref<10240x64xf32, #tpu.memory_space<hbm>> -> memref<128x64xf32, #tpu.memory_space<hbm>>
    %dma_wait3A_160 = arith.constant 0 : i32
    %dma_wait3A_161 = tpu.memref_slice %arg14[%add3A_153, %dma_wait3A_160] : memref<10240x64xf32, #tpu.memory_space<vmem_shared>> -> memref<128x64xf32, #tpu.memory_space<vmem_shared>>
    tpu.wait_dma2 semaphore(%arg18 : memref<!tpu.dma_semaphore, #tpu.memory_space<semaphore_mem>>) src(%dma_wait3A_161 : memref<128x64xf32, #tpu.memory_space<vmem_shared>>) dst(%dma_wait3A_159 : memref<128x64xf32, #tpu.memory_space<hbm>>)
    %mul3A_162 = arith.constant 640 : i32
    %mul3A_163 = arith.muli %arg1, %mul3A_162 : i32
    %add3A_164 = arith.constant 512 : i32
    %add3A_165 = arith.addi %mul3A_163, %add3A_164 : i32
    %dma_wait3A_166 = arith.constant 0 : i32
    %dma_wait3A_167 = arith.constant 0 : i32
    %dma_wait3A_168 = tpu.memref_slice %arg6[%arg0, %dma_wait3A_166, %dma_wait3A_167] : memref<2x10240x64xf32, #tpu.memory_space<hbm>> -> memref<1x10240x64xf32, #tpu.memory_space<hbm>>
    %dma_wait3A_169 = tpu.memref_squeeze %dma_wait3A_168 : memref<1x10240x64xf32, #tpu.memory_space<hbm>> -> memref<10240x64xf32, #tpu.memory_space<hbm>>
    %dma_wait3A_170 = arith.constant 0 : i32
    %dma_wait3A_171 = tpu.memref_slice %dma_wait3A_169[%add3A_165, %dma_wait3A_170] : memref<10240x64xf32, #tpu.memory_space<hbm>> -> memref<128x64xf32, #tpu.memory_space<hbm>>
    %dma_wait3A_172 = arith.constant 0 : i32
    %dma_wait3A_173 = tpu.memref_slice %arg14[%add3A_165, %dma_wait3A_172] : memref<10240x64xf32, #tpu.memory_space<vmem_shared>> -> memref<128x64xf32, #tpu.memory_space<vmem_shared>>
    tpu.wait_dma2 semaphore(%arg15 : memref<!tpu.dma_semaphore, #tpu.memory_space<semaphore_mem>>) src(%dma_wait3A_173 : memref<128x64xf32, #tpu.memory_space<vmem_shared>>) dst(%dma_wait3A_171 : memref<128x64xf32, #tpu.memory_space<hbm>>)
    return
  }
}

#map = affine_map<(d0, d1) -> (0, 0)>
#map1 = affine_map<(d0, d1) -> (0, 0, 0)>
module attributes {stable_mosaic.version = 14 : i64} {
  func.func @k(%arg0: i32, %arg1: i32, %arg2: memref<10000x64xf32, #tpu.memory_space<hbm>>, %arg3: memref<32x100x100xi32, #tpu.memory_space<hbm>>, %arg4: memref<32x100x100xi32, #tpu.memory_space<hbm>>, %arg5: memref<128x64xf32, #tpu.memory_space<hbm>>, %arg6: memref<2x10240x64xf32, #tpu.memory_space<hbm>>, %arg7: memref<100x100xi32, #tpu.memory_space<vmem>>, %arg8: memref<100x100xi32, #tpu.memory_space<vmem>>, %arg9: memref<100x64xf32, #tpu.memory_space<vmem>>, %arg10: memref<100x64xf32, #tpu.memory_space<vmem>>, %arg11: memref<100x64xf32, #tpu.memory_space<vmem>>, %arg12: memref<100x64xf32, #tpu.memory_space<vmem>>, %arg13: memref<128x64xf32, #tpu.memory_space<vmem>>, %arg14: memref<10240x64xf32, #tpu.memory_space<vmem_shared>>, %arg15: memref<!tpu.dma_semaphore, #tpu.memory_space<semaphore_mem>>, %arg16: memref<!tpu.dma_semaphore, #tpu.memory_space<semaphore_mem>>, %arg17: memref<!tpu.dma_semaphore, #tpu.memory_space<semaphore_mem>>, %arg18: memref<!tpu.dma_semaphore, #tpu.memory_space<semaphore_mem>>) attributes {dimension_semantics = [#tpu.dimension_semantics<core_parallel>, #tpu.dimension_semantics<subcore_parallel>], iteration_bounds = array<i64: 2, 16>, scalar_prefetch = 0 : i64, scratch_operands = 12 : i64, tpu.core_type = #tpu.core_type<sc_vector_subcore>, window_params = [{transform_indices = #map}, {transform_indices = #map1}, {transform_indices = #map1}, {transform_indices = #map}, {transform_indices = #map1}]} {
    %mul3A = arith.constant 16 : i32
    %mul3A_0 = arith.muli %arg0, %mul3A : i32
    %add3A = arith.addi %mul3A_0, %arg1 : i32
    "tpu.region"() ({
      %run_scoped3A = tpu.sem_alloc : memref<!tpu.dma_semaphore, #tpu.memory_space<semaphore_mem>>
      %dma_start3A_174 = arith.constant 0 : i32
      %dma_start3A_175 = arith.constant 0 : i32
      %dma_start3A_176 = tpu.memref_slice %arg3[%add3A, %dma_start3A_174, %dma_start3A_175] : memref<32x100x100xi32, #tpu.memory_space<hbm>> -> memref<1x100x100xi32, #tpu.memory_space<hbm>>
      %dma_start3A_177 = tpu.memref_squeeze %dma_start3A_176 : memref<1x100x100xi32, #tpu.memory_space<hbm>> -> memref<100x100xi32, #tpu.memory_space<hbm>>
      %dma_start3A_178 = arith.constant 0 : i32
      %dma_start3A_179 = arith.constant 0 : i32
      %dma_start3A_180 = tpu.memref_slice %arg3[%add3A, %dma_start3A_178, %dma_start3A_179] : memref<32x100x100xi32, #tpu.memory_space<hbm>> -> memref<1x100x100xi32, #tpu.memory_space<hbm>>
      %dma_start3A_181 = tpu.memref_squeeze %dma_start3A_180 : memref<1x100x100xi32, #tpu.memory_space<hbm>> -> memref<100x100xi32, #tpu.memory_space<hbm>>
      tpu.enqueue_dma source(%dma_start3A_181 : memref<100x100xi32, #tpu.memory_space<hbm>>) target(%arg7 : memref<100x100xi32, #tpu.memory_space<vmem>>) target_semaphore(%run_scoped3A : memref<!tpu.dma_semaphore, #tpu.memory_space<semaphore_mem>>)
      %dma_wait3A_182 = arith.constant 0 : i32
      %dma_wait3A_183 = arith.constant 0 : i32
      %dma_wait3A_184 = tpu.memref_slice %arg3[%add3A, %dma_wait3A_182, %dma_wait3A_183] : memref<32x100x100xi32, #tpu.memory_space<hbm>> -> memref<1x100x100xi32, #tpu.memory_space<hbm>>
      %dma_wait3A_185 = tpu.memref_squeeze %dma_wait3A_184 : memref<1x100x100xi32, #tpu.memory_space<hbm>> -> memref<100x100xi32, #tpu.memory_space<hbm>>
      %dma_wait3A_186 = arith.constant 0 : i32
      %dma_wait3A_187 = arith.constant 0 : i32
      %dma_wait3A_188 = tpu.memref_slice %arg3[%add3A, %dma_wait3A_186, %dma_wait3A_187] : memref<32x100x100xi32, #tpu.memory_space<hbm>> -> memref<1x100x100xi32, #tpu.memory_space<hbm>>
      %dma_wait3A_189 = tpu.memref_squeeze %dma_wait3A_188 : memref<1x100x100xi32, #tpu.memory_space<hbm>> -> memref<100x100xi32, #tpu.memory_space<hbm>>
      tpu.wait_dma2 semaphore(%run_scoped3A : memref<!tpu.dma_semaphore, #tpu.memory_space<semaphore_mem>>) src(%dma_wait3A_189 : memref<100x100xi32, #tpu.memory_space<hbm>>) dst(%arg7 : memref<100x100xi32, #tpu.memory_space<vmem>>)
      tpu.yield
    }) : () -> ()
    "tpu.region"() ({
      %run_scoped3A = tpu.sem_alloc : memref<!tpu.dma_semaphore, #tpu.memory_space<semaphore_mem>>
      %dma_start3A_174 = arith.constant 0 : i32
      %dma_start3A_175 = arith.constant 0 : i32
      %dma_start3A_176 = tpu.memref_slice %arg4[%add3A, %dma_start3A_174, %dma_start3A_175] : memref<32x100x100xi32, #tpu.memory_space<hbm>> -> memref<1x100x100xi32, #tpu.memory_space<hbm>>
      %dma_start3A_177 = tpu.memref_squeeze %dma_start3A_176 : memref<1x100x100xi32, #tpu.memory_space<hbm>> -> memref<100x100xi32, #tpu.memory_space<hbm>>
      %dma_start3A_178 = arith.constant 0 : i32
      %dma_start3A_179 = arith.constant 0 : i32
      %dma_start3A_180 = tpu.memref_slice %arg4[%add3A, %dma_start3A_178, %dma_start3A_179] : memref<32x100x100xi32, #tpu.memory_space<hbm>> -> memref<1x100x100xi32, #tpu.memory_space<hbm>>
      %dma_start3A_181 = tpu.memref_squeeze %dma_start3A_180 : memref<1x100x100xi32, #tpu.memory_space<hbm>> -> memref<100x100xi32, #tpu.memory_space<hbm>>
      tpu.enqueue_dma source(%dma_start3A_181 : memref<100x100xi32, #tpu.memory_space<hbm>>) target(%arg8 : memref<100x100xi32, #tpu.memory_space<vmem>>) target_semaphore(%run_scoped3A : memref<!tpu.dma_semaphore, #tpu.memory_space<semaphore_mem>>)
      %dma_wait3A_182 = arith.constant 0 : i32
      %dma_wait3A_183 = arith.constant 0 : i32
      %dma_wait3A_184 = tpu.memref_slice %arg4[%add3A, %dma_wait3A_182, %dma_wait3A_183] : memref<32x100x100xi32, #tpu.memory_space<hbm>> -> memref<1x100x100xi32, #tpu.memory_space<hbm>>
      %dma_wait3A_185 = tpu.memref_squeeze %dma_wait3A_184 : memref<1x100x100xi32, #tpu.memory_space<hbm>> -> memref<100x100xi32, #tpu.memory_space<hbm>>
      %dma_wait3A_186 = arith.constant 0 : i32
      %dma_wait3A_187 = arith.constant 0 : i32
      %dma_wait3A_188 = tpu.memref_slice %arg4[%add3A, %dma_wait3A_186, %dma_wait3A_187] : memref<32x100x100xi32, #tpu.memory_space<hbm>> -> memref<1x100x100xi32, #tpu.memory_space<hbm>>
      %dma_wait3A_189 = tpu.memref_squeeze %dma_wait3A_188 : memref<1x100x100xi32, #tpu.memory_space<hbm>> -> memref<100x100xi32, #tpu.memory_space<hbm>>
      tpu.wait_dma2 semaphore(%run_scoped3A : memref<!tpu.dma_semaphore, #tpu.memory_space<semaphore_mem>>) src(%dma_wait3A_189 : memref<100x100xi32, #tpu.memory_space<hbm>>) dst(%arg8 : memref<100x100xi32, #tpu.memory_space<vmem>>)
      tpu.yield
    }) : () -> ()
    %dma_start3A = arith.constant 0 : i32
    %dma_start3A_1 = arith.constant 0 : i32
    %dma_start3A_2 = tpu.memref_slice %arg7[%dma_start3A, %dma_start3A_1] : memref<100x100xi32, #tpu.memory_space<vmem>> -> memref<1x100xi32, #tpu.memory_space<vmem>>
    %dma_start3A_3 = tpu.memref_squeeze %dma_start3A_2 : memref<1x100xi32, #tpu.memory_space<vmem>> -> memref<100xi32, #tpu.memory_space<vmem>>
    %dma_start3A_4 = arith.constant 0 : i32
    %dma_start3A_5 = arith.constant 0 : i32
    %dma_start3A_6 = tpu.memref_slice %arg2[%dma_start3A_4, %dma_start3A_5] : memref<10000x64xf32, #tpu.memory_space<hbm>> -> memref<10000x64xf32, #tpu.memory_space<hbm>>
    tpu.enqueue_indirect_dma source(%dma_start3A_6 : memref<10000x64xf32, #tpu.memory_space<hbm>>) target(%arg9 : memref<100x64xf32, #tpu.memory_space<vmem>>) offsets(%dma_start3A_3 : memref<100xi32, #tpu.memory_space<vmem>>) semaphore(%arg15 : memref<!tpu.dma_semaphore, #tpu.memory_space<semaphore_mem>>)
    %dma_start3A_7 = arith.constant 1 : i32
    %dma_start3A_8 = arith.constant 0 : i32
    %dma_start3A_9 = tpu.memref_slice %arg7[%dma_start3A_7, %dma_start3A_8] : memref<100x100xi32, #tpu.memory_space<vmem>> -> memref<1x100xi32, #tpu.memory_space<vmem>>
    %dma_start3A_10 = tpu.memref_squeeze %dma_start3A_9 : memref<1x100xi32, #tpu.memory_space<vmem>> -> memref<100xi32, #tpu.memory_space<vmem>>
    %dma_start3A_11 = arith.constant 0 : i32
    %dma_start3A_12 = arith.constant 0 : i32
    %dma_start3A_13 = tpu.memref_slice %arg2[%dma_start3A_11, %dma_start3A_12] : memref<10000x64xf32, #tpu.memory_space<hbm>> -> memref<10000x64xf32, #tpu.memory_space<hbm>>
    tpu.enqueue_indirect_dma source(%dma_start3A_13 : memref<10000x64xf32, #tpu.memory_space<hbm>>) target(%arg10 : memref<100x64xf32, #tpu.memory_space<vmem>>) offsets(%dma_start3A_10 : memref<100xi32, #tpu.memory_space<vmem>>) semaphore(%arg16 : memref<!tpu.dma_semaphore, #tpu.memory_space<semaphore_mem>>)
    %dma_start3A_14 = arith.constant 2 : i32
    %dma_start3A_15 = arith.constant 0 : i32
    %dma_start3A_16 = tpu.memref_slice %arg7[%dma_start3A_14, %dma_start3A_15] : memref<100x100xi32, #tpu.memory_space<vmem>> -> memref<1x100xi32, #tpu.memory_space<vmem>>
    %dma_start3A_17 = tpu.memref_squeeze %dma_start3A_16 : memref<1x100xi32, #tpu.memory_space<vmem>> -> memref<100xi32, #tpu.memory_space<vmem>>
    %dma_start3A_18 = arith.constant 0 : i32
    %dma_start3A_19 = arith.constant 0 : i32
    %dma_start3A_20 = tpu.memref_slice %arg2[%dma_start3A_18, %dma_start3A_19] : memref<10000x64xf32, #tpu.memory_space<hbm>> -> memref<10000x64xf32, #tpu.memory_space<hbm>>
    tpu.enqueue_indirect_dma source(%dma_start3A_20 : memref<10000x64xf32, #tpu.memory_space<hbm>>) target(%arg11 : memref<100x64xf32, #tpu.memory_space<vmem>>) offsets(%dma_start3A_17 : memref<100xi32, #tpu.memory_space<vmem>>) semaphore(%arg17 : memref<!tpu.dma_semaphore, #tpu.memory_space<semaphore_mem>>)
    %dma_start3A_21 = arith.constant 3 : i32
    %dma_start3A_22 = arith.constant 0 : i32
    %dma_start3A_23 = tpu.memref_slice %arg7[%dma_start3A_21, %dma_start3A_22] : memref<100x100xi32, #tpu.memory_space<vmem>> -> memref<1x100xi32, #tpu.memory_space<vmem>>
    %dma_start3A_24 = tpu.memref_squeeze %dma_start3A_23 : memref<1x100xi32, #tpu.memory_space<vmem>> -> memref<100xi32, #tpu.memory_space<vmem>>
    %dma_start3A_25 = arith.constant 0 : i32
    %dma_start3A_26 = arith.constant 0 : i32
    %dma_start3A_27 = tpu.memref_slice %arg2[%dma_start3A_25, %dma_start3A_26] : memref<10000x64xf32, #tpu.memory_space<hbm>> -> memref<10000x64xf32, #tpu.memory_space<hbm>>
    tpu.enqueue_indirect_dma source(%dma_start3A_27 : memref<10000x64xf32, #tpu.memory_space<hbm>>) target(%arg12 : memref<100x64xf32, #tpu.memory_space<vmem>>) offsets(%dma_start3A_24 : memref<100xi32, #tpu.memory_space<vmem>>) semaphore(%arg18 : memref<!tpu.dma_semaphore, #tpu.memory_space<semaphore_mem>>)
    "tpu.region"() ({
      %run_scoped3A = tpu.sem_alloc : memref<!tpu.dma_semaphore, #tpu.memory_space<semaphore_mem>>
      tpu.enqueue_dma source(%arg5 : memref<128x64xf32, #tpu.memory_space<hbm>>) target(%arg13 : memref<128x64xf32, #tpu.memory_space<vmem>>) target_semaphore(%run_scoped3A : memref<!tpu.dma_semaphore, #tpu.memory_space<semaphore_mem>>)
      tpu.wait_dma2 semaphore(%run_scoped3A : memref<!tpu.dma_semaphore, #tpu.memory_space<semaphore_mem>>) src(%arg5 : memref<128x64xf32, #tpu.memory_space<hbm>>) dst(%arg13 : memref<128x64xf32, #tpu.memory_space<vmem>>)
      tpu.yield
    }) : () -> ()
    %mul3A_28 = arith.constant 640 : i32
    %mul3A_29 = arith.muli %arg1, %mul3A_28 : i32
    %add3A_30 = arith.constant 0 : i32
    %add3A_31 = arith.addi %mul3A_29, %add3A_30 : i32
    "tpu.region"() ({
      %run_scoped3A = tpu.sem_alloc : memref<!tpu.dma_semaphore, #tpu.memory_space<semaphore_mem>>
      %dma_start3A_174 = arith.constant 0 : i32
      %dma_start3A_175 = tpu.memref_slice %arg14[%add3A_31, %dma_start3A_174] : memref<10240x64xf32, #tpu.memory_space<vmem_shared>> -> memref<128x64xf32, #tpu.memory_space<vmem_shared>>
      %dma_start3A_176 = arith.constant 0 : i32
      %dma_start3A_177 = tpu.memref_slice %arg14[%add3A_31, %dma_start3A_176] : memref<10240x64xf32, #tpu.memory_space<vmem_shared>> -> memref<128x64xf32, #tpu.memory_space<vmem_shared>>
      tpu.enqueue_dma source(%arg13 : memref<128x64xf32, #tpu.memory_space<vmem>>) target(%dma_start3A_177 : memref<128x64xf32, #tpu.memory_space<vmem_shared>>) target_semaphore(%run_scoped3A : memref<!tpu.dma_semaphore, #tpu.memory_space<semaphore_mem>>)
      %dma_wait3A_178 = arith.constant 0 : i32
      %dma_wait3A_179 = tpu.memref_slice %arg14[%add3A_31, %dma_wait3A_178] : memref<10240x64xf32, #tpu.memory_space<vmem_shared>> -> memref<128x64xf32, #tpu.memory_space<vmem_shared>>
      %dma_wait3A_180 = arith.constant 0 : i32
      %dma_wait3A_181 = tpu.memref_slice %arg14[%add3A_31, %dma_wait3A_180] : memref<10240x64xf32, #tpu.memory_space<vmem_shared>> -> memref<128x64xf32, #tpu.memory_space<vmem_shared>>
      tpu.wait_dma2 semaphore(%run_scoped3A : memref<!tpu.dma_semaphore, #tpu.memory_space<semaphore_mem>>) src(%arg13 : memref<128x64xf32, #tpu.memory_space<vmem>>) dst(%dma_wait3A_181 : memref<128x64xf32, #tpu.memory_space<vmem_shared>>)
      tpu.yield
    }) : () -> ()
    %mul3A_32 = arith.constant 640 : i32
    %mul3A_33 = arith.muli %arg1, %mul3A_32 : i32
    %add3A_34 = arith.constant 128 : i32
    %add3A_35 = arith.addi %mul3A_33, %add3A_34 : i32
    "tpu.region"() ({
      %run_scoped3A = tpu.sem_alloc : memref<!tpu.dma_semaphore, #tpu.memory_space<semaphore_mem>>
      %dma_start3A_174 = arith.constant 0 : i32
      %dma_start3A_175 = tpu.memref_slice %arg14[%add3A_35, %dma_start3A_174] : memref<10240x64xf32, #tpu.memory_space<vmem_shared>> -> memref<128x64xf32, #tpu.memory_space<vmem_shared>>
      %dma_start3A_176 = arith.constant 0 : i32
      %dma_start3A_177 = tpu.memref_slice %arg14[%add3A_35, %dma_start3A_176] : memref<10240x64xf32, #tpu.memory_space<vmem_shared>> -> memref<128x64xf32, #tpu.memory_space<vmem_shared>>
      tpu.enqueue_dma source(%arg13 : memref<128x64xf32, #tpu.memory_space<vmem>>) target(%dma_start3A_177 : memref<128x64xf32, #tpu.memory_space<vmem_shared>>) target_semaphore(%run_scoped3A : memref<!tpu.dma_semaphore, #tpu.memory_space<semaphore_mem>>)
      %dma_wait3A_178 = arith.constant 0 : i32
      %dma_wait3A_179 = tpu.memref_slice %arg14[%add3A_35, %dma_wait3A_178] : memref<10240x64xf32, #tpu.memory_space<vmem_shared>> -> memref<128x64xf32, #tpu.memory_space<vmem_shared>>
      %dma_wait3A_180 = arith.constant 0 : i32
      %dma_wait3A_181 = tpu.memref_slice %arg14[%add3A_35, %dma_wait3A_180] : memref<10240x64xf32, #tpu.memory_space<vmem_shared>> -> memref<128x64xf32, #tpu.memory_space<vmem_shared>>
      tpu.wait_dma2 semaphore(%run_scoped3A : memref<!tpu.dma_semaphore, #tpu.memory_space<semaphore_mem>>) src(%arg13 : memref<128x64xf32, #tpu.memory_space<vmem>>) dst(%dma_wait3A_181 : memref<128x64xf32, #tpu.memory_space<vmem_shared>>)
      tpu.yield
    }) : () -> ()
    %mul3A_36 = arith.constant 640 : i32
    %mul3A_37 = arith.muli %arg1, %mul3A_36 : i32
    %add3A_38 = arith.constant 256 : i32
    %add3A_39 = arith.addi %mul3A_37, %add3A_38 : i32
    "tpu.region"() ({
      %run_scoped3A = tpu.sem_alloc : memref<!tpu.dma_semaphore, #tpu.memory_space<semaphore_mem>>
      %dma_start3A_174 = arith.constant 0 : i32
      %dma_start3A_175 = tpu.memref_slice %arg14[%add3A_39, %dma_start3A_174] : memref<10240x64xf32, #tpu.memory_space<vmem_shared>> -> memref<128x64xf32, #tpu.memory_space<vmem_shared>>
      %dma_start3A_176 = arith.constant 0 : i32
      %dma_start3A_177 = tpu.memref_slice %arg14[%add3A_39, %dma_start3A_176] : memref<10240x64xf32, #tpu.memory_space<vmem_shared>> -> memref<128x64xf32, #tpu.memory_space<vmem_shared>>
      tpu.enqueue_dma source(%arg13 : memref<128x64xf32, #tpu.memory_space<vmem>>) target(%dma_start3A_177 : memref<128x64xf32, #tpu.memory_space<vmem_shared>>) target_semaphore(%run_scoped3A : memref<!tpu.dma_semaphore, #tpu.memory_space<semaphore_mem>>)
      %dma_wait3A_178 = arith.constant 0 : i32
      %dma_wait3A_179 = tpu.memref_slice %arg14[%add3A_39, %dma_wait3A_178] : memref<10240x64xf32, #tpu.memory_space<vmem_shared>> -> memref<128x64xf32, #tpu.memory_space<vmem_shared>>
      %dma_wait3A_180 = arith.constant 0 : i32
      %dma_wait3A_181 = tpu.memref_slice %arg14[%add3A_39, %dma_wait3A_180] : memref<10240x64xf32, #tpu.memory_space<vmem_shared>> -> memref<128x64xf32, #tpu.memory_space<vmem_shared>>
      tpu.wait_dma2 semaphore(%run_scoped3A : memref<!tpu.dma_semaphore, #tpu.memory_space<semaphore_mem>>) src(%arg13 : memref<128x64xf32, #tpu.memory_space<vmem>>) dst(%dma_wait3A_181 : memref<128x64xf32, #tpu.memory_space<vmem_shared>>)
      tpu.yield
    }) : () -> ()
    %mul3A_40 = arith.constant 640 : i32
    %mul3A_41 = arith.muli %arg1, %mul3A_40 : i32
    %add3A_42 = arith.constant 384 : i32
    %add3A_43 = arith.addi %mul3A_41, %add3A_42 : i32
    "tpu.region"() ({
      %run_scoped3A = tpu.sem_alloc : memref<!tpu.dma_semaphore, #tpu.memory_space<semaphore_mem>>
      %dma_start3A_174 = arith.constant 0 : i32
      %dma_start3A_175 = tpu.memref_slice %arg14[%add3A_43, %dma_start3A_174] : memref<10240x64xf32, #tpu.memory_space<vmem_shared>> -> memref<128x64xf32, #tpu.memory_space<vmem_shared>>
      %dma_start3A_176 = arith.constant 0 : i32
      %dma_start3A_177 = tpu.memref_slice %arg14[%add3A_43, %dma_start3A_176] : memref<10240x64xf32, #tpu.memory_space<vmem_shared>> -> memref<128x64xf32, #tpu.memory_space<vmem_shared>>
      tpu.enqueue_dma source(%arg13 : memref<128x64xf32, #tpu.memory_space<vmem>>) target(%dma_start3A_177 : memref<128x64xf32, #tpu.memory_space<vmem_shared>>) target_semaphore(%run_scoped3A : memref<!tpu.dma_semaphore, #tpu.memory_space<semaphore_mem>>)
      %dma_wait3A_178 = arith.constant 0 : i32
      %dma_wait3A_179 = tpu.memref_slice %arg14[%add3A_43, %dma_wait3A_178] : memref<10240x64xf32, #tpu.memory_space<vmem_shared>> -> memref<128x64xf32, #tpu.memory_space<vmem_shared>>
      %dma_wait3A_180 = arith.constant 0 : i32
      %dma_wait3A_181 = tpu.memref_slice %arg14[%add3A_43, %dma_wait3A_180] : memref<10240x64xf32, #tpu.memory_space<vmem_shared>> -> memref<128x64xf32, #tpu.memory_space<vmem_shared>>
      tpu.wait_dma2 semaphore(%run_scoped3A : memref<!tpu.dma_semaphore, #tpu.memory_space<semaphore_mem>>) src(%arg13 : memref<128x64xf32, #tpu.memory_space<vmem>>) dst(%dma_wait3A_181 : memref<128x64xf32, #tpu.memory_space<vmem_shared>>)
      tpu.yield
    }) : () -> ()
    %mul3A_44 = arith.constant 640 : i32
    %mul3A_45 = arith.muli %arg1, %mul3A_44 : i32
    %add3A_46 = arith.constant 512 : i32
    %add3A_47 = arith.addi %mul3A_45, %add3A_46 : i32
    "tpu.region"() ({
      %run_scoped3A = tpu.sem_alloc : memref<!tpu.dma_semaphore, #tpu.memory_space<semaphore_mem>>
      %dma_start3A_174 = arith.constant 0 : i32
      %dma_start3A_175 = tpu.memref_slice %arg14[%add3A_47, %dma_start3A_174] : memref<10240x64xf32, #tpu.memory_space<vmem_shared>> -> memref<128x64xf32, #tpu.memory_space<vmem_shared>>
      %dma_start3A_176 = arith.constant 0 : i32
      %dma_start3A_177 = tpu.memref_slice %arg14[%add3A_47, %dma_start3A_176] : memref<10240x64xf32, #tpu.memory_space<vmem_shared>> -> memref<128x64xf32, #tpu.memory_space<vmem_shared>>
      tpu.enqueue_dma source(%arg13 : memref<128x64xf32, #tpu.memory_space<vmem>>) target(%dma_start3A_177 : memref<128x64xf32, #tpu.memory_space<vmem_shared>>) target_semaphore(%run_scoped3A : memref<!tpu.dma_semaphore, #tpu.memory_space<semaphore_mem>>)
      %dma_wait3A_178 = arith.constant 0 : i32
      %dma_wait3A_179 = tpu.memref_slice %arg14[%add3A_47, %dma_wait3A_178] : memref<10240x64xf32, #tpu.memory_space<vmem_shared>> -> memref<128x64xf32, #tpu.memory_space<vmem_shared>>
      %dma_wait3A_180 = arith.constant 0 : i32
      %dma_wait3A_181 = tpu.memref_slice %arg14[%add3A_47, %dma_wait3A_180] : memref<10240x64xf32, #tpu.memory_space<vmem_shared>> -> memref<128x64xf32, #tpu.memory_space<vmem_shared>>
      tpu.wait_dma2 semaphore(%run_scoped3A : memref<!tpu.dma_semaphore, #tpu.memory_space<semaphore_mem>>) src(%arg13 : memref<128x64xf32, #tpu.memory_space<vmem>>) dst(%dma_wait3A_181 : memref<128x64xf32, #tpu.memory_space<vmem_shared>>)
      tpu.yield
    }) : () -> ()
    %barrier3A = arith.constant 0 : index
    tpu.barrier barrier_id(%barrier3A)
    %scan3A = arith.constant 0 : i32
    %scan3A_48 = arith.constant 0 : i32
    %scan3A_49 = arith.constant 25 : i32
    %scan3A_50 = arith.addi %scan3A_48, %scan3A_49 : i32
    %scan3A_51 = arith.constant 1 : i32
    %scan3A_52 = scf.for %scan3A_174 = %scan3A_48 to %scan3A_50 step %scan3A_51 iter_args(%scan3A_175 = %scan3A) -> (i32)  : i32 {
      %mul3A_176 = arith.constant 4 : i32
      %mul3A_177 = arith.muli %scan3A_174, %mul3A_176 : i32
      %add3A_178 = arith.constant 0 : i32
      %add3A_179 = arith.addi %mul3A_177, %add3A_178 : i32
      %dma_wait3A_180 = arith.constant 0 : i32
      %dma_wait3A_181 = tpu.memref_slice %arg7[%add3A_179, %dma_wait3A_180] : memref<100x100xi32, #tpu.memory_space<vmem>> -> memref<1x100xi32, #tpu.memory_space<vmem>>
      %dma_wait3A_182 = tpu.memref_squeeze %dma_wait3A_181 : memref<1x100xi32, #tpu.memory_space<vmem>> -> memref<100xi32, #tpu.memory_space<vmem>>
      %dma_wait3A_183 = arith.constant 0 : i32
      %dma_wait3A_184 = arith.constant 0 : i32
      %dma_wait3A_185 = tpu.memref_slice %arg2[%dma_wait3A_183, %dma_wait3A_184] : memref<10000x64xf32, #tpu.memory_space<hbm>> -> memref<10000x64xf32, #tpu.memory_space<hbm>>
      tpu.wait_indirect_dma semaphore(%arg15 : memref<!tpu.dma_semaphore, #tpu.memory_space<semaphore_mem>>) src(%dma_wait3A_185 : memref<10000x64xf32, #tpu.memory_space<hbm>>) dst(%arg9 : memref<100x64xf32, #tpu.memory_space<vmem>>)
      "tpu.region"() ({
        %run_scoped3A = tpu.sem_alloc : memref<!tpu.dma_semaphore, #tpu.memory_space<semaphore_mem>>
        %dma_start3A_234 = arith.constant 0 : i32
        %dma_start3A_235 = tpu.memref_slice %arg8[%add3A_179, %dma_start3A_234] : memref<100x100xi32, #tpu.memory_space<vmem>> -> memref<1x100xi32, #tpu.memory_space<vmem>>
        %dma_start3A_236 = tpu.memref_squeeze %dma_start3A_235 : memref<1x100xi32, #tpu.memory_space<vmem>> -> memref<100xi32, #tpu.memory_space<vmem>>
        %dma_start3A_237 = arith.constant 0 : i32
        %dma_start3A_238 = arith.constant 0 : i32
        %dma_start3A_239 = tpu.memref_slice %arg14[%dma_start3A_237, %dma_start3A_238] : memref<10240x64xf32, #tpu.memory_space<vmem_shared>> -> memref<10240x64xf32, #tpu.memory_space<vmem_shared>>
        tpu.enqueue_indirect_dma source(%arg9 : memref<100x64xf32, #tpu.memory_space<vmem>>) target(%dma_start3A_239 : memref<10240x64xf32, #tpu.memory_space<vmem_shared>>) offsets(%dma_start3A_236 : memref<100xi32, #tpu.memory_space<vmem>>) semaphore(%run_scoped3A : memref<!tpu.dma_semaphore, #tpu.memory_space<semaphore_mem>>) {add = true}
        %dma_wait3A_240 = arith.constant 0 : i32
        %dma_wait3A_241 = tpu.memref_slice %arg8[%add3A_179, %dma_wait3A_240] : memref<100x100xi32, #tpu.memory_space<vmem>> -> memref<1x100xi32, #tpu.memory_space<vmem>>
        %dma_wait3A_242 = tpu.memref_squeeze %dma_wait3A_241 : memref<1x100xi32, #tpu.memory_space<vmem>> -> memref<100xi32, #tpu.memory_space<vmem>>
        %dma_wait3A_243 = arith.constant 0 : i32
        %dma_wait3A_244 = arith.constant 0 : i32
        %dma_wait3A_245 = tpu.memref_slice %arg14[%dma_wait3A_243, %dma_wait3A_244] : memref<10240x64xf32, #tpu.memory_space<vmem_shared>> -> memref<10240x64xf32, #tpu.memory_space<vmem_shared>>
        tpu.wait_indirect_dma semaphore(%run_scoped3A : memref<!tpu.dma_semaphore, #tpu.memory_space<semaphore_mem>>) src(%arg9 : memref<100x64xf32, #tpu.memory_space<vmem>>) dst(%dma_wait3A_245 : memref<10240x64xf32, #tpu.memory_space<vmem_shared>>)
        tpu.yield
      }) : () -> ()
      %lt3A = arith.constant 24 : i32
      %lt3A_186 = arith.cmpi slt, %scan3A_174, %lt3A : i32
      %convert_element_type3A = arith.extui %lt3A_186 : i1 to i32
      %cond3A = arith.constant 0 : i32
      %cond3A_187 = arith.cmpi ne, %convert_element_type3A, %cond3A : i32
      scf.if %cond3A_187 {
        %add3A_234 = arith.constant 4 : i32
        %add3A_235 = arith.addi %add3A_179, %add3A_234 : i32
        %dma_start3A_236 = arith.constant 0 : i32
        %dma_start3A_237 = tpu.memref_slice %arg7[%add3A_235, %dma_start3A_236] : memref<100x100xi32, #tpu.memory_space<vmem>> -> memref<1x100xi32, #tpu.memory_space<vmem>>
        %dma_start3A_238 = tpu.memref_squeeze %dma_start3A_237 : memref<1x100xi32, #tpu.memory_space<vmem>> -> memref<100xi32, #tpu.memory_space<vmem>>
        %dma_start3A_239 = arith.constant 0 : i32
        %dma_start3A_240 = arith.constant 0 : i32
        %dma_start3A_241 = tpu.memref_slice %arg2[%dma_start3A_239, %dma_start3A_240] : memref<10000x64xf32, #tpu.memory_space<hbm>> -> memref<10000x64xf32, #tpu.memory_space<hbm>>
        tpu.enqueue_indirect_dma source(%dma_start3A_241 : memref<10000x64xf32, #tpu.memory_space<hbm>>) target(%arg9 : memref<100x64xf32, #tpu.memory_space<vmem>>) offsets(%dma_start3A_238 : memref<100xi32, #tpu.memory_space<vmem>>) semaphore(%arg15 : memref<!tpu.dma_semaphore, #tpu.memory_space<semaphore_mem>>)
      } else {
      }
      %mul3A_188 = arith.constant 4 : i32
      %mul3A_189 = arith.muli %scan3A_174, %mul3A_188 : i32
      %add3A_190 = arith.constant 1 : i32
      %add3A_191 = arith.addi %mul3A_189, %add3A_190 : i32
      %dma_wait3A_192 = arith.constant 0 : i32
      %dma_wait3A_193 = tpu.memref_slice %arg7[%add3A_191, %dma_wait3A_192] : memref<100x100xi32, #tpu.memory_space<vmem>> -> memref<1x100xi32, #tpu.memory_space<vmem>>
      %dma_wait3A_194 = tpu.memref_squeeze %dma_wait3A_193 : memref<1x100xi32, #tpu.memory_space<vmem>> -> memref<100xi32, #tpu.memory_space<vmem>>
      %dma_wait3A_195 = arith.constant 0 : i32
      %dma_wait3A_196 = arith.constant 0 : i32
      %dma_wait3A_197 = tpu.memref_slice %arg2[%dma_wait3A_195, %dma_wait3A_196] : memref<10000x64xf32, #tpu.memory_space<hbm>> -> memref<10000x64xf32, #tpu.memory_space<hbm>>
      tpu.wait_indirect_dma semaphore(%arg16 : memref<!tpu.dma_semaphore, #tpu.memory_space<semaphore_mem>>) src(%dma_wait3A_197 : memref<10000x64xf32, #tpu.memory_space<hbm>>) dst(%arg10 : memref<100x64xf32, #tpu.memory_space<vmem>>)
      "tpu.region"() ({
        %run_scoped3A = tpu.sem_alloc : memref<!tpu.dma_semaphore, #tpu.memory_space<semaphore_mem>>
        %dma_start3A_234 = arith.constant 0 : i32
        %dma_start3A_235 = tpu.memref_slice %arg8[%add3A_191, %dma_start3A_234] : memref<100x100xi32, #tpu.memory_space<vmem>> -> memref<1x100xi32, #tpu.memory_space<vmem>>
        %dma_start3A_236 = tpu.memref_squeeze %dma_start3A_235 : memref<1x100xi32, #tpu.memory_space<vmem>> -> memref<100xi32, #tpu.memory_space<vmem>>
        %dma_start3A_237 = arith.constant 0 : i32
        %dma_start3A_238 = arith.constant 0 : i32
        %dma_start3A_239 = tpu.memref_slice %arg14[%dma_start3A_237, %dma_start3A_238] : memref<10240x64xf32, #tpu.memory_space<vmem_shared>> -> memref<10240x64xf32, #tpu.memory_space<vmem_shared>>
        tpu.enqueue_indirect_dma source(%arg10 : memref<100x64xf32, #tpu.memory_space<vmem>>) target(%dma_start3A_239 : memref<10240x64xf32, #tpu.memory_space<vmem_shared>>) offsets(%dma_start3A_236 : memref<100xi32, #tpu.memory_space<vmem>>) semaphore(%run_scoped3A : memref<!tpu.dma_semaphore, #tpu.memory_space<semaphore_mem>>) {add = true}
        %dma_wait3A_240 = arith.constant 0 : i32
        %dma_wait3A_241 = tpu.memref_slice %arg8[%add3A_191, %dma_wait3A_240] : memref<100x100xi32, #tpu.memory_space<vmem>> -> memref<1x100xi32, #tpu.memory_space<vmem>>
        %dma_wait3A_242 = tpu.memref_squeeze %dma_wait3A_241 : memref<1x100xi32, #tpu.memory_space<vmem>> -> memref<100xi32, #tpu.memory_space<vmem>>
        %dma_wait3A_243 = arith.constant 0 : i32
        %dma_wait3A_244 = arith.constant 0 : i32
        %dma_wait3A_245 = tpu.memref_slice %arg14[%dma_wait3A_243, %dma_wait3A_244] : memref<10240x64xf32, #tpu.memory_space<vmem_shared>> -> memref<10240x64xf32, #tpu.memory_space<vmem_shared>>
        tpu.wait_indirect_dma semaphore(%run_scoped3A : memref<!tpu.dma_semaphore, #tpu.memory_space<semaphore_mem>>) src(%arg10 : memref<100x64xf32, #tpu.memory_space<vmem>>) dst(%dma_wait3A_245 : memref<10240x64xf32, #tpu.memory_space<vmem_shared>>)
        tpu.yield
      }) : () -> ()
      %lt3A_198 = arith.constant 24 : i32
      %lt3A_199 = arith.cmpi slt, %scan3A_174, %lt3A_198 : i32
      %convert_element_type3A_200 = arith.extui %lt3A_199 : i1 to i32
      %cond3A_201 = arith.constant 0 : i32
      %cond3A_202 = arith.cmpi ne, %convert_element_type3A_200, %cond3A_201 : i32
      scf.if %cond3A_202 {
        %add3A_234 = arith.constant 4 : i32
        %add3A_235 = arith.addi %add3A_191, %add3A_234 : i32
        %dma_start3A_236 = arith.constant 0 : i32
        %dma_start3A_237 = tpu.memref_slice %arg7[%add3A_235, %dma_start3A_236] : memref<100x100xi32, #tpu.memory_space<vmem>> -> memref<1x100xi32, #tpu.memory_space<vmem>>
        %dma_start3A_238 = tpu.memref_squeeze %dma_start3A_237 : memref<1x100xi32, #tpu.memory_space<vmem>> -> memref<100xi32, #tpu.memory_space<vmem>>
        %dma_start3A_239 = arith.constant 0 : i32
        %dma_start3A_240 = arith.constant 0 : i32
        %dma_start3A_241 = tpu.memref_slice %arg2[%dma_start3A_239, %dma_start3A_240] : memref<10000x64xf32, #tpu.memory_space<hbm>> -> memref<10000x64xf32, #tpu.memory_space<hbm>>
        tpu.enqueue_indirect_dma source(%dma_start3A_241 : memref<10000x64xf32, #tpu.memory_space<hbm>>) target(%arg10 : memref<100x64xf32, #tpu.memory_space<vmem>>) offsets(%dma_start3A_238 : memref<100xi32, #tpu.memory_space<vmem>>) semaphore(%arg16 : memref<!tpu.dma_semaphore, #tpu.memory_space<semaphore_mem>>)
      } else {
      }
      %mul3A_203 = arith.constant 4 : i32
      %mul3A_204 = arith.muli %scan3A_174, %mul3A_203 : i32
      %add3A_205 = arith.constant 2 : i32
      %add3A_206 = arith.addi %mul3A_204, %add3A_205 : i32
      %dma_wait3A_207 = arith.constant 0 : i32
      %dma_wait3A_208 = tpu.memref_slice %arg7[%add3A_206, %dma_wait3A_207] : memref<100x100xi32, #tpu.memory_space<vmem>> -> memref<1x100xi32, #tpu.memory_space<vmem>>
      %dma_wait3A_209 = tpu.memref_squeeze %dma_wait3A_208 : memref<1x100xi32, #tpu.memory_space<vmem>> -> memref<100xi32, #tpu.memory_space<vmem>>
      %dma_wait3A_210 = arith.constant 0 : i32
      %dma_wait3A_211 = arith.constant 0 : i32
      %dma_wait3A_212 = tpu.memref_slice %arg2[%dma_wait3A_210, %dma_wait3A_211] : memref<10000x64xf32, #tpu.memory_space<hbm>> -> memref<10000x64xf32, #tpu.memory_space<hbm>>
      tpu.wait_indirect_dma semaphore(%arg17 : memref<!tpu.dma_semaphore, #tpu.memory_space<semaphore_mem>>) src(%dma_wait3A_212 : memref<10000x64xf32, #tpu.memory_space<hbm>>) dst(%arg11 : memref<100x64xf32, #tpu.memory_space<vmem>>)
      "tpu.region"() ({
        %run_scoped3A = tpu.sem_alloc : memref<!tpu.dma_semaphore, #tpu.memory_space<semaphore_mem>>
        %dma_start3A_234 = arith.constant 0 : i32
        %dma_start3A_235 = tpu.memref_slice %arg8[%add3A_206, %dma_start3A_234] : memref<100x100xi32, #tpu.memory_space<vmem>> -> memref<1x100xi32, #tpu.memory_space<vmem>>
        %dma_start3A_236 = tpu.memref_squeeze %dma_start3A_235 : memref<1x100xi32, #tpu.memory_space<vmem>> -> memref<100xi32, #tpu.memory_space<vmem>>
        %dma_start3A_237 = arith.constant 0 : i32
        %dma_start3A_238 = arith.constant 0 : i32
        %dma_start3A_239 = tpu.memref_slice %arg14[%dma_start3A_237, %dma_start3A_238] : memref<10240x64xf32, #tpu.memory_space<vmem_shared>> -> memref<10240x64xf32, #tpu.memory_space<vmem_shared>>
        tpu.enqueue_indirect_dma source(%arg11 : memref<100x64xf32, #tpu.memory_space<vmem>>) target(%dma_start3A_239 : memref<10240x64xf32, #tpu.memory_space<vmem_shared>>) offsets(%dma_start3A_236 : memref<100xi32, #tpu.memory_space<vmem>>) semaphore(%run_scoped3A : memref<!tpu.dma_semaphore, #tpu.memory_space<semaphore_mem>>) {add = true}
        %dma_wait3A_240 = arith.constant 0 : i32
        %dma_wait3A_241 = tpu.memref_slice %arg8[%add3A_206, %dma_wait3A_240] : memref<100x100xi32, #tpu.memory_space<vmem>> -> memref<1x100xi32, #tpu.memory_space<vmem>>
        %dma_wait3A_242 = tpu.memref_squeeze %dma_wait3A_241 : memref<1x100xi32, #tpu.memory_space<vmem>> -> memref<100xi32, #tpu.memory_space<vmem>>
        %dma_wait3A_243 = arith.constant 0 : i32
        %dma_wait3A_244 = arith.constant 0 : i32
        %dma_wait3A_245 = tpu.memref_slice %arg14[%dma_wait3A_243, %dma_wait3A_244] : memref<10240x64xf32, #tpu.memory_space<vmem_shared>> -> memref<10240x64xf32, #tpu.memory_space<vmem_shared>>
        tpu.wait_indirect_dma semaphore(%run_scoped3A : memref<!tpu.dma_semaphore, #tpu.memory_space<semaphore_mem>>) src(%arg11 : memref<100x64xf32, #tpu.memory_space<vmem>>) dst(%dma_wait3A_245 : memref<10240x64xf32, #tpu.memory_space<vmem_shared>>)
        tpu.yield
      }) : () -> ()
      %lt3A_213 = arith.constant 24 : i32
      %lt3A_214 = arith.cmpi slt, %scan3A_174, %lt3A_213 : i32
      %convert_element_type3A_215 = arith.extui %lt3A_214 : i1 to i32
      %cond3A_216 = arith.constant 0 : i32
      %cond3A_217 = arith.cmpi ne, %convert_element_type3A_215, %cond3A_216 : i32
      scf.if %cond3A_217 {
        %add3A_234 = arith.constant 4 : i32
        %add3A_235 = arith.addi %add3A_206, %add3A_234 : i32
        %dma_start3A_236 = arith.constant 0 : i32
        %dma_start3A_237 = tpu.memref_slice %arg7[%add3A_235, %dma_start3A_236] : memref<100x100xi32, #tpu.memory_space<vmem>> -> memref<1x100xi32, #tpu.memory_space<vmem>>
        %dma_start3A_238 = tpu.memref_squeeze %dma_start3A_237 : memref<1x100xi32, #tpu.memory_space<vmem>> -> memref<100xi32, #tpu.memory_space<vmem>>
        %dma_start3A_239 = arith.constant 0 : i32
        %dma_start3A_240 = arith.constant 0 : i32
        %dma_start3A_241 = tpu.memref_slice %arg2[%dma_start3A_239, %dma_start3A_240] : memref<10000x64xf32, #tpu.memory_space<hbm>> -> memref<10000x64xf32, #tpu.memory_space<hbm>>
        tpu.enqueue_indirect_dma source(%dma_start3A_241 : memref<10000x64xf32, #tpu.memory_space<hbm>>) target(%arg11 : memref<100x64xf32, #tpu.memory_space<vmem>>) offsets(%dma_start3A_238 : memref<100xi32, #tpu.memory_space<vmem>>) semaphore(%arg17 : memref<!tpu.dma_semaphore, #tpu.memory_space<semaphore_mem>>)
      } else {
      }
      %mul3A_218 = arith.constant 4 : i32
      %mul3A_219 = arith.muli %scan3A_174, %mul3A_218 : i32
      %add3A_220 = arith.constant 3 : i32
      %add3A_221 = arith.addi %mul3A_219, %add3A_220 : i32
      %dma_wait3A_222 = arith.constant 0 : i32
      %dma_wait3A_223 = tpu.memref_slice %arg7[%add3A_221, %dma_wait3A_222] : memref<100x100xi32, #tpu.memory_space<vmem>> -> memref<1x100xi32, #tpu.memory_space<vmem>>
      %dma_wait3A_224 = tpu.memref_squeeze %dma_wait3A_223 : memref<1x100xi32, #tpu.memory_space<vmem>> -> memref<100xi32, #tpu.memory_space<vmem>>
      %dma_wait3A_225 = arith.constant 0 : i32
      %dma_wait3A_226 = arith.constant 0 : i32
      %dma_wait3A_227 = tpu.memref_slice %arg2[%dma_wait3A_225, %dma_wait3A_226] : memref<10000x64xf32, #tpu.memory_space<hbm>> -> memref<10000x64xf32, #tpu.memory_space<hbm>>
      tpu.wait_indirect_dma semaphore(%arg18 : memref<!tpu.dma_semaphore, #tpu.memory_space<semaphore_mem>>) src(%dma_wait3A_227 : memref<10000x64xf32, #tpu.memory_space<hbm>>) dst(%arg12 : memref<100x64xf32, #tpu.memory_space<vmem>>)
      "tpu.region"() ({
        %run_scoped3A = tpu.sem_alloc : memref<!tpu.dma_semaphore, #tpu.memory_space<semaphore_mem>>
        %dma_start3A_234 = arith.constant 0 : i32
        %dma_start3A_235 = tpu.memref_slice %arg8[%add3A_221, %dma_start3A_234] : memref<100x100xi32, #tpu.memory_space<vmem>> -> memref<1x100xi32, #tpu.memory_space<vmem>>
        %dma_start3A_236 = tpu.memref_squeeze %dma_start3A_235 : memref<1x100xi32, #tpu.memory_space<vmem>> -> memref<100xi32, #tpu.memory_space<vmem>>
        %dma_start3A_237 = arith.constant 0 : i32
        %dma_start3A_238 = arith.constant 0 : i32
        %dma_start3A_239 = tpu.memref_slice %arg14[%dma_start3A_237, %dma_start3A_238] : memref<10240x64xf32, #tpu.memory_space<vmem_shared>> -> memref<10240x64xf32, #tpu.memory_space<vmem_shared>>
        tpu.enqueue_indirect_dma source(%arg12 : memref<100x64xf32, #tpu.memory_space<vmem>>) target(%dma_start3A_239 : memref<10240x64xf32, #tpu.memory_space<vmem_shared>>) offsets(%dma_start3A_236 : memref<100xi32, #tpu.memory_space<vmem>>) semaphore(%run_scoped3A : memref<!tpu.dma_semaphore, #tpu.memory_space<semaphore_mem>>) {add = true}
        %dma_wait3A_240 = arith.constant 0 : i32
        %dma_wait3A_241 = tpu.memref_slice %arg8[%add3A_221, %dma_wait3A_240] : memref<100x100xi32, #tpu.memory_space<vmem>> -> memref<1x100xi32, #tpu.memory_space<vmem>>
        %dma_wait3A_242 = tpu.memref_squeeze %dma_wait3A_241 : memref<1x100xi32, #tpu.memory_space<vmem>> -> memref<100xi32, #tpu.memory_space<vmem>>
        %dma_wait3A_243 = arith.constant 0 : i32
        %dma_wait3A_244 = arith.constant 0 : i32
        %dma_wait3A_245 = tpu.memref_slice %arg14[%dma_wait3A_243, %dma_wait3A_244] : memref<10240x64xf32, #tpu.memory_space<vmem_shared>> -> memref<10240x64xf32, #tpu.memory_space<vmem_shared>>
        tpu.wait_indirect_dma semaphore(%run_scoped3A : memref<!tpu.dma_semaphore, #tpu.memory_space<semaphore_mem>>) src(%arg12 : memref<100x64xf32, #tpu.memory_space<vmem>>) dst(%dma_wait3A_245 : memref<10240x64xf32, #tpu.memory_space<vmem_shared>>)
        tpu.yield
      }) : () -> ()
      %lt3A_228 = arith.constant 24 : i32
      %lt3A_229 = arith.cmpi slt, %scan3A_174, %lt3A_228 : i32
      %convert_element_type3A_230 = arith.extui %lt3A_229 : i1 to i32
      %cond3A_231 = arith.constant 0 : i32
      %cond3A_232 = arith.cmpi ne, %convert_element_type3A_230, %cond3A_231 : i32
      scf.if %cond3A_232 {
        %add3A_234 = arith.constant 4 : i32
        %add3A_235 = arith.addi %add3A_221, %add3A_234 : i32
        %dma_start3A_236 = arith.constant 0 : i32
        %dma_start3A_237 = tpu.memref_slice %arg7[%add3A_235, %dma_start3A_236] : memref<100x100xi32, #tpu.memory_space<vmem>> -> memref<1x100xi32, #tpu.memory_space<vmem>>
        %dma_start3A_238 = tpu.memref_squeeze %dma_start3A_237 : memref<1x100xi32, #tpu.memory_space<vmem>> -> memref<100xi32, #tpu.memory_space<vmem>>
        %dma_start3A_239 = arith.constant 0 : i32
        %dma_start3A_240 = arith.constant 0 : i32
        %dma_start3A_241 = tpu.memref_slice %arg2[%dma_start3A_239, %dma_start3A_240] : memref<10000x64xf32, #tpu.memory_space<hbm>> -> memref<10000x64xf32, #tpu.memory_space<hbm>>
        tpu.enqueue_indirect_dma source(%dma_start3A_241 : memref<10000x64xf32, #tpu.memory_space<hbm>>) target(%arg12 : memref<100x64xf32, #tpu.memory_space<vmem>>) offsets(%dma_start3A_238 : memref<100xi32, #tpu.memory_space<vmem>>) semaphore(%arg18 : memref<!tpu.dma_semaphore, #tpu.memory_space<semaphore_mem>>)
      } else {
      }
      %scan3A_233 = arith.constant 0 : i32
      scf.yield %scan3A_233 : i32
    }
    %scan3A_53 = arith.constant 25 : i32
    %barrier3A_54 = arith.constant 0 : index
    tpu.barrier barrier_id(%barrier3A_54)
    %mul3A_55 = arith.constant 640 : i32
    %mul3A_56 = arith.muli %arg1, %mul3A_55 : i32
    %add3A_57 = arith.constant 0 : i32
    %add3A_58 = arith.addi %mul3A_56, %add3A_57 : i32
    %dma_start3A_59 = arith.constant 0 : i32
    %dma_start3A_60 = arith.constant 0 : i32
    %dma_start3A_61 = tpu.memref_slice %arg6[%arg0, %dma_start3A_59, %dma_start3A_60] : memref<2x10240x64xf32, #tpu.memory_space<hbm>> -> memref<1x10240x64xf32, #tpu.memory_space<hbm>>
    %dma_start3A_62 = tpu.memref_squeeze %dma_start3A_61 : memref<1x10240x64xf32, #tpu.memory_space<hbm>> -> memref<10240x64xf32, #tpu.memory_space<hbm>>
    %dma_start3A_63 = arith.constant 0 : i32
    %dma_start3A_64 = tpu.memref_slice %dma_start3A_62[%add3A_58, %dma_start3A_63] : memref<10240x64xf32, #tpu.memory_space<hbm>> -> memref<128x64xf32, #tpu.memory_space<hbm>>
    %dma_start3A_65 = arith.constant 0 : i32
    %dma_start3A_66 = tpu.memref_slice %arg14[%add3A_58, %dma_start3A_65] : memref<10240x64xf32, #tpu.memory_space<vmem_shared>> -> memref<128x64xf32, #tpu.memory_space<vmem_shared>>
    tpu.enqueue_dma source(%dma_start3A_66 : memref<128x64xf32, #tpu.memory_space<vmem_shared>>) target(%dma_start3A_64 : memref<128x64xf32, #tpu.memory_space<hbm>>) target_semaphore(%arg15 : memref<!tpu.dma_semaphore, #tpu.memory_space<semaphore_mem>>)
    %mul3A_67 = arith.constant 640 : i32
    %mul3A_68 = arith.muli %arg1, %mul3A_67 : i32
    %add3A_69 = arith.constant 128 : i32
    %add3A_70 = arith.addi %mul3A_68, %add3A_69 : i32
    %dma_start3A_71 = arith.constant 0 : i32
    %dma_start3A_72 = arith.constant 0 : i32
    %dma_start3A_73 = tpu.memref_slice %arg6[%arg0, %dma_start3A_71, %dma_start3A_72] : memref<2x10240x64xf32, #tpu.memory_space<hbm>> -> memref<1x10240x64xf32, #tpu.memory_space<hbm>>
    %dma_start3A_74 = tpu.memref_squeeze %dma_start3A_73 : memref<1x10240x64xf32, #tpu.memory_space<hbm>> -> memref<10240x64xf32, #tpu.memory_space<hbm>>
    %dma_start3A_75 = arith.constant 0 : i32
    %dma_start3A_76 = tpu.memref_slice %dma_start3A_74[%add3A_70, %dma_start3A_75] : memref<10240x64xf32, #tpu.memory_space<hbm>> -> memref<128x64xf32, #tpu.memory_space<hbm>>
    %dma_start3A_77 = arith.constant 0 : i32
    %dma_start3A_78 = tpu.memref_slice %arg14[%add3A_70, %dma_start3A_77] : memref<10240x64xf32, #tpu.memory_space<vmem_shared>> -> memref<128x64xf32, #tpu.memory_space<vmem_shared>>
    tpu.enqueue_dma source(%dma_start3A_78 : memref<128x64xf32, #tpu.memory_space<vmem_shared>>) target(%dma_start3A_76 : memref<128x64xf32, #tpu.memory_space<hbm>>) target_semaphore(%arg16 : memref<!tpu.dma_semaphore, #tpu.memory_space<semaphore_mem>>)
    %mul3A_79 = arith.constant 640 : i32
    %mul3A_80 = arith.muli %arg1, %mul3A_79 : i32
    %add3A_81 = arith.constant 256 : i32
    %add3A_82 = arith.addi %mul3A_80, %add3A_81 : i32
    %dma_start3A_83 = arith.constant 0 : i32
    %dma_start3A_84 = arith.constant 0 : i32
    %dma_start3A_85 = tpu.memref_slice %arg6[%arg0, %dma_start3A_83, %dma_start3A_84] : memref<2x10240x64xf32, #tpu.memory_space<hbm>> -> memref<1x10240x64xf32, #tpu.memory_space<hbm>>
    %dma_start3A_86 = tpu.memref_squeeze %dma_start3A_85 : memref<1x10240x64xf32, #tpu.memory_space<hbm>> -> memref<10240x64xf32, #tpu.memory_space<hbm>>
    %dma_start3A_87 = arith.constant 0 : i32
    %dma_start3A_88 = tpu.memref_slice %dma_start3A_86[%add3A_82, %dma_start3A_87] : memref<10240x64xf32, #tpu.memory_space<hbm>> -> memref<128x64xf32, #tpu.memory_space<hbm>>
    %dma_start3A_89 = arith.constant 0 : i32
    %dma_start3A_90 = tpu.memref_slice %arg14[%add3A_82, %dma_start3A_89] : memref<10240x64xf32, #tpu.memory_space<vmem_shared>> -> memref<128x64xf32, #tpu.memory_space<vmem_shared>>
    tpu.enqueue_dma source(%dma_start3A_90 : memref<128x64xf32, #tpu.memory_space<vmem_shared>>) target(%dma_start3A_88 : memref<128x64xf32, #tpu.memory_space<hbm>>) target_semaphore(%arg17 : memref<!tpu.dma_semaphore, #tpu.memory_space<semaphore_mem>>)
    %mul3A_91 = arith.constant 640 : i32
    %mul3A_92 = arith.muli %arg1, %mul3A_91 : i32
    %add3A_93 = arith.constant 384 : i32
    %add3A_94 = arith.addi %mul3A_92, %add3A_93 : i32
    %dma_start3A_95 = arith.constant 0 : i32
    %dma_start3A_96 = arith.constant 0 : i32
    %dma_start3A_97 = tpu.memref_slice %arg6[%arg0, %dma_start3A_95, %dma_start3A_96] : memref<2x10240x64xf32, #tpu.memory_space<hbm>> -> memref<1x10240x64xf32, #tpu.memory_space<hbm>>
    %dma_start3A_98 = tpu.memref_squeeze %dma_start3A_97 : memref<1x10240x64xf32, #tpu.memory_space<hbm>> -> memref<10240x64xf32, #tpu.memory_space<hbm>>
    %dma_start3A_99 = arith.constant 0 : i32
    %dma_start3A_100 = tpu.memref_slice %dma_start3A_98[%add3A_94, %dma_start3A_99] : memref<10240x64xf32, #tpu.memory_space<hbm>> -> memref<128x64xf32, #tpu.memory_space<hbm>>
    %dma_start3A_101 = arith.constant 0 : i32
    %dma_start3A_102 = tpu.memref_slice %arg14[%add3A_94, %dma_start3A_101] : memref<10240x64xf32, #tpu.memory_space<vmem_shared>> -> memref<128x64xf32, #tpu.memory_space<vmem_shared>>
    tpu.enqueue_dma source(%dma_start3A_102 : memref<128x64xf32, #tpu.memory_space<vmem_shared>>) target(%dma_start3A_100 : memref<128x64xf32, #tpu.memory_space<hbm>>) target_semaphore(%arg18 : memref<!tpu.dma_semaphore, #tpu.memory_space<semaphore_mem>>)
    %mul3A_103 = arith.constant 640 : i32
    %mul3A_104 = arith.muli %arg1, %mul3A_103 : i32
    %add3A_105 = arith.constant 512 : i32
    %add3A_106 = arith.addi %mul3A_104, %add3A_105 : i32
    %dma_start3A_107 = arith.constant 0 : i32
    %dma_start3A_108 = arith.constant 0 : i32
    %dma_start3A_109 = tpu.memref_slice %arg6[%arg0, %dma_start3A_107, %dma_start3A_108] : memref<2x10240x64xf32, #tpu.memory_space<hbm>> -> memref<1x10240x64xf32, #tpu.memory_space<hbm>>
    %dma_start3A_110 = tpu.memref_squeeze %dma_start3A_109 : memref<1x10240x64xf32, #tpu.memory_space<hbm>> -> memref<10240x64xf32, #tpu.memory_space<hbm>>
    %dma_start3A_111 = arith.constant 0 : i32
    %dma_start3A_112 = tpu.memref_slice %dma_start3A_110[%add3A_106, %dma_start3A_111] : memref<10240x64xf32, #tpu.memory_space<hbm>> -> memref<128x64xf32, #tpu.memory_space<hbm>>
    %dma_start3A_113 = arith.constant 0 : i32
    %dma_start3A_114 = tpu.memref_slice %arg14[%add3A_106, %dma_start3A_113] : memref<10240x64xf32, #tpu.memory_space<vmem_shared>> -> memref<128x64xf32, #tpu.memory_space<vmem_shared>>
    tpu.enqueue_dma source(%dma_start3A_114 : memref<128x64xf32, #tpu.memory_space<vmem_shared>>) target(%dma_start3A_112 : memref<128x64xf32, #tpu.memory_space<hbm>>) target_semaphore(%arg15 : memref<!tpu.dma_semaphore, #tpu.memory_space<semaphore_mem>>)
    %mul3A_115 = arith.constant 640 : i32
    %mul3A_116 = arith.muli %arg1, %mul3A_115 : i32
    %add3A_117 = arith.constant 0 : i32
    %add3A_118 = arith.addi %mul3A_116, %add3A_117 : i32
    %dma_wait3A = arith.constant 0 : i32
    %dma_wait3A_119 = arith.constant 0 : i32
    %dma_wait3A_120 = tpu.memref_slice %arg6[%arg0, %dma_wait3A, %dma_wait3A_119] : memref<2x10240x64xf32, #tpu.memory_space<hbm>> -> memref<1x10240x64xf32, #tpu.memory_space<hbm>>
    %dma_wait3A_121 = tpu.memref_squeeze %dma_wait3A_120 : memref<1x10240x64xf32, #tpu.memory_space<hbm>> -> memref<10240x64xf32, #tpu.memory_space<hbm>>
    %dma_wait3A_122 = arith.constant 0 : i32
    %dma_wait3A_123 = tpu.memref_slice %dma_wait3A_121[%add3A_118, %dma_wait3A_122] : memref<10240x64xf32, #tpu.memory_space<hbm>> -> memref<128x64xf32, #tpu.memory_space<hbm>>
    %dma_wait3A_124 = arith.constant 0 : i32
    %dma_wait3A_125 = tpu.memref_slice %arg14[%add3A_118, %dma_wait3A_124] : memref<10240x64xf32, #tpu.memory_space<vmem_shared>> -> memref<128x64xf32, #tpu.memory_space<vmem_shared>>
    tpu.wait_dma2 semaphore(%arg15 : memref<!tpu.dma_semaphore, #tpu.memory_space<semaphore_mem>>) src(%dma_wait3A_125 : memref<128x64xf32, #tpu.memory_space<vmem_shared>>) dst(%dma_wait3A_123 : memref<128x64xf32, #tpu.memory_space<hbm>>)
    %mul3A_126 = arith.constant 640 : i32
    %mul3A_127 = arith.muli %arg1, %mul3A_126 : i32
    %add3A_128 = arith.constant 128 : i32
    %add3A_129 = arith.addi %mul3A_127, %add3A_128 : i32
    %dma_wait3A_130 = arith.constant 0 : i32
    %dma_wait3A_131 = arith.constant 0 : i32
    %dma_wait3A_132 = tpu.memref_slice %arg6[%arg0, %dma_wait3A_130, %dma_wait3A_131] : memref<2x10240x64xf32, #tpu.memory_space<hbm>> -> memref<1x10240x64xf32, #tpu.memory_space<hbm>>
    %dma_wait3A_133 = tpu.memref_squeeze %dma_wait3A_132 : memref<1x10240x64xf32, #tpu.memory_space<hbm>> -> memref<10240x64xf32, #tpu.memory_space<hbm>>
    %dma_wait3A_134 = arith.constant 0 : i32
    %dma_wait3A_135 = tpu.memref_slice %dma_wait3A_133[%add3A_129, %dma_wait3A_134] : memref<10240x64xf32, #tpu.memory_space<hbm>> -> memref<128x64xf32, #tpu.memory_space<hbm>>
    %dma_wait3A_136 = arith.constant 0 : i32
    %dma_wait3A_137 = tpu.memref_slice %arg14[%add3A_129, %dma_wait3A_136] : memref<10240x64xf32, #tpu.memory_space<vmem_shared>> -> memref<128x64xf32, #tpu.memory_space<vmem_shared>>
    tpu.wait_dma2 semaphore(%arg16 : memref<!tpu.dma_semaphore, #tpu.memory_space<semaphore_mem>>) src(%dma_wait3A_137 : memref<128x64xf32, #tpu.memory_space<vmem_shared>>) dst(%dma_wait3A_135 : memref<128x64xf32, #tpu.memory_space<hbm>>)
    %mul3A_138 = arith.constant 640 : i32
    %mul3A_139 = arith.muli %arg1, %mul3A_138 : i32
    %add3A_140 = arith.constant 256 : i32
    %add3A_141 = arith.addi %mul3A_139, %add3A_140 : i32
    %dma_wait3A_142 = arith.constant 0 : i32
    %dma_wait3A_143 = arith.constant 0 : i32
    %dma_wait3A_144 = tpu.memref_slice %arg6[%arg0, %dma_wait3A_142, %dma_wait3A_143] : memref<2x10240x64xf32, #tpu.memory_space<hbm>> -> memref<1x10240x64xf32, #tpu.memory_space<hbm>>
    %dma_wait3A_145 = tpu.memref_squeeze %dma_wait3A_144 : memref<1x10240x64xf32, #tpu.memory_space<hbm>> -> memref<10240x64xf32, #tpu.memory_space<hbm>>
    %dma_wait3A_146 = arith.constant 0 : i32
    %dma_wait3A_147 = tpu.memref_slice %dma_wait3A_145[%add3A_141, %dma_wait3A_146] : memref<10240x64xf32, #tpu.memory_space<hbm>> -> memref<128x64xf32, #tpu.memory_space<hbm>>
    %dma_wait3A_148 = arith.constant 0 : i32
    %dma_wait3A_149 = tpu.memref_slice %arg14[%add3A_141, %dma_wait3A_148] : memref<10240x64xf32, #tpu.memory_space<vmem_shared>> -> memref<128x64xf32, #tpu.memory_space<vmem_shared>>
    tpu.wait_dma2 semaphore(%arg17 : memref<!tpu.dma_semaphore, #tpu.memory_space<semaphore_mem>>) src(%dma_wait3A_149 : memref<128x64xf32, #tpu.memory_space<vmem_shared>>) dst(%dma_wait3A_147 : memref<128x64xf32, #tpu.memory_space<hbm>>)
    %mul3A_150 = arith.constant 640 : i32
    %mul3A_151 = arith.muli %arg1, %mul3A_150 : i32
    %add3A_152 = arith.constant 384 : i32
    %add3A_153 = arith.addi %mul3A_151, %add3A_152 : i32
    %dma_wait3A_154 = arith.constant 0 : i32
    %dma_wait3A_155 = arith.constant 0 : i32
    %dma_wait3A_156 = tpu.memref_slice %arg6[%arg0, %dma_wait3A_154, %dma_wait3A_155] : memref<2x10240x64xf32, #tpu.memory_space<hbm>> -> memref<1x10240x64xf32, #tpu.memory_space<hbm>>
    %dma_wait3A_157 = tpu.memref_squeeze %dma_wait3A_156 : memref<1x10240x64xf32, #tpu.memory_space<hbm>> -> memref<10240x64xf32, #tpu.memory_space<hbm>>
    %dma_wait3A_158 = arith.constant 0 : i32
    %dma_wait3A_159 = tpu.memref_slice %dma_wait3A_157[%add3A_153, %dma_wait3A_158] : memref<10240x64xf32, #tpu.memory_space<hbm>> -> memref<128x64xf32, #tpu.memory_space<hbm>>
    %dma_wait3A_160 = arith.constant 0 : i32
    %dma_wait3A_161 = tpu.memref_slice %arg14[%add3A_153, %dma_wait3A_160] : memref<10240x64xf32, #tpu.memory_space<vmem_shared>> -> memref<128x64xf32, #tpu.memory_space<vmem_shared>>
    tpu.wait_dma2 semaphore(%arg18 : memref<!tpu.dma_semaphore, #tpu.memory_space<semaphore_mem>>) src(%dma_wait3A_161 : memref<128x64xf32, #tpu.memory_space<vmem_shared>>) dst(%dma_wait3A_159 : memref<128x64xf32, #tpu.memory_space<hbm>>)
    %mul3A_162 = arith.constant 640 : i32
    %mul3A_163 = arith.muli %arg1, %mul3A_162 : i32
    %add3A_164 = arith.constant 512 : i32
    %add3A_165 = arith.addi %mul3A_163, %add3A_164 : i32
    %dma_wait3A_166 = arith.constant 0 : i32
    %dma_wait3A_167 = arith.constant 0 : i32
    %dma_wait3A_168 = tpu.memref_slice %arg6[%arg0, %dma_wait3A_166, %dma_wait3A_167] : memref<2x10240x64xf32, #tpu.memory_space<hbm>> -> memref<1x10240x64xf32, #tpu.memory_space<hbm>>
    %dma_wait3A_169 = tpu.memref_squeeze %dma_wait3A_168 : memref<1x10240x64xf32, #tpu.memory_space<hbm>> -> memref<10240x64xf32, #tpu.memory_space<hbm>>
    %dma_wait3A_170 = arith.constant 0 : i32
    %dma_wait3A_171 = tpu.memref_slice %dma_wait3A_169[%add3A_165, %dma_wait3A_170] : memref<10240x64xf32, #tpu.memory_space<hbm>> -> memref<128x64xf32, #tpu.memory_space<hbm>>
    %dma_wait3A_172 = arith.constant 0 : i32
    %dma_wait3A_173 = tpu.memref_slice %arg14[%add3A_165, %dma_wait3A_172] : memref<10240x64xf32, #tpu.memory_space<vmem_shared>> -> memref<128x64xf32, #tpu.memory_space<vmem_shared>>
    tpu.wait_dma2 semaphore(%arg15 : memref<!tpu.dma_semaphore, #tpu.memory_space<semaphore_mem>>) src(%dma_wait3A_173 : memref<128x64xf32, #tpu.memory_space<vmem_shared>>) dst(%dma_wait3A_171 : memref<128x64xf32, #tpu.memory_space<hbm>>)
    return
  }
}

#map = affine_map<(d0, d1) -> (0, 0)>
#map1 = affine_map<(d0, d1) -> (0, 0, 0)>
module attributes {stable_mosaic.version = 14 : i64} {
  func.func @k(%arg0: i32, %arg1: i32, %arg2: memref<10000x64xf32, #tpu.memory_space<hbm>>, %arg3: memref<32x100x100xi32, #tpu.memory_space<hbm>>, %arg4: memref<32x100x100xi32, #tpu.memory_space<hbm>>, %arg5: memref<128x64xf32, #tpu.memory_space<hbm>>, %arg6: memref<2x10240x64xf32, #tpu.memory_space<hbm>>, %arg7: memref<100x100xi32, #tpu.memory_space<vmem>>, %arg8: memref<100x100xi32, #tpu.memory_space<vmem>>, %arg9: memref<100x64xf32, #tpu.memory_space<vmem>>, %arg10: memref<100x64xf32, #tpu.memory_space<vmem>>, %arg11: memref<100x64xf32, #tpu.memory_space<vmem>>, %arg12: memref<100x64xf32, #tpu.memory_space<vmem>>, %arg13: memref<128x64xf32, #tpu.memory_space<vmem>>, %arg14: memref<10240x64xf32, #tpu.memory_space<vmem_shared>>, %arg15: memref<!tpu.dma_semaphore, #tpu.memory_space<semaphore_mem>>, %arg16: memref<!tpu.dma_semaphore, #tpu.memory_space<semaphore_mem>>, %arg17: memref<!tpu.dma_semaphore, #tpu.memory_space<semaphore_mem>>, %arg18: memref<!tpu.dma_semaphore, #tpu.memory_space<semaphore_mem>>) attributes {dimension_semantics = [#tpu.dimension_semantics<core_parallel>, #tpu.dimension_semantics<subcore_parallel>], iteration_bounds = array<i64: 2, 16>, scalar_prefetch = 0 : i64, scratch_operands = 12 : i64, tpu.core_type = #tpu.core_type<sc_vector_subcore>, window_params = [{transform_indices = #map}, {transform_indices = #map1}, {transform_indices = #map1}, {transform_indices = #map}, {transform_indices = #map1}]} {
    %mul3A = arith.constant 16 : i32
    %mul3A_0 = arith.muli %arg0, %mul3A : i32
    %add3A = arith.addi %mul3A_0, %arg1 : i32
    "tpu.region"() ({
      %run_scoped3A = tpu.sem_alloc : memref<!tpu.dma_semaphore, #tpu.memory_space<semaphore_mem>>
      %dma_start3A_174 = arith.constant 0 : i32
      %dma_start3A_175 = arith.constant 0 : i32
      %dma_start3A_176 = tpu.memref_slice %arg3[%add3A, %dma_start3A_174, %dma_start3A_175] : memref<32x100x100xi32, #tpu.memory_space<hbm>> -> memref<1x100x100xi32, #tpu.memory_space<hbm>>
      %dma_start3A_177 = tpu.memref_squeeze %dma_start3A_176 : memref<1x100x100xi32, #tpu.memory_space<hbm>> -> memref<100x100xi32, #tpu.memory_space<hbm>>
      %dma_start3A_178 = arith.constant 0 : i32
      %dma_start3A_179 = arith.constant 0 : i32
      %dma_start3A_180 = tpu.memref_slice %arg3[%add3A, %dma_start3A_178, %dma_start3A_179] : memref<32x100x100xi32, #tpu.memory_space<hbm>> -> memref<1x100x100xi32, #tpu.memory_space<hbm>>
      %dma_start3A_181 = tpu.memref_squeeze %dma_start3A_180 : memref<1x100x100xi32, #tpu.memory_space<hbm>> -> memref<100x100xi32, #tpu.memory_space<hbm>>
      tpu.enqueue_dma source(%dma_start3A_181 : memref<100x100xi32, #tpu.memory_space<hbm>>) target(%arg7 : memref<100x100xi32, #tpu.memory_space<vmem>>) target_semaphore(%run_scoped3A : memref<!tpu.dma_semaphore, #tpu.memory_space<semaphore_mem>>)
      %dma_wait3A_182 = arith.constant 0 : i32
      %dma_wait3A_183 = arith.constant 0 : i32
      %dma_wait3A_184 = tpu.memref_slice %arg3[%add3A, %dma_wait3A_182, %dma_wait3A_183] : memref<32x100x100xi32, #tpu.memory_space<hbm>> -> memref<1x100x100xi32, #tpu.memory_space<hbm>>
      %dma_wait3A_185 = tpu.memref_squeeze %dma_wait3A_184 : memref<1x100x100xi32, #tpu.memory_space<hbm>> -> memref<100x100xi32, #tpu.memory_space<hbm>>
      %dma_wait3A_186 = arith.constant 0 : i32
      %dma_wait3A_187 = arith.constant 0 : i32
      %dma_wait3A_188 = tpu.memref_slice %arg3[%add3A, %dma_wait3A_186, %dma_wait3A_187] : memref<32x100x100xi32, #tpu.memory_space<hbm>> -> memref<1x100x100xi32, #tpu.memory_space<hbm>>
      %dma_wait3A_189 = tpu.memref_squeeze %dma_wait3A_188 : memref<1x100x100xi32, #tpu.memory_space<hbm>> -> memref<100x100xi32, #tpu.memory_space<hbm>>
      tpu.wait_dma2 semaphore(%run_scoped3A : memref<!tpu.dma_semaphore, #tpu.memory_space<semaphore_mem>>) src(%dma_wait3A_189 : memref<100x100xi32, #tpu.memory_space<hbm>>) dst(%arg7 : memref<100x100xi32, #tpu.memory_space<vmem>>)
      tpu.yield
    }) : () -> ()
    "tpu.region"() ({
      %run_scoped3A = tpu.sem_alloc : memref<!tpu.dma_semaphore, #tpu.memory_space<semaphore_mem>>
      %dma_start3A_174 = arith.constant 0 : i32
      %dma_start3A_175 = arith.constant 0 : i32
      %dma_start3A_176 = tpu.memref_slice %arg4[%add3A, %dma_start3A_174, %dma_start3A_175] : memref<32x100x100xi32, #tpu.memory_space<hbm>> -> memref<1x100x100xi32, #tpu.memory_space<hbm>>
      %dma_start3A_177 = tpu.memref_squeeze %dma_start3A_176 : memref<1x100x100xi32, #tpu.memory_space<hbm>> -> memref<100x100xi32, #tpu.memory_space<hbm>>
      %dma_start3A_178 = arith.constant 0 : i32
      %dma_start3A_179 = arith.constant 0 : i32
      %dma_start3A_180 = tpu.memref_slice %arg4[%add3A, %dma_start3A_178, %dma_start3A_179] : memref<32x100x100xi32, #tpu.memory_space<hbm>> -> memref<1x100x100xi32, #tpu.memory_space<hbm>>
      %dma_start3A_181 = tpu.memref_squeeze %dma_start3A_180 : memref<1x100x100xi32, #tpu.memory_space<hbm>> -> memref<100x100xi32, #tpu.memory_space<hbm>>
      tpu.enqueue_dma source(%dma_start3A_181 : memref<100x100xi32, #tpu.memory_space<hbm>>) target(%arg8 : memref<100x100xi32, #tpu.memory_space<vmem>>) target_semaphore(%run_scoped3A : memref<!tpu.dma_semaphore, #tpu.memory_space<semaphore_mem>>)
      %dma_wait3A_182 = arith.constant 0 : i32
      %dma_wait3A_183 = arith.constant 0 : i32
      %dma_wait3A_184 = tpu.memref_slice %arg4[%add3A, %dma_wait3A_182, %dma_wait3A_183] : memref<32x100x100xi32, #tpu.memory_space<hbm>> -> memref<1x100x100xi32, #tpu.memory_space<hbm>>
      %dma_wait3A_185 = tpu.memref_squeeze %dma_wait3A_184 : memref<1x100x100xi32, #tpu.memory_space<hbm>> -> memref<100x100xi32, #tpu.memory_space<hbm>>
      %dma_wait3A_186 = arith.constant 0 : i32
      %dma_wait3A_187 = arith.constant 0 : i32
      %dma_wait3A_188 = tpu.memref_slice %arg4[%add3A, %dma_wait3A_186, %dma_wait3A_187] : memref<32x100x100xi32, #tpu.memory_space<hbm>> -> memref<1x100x100xi32, #tpu.memory_space<hbm>>
      %dma_wait3A_189 = tpu.memref_squeeze %dma_wait3A_188 : memref<1x100x100xi32, #tpu.memory_space<hbm>> -> memref<100x100xi32, #tpu.memory_space<hbm>>
      tpu.wait_dma2 semaphore(%run_scoped3A : memref<!tpu.dma_semaphore, #tpu.memory_space<semaphore_mem>>) src(%dma_wait3A_189 : memref<100x100xi32, #tpu.memory_space<hbm>>) dst(%arg8 : memref<100x100xi32, #tpu.memory_space<vmem>>)
      tpu.yield
    }) : () -> ()
    %dma_start3A = arith.constant 0 : i32
    %dma_start3A_1 = arith.constant 0 : i32
    %dma_start3A_2 = tpu.memref_slice %arg7[%dma_start3A, %dma_start3A_1] : memref<100x100xi32, #tpu.memory_space<vmem>> -> memref<1x100xi32, #tpu.memory_space<vmem>>
    %dma_start3A_3 = tpu.memref_squeeze %dma_start3A_2 : memref<1x100xi32, #tpu.memory_space<vmem>> -> memref<100xi32, #tpu.memory_space<vmem>>
    %dma_start3A_4 = arith.constant 0 : i32
    %dma_start3A_5 = arith.constant 0 : i32
    %dma_start3A_6 = tpu.memref_slice %arg2[%dma_start3A_4, %dma_start3A_5] : memref<10000x64xf32, #tpu.memory_space<hbm>> -> memref<10000x64xf32, #tpu.memory_space<hbm>>
    tpu.enqueue_indirect_dma source(%dma_start3A_6 : memref<10000x64xf32, #tpu.memory_space<hbm>>) target(%arg9 : memref<100x64xf32, #tpu.memory_space<vmem>>) offsets(%dma_start3A_3 : memref<100xi32, #tpu.memory_space<vmem>>) semaphore(%arg15 : memref<!tpu.dma_semaphore, #tpu.memory_space<semaphore_mem>>)
    %dma_start3A_7 = arith.constant 1 : i32
    %dma_start3A_8 = arith.constant 0 : i32
    %dma_start3A_9 = tpu.memref_slice %arg7[%dma_start3A_7, %dma_start3A_8] : memref<100x100xi32, #tpu.memory_space<vmem>> -> memref<1x100xi32, #tpu.memory_space<vmem>>
    %dma_start3A_10 = tpu.memref_squeeze %dma_start3A_9 : memref<1x100xi32, #tpu.memory_space<vmem>> -> memref<100xi32, #tpu.memory_space<vmem>>
    %dma_start3A_11 = arith.constant 0 : i32
    %dma_start3A_12 = arith.constant 0 : i32
    %dma_start3A_13 = tpu.memref_slice %arg2[%dma_start3A_11, %dma_start3A_12] : memref<10000x64xf32, #tpu.memory_space<hbm>> -> memref<10000x64xf32, #tpu.memory_space<hbm>>
    tpu.enqueue_indirect_dma source(%dma_start3A_13 : memref<10000x64xf32, #tpu.memory_space<hbm>>) target(%arg10 : memref<100x64xf32, #tpu.memory_space<vmem>>) offsets(%dma_start3A_10 : memref<100xi32, #tpu.memory_space<vmem>>) semaphore(%arg16 : memref<!tpu.dma_semaphore, #tpu.memory_space<semaphore_mem>>)
    %dma_start3A_14 = arith.constant 2 : i32
    %dma_start3A_15 = arith.constant 0 : i32
    %dma_start3A_16 = tpu.memref_slice %arg7[%dma_start3A_14, %dma_start3A_15] : memref<100x100xi32, #tpu.memory_space<vmem>> -> memref<1x100xi32, #tpu.memory_space<vmem>>
    %dma_start3A_17 = tpu.memref_squeeze %dma_start3A_16 : memref<1x100xi32, #tpu.memory_space<vmem>> -> memref<100xi32, #tpu.memory_space<vmem>>
    %dma_start3A_18 = arith.constant 0 : i32
    %dma_start3A_19 = arith.constant 0 : i32
    %dma_start3A_20 = tpu.memref_slice %arg2[%dma_start3A_18, %dma_start3A_19] : memref<10000x64xf32, #tpu.memory_space<hbm>> -> memref<10000x64xf32, #tpu.memory_space<hbm>>
    tpu.enqueue_indirect_dma source(%dma_start3A_20 : memref<10000x64xf32, #tpu.memory_space<hbm>>) target(%arg11 : memref<100x64xf32, #tpu.memory_space<vmem>>) offsets(%dma_start3A_17 : memref<100xi32, #tpu.memory_space<vmem>>) semaphore(%arg17 : memref<!tpu.dma_semaphore, #tpu.memory_space<semaphore_mem>>)
    %dma_start3A_21 = arith.constant 3 : i32
    %dma_start3A_22 = arith.constant 0 : i32
    %dma_start3A_23 = tpu.memref_slice %arg7[%dma_start3A_21, %dma_start3A_22] : memref<100x100xi32, #tpu.memory_space<vmem>> -> memref<1x100xi32, #tpu.memory_space<vmem>>
    %dma_start3A_24 = tpu.memref_squeeze %dma_start3A_23 : memref<1x100xi32, #tpu.memory_space<vmem>> -> memref<100xi32, #tpu.memory_space<vmem>>
    %dma_start3A_25 = arith.constant 0 : i32
    %dma_start3A_26 = arith.constant 0 : i32
    %dma_start3A_27 = tpu.memref_slice %arg2[%dma_start3A_25, %dma_start3A_26] : memref<10000x64xf32, #tpu.memory_space<hbm>> -> memref<10000x64xf32, #tpu.memory_space<hbm>>
    tpu.enqueue_indirect_dma source(%dma_start3A_27 : memref<10000x64xf32, #tpu.memory_space<hbm>>) target(%arg12 : memref<100x64xf32, #tpu.memory_space<vmem>>) offsets(%dma_start3A_24 : memref<100xi32, #tpu.memory_space<vmem>>) semaphore(%arg18 : memref<!tpu.dma_semaphore, #tpu.memory_space<semaphore_mem>>)
    "tpu.region"() ({
      %run_scoped3A = tpu.sem_alloc : memref<!tpu.dma_semaphore, #tpu.memory_space<semaphore_mem>>
      tpu.enqueue_dma source(%arg5 : memref<128x64xf32, #tpu.memory_space<hbm>>) target(%arg13 : memref<128x64xf32, #tpu.memory_space<vmem>>) target_semaphore(%run_scoped3A : memref<!tpu.dma_semaphore, #tpu.memory_space<semaphore_mem>>)
      tpu.wait_dma2 semaphore(%run_scoped3A : memref<!tpu.dma_semaphore, #tpu.memory_space<semaphore_mem>>) src(%arg5 : memref<128x64xf32, #tpu.memory_space<hbm>>) dst(%arg13 : memref<128x64xf32, #tpu.memory_space<vmem>>)
      tpu.yield
    }) : () -> ()
    %mul3A_28 = arith.constant 640 : i32
    %mul3A_29 = arith.muli %arg1, %mul3A_28 : i32
    %add3A_30 = arith.constant 0 : i32
    %add3A_31 = arith.addi %mul3A_29, %add3A_30 : i32
    "tpu.region"() ({
      %run_scoped3A = tpu.sem_alloc : memref<!tpu.dma_semaphore, #tpu.memory_space<semaphore_mem>>
      %dma_start3A_174 = arith.constant 0 : i32
      %dma_start3A_175 = tpu.memref_slice %arg14[%add3A_31, %dma_start3A_174] : memref<10240x64xf32, #tpu.memory_space<vmem_shared>> -> memref<128x64xf32, #tpu.memory_space<vmem_shared>>
      %dma_start3A_176 = arith.constant 0 : i32
      %dma_start3A_177 = tpu.memref_slice %arg14[%add3A_31, %dma_start3A_176] : memref<10240x64xf32, #tpu.memory_space<vmem_shared>> -> memref<128x64xf32, #tpu.memory_space<vmem_shared>>
      tpu.enqueue_dma source(%arg13 : memref<128x64xf32, #tpu.memory_space<vmem>>) target(%dma_start3A_177 : memref<128x64xf32, #tpu.memory_space<vmem_shared>>) target_semaphore(%run_scoped3A : memref<!tpu.dma_semaphore, #tpu.memory_space<semaphore_mem>>)
      %dma_wait3A_178 = arith.constant 0 : i32
      %dma_wait3A_179 = tpu.memref_slice %arg14[%add3A_31, %dma_wait3A_178] : memref<10240x64xf32, #tpu.memory_space<vmem_shared>> -> memref<128x64xf32, #tpu.memory_space<vmem_shared>>
      %dma_wait3A_180 = arith.constant 0 : i32
      %dma_wait3A_181 = tpu.memref_slice %arg14[%add3A_31, %dma_wait3A_180] : memref<10240x64xf32, #tpu.memory_space<vmem_shared>> -> memref<128x64xf32, #tpu.memory_space<vmem_shared>>
      tpu.wait_dma2 semaphore(%run_scoped3A : memref<!tpu.dma_semaphore, #tpu.memory_space<semaphore_mem>>) src(%arg13 : memref<128x64xf32, #tpu.memory_space<vmem>>) dst(%dma_wait3A_181 : memref<128x64xf32, #tpu.memory_space<vmem_shared>>)
      tpu.yield
    }) : () -> ()
    %mul3A_32 = arith.constant 640 : i32
    %mul3A_33 = arith.muli %arg1, %mul3A_32 : i32
    %add3A_34 = arith.constant 128 : i32
    %add3A_35 = arith.addi %mul3A_33, %add3A_34 : i32
    "tpu.region"() ({
      %run_scoped3A = tpu.sem_alloc : memref<!tpu.dma_semaphore, #tpu.memory_space<semaphore_mem>>
      %dma_start3A_174 = arith.constant 0 : i32
      %dma_start3A_175 = tpu.memref_slice %arg14[%add3A_35, %dma_start3A_174] : memref<10240x64xf32, #tpu.memory_space<vmem_shared>> -> memref<128x64xf32, #tpu.memory_space<vmem_shared>>
      %dma_start3A_176 = arith.constant 0 : i32
      %dma_start3A_177 = tpu.memref_slice %arg14[%add3A_35, %dma_start3A_176] : memref<10240x64xf32, #tpu.memory_space<vmem_shared>> -> memref<128x64xf32, #tpu.memory_space<vmem_shared>>
      tpu.enqueue_dma source(%arg13 : memref<128x64xf32, #tpu.memory_space<vmem>>) target(%dma_start3A_177 : memref<128x64xf32, #tpu.memory_space<vmem_shared>>) target_semaphore(%run_scoped3A : memref<!tpu.dma_semaphore, #tpu.memory_space<semaphore_mem>>)
      %dma_wait3A_178 = arith.constant 0 : i32
      %dma_wait3A_179 = tpu.memref_slice %arg14[%add3A_35, %dma_wait3A_178] : memref<10240x64xf32, #tpu.memory_space<vmem_shared>> -> memref<128x64xf32, #tpu.memory_space<vmem_shared>>
      %dma_wait3A_180 = arith.constant 0 : i32
      %dma_wait3A_181 = tpu.memref_slice %arg14[%add3A_35, %dma_wait3A_180] : memref<10240x64xf32, #tpu.memory_space<vmem_shared>> -> memref<128x64xf32, #tpu.memory_space<vmem_shared>>
      tpu.wait_dma2 semaphore(%run_scoped3A : memref<!tpu.dma_semaphore, #tpu.memory_space<semaphore_mem>>) src(%arg13 : memref<128x64xf32, #tpu.memory_space<vmem>>) dst(%dma_wait3A_181 : memref<128x64xf32, #tpu.memory_space<vmem_shared>>)
      tpu.yield
    }) : () -> ()
    %mul3A_36 = arith.constant 640 : i32
    %mul3A_37 = arith.muli %arg1, %mul3A_36 : i32
    %add3A_38 = arith.constant 256 : i32
    %add3A_39 = arith.addi %mul3A_37, %add3A_38 : i32
    "tpu.region"() ({
      %run_scoped3A = tpu.sem_alloc : memref<!tpu.dma_semaphore, #tpu.memory_space<semaphore_mem>>
      %dma_start3A_174 = arith.constant 0 : i32
      %dma_start3A_175 = tpu.memref_slice %arg14[%add3A_39, %dma_start3A_174] : memref<10240x64xf32, #tpu.memory_space<vmem_shared>> -> memref<128x64xf32, #tpu.memory_space<vmem_shared>>
      %dma_start3A_176 = arith.constant 0 : i32
      %dma_start3A_177 = tpu.memref_slice %arg14[%add3A_39, %dma_start3A_176] : memref<10240x64xf32, #tpu.memory_space<vmem_shared>> -> memref<128x64xf32, #tpu.memory_space<vmem_shared>>
      tpu.enqueue_dma source(%arg13 : memref<128x64xf32, #tpu.memory_space<vmem>>) target(%dma_start3A_177 : memref<128x64xf32, #tpu.memory_space<vmem_shared>>) target_semaphore(%run_scoped3A : memref<!tpu.dma_semaphore, #tpu.memory_space<semaphore_mem>>)
      %dma_wait3A_178 = arith.constant 0 : i32
      %dma_wait3A_179 = tpu.memref_slice %arg14[%add3A_39, %dma_wait3A_178] : memref<10240x64xf32, #tpu.memory_space<vmem_shared>> -> memref<128x64xf32, #tpu.memory_space<vmem_shared>>
      %dma_wait3A_180 = arith.constant 0 : i32
      %dma_wait3A_181 = tpu.memref_slice %arg14[%add3A_39, %dma_wait3A_180] : memref<10240x64xf32, #tpu.memory_space<vmem_shared>> -> memref<128x64xf32, #tpu.memory_space<vmem_shared>>
      tpu.wait_dma2 semaphore(%run_scoped3A : memref<!tpu.dma_semaphore, #tpu.memory_space<semaphore_mem>>) src(%arg13 : memref<128x64xf32, #tpu.memory_space<vmem>>) dst(%dma_wait3A_181 : memref<128x64xf32, #tpu.memory_space<vmem_shared>>)
      tpu.yield
    }) : () -> ()
    %mul3A_40 = arith.constant 640 : i32
    %mul3A_41 = arith.muli %arg1, %mul3A_40 : i32
    %add3A_42 = arith.constant 384 : i32
    %add3A_43 = arith.addi %mul3A_41, %add3A_42 : i32
    "tpu.region"() ({
      %run_scoped3A = tpu.sem_alloc : memref<!tpu.dma_semaphore, #tpu.memory_space<semaphore_mem>>
      %dma_start3A_174 = arith.constant 0 : i32
      %dma_start3A_175 = tpu.memref_slice %arg14[%add3A_43, %dma_start3A_174] : memref<10240x64xf32, #tpu.memory_space<vmem_shared>> -> memref<128x64xf32, #tpu.memory_space<vmem_shared>>
      %dma_start3A_176 = arith.constant 0 : i32
      %dma_start3A_177 = tpu.memref_slice %arg14[%add3A_43, %dma_start3A_176] : memref<10240x64xf32, #tpu.memory_space<vmem_shared>> -> memref<128x64xf32, #tpu.memory_space<vmem_shared>>
      tpu.enqueue_dma source(%arg13 : memref<128x64xf32, #tpu.memory_space<vmem>>) target(%dma_start3A_177 : memref<128x64xf32, #tpu.memory_space<vmem_shared>>) target_semaphore(%run_scoped3A : memref<!tpu.dma_semaphore, #tpu.memory_space<semaphore_mem>>)
      %dma_wait3A_178 = arith.constant 0 : i32
      %dma_wait3A_179 = tpu.memref_slice %arg14[%add3A_43, %dma_wait3A_178] : memref<10240x64xf32, #tpu.memory_space<vmem_shared>> -> memref<128x64xf32, #tpu.memory_space<vmem_shared>>
      %dma_wait3A_180 = arith.constant 0 : i32
      %dma_wait3A_181 = tpu.memref_slice %arg14[%add3A_43, %dma_wait3A_180] : memref<10240x64xf32, #tpu.memory_space<vmem_shared>> -> memref<128x64xf32, #tpu.memory_space<vmem_shared>>
      tpu.wait_dma2 semaphore(%run_scoped3A : memref<!tpu.dma_semaphore, #tpu.memory_space<semaphore_mem>>) src(%arg13 : memref<128x64xf32, #tpu.memory_space<vmem>>) dst(%dma_wait3A_181 : memref<128x64xf32, #tpu.memory_space<vmem_shared>>)
      tpu.yield
    }) : () -> ()
    %mul3A_44 = arith.constant 640 : i32
    %mul3A_45 = arith.muli %arg1, %mul3A_44 : i32
    %add3A_46 = arith.constant 512 : i32
    %add3A_47 = arith.addi %mul3A_45, %add3A_46 : i32
    "tpu.region"() ({
      %run_scoped3A = tpu.sem_alloc : memref<!tpu.dma_semaphore, #tpu.memory_space<semaphore_mem>>
      %dma_start3A_174 = arith.constant 0 : i32
      %dma_start3A_175 = tpu.memref_slice %arg14[%add3A_47, %dma_start3A_174] : memref<10240x64xf32, #tpu.memory_space<vmem_shared>> -> memref<128x64xf32, #tpu.memory_space<vmem_shared>>
      %dma_start3A_176 = arith.constant 0 : i32
      %dma_start3A_177 = tpu.memref_slice %arg14[%add3A_47, %dma_start3A_176] : memref<10240x64xf32, #tpu.memory_space<vmem_shared>> -> memref<128x64xf32, #tpu.memory_space<vmem_shared>>
      tpu.enqueue_dma source(%arg13 : memref<128x64xf32, #tpu.memory_space<vmem>>) target(%dma_start3A_177 : memref<128x64xf32, #tpu.memory_space<vmem_shared>>) target_semaphore(%run_scoped3A : memref<!tpu.dma_semaphore, #tpu.memory_space<semaphore_mem>>)
      %dma_wait3A_178 = arith.constant 0 : i32
      %dma_wait3A_179 = tpu.memref_slice %arg14[%add3A_47, %dma_wait3A_178] : memref<10240x64xf32, #tpu.memory_space<vmem_shared>> -> memref<128x64xf32, #tpu.memory_space<vmem_shared>>
      %dma_wait3A_180 = arith.constant 0 : i32
      %dma_wait3A_181 = tpu.memref_slice %arg14[%add3A_47, %dma_wait3A_180] : memref<10240x64xf32, #tpu.memory_space<vmem_shared>> -> memref<128x64xf32, #tpu.memory_space<vmem_shared>>
      tpu.wait_dma2 semaphore(%run_scoped3A : memref<!tpu.dma_semaphore, #tpu.memory_space<semaphore_mem>>) src(%arg13 : memref<128x64xf32, #tpu.memory_space<vmem>>) dst(%dma_wait3A_181 : memref<128x64xf32, #tpu.memory_space<vmem_shared>>)
      tpu.yield
    }) : () -> ()
    %barrier3A = arith.constant 0 : index
    tpu.barrier barrier_id(%barrier3A)
    %scan3A = arith.constant 0 : i32
    %scan3A_48 = arith.constant 0 : i32
    %scan3A_49 = arith.constant 25 : i32
    %scan3A_50 = arith.addi %scan3A_48, %scan3A_49 : i32
    %scan3A_51 = arith.constant 1 : i32
    %scan3A_52 = scf.for %scan3A_174 = %scan3A_48 to %scan3A_50 step %scan3A_51 iter_args(%scan3A_175 = %scan3A) -> (i32)  : i32 {
      %mul3A_176 = arith.constant 4 : i32
      %mul3A_177 = arith.muli %scan3A_174, %mul3A_176 : i32
      %add3A_178 = arith.constant 0 : i32
      %add3A_179 = arith.addi %mul3A_177, %add3A_178 : i32
      %dma_wait3A_180 = arith.constant 0 : i32
      %dma_wait3A_181 = tpu.memref_slice %arg7[%add3A_179, %dma_wait3A_180] : memref<100x100xi32, #tpu.memory_space<vmem>> -> memref<1x100xi32, #tpu.memory_space<vmem>>
      %dma_wait3A_182 = tpu.memref_squeeze %dma_wait3A_181 : memref<1x100xi32, #tpu.memory_space<vmem>> -> memref<100xi32, #tpu.memory_space<vmem>>
      %dma_wait3A_183 = arith.constant 0 : i32
      %dma_wait3A_184 = arith.constant 0 : i32
      %dma_wait3A_185 = tpu.memref_slice %arg2[%dma_wait3A_183, %dma_wait3A_184] : memref<10000x64xf32, #tpu.memory_space<hbm>> -> memref<10000x64xf32, #tpu.memory_space<hbm>>
      tpu.wait_indirect_dma semaphore(%arg15 : memref<!tpu.dma_semaphore, #tpu.memory_space<semaphore_mem>>) src(%dma_wait3A_185 : memref<10000x64xf32, #tpu.memory_space<hbm>>) dst(%arg9 : memref<100x64xf32, #tpu.memory_space<vmem>>)
      "tpu.region"() ({
        %run_scoped3A = tpu.sem_alloc : memref<!tpu.dma_semaphore, #tpu.memory_space<semaphore_mem>>
        %dma_start3A_234 = arith.constant 0 : i32
        %dma_start3A_235 = tpu.memref_slice %arg8[%add3A_179, %dma_start3A_234] : memref<100x100xi32, #tpu.memory_space<vmem>> -> memref<1x100xi32, #tpu.memory_space<vmem>>
        %dma_start3A_236 = tpu.memref_squeeze %dma_start3A_235 : memref<1x100xi32, #tpu.memory_space<vmem>> -> memref<100xi32, #tpu.memory_space<vmem>>
        %dma_start3A_237 = arith.constant 0 : i32
        %dma_start3A_238 = arith.constant 0 : i32
        %dma_start3A_239 = tpu.memref_slice %arg14[%dma_start3A_237, %dma_start3A_238] : memref<10240x64xf32, #tpu.memory_space<vmem_shared>> -> memref<10240x64xf32, #tpu.memory_space<vmem_shared>>
        tpu.enqueue_indirect_dma source(%arg9 : memref<100x64xf32, #tpu.memory_space<vmem>>) target(%dma_start3A_239 : memref<10240x64xf32, #tpu.memory_space<vmem_shared>>) offsets(%dma_start3A_236 : memref<100xi32, #tpu.memory_space<vmem>>) semaphore(%run_scoped3A : memref<!tpu.dma_semaphore, #tpu.memory_space<semaphore_mem>>) {add = true}
        %dma_wait3A_240 = arith.constant 0 : i32
        %dma_wait3A_241 = tpu.memref_slice %arg8[%add3A_179, %dma_wait3A_240] : memref<100x100xi32, #tpu.memory_space<vmem>> -> memref<1x100xi32, #tpu.memory_space<vmem>>
        %dma_wait3A_242 = tpu.memref_squeeze %dma_wait3A_241 : memref<1x100xi32, #tpu.memory_space<vmem>> -> memref<100xi32, #tpu.memory_space<vmem>>
        %dma_wait3A_243 = arith.constant 0 : i32
        %dma_wait3A_244 = arith.constant 0 : i32
        %dma_wait3A_245 = tpu.memref_slice %arg14[%dma_wait3A_243, %dma_wait3A_244] : memref<10240x64xf32, #tpu.memory_space<vmem_shared>> -> memref<10240x64xf32, #tpu.memory_space<vmem_shared>>
        tpu.wait_indirect_dma semaphore(%run_scoped3A : memref<!tpu.dma_semaphore, #tpu.memory_space<semaphore_mem>>) src(%arg9 : memref<100x64xf32, #tpu.memory_space<vmem>>) dst(%dma_wait3A_245 : memref<10240x64xf32, #tpu.memory_space<vmem_shared>>)
        tpu.yield
      }) : () -> ()
      %lt3A = arith.constant 24 : i32
      %lt3A_186 = arith.cmpi slt, %scan3A_174, %lt3A : i32
      %convert_element_type3A = arith.extui %lt3A_186 : i1 to i32
      %cond3A = arith.constant 0 : i32
      %cond3A_187 = arith.cmpi ne, %convert_element_type3A, %cond3A : i32
      scf.if %cond3A_187 {
        %add3A_234 = arith.constant 4 : i32
        %add3A_235 = arith.addi %add3A_179, %add3A_234 : i32
        %dma_start3A_236 = arith.constant 0 : i32
        %dma_start3A_237 = tpu.memref_slice %arg7[%add3A_235, %dma_start3A_236] : memref<100x100xi32, #tpu.memory_space<vmem>> -> memref<1x100xi32, #tpu.memory_space<vmem>>
        %dma_start3A_238 = tpu.memref_squeeze %dma_start3A_237 : memref<1x100xi32, #tpu.memory_space<vmem>> -> memref<100xi32, #tpu.memory_space<vmem>>
        %dma_start3A_239 = arith.constant 0 : i32
        %dma_start3A_240 = arith.constant 0 : i32
        %dma_start3A_241 = tpu.memref_slice %arg2[%dma_start3A_239, %dma_start3A_240] : memref<10000x64xf32, #tpu.memory_space<hbm>> -> memref<10000x64xf32, #tpu.memory_space<hbm>>
        tpu.enqueue_indirect_dma source(%dma_start3A_241 : memref<10000x64xf32, #tpu.memory_space<hbm>>) target(%arg9 : memref<100x64xf32, #tpu.memory_space<vmem>>) offsets(%dma_start3A_238 : memref<100xi32, #tpu.memory_space<vmem>>) semaphore(%arg15 : memref<!tpu.dma_semaphore, #tpu.memory_space<semaphore_mem>>)
      } else {
      }
      %mul3A_188 = arith.constant 4 : i32
      %mul3A_189 = arith.muli %scan3A_174, %mul3A_188 : i32
      %add3A_190 = arith.constant 1 : i32
      %add3A_191 = arith.addi %mul3A_189, %add3A_190 : i32
      %dma_wait3A_192 = arith.constant 0 : i32
      %dma_wait3A_193 = tpu.memref_slice %arg7[%add3A_191, %dma_wait3A_192] : memref<100x100xi32, #tpu.memory_space<vmem>> -> memref<1x100xi32, #tpu.memory_space<vmem>>
      %dma_wait3A_194 = tpu.memref_squeeze %dma_wait3A_193 : memref<1x100xi32, #tpu.memory_space<vmem>> -> memref<100xi32, #tpu.memory_space<vmem>>
      %dma_wait3A_195 = arith.constant 0 : i32
      %dma_wait3A_196 = arith.constant 0 : i32
      %dma_wait3A_197 = tpu.memref_slice %arg2[%dma_wait3A_195, %dma_wait3A_196] : memref<10000x64xf32, #tpu.memory_space<hbm>> -> memref<10000x64xf32, #tpu.memory_space<hbm>>
      tpu.wait_indirect_dma semaphore(%arg16 : memref<!tpu.dma_semaphore, #tpu.memory_space<semaphore_mem>>) src(%dma_wait3A_197 : memref<10000x64xf32, #tpu.memory_space<hbm>>) dst(%arg10 : memref<100x64xf32, #tpu.memory_space<vmem>>)
      "tpu.region"() ({
        %run_scoped3A = tpu.sem_alloc : memref<!tpu.dma_semaphore, #tpu.memory_space<semaphore_mem>>
        %dma_start3A_234 = arith.constant 0 : i32
        %dma_start3A_235 = tpu.memref_slice %arg8[%add3A_191, %dma_start3A_234] : memref<100x100xi32, #tpu.memory_space<vmem>> -> memref<1x100xi32, #tpu.memory_space<vmem>>
        %dma_start3A_236 = tpu.memref_squeeze %dma_start3A_235 : memref<1x100xi32, #tpu.memory_space<vmem>> -> memref<100xi32, #tpu.memory_space<vmem>>
        %dma_start3A_237 = arith.constant 0 : i32
        %dma_start3A_238 = arith.constant 0 : i32
        %dma_start3A_239 = tpu.memref_slice %arg14[%dma_start3A_237, %dma_start3A_238] : memref<10240x64xf32, #tpu.memory_space<vmem_shared>> -> memref<10240x64xf32, #tpu.memory_space<vmem_shared>>
        tpu.enqueue_indirect_dma source(%arg10 : memref<100x64xf32, #tpu.memory_space<vmem>>) target(%dma_start3A_239 : memref<10240x64xf32, #tpu.memory_space<vmem_shared>>) offsets(%dma_start3A_236 : memref<100xi32, #tpu.memory_space<vmem>>) semaphore(%run_scoped3A : memref<!tpu.dma_semaphore, #tpu.memory_space<semaphore_mem>>) {add = true}
        %dma_wait3A_240 = arith.constant 0 : i32
        %dma_wait3A_241 = tpu.memref_slice %arg8[%add3A_191, %dma_wait3A_240] : memref<100x100xi32, #tpu.memory_space<vmem>> -> memref<1x100xi32, #tpu.memory_space<vmem>>
        %dma_wait3A_242 = tpu.memref_squeeze %dma_wait3A_241 : memref<1x100xi32, #tpu.memory_space<vmem>> -> memref<100xi32, #tpu.memory_space<vmem>>
        %dma_wait3A_243 = arith.constant 0 : i32
        %dma_wait3A_244 = arith.constant 0 : i32
        %dma_wait3A_245 = tpu.memref_slice %arg14[%dma_wait3A_243, %dma_wait3A_244] : memref<10240x64xf32, #tpu.memory_space<vmem_shared>> -> memref<10240x64xf32, #tpu.memory_space<vmem_shared>>
        tpu.wait_indirect_dma semaphore(%run_scoped3A : memref<!tpu.dma_semaphore, #tpu.memory_space<semaphore_mem>>) src(%arg10 : memref<100x64xf32, #tpu.memory_space<vmem>>) dst(%dma_wait3A_245 : memref<10240x64xf32, #tpu.memory_space<vmem_shared>>)
        tpu.yield
      }) : () -> ()
      %lt3A_198 = arith.constant 24 : i32
      %lt3A_199 = arith.cmpi slt, %scan3A_174, %lt3A_198 : i32
      %convert_element_type3A_200 = arith.extui %lt3A_199 : i1 to i32
      %cond3A_201 = arith.constant 0 : i32
      %cond3A_202 = arith.cmpi ne, %convert_element_type3A_200, %cond3A_201 : i32
      scf.if %cond3A_202 {
        %add3A_234 = arith.constant 4 : i32
        %add3A_235 = arith.addi %add3A_191, %add3A_234 : i32
        %dma_start3A_236 = arith.constant 0 : i32
        %dma_start3A_237 = tpu.memref_slice %arg7[%add3A_235, %dma_start3A_236] : memref<100x100xi32, #tpu.memory_space<vmem>> -> memref<1x100xi32, #tpu.memory_space<vmem>>
        %dma_start3A_238 = tpu.memref_squeeze %dma_start3A_237 : memref<1x100xi32, #tpu.memory_space<vmem>> -> memref<100xi32, #tpu.memory_space<vmem>>
        %dma_start3A_239 = arith.constant 0 : i32
        %dma_start3A_240 = arith.constant 0 : i32
        %dma_start3A_241 = tpu.memref_slice %arg2[%dma_start3A_239, %dma_start3A_240] : memref<10000x64xf32, #tpu.memory_space<hbm>> -> memref<10000x64xf32, #tpu.memory_space<hbm>>
        tpu.enqueue_indirect_dma source(%dma_start3A_241 : memref<10000x64xf32, #tpu.memory_space<hbm>>) target(%arg10 : memref<100x64xf32, #tpu.memory_space<vmem>>) offsets(%dma_start3A_238 : memref<100xi32, #tpu.memory_space<vmem>>) semaphore(%arg16 : memref<!tpu.dma_semaphore, #tpu.memory_space<semaphore_mem>>)
      } else {
      }
      %mul3A_203 = arith.constant 4 : i32
      %mul3A_204 = arith.muli %scan3A_174, %mul3A_203 : i32
      %add3A_205 = arith.constant 2 : i32
      %add3A_206 = arith.addi %mul3A_204, %add3A_205 : i32
      %dma_wait3A_207 = arith.constant 0 : i32
      %dma_wait3A_208 = tpu.memref_slice %arg7[%add3A_206, %dma_wait3A_207] : memref<100x100xi32, #tpu.memory_space<vmem>> -> memref<1x100xi32, #tpu.memory_space<vmem>>
      %dma_wait3A_209 = tpu.memref_squeeze %dma_wait3A_208 : memref<1x100xi32, #tpu.memory_space<vmem>> -> memref<100xi32, #tpu.memory_space<vmem>>
      %dma_wait3A_210 = arith.constant 0 : i32
      %dma_wait3A_211 = arith.constant 0 : i32
      %dma_wait3A_212 = tpu.memref_slice %arg2[%dma_wait3A_210, %dma_wait3A_211] : memref<10000x64xf32, #tpu.memory_space<hbm>> -> memref<10000x64xf32, #tpu.memory_space<hbm>>
      tpu.wait_indirect_dma semaphore(%arg17 : memref<!tpu.dma_semaphore, #tpu.memory_space<semaphore_mem>>) src(%dma_wait3A_212 : memref<10000x64xf32, #tpu.memory_space<hbm>>) dst(%arg11 : memref<100x64xf32, #tpu.memory_space<vmem>>)
      "tpu.region"() ({
        %run_scoped3A = tpu.sem_alloc : memref<!tpu.dma_semaphore, #tpu.memory_space<semaphore_mem>>
        %dma_start3A_234 = arith.constant 0 : i32
        %dma_start3A_235 = tpu.memref_slice %arg8[%add3A_206, %dma_start3A_234] : memref<100x100xi32, #tpu.memory_space<vmem>> -> memref<1x100xi32, #tpu.memory_space<vmem>>
        %dma_start3A_236 = tpu.memref_squeeze %dma_start3A_235 : memref<1x100xi32, #tpu.memory_space<vmem>> -> memref<100xi32, #tpu.memory_space<vmem>>
        %dma_start3A_237 = arith.constant 0 : i32
        %dma_start3A_238 = arith.constant 0 : i32
        %dma_start3A_239 = tpu.memref_slice %arg14[%dma_start3A_237, %dma_start3A_238] : memref<10240x64xf32, #tpu.memory_space<vmem_shared>> -> memref<10240x64xf32, #tpu.memory_space<vmem_shared>>
        tpu.enqueue_indirect_dma source(%arg11 : memref<100x64xf32, #tpu.memory_space<vmem>>) target(%dma_start3A_239 : memref<10240x64xf32, #tpu.memory_space<vmem_shared>>) offsets(%dma_start3A_236 : memref<100xi32, #tpu.memory_space<vmem>>) semaphore(%run_scoped3A : memref<!tpu.dma_semaphore, #tpu.memory_space<semaphore_mem>>) {add = true}
        %dma_wait3A_240 = arith.constant 0 : i32
        %dma_wait3A_241 = tpu.memref_slice %arg8[%add3A_206, %dma_wait3A_240] : memref<100x100xi32, #tpu.memory_space<vmem>> -> memref<1x100xi32, #tpu.memory_space<vmem>>
        %dma_wait3A_242 = tpu.memref_squeeze %dma_wait3A_241 : memref<1x100xi32, #tpu.memory_space<vmem>> -> memref<100xi32, #tpu.memory_space<vmem>>
        %dma_wait3A_243 = arith.constant 0 : i32
        %dma_wait3A_244 = arith.constant 0 : i32
        %dma_wait3A_245 = tpu.memref_slice %arg14[%dma_wait3A_243, %dma_wait3A_244] : memref<10240x64xf32, #tpu.memory_space<vmem_shared>> -> memref<10240x64xf32, #tpu.memory_space<vmem_shared>>
        tpu.wait_indirect_dma semaphore(%run_scoped3A : memref<!tpu.dma_semaphore, #tpu.memory_space<semaphore_mem>>) src(%arg11 : memref<100x64xf32, #tpu.memory_space<vmem>>) dst(%dma_wait3A_245 : memref<10240x64xf32, #tpu.memory_space<vmem_shared>>)
        tpu.yield
      }) : () -> ()
      %lt3A_213 = arith.constant 24 : i32
      %lt3A_214 = arith.cmpi slt, %scan3A_174, %lt3A_213 : i32
      %convert_element_type3A_215 = arith.extui %lt3A_214 : i1 to i32
      %cond3A_216 = arith.constant 0 : i32
      %cond3A_217 = arith.cmpi ne, %convert_element_type3A_215, %cond3A_216 : i32
      scf.if %cond3A_217 {
        %add3A_234 = arith.constant 4 : i32
        %add3A_235 = arith.addi %add3A_206, %add3A_234 : i32
        %dma_start3A_236 = arith.constant 0 : i32
        %dma_start3A_237 = tpu.memref_slice %arg7[%add3A_235, %dma_start3A_236] : memref<100x100xi32, #tpu.memory_space<vmem>> -> memref<1x100xi32, #tpu.memory_space<vmem>>
        %dma_start3A_238 = tpu.memref_squeeze %dma_start3A_237 : memref<1x100xi32, #tpu.memory_space<vmem>> -> memref<100xi32, #tpu.memory_space<vmem>>
        %dma_start3A_239 = arith.constant 0 : i32
        %dma_start3A_240 = arith.constant 0 : i32
        %dma_start3A_241 = tpu.memref_slice %arg2[%dma_start3A_239, %dma_start3A_240] : memref<10000x64xf32, #tpu.memory_space<hbm>> -> memref<10000x64xf32, #tpu.memory_space<hbm>>
        tpu.enqueue_indirect_dma source(%dma_start3A_241 : memref<10000x64xf32, #tpu.memory_space<hbm>>) target(%arg11 : memref<100x64xf32, #tpu.memory_space<vmem>>) offsets(%dma_start3A_238 : memref<100xi32, #tpu.memory_space<vmem>>) semaphore(%arg17 : memref<!tpu.dma_semaphore, #tpu.memory_space<semaphore_mem>>)
      } else {
      }
      %mul3A_218 = arith.constant 4 : i32
      %mul3A_219 = arith.muli %scan3A_174, %mul3A_218 : i32
      %add3A_220 = arith.constant 3 : i32
      %add3A_221 = arith.addi %mul3A_219, %add3A_220 : i32
      %dma_wait3A_222 = arith.constant 0 : i32
      %dma_wait3A_223 = tpu.memref_slice %arg7[%add3A_221, %dma_wait3A_222] : memref<100x100xi32, #tpu.memory_space<vmem>> -> memref<1x100xi32, #tpu.memory_space<vmem>>
      %dma_wait3A_224 = tpu.memref_squeeze %dma_wait3A_223 : memref<1x100xi32, #tpu.memory_space<vmem>> -> memref<100xi32, #tpu.memory_space<vmem>>
      %dma_wait3A_225 = arith.constant 0 : i32
      %dma_wait3A_226 = arith.constant 0 : i32
      %dma_wait3A_227 = tpu.memref_slice %arg2[%dma_wait3A_225, %dma_wait3A_226] : memref<10000x64xf32, #tpu.memory_space<hbm>> -> memref<10000x64xf32, #tpu.memory_space<hbm>>
      tpu.wait_indirect_dma semaphore(%arg18 : memref<!tpu.dma_semaphore, #tpu.memory_space<semaphore_mem>>) src(%dma_wait3A_227 : memref<10000x64xf32, #tpu.memory_space<hbm>>) dst(%arg12 : memref<100x64xf32, #tpu.memory_space<vmem>>)
      "tpu.region"() ({
        %run_scoped3A = tpu.sem_alloc : memref<!tpu.dma_semaphore, #tpu.memory_space<semaphore_mem>>
        %dma_start3A_234 = arith.constant 0 : i32
        %dma_start3A_235 = tpu.memref_slice %arg8[%add3A_221, %dma_start3A_234] : memref<100x100xi32, #tpu.memory_space<vmem>> -> memref<1x100xi32, #tpu.memory_space<vmem>>
        %dma_start3A_236 = tpu.memref_squeeze %dma_start3A_235 : memref<1x100xi32, #tpu.memory_space<vmem>> -> memref<100xi32, #tpu.memory_space<vmem>>
        %dma_start3A_237 = arith.constant 0 : i32
        %dma_start3A_238 = arith.constant 0 : i32
        %dma_start3A_239 = tpu.memref_slice %arg14[%dma_start3A_237, %dma_start3A_238] : memref<10240x64xf32, #tpu.memory_space<vmem_shared>> -> memref<10240x64xf32, #tpu.memory_space<vmem_shared>>
        tpu.enqueue_indirect_dma source(%arg12 : memref<100x64xf32, #tpu.memory_space<vmem>>) target(%dma_start3A_239 : memref<10240x64xf32, #tpu.memory_space<vmem_shared>>) offsets(%dma_start3A_236 : memref<100xi32, #tpu.memory_space<vmem>>) semaphore(%run_scoped3A : memref<!tpu.dma_semaphore, #tpu.memory_space<semaphore_mem>>) {add = true}
        %dma_wait3A_240 = arith.constant 0 : i32
        %dma_wait3A_241 = tpu.memref_slice %arg8[%add3A_221, %dma_wait3A_240] : memref<100x100xi32, #tpu.memory_space<vmem>> -> memref<1x100xi32, #tpu.memory_space<vmem>>
        %dma_wait3A_242 = tpu.memref_squeeze %dma_wait3A_241 : memref<1x100xi32, #tpu.memory_space<vmem>> -> memref<100xi32, #tpu.memory_space<vmem>>
        %dma_wait3A_243 = arith.constant 0 : i32
        %dma_wait3A_244 = arith.constant 0 : i32
        %dma_wait3A_245 = tpu.memref_slice %arg14[%dma_wait3A_243, %dma_wait3A_244] : memref<10240x64xf32, #tpu.memory_space<vmem_shared>> -> memref<10240x64xf32, #tpu.memory_space<vmem_shared>>
        tpu.wait_indirect_dma semaphore(%run_scoped3A : memref<!tpu.dma_semaphore, #tpu.memory_space<semaphore_mem>>) src(%arg12 : memref<100x64xf32, #tpu.memory_space<vmem>>) dst(%dma_wait3A_245 : memref<10240x64xf32, #tpu.memory_space<vmem_shared>>)
        tpu.yield
      }) : () -> ()
      %lt3A_228 = arith.constant 24 : i32
      %lt3A_229 = arith.cmpi slt, %scan3A_174, %lt3A_228 : i32
      %convert_element_type3A_230 = arith.extui %lt3A_229 : i1 to i32
      %cond3A_231 = arith.constant 0 : i32
      %cond3A_232 = arith.cmpi ne, %convert_element_type3A_230, %cond3A_231 : i32
      scf.if %cond3A_232 {
        %add3A_234 = arith.constant 4 : i32
        %add3A_235 = arith.addi %add3A_221, %add3A_234 : i32
        %dma_start3A_236 = arith.constant 0 : i32
        %dma_start3A_237 = tpu.memref_slice %arg7[%add3A_235, %dma_start3A_236] : memref<100x100xi32, #tpu.memory_space<vmem>> -> memref<1x100xi32, #tpu.memory_space<vmem>>
        %dma_start3A_238 = tpu.memref_squeeze %dma_start3A_237 : memref<1x100xi32, #tpu.memory_space<vmem>> -> memref<100xi32, #tpu.memory_space<vmem>>
        %dma_start3A_239 = arith.constant 0 : i32
        %dma_start3A_240 = arith.constant 0 : i32
        %dma_start3A_241 = tpu.memref_slice %arg2[%dma_start3A_239, %dma_start3A_240] : memref<10000x64xf32, #tpu.memory_space<hbm>> -> memref<10000x64xf32, #tpu.memory_space<hbm>>
        tpu.enqueue_indirect_dma source(%dma_start3A_241 : memref<10000x64xf32, #tpu.memory_space<hbm>>) target(%arg12 : memref<100x64xf32, #tpu.memory_space<vmem>>) offsets(%dma_start3A_238 : memref<100xi32, #tpu.memory_space<vmem>>) semaphore(%arg18 : memref<!tpu.dma_semaphore, #tpu.memory_space<semaphore_mem>>)
      } else {
      }
      %scan3A_233 = arith.constant 0 : i32
      scf.yield %scan3A_233 : i32
    }
    %scan3A_53 = arith.constant 25 : i32
    %barrier3A_54 = arith.constant 0 : index
    tpu.barrier barrier_id(%barrier3A_54)
    %mul3A_55 = arith.constant 640 : i32
    %mul3A_56 = arith.muli %arg1, %mul3A_55 : i32
    %add3A_57 = arith.constant 0 : i32
    %add3A_58 = arith.addi %mul3A_56, %add3A_57 : i32
    %dma_start3A_59 = arith.constant 0 : i32
    %dma_start3A_60 = arith.constant 0 : i32
    %dma_start3A_61 = tpu.memref_slice %arg6[%arg0, %dma_start3A_59, %dma_start3A_60] : memref<2x10240x64xf32, #tpu.memory_space<hbm>> -> memref<1x10240x64xf32, #tpu.memory_space<hbm>>
    %dma_start3A_62 = tpu.memref_squeeze %dma_start3A_61 : memref<1x10240x64xf32, #tpu.memory_space<hbm>> -> memref<10240x64xf32, #tpu.memory_space<hbm>>
    %dma_start3A_63 = arith.constant 0 : i32
    %dma_start3A_64 = tpu.memref_slice %dma_start3A_62[%add3A_58, %dma_start3A_63] : memref<10240x64xf32, #tpu.memory_space<hbm>> -> memref<128x64xf32, #tpu.memory_space<hbm>>
    %dma_start3A_65 = arith.constant 0 : i32
    %dma_start3A_66 = tpu.memref_slice %arg14[%add3A_58, %dma_start3A_65] : memref<10240x64xf32, #tpu.memory_space<vmem_shared>> -> memref<128x64xf32, #tpu.memory_space<vmem_shared>>
    tpu.enqueue_dma source(%dma_start3A_66 : memref<128x64xf32, #tpu.memory_space<vmem_shared>>) target(%dma_start3A_64 : memref<128x64xf32, #tpu.memory_space<hbm>>) target_semaphore(%arg15 : memref<!tpu.dma_semaphore, #tpu.memory_space<semaphore_mem>>)
    %mul3A_67 = arith.constant 640 : i32
    %mul3A_68 = arith.muli %arg1, %mul3A_67 : i32
    %add3A_69 = arith.constant 128 : i32
    %add3A_70 = arith.addi %mul3A_68, %add3A_69 : i32
    %dma_start3A_71 = arith.constant 0 : i32
    %dma_start3A_72 = arith.constant 0 : i32
    %dma_start3A_73 = tpu.memref_slice %arg6[%arg0, %dma_start3A_71, %dma_start3A_72] : memref<2x10240x64xf32, #tpu.memory_space<hbm>> -> memref<1x10240x64xf32, #tpu.memory_space<hbm>>
    %dma_start3A_74 = tpu.memref_squeeze %dma_start3A_73 : memref<1x10240x64xf32, #tpu.memory_space<hbm>> -> memref<10240x64xf32, #tpu.memory_space<hbm>>
    %dma_start3A_75 = arith.constant 0 : i32
    %dma_start3A_76 = tpu.memref_slice %dma_start3A_74[%add3A_70, %dma_start3A_75] : memref<10240x64xf32, #tpu.memory_space<hbm>> -> memref<128x64xf32, #tpu.memory_space<hbm>>
    %dma_start3A_77 = arith.constant 0 : i32
    %dma_start3A_78 = tpu.memref_slice %arg14[%add3A_70, %dma_start3A_77] : memref<10240x64xf32, #tpu.memory_space<vmem_shared>> -> memref<128x64xf32, #tpu.memory_space<vmem_shared>>
    tpu.enqueue_dma source(%dma_start3A_78 : memref<128x64xf32, #tpu.memory_space<vmem_shared>>) target(%dma_start3A_76 : memref<128x64xf32, #tpu.memory_space<hbm>>) target_semaphore(%arg16 : memref<!tpu.dma_semaphore, #tpu.memory_space<semaphore_mem>>)
    %mul3A_79 = arith.constant 640 : i32
    %mul3A_80 = arith.muli %arg1, %mul3A_79 : i32
    %add3A_81 = arith.constant 256 : i32
    %add3A_82 = arith.addi %mul3A_80, %add3A_81 : i32
    %dma_start3A_83 = arith.constant 0 : i32
    %dma_start3A_84 = arith.constant 0 : i32
    %dma_start3A_85 = tpu.memref_slice %arg6[%arg0, %dma_start3A_83, %dma_start3A_84] : memref<2x10240x64xf32, #tpu.memory_space<hbm>> -> memref<1x10240x64xf32, #tpu.memory_space<hbm>>
    %dma_start3A_86 = tpu.memref_squeeze %dma_start3A_85 : memref<1x10240x64xf32, #tpu.memory_space<hbm>> -> memref<10240x64xf32, #tpu.memory_space<hbm>>
    %dma_start3A_87 = arith.constant 0 : i32
    %dma_start3A_88 = tpu.memref_slice %dma_start3A_86[%add3A_82, %dma_start3A_87] : memref<10240x64xf32, #tpu.memory_space<hbm>> -> memref<128x64xf32, #tpu.memory_space<hbm>>
    %dma_start3A_89 = arith.constant 0 : i32
    %dma_start3A_90 = tpu.memref_slice %arg14[%add3A_82, %dma_start3A_89] : memref<10240x64xf32, #tpu.memory_space<vmem_shared>> -> memref<128x64xf32, #tpu.memory_space<vmem_shared>>
    tpu.enqueue_dma source(%dma_start3A_90 : memref<128x64xf32, #tpu.memory_space<vmem_shared>>) target(%dma_start3A_88 : memref<128x64xf32, #tpu.memory_space<hbm>>) target_semaphore(%arg17 : memref<!tpu.dma_semaphore, #tpu.memory_space<semaphore_mem>>)
    %mul3A_91 = arith.constant 640 : i32
    %mul3A_92 = arith.muli %arg1, %mul3A_91 : i32
    %add3A_93 = arith.constant 384 : i32
    %add3A_94 = arith.addi %mul3A_92, %add3A_93 : i32
    %dma_start3A_95 = arith.constant 0 : i32
    %dma_start3A_96 = arith.constant 0 : i32
    %dma_start3A_97 = tpu.memref_slice %arg6[%arg0, %dma_start3A_95, %dma_start3A_96] : memref<2x10240x64xf32, #tpu.memory_space<hbm>> -> memref<1x10240x64xf32, #tpu.memory_space<hbm>>
    %dma_start3A_98 = tpu.memref_squeeze %dma_start3A_97 : memref<1x10240x64xf32, #tpu.memory_space<hbm>> -> memref<10240x64xf32, #tpu.memory_space<hbm>>
    %dma_start3A_99 = arith.constant 0 : i32
    %dma_start3A_100 = tpu.memref_slice %dma_start3A_98[%add3A_94, %dma_start3A_99] : memref<10240x64xf32, #tpu.memory_space<hbm>> -> memref<128x64xf32, #tpu.memory_space<hbm>>
    %dma_start3A_101 = arith.constant 0 : i32
    %dma_start3A_102 = tpu.memref_slice %arg14[%add3A_94, %dma_start3A_101] : memref<10240x64xf32, #tpu.memory_space<vmem_shared>> -> memref<128x64xf32, #tpu.memory_space<vmem_shared>>
    tpu.enqueue_dma source(%dma_start3A_102 : memref<128x64xf32, #tpu.memory_space<vmem_shared>>) target(%dma_start3A_100 : memref<128x64xf32, #tpu.memory_space<hbm>>) target_semaphore(%arg18 : memref<!tpu.dma_semaphore, #tpu.memory_space<semaphore_mem>>)
    %mul3A_103 = arith.constant 640 : i32
    %mul3A_104 = arith.muli %arg1, %mul3A_103 : i32
    %add3A_105 = arith.constant 512 : i32
    %add3A_106 = arith.addi %mul3A_104, %add3A_105 : i32
    %dma_start3A_107 = arith.constant 0 : i32
    %dma_start3A_108 = arith.constant 0 : i32
    %dma_start3A_109 = tpu.memref_slice %arg6[%arg0, %dma_start3A_107, %dma_start3A_108] : memref<2x10240x64xf32, #tpu.memory_space<hbm>> -> memref<1x10240x64xf32, #tpu.memory_space<hbm>>
    %dma_start3A_110 = tpu.memref_squeeze %dma_start3A_109 : memref<1x10240x64xf32, #tpu.memory_space<hbm>> -> memref<10240x64xf32, #tpu.memory_space<hbm>>
    %dma_start3A_111 = arith.constant 0 : i32
    %dma_start3A_112 = tpu.memref_slice %dma_start3A_110[%add3A_106, %dma_start3A_111] : memref<10240x64xf32, #tpu.memory_space<hbm>> -> memref<128x64xf32, #tpu.memory_space<hbm>>
    %dma_start3A_113 = arith.constant 0 : i32
    %dma_start3A_114 = tpu.memref_slice %arg14[%add3A_106, %dma_start3A_113] : memref<10240x64xf32, #tpu.memory_space<vmem_shared>> -> memref<128x64xf32, #tpu.memory_space<vmem_shared>>
    tpu.enqueue_dma source(%dma_start3A_114 : memref<128x64xf32, #tpu.memory_space<vmem_shared>>) target(%dma_start3A_112 : memref<128x64xf32, #tpu.memory_space<hbm>>) target_semaphore(%arg15 : memref<!tpu.dma_semaphore, #tpu.memory_space<semaphore_mem>>)
    %mul3A_115 = arith.constant 640 : i32
    %mul3A_116 = arith.muli %arg1, %mul3A_115 : i32
    %add3A_117 = arith.constant 0 : i32
    %add3A_118 = arith.addi %mul3A_116, %add3A_117 : i32
    %dma_wait3A = arith.constant 0 : i32
    %dma_wait3A_119 = arith.constant 0 : i32
    %dma_wait3A_120 = tpu.memref_slice %arg6[%arg0, %dma_wait3A, %dma_wait3A_119] : memref<2x10240x64xf32, #tpu.memory_space<hbm>> -> memref<1x10240x64xf32, #tpu.memory_space<hbm>>
    %dma_wait3A_121 = tpu.memref_squeeze %dma_wait3A_120 : memref<1x10240x64xf32, #tpu.memory_space<hbm>> -> memref<10240x64xf32, #tpu.memory_space<hbm>>
    %dma_wait3A_122 = arith.constant 0 : i32
    %dma_wait3A_123 = tpu.memref_slice %dma_wait3A_121[%add3A_118, %dma_wait3A_122] : memref<10240x64xf32, #tpu.memory_space<hbm>> -> memref<128x64xf32, #tpu.memory_space<hbm>>
    %dma_wait3A_124 = arith.constant 0 : i32
    %dma_wait3A_125 = tpu.memref_slice %arg14[%add3A_118, %dma_wait3A_124] : memref<10240x64xf32, #tpu.memory_space<vmem_shared>> -> memref<128x64xf32, #tpu.memory_space<vmem_shared>>
    tpu.wait_dma2 semaphore(%arg15 : memref<!tpu.dma_semaphore, #tpu.memory_space<semaphore_mem>>) src(%dma_wait3A_125 : memref<128x64xf32, #tpu.memory_space<vmem_shared>>) dst(%dma_wait3A_123 : memref<128x64xf32, #tpu.memory_space<hbm>>)
    %mul3A_126 = arith.constant 640 : i32
    %mul3A_127 = arith.muli %arg1, %mul3A_126 : i32
    %add3A_128 = arith.constant 128 : i32
    %add3A_129 = arith.addi %mul3A_127, %add3A_128 : i32
    %dma_wait3A_130 = arith.constant 0 : i32
    %dma_wait3A_131 = arith.constant 0 : i32
    %dma_wait3A_132 = tpu.memref_slice %arg6[%arg0, %dma_wait3A_130, %dma_wait3A_131] : memref<2x10240x64xf32, #tpu.memory_space<hbm>> -> memref<1x10240x64xf32, #tpu.memory_space<hbm>>
    %dma_wait3A_133 = tpu.memref_squeeze %dma_wait3A_132 : memref<1x10240x64xf32, #tpu.memory_space<hbm>> -> memref<10240x64xf32, #tpu.memory_space<hbm>>
    %dma_wait3A_134 = arith.constant 0 : i32
    %dma_wait3A_135 = tpu.memref_slice %dma_wait3A_133[%add3A_129, %dma_wait3A_134] : memref<10240x64xf32, #tpu.memory_space<hbm>> -> memref<128x64xf32, #tpu.memory_space<hbm>>
    %dma_wait3A_136 = arith.constant 0 : i32
    %dma_wait3A_137 = tpu.memref_slice %arg14[%add3A_129, %dma_wait3A_136] : memref<10240x64xf32, #tpu.memory_space<vmem_shared>> -> memref<128x64xf32, #tpu.memory_space<vmem_shared>>
    tpu.wait_dma2 semaphore(%arg16 : memref<!tpu.dma_semaphore, #tpu.memory_space<semaphore_mem>>) src(%dma_wait3A_137 : memref<128x64xf32, #tpu.memory_space<vmem_shared>>) dst(%dma_wait3A_135 : memref<128x64xf32, #tpu.memory_space<hbm>>)
    %mul3A_138 = arith.constant 640 : i32
    %mul3A_139 = arith.muli %arg1, %mul3A_138 : i32
    %add3A_140 = arith.constant 256 : i32
    %add3A_141 = arith.addi %mul3A_139, %add3A_140 : i32
    %dma_wait3A_142 = arith.constant 0 : i32
    %dma_wait3A_143 = arith.constant 0 : i32
    %dma_wait3A_144 = tpu.memref_slice %arg6[%arg0, %dma_wait3A_142, %dma_wait3A_143] : memref<2x10240x64xf32, #tpu.memory_space<hbm>> -> memref<1x10240x64xf32, #tpu.memory_space<hbm>>
    %dma_wait3A_145 = tpu.memref_squeeze %dma_wait3A_144 : memref<1x10240x64xf32, #tpu.memory_space<hbm>> -> memref<10240x64xf32, #tpu.memory_space<hbm>>
    %dma_wait3A_146 = arith.constant 0 : i32
    %dma_wait3A_147 = tpu.memref_slice %dma_wait3A_145[%add3A_141, %dma_wait3A_146] : memref<10240x64xf32, #tpu.memory_space<hbm>> -> memref<128x64xf32, #tpu.memory_space<hbm>>
    %dma_wait3A_148 = arith.constant 0 : i32
    %dma_wait3A_149 = tpu.memref_slice %arg14[%add3A_141, %dma_wait3A_148] : memref<10240x64xf32, #tpu.memory_space<vmem_shared>> -> memref<128x64xf32, #tpu.memory_space<vmem_shared>>
    tpu.wait_dma2 semaphore(%arg17 : memref<!tpu.dma_semaphore, #tpu.memory_space<semaphore_mem>>) src(%dma_wait3A_149 : memref<128x64xf32, #tpu.memory_space<vmem_shared>>) dst(%dma_wait3A_147 : memref<128x64xf32, #tpu.memory_space<hbm>>)
    %mul3A_150 = arith.constant 640 : i32
    %mul3A_151 = arith.muli %arg1, %mul3A_150 : i32
    %add3A_152 = arith.constant 384 : i32
    %add3A_153 = arith.addi %mul3A_151, %add3A_152 : i32
    %dma_wait3A_154 = arith.constant 0 : i32
    %dma_wait3A_155 = arith.constant 0 : i32
    %dma_wait3A_156 = tpu.memref_slice %arg6[%arg0, %dma_wait3A_154, %dma_wait3A_155] : memref<2x10240x64xf32, #tpu.memory_space<hbm>> -> memref<1x10240x64xf32, #tpu.memory_space<hbm>>
    %dma_wait3A_157 = tpu.memref_squeeze %dma_wait3A_156 : memref<1x10240x64xf32, #tpu.memory_space<hbm>> -> memref<10240x64xf32, #tpu.memory_space<hbm>>
    %dma_wait3A_158 = arith.constant 0 : i32
    %dma_wait3A_159 = tpu.memref_slice %dma_wait3A_157[%add3A_153, %dma_wait3A_158] : memref<10240x64xf32, #tpu.memory_space<hbm>> -> memref<128x64xf32, #tpu.memory_space<hbm>>
    %dma_wait3A_160 = arith.constant 0 : i32
    %dma_wait3A_161 = tpu.memref_slice %arg14[%add3A_153, %dma_wait3A_160] : memref<10240x64xf32, #tpu.memory_space<vmem_shared>> -> memref<128x64xf32, #tpu.memory_space<vmem_shared>>
    tpu.wait_dma2 semaphore(%arg18 : memref<!tpu.dma_semaphore, #tpu.memory_space<semaphore_mem>>) src(%dma_wait3A_161 : memref<128x64xf32, #tpu.memory_space<vmem_shared>>) dst(%dma_wait3A_159 : memref<128x64xf32, #tpu.memory_space<hbm>>)
    %mul3A_162 = arith.constant 640 : i32
    %mul3A_163 = arith.muli %arg1, %mul3A_162 : i32
    %add3A_164 = arith.constant 512 : i32
    %add3A_165 = arith.addi %mul3A_163, %add3A_164 : i32
    %dma_wait3A_166 = arith.constant 0 : i32
    %dma_wait3A_167 = arith.constant 0 : i32
    %dma_wait3A_168 = tpu.memref_slice %arg6[%arg0, %dma_wait3A_166, %dma_wait3A_167] : memref<2x10240x64xf32, #tpu.memory_space<hbm>> -> memref<1x10240x64xf32, #tpu.memory_space<hbm>>
    %dma_wait3A_169 = tpu.memref_squeeze %dma_wait3A_168 : memref<1x10240x64xf32, #tpu.memory_space<hbm>> -> memref<10240x64xf32, #tpu.memory_space<hbm>>
    %dma_wait3A_170 = arith.constant 0 : i32
    %dma_wait3A_171 = tpu.memref_slice %dma_wait3A_169[%add3A_165, %dma_wait3A_170] : memref<10240x64xf32, #tpu.memory_space<hbm>> -> memref<128x64xf32, #tpu.memory_space<hbm>>
    %dma_wait3A_172 = arith.constant 0 : i32
    %dma_wait3A_173 = tpu.memref_slice %arg14[%add3A_165, %dma_wait3A_172] : memref<10240x64xf32, #tpu.memory_space<vmem_shared>> -> memref<128x64xf32, #tpu.memory_space<vmem_shared>>
    tpu.wait_dma2 semaphore(%arg15 : memref<!tpu.dma_semaphore, #tpu.memory_space<semaphore_mem>>) src(%dma_wait3A_173 : memref<128x64xf32, #tpu.memory_space<vmem_shared>>) dst(%dma_wait3A_171 : memref<128x64xf32, #tpu.memory_space<hbm>>)
    return
  }
}

#map = affine_map<(d0, d1) -> (0, 0)>
#map1 = affine_map<(d0, d1) -> (0, 0, 0)>
module attributes {stable_mosaic.version = 14 : i64} {
  func.func @k(%arg0: i32, %arg1: i32, %arg2: memref<10000x64xf32, #tpu.memory_space<hbm>>, %arg3: memref<32x100x100xi32, #tpu.memory_space<hbm>>, %arg4: memref<32x100x100xi32, #tpu.memory_space<hbm>>, %arg5: memref<128x64xf32, #tpu.memory_space<hbm>>, %arg6: memref<2x10240x64xf32, #tpu.memory_space<hbm>>, %arg7: memref<100x100xi32, #tpu.memory_space<vmem>>, %arg8: memref<100x100xi32, #tpu.memory_space<vmem>>, %arg9: memref<100x64xf32, #tpu.memory_space<vmem>>, %arg10: memref<100x64xf32, #tpu.memory_space<vmem>>, %arg11: memref<100x64xf32, #tpu.memory_space<vmem>>, %arg12: memref<100x64xf32, #tpu.memory_space<vmem>>, %arg13: memref<128x64xf32, #tpu.memory_space<vmem>>, %arg14: memref<10240x64xf32, #tpu.memory_space<vmem_shared>>, %arg15: memref<!tpu.dma_semaphore, #tpu.memory_space<semaphore_mem>>, %arg16: memref<!tpu.dma_semaphore, #tpu.memory_space<semaphore_mem>>, %arg17: memref<!tpu.dma_semaphore, #tpu.memory_space<semaphore_mem>>, %arg18: memref<!tpu.dma_semaphore, #tpu.memory_space<semaphore_mem>>) attributes {dimension_semantics = [#tpu.dimension_semantics<core_parallel>, #tpu.dimension_semantics<subcore_parallel>], iteration_bounds = array<i64: 2, 16>, scalar_prefetch = 0 : i64, scratch_operands = 12 : i64, tpu.core_type = #tpu.core_type<sc_vector_subcore>, window_params = [{transform_indices = #map}, {transform_indices = #map1}, {transform_indices = #map1}, {transform_indices = #map}, {transform_indices = #map1}]} {
    %mul3A = arith.constant 16 : i32
    %mul3A_0 = arith.muli %arg0, %mul3A : i32
    %add3A = arith.addi %mul3A_0, %arg1 : i32
    "tpu.region"() ({
      %run_scoped3A = tpu.sem_alloc : memref<!tpu.dma_semaphore, #tpu.memory_space<semaphore_mem>>
      %dma_start3A_174 = arith.constant 0 : i32
      %dma_start3A_175 = arith.constant 0 : i32
      %dma_start3A_176 = tpu.memref_slice %arg3[%add3A, %dma_start3A_174, %dma_start3A_175] : memref<32x100x100xi32, #tpu.memory_space<hbm>> -> memref<1x100x100xi32, #tpu.memory_space<hbm>>
      %dma_start3A_177 = tpu.memref_squeeze %dma_start3A_176 : memref<1x100x100xi32, #tpu.memory_space<hbm>> -> memref<100x100xi32, #tpu.memory_space<hbm>>
      %dma_start3A_178 = arith.constant 0 : i32
      %dma_start3A_179 = arith.constant 0 : i32
      %dma_start3A_180 = tpu.memref_slice %arg3[%add3A, %dma_start3A_178, %dma_start3A_179] : memref<32x100x100xi32, #tpu.memory_space<hbm>> -> memref<1x100x100xi32, #tpu.memory_space<hbm>>
      %dma_start3A_181 = tpu.memref_squeeze %dma_start3A_180 : memref<1x100x100xi32, #tpu.memory_space<hbm>> -> memref<100x100xi32, #tpu.memory_space<hbm>>
      tpu.enqueue_dma source(%dma_start3A_181 : memref<100x100xi32, #tpu.memory_space<hbm>>) target(%arg7 : memref<100x100xi32, #tpu.memory_space<vmem>>) target_semaphore(%run_scoped3A : memref<!tpu.dma_semaphore, #tpu.memory_space<semaphore_mem>>)
      %dma_wait3A_182 = arith.constant 0 : i32
      %dma_wait3A_183 = arith.constant 0 : i32
      %dma_wait3A_184 = tpu.memref_slice %arg3[%add3A, %dma_wait3A_182, %dma_wait3A_183] : memref<32x100x100xi32, #tpu.memory_space<hbm>> -> memref<1x100x100xi32, #tpu.memory_space<hbm>>
      %dma_wait3A_185 = tpu.memref_squeeze %dma_wait3A_184 : memref<1x100x100xi32, #tpu.memory_space<hbm>> -> memref<100x100xi32, #tpu.memory_space<hbm>>
      %dma_wait3A_186 = arith.constant 0 : i32
      %dma_wait3A_187 = arith.constant 0 : i32
      %dma_wait3A_188 = tpu.memref_slice %arg3[%add3A, %dma_wait3A_186, %dma_wait3A_187] : memref<32x100x100xi32, #tpu.memory_space<hbm>> -> memref<1x100x100xi32, #tpu.memory_space<hbm>>
      %dma_wait3A_189 = tpu.memref_squeeze %dma_wait3A_188 : memref<1x100x100xi32, #tpu.memory_space<hbm>> -> memref<100x100xi32, #tpu.memory_space<hbm>>
      tpu.wait_dma2 semaphore(%run_scoped3A : memref<!tpu.dma_semaphore, #tpu.memory_space<semaphore_mem>>) src(%dma_wait3A_189 : memref<100x100xi32, #tpu.memory_space<hbm>>) dst(%arg7 : memref<100x100xi32, #tpu.memory_space<vmem>>)
      tpu.yield
    }) : () -> ()
    "tpu.region"() ({
      %run_scoped3A = tpu.sem_alloc : memref<!tpu.dma_semaphore, #tpu.memory_space<semaphore_mem>>
      %dma_start3A_174 = arith.constant 0 : i32
      %dma_start3A_175 = arith.constant 0 : i32
      %dma_start3A_176 = tpu.memref_slice %arg4[%add3A, %dma_start3A_174, %dma_start3A_175] : memref<32x100x100xi32, #tpu.memory_space<hbm>> -> memref<1x100x100xi32, #tpu.memory_space<hbm>>
      %dma_start3A_177 = tpu.memref_squeeze %dma_start3A_176 : memref<1x100x100xi32, #tpu.memory_space<hbm>> -> memref<100x100xi32, #tpu.memory_space<hbm>>
      %dma_start3A_178 = arith.constant 0 : i32
      %dma_start3A_179 = arith.constant 0 : i32
      %dma_start3A_180 = tpu.memref_slice %arg4[%add3A, %dma_start3A_178, %dma_start3A_179] : memref<32x100x100xi32, #tpu.memory_space<hbm>> -> memref<1x100x100xi32, #tpu.memory_space<hbm>>
      %dma_start3A_181 = tpu.memref_squeeze %dma_start3A_180 : memref<1x100x100xi32, #tpu.memory_space<hbm>> -> memref<100x100xi32, #tpu.memory_space<hbm>>
      tpu.enqueue_dma source(%dma_start3A_181 : memref<100x100xi32, #tpu.memory_space<hbm>>) target(%arg8 : memref<100x100xi32, #tpu.memory_space<vmem>>) target_semaphore(%run_scoped3A : memref<!tpu.dma_semaphore, #tpu.memory_space<semaphore_mem>>)
      %dma_wait3A_182 = arith.constant 0 : i32
      %dma_wait3A_183 = arith.constant 0 : i32
      %dma_wait3A_184 = tpu.memref_slice %arg4[%add3A, %dma_wait3A_182, %dma_wait3A_183] : memref<32x100x100xi32, #tpu.memory_space<hbm>> -> memref<1x100x100xi32, #tpu.memory_space<hbm>>
      %dma_wait3A_185 = tpu.memref_squeeze %dma_wait3A_184 : memref<1x100x100xi32, #tpu.memory_space<hbm>> -> memref<100x100xi32, #tpu.memory_space<hbm>>
      %dma_wait3A_186 = arith.constant 0 : i32
      %dma_wait3A_187 = arith.constant 0 : i32
      %dma_wait3A_188 = tpu.memref_slice %arg4[%add3A, %dma_wait3A_186, %dma_wait3A_187] : memref<32x100x100xi32, #tpu.memory_space<hbm>> -> memref<1x100x100xi32, #tpu.memory_space<hbm>>
      %dma_wait3A_189 = tpu.memref_squeeze %dma_wait3A_188 : memref<1x100x100xi32, #tpu.memory_space<hbm>> -> memref<100x100xi32, #tpu.memory_space<hbm>>
      tpu.wait_dma2 semaphore(%run_scoped3A : memref<!tpu.dma_semaphore, #tpu.memory_space<semaphore_mem>>) src(%dma_wait3A_189 : memref<100x100xi32, #tpu.memory_space<hbm>>) dst(%arg8 : memref<100x100xi32, #tpu.memory_space<vmem>>)
      tpu.yield
    }) : () -> ()
    %dma_start3A = arith.constant 0 : i32
    %dma_start3A_1 = arith.constant 0 : i32
    %dma_start3A_2 = tpu.memref_slice %arg7[%dma_start3A, %dma_start3A_1] : memref<100x100xi32, #tpu.memory_space<vmem>> -> memref<1x100xi32, #tpu.memory_space<vmem>>
    %dma_start3A_3 = tpu.memref_squeeze %dma_start3A_2 : memref<1x100xi32, #tpu.memory_space<vmem>> -> memref<100xi32, #tpu.memory_space<vmem>>
    %dma_start3A_4 = arith.constant 0 : i32
    %dma_start3A_5 = arith.constant 0 : i32
    %dma_start3A_6 = tpu.memref_slice %arg2[%dma_start3A_4, %dma_start3A_5] : memref<10000x64xf32, #tpu.memory_space<hbm>> -> memref<10000x64xf32, #tpu.memory_space<hbm>>
    tpu.enqueue_indirect_dma source(%dma_start3A_6 : memref<10000x64xf32, #tpu.memory_space<hbm>>) target(%arg9 : memref<100x64xf32, #tpu.memory_space<vmem>>) offsets(%dma_start3A_3 : memref<100xi32, #tpu.memory_space<vmem>>) semaphore(%arg15 : memref<!tpu.dma_semaphore, #tpu.memory_space<semaphore_mem>>)
    %dma_start3A_7 = arith.constant 1 : i32
    %dma_start3A_8 = arith.constant 0 : i32
    %dma_start3A_9 = tpu.memref_slice %arg7[%dma_start3A_7, %dma_start3A_8] : memref<100x100xi32, #tpu.memory_space<vmem>> -> memref<1x100xi32, #tpu.memory_space<vmem>>
    %dma_start3A_10 = tpu.memref_squeeze %dma_start3A_9 : memref<1x100xi32, #tpu.memory_space<vmem>> -> memref<100xi32, #tpu.memory_space<vmem>>
    %dma_start3A_11 = arith.constant 0 : i32
    %dma_start3A_12 = arith.constant 0 : i32
    %dma_start3A_13 = tpu.memref_slice %arg2[%dma_start3A_11, %dma_start3A_12] : memref<10000x64xf32, #tpu.memory_space<hbm>> -> memref<10000x64xf32, #tpu.memory_space<hbm>>
    tpu.enqueue_indirect_dma source(%dma_start3A_13 : memref<10000x64xf32, #tpu.memory_space<hbm>>) target(%arg10 : memref<100x64xf32, #tpu.memory_space<vmem>>) offsets(%dma_start3A_10 : memref<100xi32, #tpu.memory_space<vmem>>) semaphore(%arg16 : memref<!tpu.dma_semaphore, #tpu.memory_space<semaphore_mem>>)
    %dma_start3A_14 = arith.constant 2 : i32
    %dma_start3A_15 = arith.constant 0 : i32
    %dma_start3A_16 = tpu.memref_slice %arg7[%dma_start3A_14, %dma_start3A_15] : memref<100x100xi32, #tpu.memory_space<vmem>> -> memref<1x100xi32, #tpu.memory_space<vmem>>
    %dma_start3A_17 = tpu.memref_squeeze %dma_start3A_16 : memref<1x100xi32, #tpu.memory_space<vmem>> -> memref<100xi32, #tpu.memory_space<vmem>>
    %dma_start3A_18 = arith.constant 0 : i32
    %dma_start3A_19 = arith.constant 0 : i32
    %dma_start3A_20 = tpu.memref_slice %arg2[%dma_start3A_18, %dma_start3A_19] : memref<10000x64xf32, #tpu.memory_space<hbm>> -> memref<10000x64xf32, #tpu.memory_space<hbm>>
    tpu.enqueue_indirect_dma source(%dma_start3A_20 : memref<10000x64xf32, #tpu.memory_space<hbm>>) target(%arg11 : memref<100x64xf32, #tpu.memory_space<vmem>>) offsets(%dma_start3A_17 : memref<100xi32, #tpu.memory_space<vmem>>) semaphore(%arg17 : memref<!tpu.dma_semaphore, #tpu.memory_space<semaphore_mem>>)
    %dma_start3A_21 = arith.constant 3 : i32
    %dma_start3A_22 = arith.constant 0 : i32
    %dma_start3A_23 = tpu.memref_slice %arg7[%dma_start3A_21, %dma_start3A_22] : memref<100x100xi32, #tpu.memory_space<vmem>> -> memref<1x100xi32, #tpu.memory_space<vmem>>
    %dma_start3A_24 = tpu.memref_squeeze %dma_start3A_23 : memref<1x100xi32, #tpu.memory_space<vmem>> -> memref<100xi32, #tpu.memory_space<vmem>>
    %dma_start3A_25 = arith.constant 0 : i32
    %dma_start3A_26 = arith.constant 0 : i32
    %dma_start3A_27 = tpu.memref_slice %arg2[%dma_start3A_25, %dma_start3A_26] : memref<10000x64xf32, #tpu.memory_space<hbm>> -> memref<10000x64xf32, #tpu.memory_space<hbm>>
    tpu.enqueue_indirect_dma source(%dma_start3A_27 : memref<10000x64xf32, #tpu.memory_space<hbm>>) target(%arg12 : memref<100x64xf32, #tpu.memory_space<vmem>>) offsets(%dma_start3A_24 : memref<100xi32, #tpu.memory_space<vmem>>) semaphore(%arg18 : memref<!tpu.dma_semaphore, #tpu.memory_space<semaphore_mem>>)
    "tpu.region"() ({
      %run_scoped3A = tpu.sem_alloc : memref<!tpu.dma_semaphore, #tpu.memory_space<semaphore_mem>>
      tpu.enqueue_dma source(%arg5 : memref<128x64xf32, #tpu.memory_space<hbm>>) target(%arg13 : memref<128x64xf32, #tpu.memory_space<vmem>>) target_semaphore(%run_scoped3A : memref<!tpu.dma_semaphore, #tpu.memory_space<semaphore_mem>>)
      tpu.wait_dma2 semaphore(%run_scoped3A : memref<!tpu.dma_semaphore, #tpu.memory_space<semaphore_mem>>) src(%arg5 : memref<128x64xf32, #tpu.memory_space<hbm>>) dst(%arg13 : memref<128x64xf32, #tpu.memory_space<vmem>>)
      tpu.yield
    }) : () -> ()
    %mul3A_28 = arith.constant 640 : i32
    %mul3A_29 = arith.muli %arg1, %mul3A_28 : i32
    %add3A_30 = arith.constant 0 : i32
    %add3A_31 = arith.addi %mul3A_29, %add3A_30 : i32
    "tpu.region"() ({
      %run_scoped3A = tpu.sem_alloc : memref<!tpu.dma_semaphore, #tpu.memory_space<semaphore_mem>>
      %dma_start3A_174 = arith.constant 0 : i32
      %dma_start3A_175 = tpu.memref_slice %arg14[%add3A_31, %dma_start3A_174] : memref<10240x64xf32, #tpu.memory_space<vmem_shared>> -> memref<128x64xf32, #tpu.memory_space<vmem_shared>>
      %dma_start3A_176 = arith.constant 0 : i32
      %dma_start3A_177 = tpu.memref_slice %arg14[%add3A_31, %dma_start3A_176] : memref<10240x64xf32, #tpu.memory_space<vmem_shared>> -> memref<128x64xf32, #tpu.memory_space<vmem_shared>>
      tpu.enqueue_dma source(%arg13 : memref<128x64xf32, #tpu.memory_space<vmem>>) target(%dma_start3A_177 : memref<128x64xf32, #tpu.memory_space<vmem_shared>>) target_semaphore(%run_scoped3A : memref<!tpu.dma_semaphore, #tpu.memory_space<semaphore_mem>>)
      %dma_wait3A_178 = arith.constant 0 : i32
      %dma_wait3A_179 = tpu.memref_slice %arg14[%add3A_31, %dma_wait3A_178] : memref<10240x64xf32, #tpu.memory_space<vmem_shared>> -> memref<128x64xf32, #tpu.memory_space<vmem_shared>>
      %dma_wait3A_180 = arith.constant 0 : i32
      %dma_wait3A_181 = tpu.memref_slice %arg14[%add3A_31, %dma_wait3A_180] : memref<10240x64xf32, #tpu.memory_space<vmem_shared>> -> memref<128x64xf32, #tpu.memory_space<vmem_shared>>
      tpu.wait_dma2 semaphore(%run_scoped3A : memref<!tpu.dma_semaphore, #tpu.memory_space<semaphore_mem>>) src(%arg13 : memref<128x64xf32, #tpu.memory_space<vmem>>) dst(%dma_wait3A_181 : memref<128x64xf32, #tpu.memory_space<vmem_shared>>)
      tpu.yield
    }) : () -> ()
    %mul3A_32 = arith.constant 640 : i32
    %mul3A_33 = arith.muli %arg1, %mul3A_32 : i32
    %add3A_34 = arith.constant 128 : i32
    %add3A_35 = arith.addi %mul3A_33, %add3A_34 : i32
    "tpu.region"() ({
      %run_scoped3A = tpu.sem_alloc : memref<!tpu.dma_semaphore, #tpu.memory_space<semaphore_mem>>
      %dma_start3A_174 = arith.constant 0 : i32
      %dma_start3A_175 = tpu.memref_slice %arg14[%add3A_35, %dma_start3A_174] : memref<10240x64xf32, #tpu.memory_space<vmem_shared>> -> memref<128x64xf32, #tpu.memory_space<vmem_shared>>
      %dma_start3A_176 = arith.constant 0 : i32
      %dma_start3A_177 = tpu.memref_slice %arg14[%add3A_35, %dma_start3A_176] : memref<10240x64xf32, #tpu.memory_space<vmem_shared>> -> memref<128x64xf32, #tpu.memory_space<vmem_shared>>
      tpu.enqueue_dma source(%arg13 : memref<128x64xf32, #tpu.memory_space<vmem>>) target(%dma_start3A_177 : memref<128x64xf32, #tpu.memory_space<vmem_shared>>) target_semaphore(%run_scoped3A : memref<!tpu.dma_semaphore, #tpu.memory_space<semaphore_mem>>)
      %dma_wait3A_178 = arith.constant 0 : i32
      %dma_wait3A_179 = tpu.memref_slice %arg14[%add3A_35, %dma_wait3A_178] : memref<10240x64xf32, #tpu.memory_space<vmem_shared>> -> memref<128x64xf32, #tpu.memory_space<vmem_shared>>
      %dma_wait3A_180 = arith.constant 0 : i32
      %dma_wait3A_181 = tpu.memref_slice %arg14[%add3A_35, %dma_wait3A_180] : memref<10240x64xf32, #tpu.memory_space<vmem_shared>> -> memref<128x64xf32, #tpu.memory_space<vmem_shared>>
      tpu.wait_dma2 semaphore(%run_scoped3A : memref<!tpu.dma_semaphore, #tpu.memory_space<semaphore_mem>>) src(%arg13 : memref<128x64xf32, #tpu.memory_space<vmem>>) dst(%dma_wait3A_181 : memref<128x64xf32, #tpu.memory_space<vmem_shared>>)
      tpu.yield
    }) : () -> ()
    %mul3A_36 = arith.constant 640 : i32
    %mul3A_37 = arith.muli %arg1, %mul3A_36 : i32
    %add3A_38 = arith.constant 256 : i32
    %add3A_39 = arith.addi %mul3A_37, %add3A_38 : i32
    "tpu.region"() ({
      %run_scoped3A = tpu.sem_alloc : memref<!tpu.dma_semaphore, #tpu.memory_space<semaphore_mem>>
      %dma_start3A_174 = arith.constant 0 : i32
      %dma_start3A_175 = tpu.memref_slice %arg14[%add3A_39, %dma_start3A_174] : memref<10240x64xf32, #tpu.memory_space<vmem_shared>> -> memref<128x64xf32, #tpu.memory_space<vmem_shared>>
      %dma_start3A_176 = arith.constant 0 : i32
      %dma_start3A_177 = tpu.memref_slice %arg14[%add3A_39, %dma_start3A_176] : memref<10240x64xf32, #tpu.memory_space<vmem_shared>> -> memref<128x64xf32, #tpu.memory_space<vmem_shared>>
      tpu.enqueue_dma source(%arg13 : memref<128x64xf32, #tpu.memory_space<vmem>>) target(%dma_start3A_177 : memref<128x64xf32, #tpu.memory_space<vmem_shared>>) target_semaphore(%run_scoped3A : memref<!tpu.dma_semaphore, #tpu.memory_space<semaphore_mem>>)
      %dma_wait3A_178 = arith.constant 0 : i32
      %dma_wait3A_179 = tpu.memref_slice %arg14[%add3A_39, %dma_wait3A_178] : memref<10240x64xf32, #tpu.memory_space<vmem_shared>> -> memref<128x64xf32, #tpu.memory_space<vmem_shared>>
      %dma_wait3A_180 = arith.constant 0 : i32
      %dma_wait3A_181 = tpu.memref_slice %arg14[%add3A_39, %dma_wait3A_180] : memref<10240x64xf32, #tpu.memory_space<vmem_shared>> -> memref<128x64xf32, #tpu.memory_space<vmem_shared>>
      tpu.wait_dma2 semaphore(%run_scoped3A : memref<!tpu.dma_semaphore, #tpu.memory_space<semaphore_mem>>) src(%arg13 : memref<128x64xf32, #tpu.memory_space<vmem>>) dst(%dma_wait3A_181 : memref<128x64xf32, #tpu.memory_space<vmem_shared>>)
      tpu.yield
    }) : () -> ()
    %mul3A_40 = arith.constant 640 : i32
    %mul3A_41 = arith.muli %arg1, %mul3A_40 : i32
    %add3A_42 = arith.constant 384 : i32
    %add3A_43 = arith.addi %mul3A_41, %add3A_42 : i32
    "tpu.region"() ({
      %run_scoped3A = tpu.sem_alloc : memref<!tpu.dma_semaphore, #tpu.memory_space<semaphore_mem>>
      %dma_start3A_174 = arith.constant 0 : i32
      %dma_start3A_175 = tpu.memref_slice %arg14[%add3A_43, %dma_start3A_174] : memref<10240x64xf32, #tpu.memory_space<vmem_shared>> -> memref<128x64xf32, #tpu.memory_space<vmem_shared>>
      %dma_start3A_176 = arith.constant 0 : i32
      %dma_start3A_177 = tpu.memref_slice %arg14[%add3A_43, %dma_start3A_176] : memref<10240x64xf32, #tpu.memory_space<vmem_shared>> -> memref<128x64xf32, #tpu.memory_space<vmem_shared>>
      tpu.enqueue_dma source(%arg13 : memref<128x64xf32, #tpu.memory_space<vmem>>) target(%dma_start3A_177 : memref<128x64xf32, #tpu.memory_space<vmem_shared>>) target_semaphore(%run_scoped3A : memref<!tpu.dma_semaphore, #tpu.memory_space<semaphore_mem>>)
      %dma_wait3A_178 = arith.constant 0 : i32
      %dma_wait3A_179 = tpu.memref_slice %arg14[%add3A_43, %dma_wait3A_178] : memref<10240x64xf32, #tpu.memory_space<vmem_shared>> -> memref<128x64xf32, #tpu.memory_space<vmem_shared>>
      %dma_wait3A_180 = arith.constant 0 : i32
      %dma_wait3A_181 = tpu.memref_slice %arg14[%add3A_43, %dma_wait3A_180] : memref<10240x64xf32, #tpu.memory_space<vmem_shared>> -> memref<128x64xf32, #tpu.memory_space<vmem_shared>>
      tpu.wait_dma2 semaphore(%run_scoped3A : memref<!tpu.dma_semaphore, #tpu.memory_space<semaphore_mem>>) src(%arg13 : memref<128x64xf32, #tpu.memory_space<vmem>>) dst(%dma_wait3A_181 : memref<128x64xf32, #tpu.memory_space<vmem_shared>>)
      tpu.yield
    }) : () -> ()
    %mul3A_44 = arith.constant 640 : i32
    %mul3A_45 = arith.muli %arg1, %mul3A_44 : i32
    %add3A_46 = arith.constant 512 : i32
    %add3A_47 = arith.addi %mul3A_45, %add3A_46 : i32
    "tpu.region"() ({
      %run_scoped3A = tpu.sem_alloc : memref<!tpu.dma_semaphore, #tpu.memory_space<semaphore_mem>>
      %dma_start3A_174 = arith.constant 0 : i32
      %dma_start3A_175 = tpu.memref_slice %arg14[%add3A_47, %dma_start3A_174] : memref<10240x64xf32, #tpu.memory_space<vmem_shared>> -> memref<128x64xf32, #tpu.memory_space<vmem_shared>>
      %dma_start3A_176 = arith.constant 0 : i32
      %dma_start3A_177 = tpu.memref_slice %arg14[%add3A_47, %dma_start3A_176] : memref<10240x64xf32, #tpu.memory_space<vmem_shared>> -> memref<128x64xf32, #tpu.memory_space<vmem_shared>>
      tpu.enqueue_dma source(%arg13 : memref<128x64xf32, #tpu.memory_space<vmem>>) target(%dma_start3A_177 : memref<128x64xf32, #tpu.memory_space<vmem_shared>>) target_semaphore(%run_scoped3A : memref<!tpu.dma_semaphore, #tpu.memory_space<semaphore_mem>>)
      %dma_wait3A_178 = arith.constant 0 : i32
      %dma_wait3A_179 = tpu.memref_slice %arg14[%add3A_47, %dma_wait3A_178] : memref<10240x64xf32, #tpu.memory_space<vmem_shared>> -> memref<128x64xf32, #tpu.memory_space<vmem_shared>>
      %dma_wait3A_180 = arith.constant 0 : i32
      %dma_wait3A_181 = tpu.memref_slice %arg14[%add3A_47, %dma_wait3A_180] : memref<10240x64xf32, #tpu.memory_space<vmem_shared>> -> memref<128x64xf32, #tpu.memory_space<vmem_shared>>
      tpu.wait_dma2 semaphore(%run_scoped3A : memref<!tpu.dma_semaphore, #tpu.memory_space<semaphore_mem>>) src(%arg13 : memref<128x64xf32, #tpu.memory_space<vmem>>) dst(%dma_wait3A_181 : memref<128x64xf32, #tpu.memory_space<vmem_shared>>)
      tpu.yield
    }) : () -> ()
    %barrier3A = arith.constant 0 : index
    tpu.barrier barrier_id(%barrier3A)
    %scan3A = arith.constant 0 : i32
    %scan3A_48 = arith.constant 0 : i32
    %scan3A_49 = arith.constant 25 : i32
    %scan3A_50 = arith.addi %scan3A_48, %scan3A_49 : i32
    %scan3A_51 = arith.constant 1 : i32
    %scan3A_52 = scf.for %scan3A_174 = %scan3A_48 to %scan3A_50 step %scan3A_51 iter_args(%scan3A_175 = %scan3A) -> (i32)  : i32 {
      %mul3A_176 = arith.constant 4 : i32
      %mul3A_177 = arith.muli %scan3A_174, %mul3A_176 : i32
      %add3A_178 = arith.constant 0 : i32
      %add3A_179 = arith.addi %mul3A_177, %add3A_178 : i32
      %dma_wait3A_180 = arith.constant 0 : i32
      %dma_wait3A_181 = tpu.memref_slice %arg7[%add3A_179, %dma_wait3A_180] : memref<100x100xi32, #tpu.memory_space<vmem>> -> memref<1x100xi32, #tpu.memory_space<vmem>>
      %dma_wait3A_182 = tpu.memref_squeeze %dma_wait3A_181 : memref<1x100xi32, #tpu.memory_space<vmem>> -> memref<100xi32, #tpu.memory_space<vmem>>
      %dma_wait3A_183 = arith.constant 0 : i32
      %dma_wait3A_184 = arith.constant 0 : i32
      %dma_wait3A_185 = tpu.memref_slice %arg2[%dma_wait3A_183, %dma_wait3A_184] : memref<10000x64xf32, #tpu.memory_space<hbm>> -> memref<10000x64xf32, #tpu.memory_space<hbm>>
      tpu.wait_indirect_dma semaphore(%arg15 : memref<!tpu.dma_semaphore, #tpu.memory_space<semaphore_mem>>) src(%dma_wait3A_185 : memref<10000x64xf32, #tpu.memory_space<hbm>>) dst(%arg9 : memref<100x64xf32, #tpu.memory_space<vmem>>)
      "tpu.region"() ({
        %run_scoped3A = tpu.sem_alloc : memref<!tpu.dma_semaphore, #tpu.memory_space<semaphore_mem>>
        %dma_start3A_234 = arith.constant 0 : i32
        %dma_start3A_235 = tpu.memref_slice %arg8[%add3A_179, %dma_start3A_234] : memref<100x100xi32, #tpu.memory_space<vmem>> -> memref<1x100xi32, #tpu.memory_space<vmem>>
        %dma_start3A_236 = tpu.memref_squeeze %dma_start3A_235 : memref<1x100xi32, #tpu.memory_space<vmem>> -> memref<100xi32, #tpu.memory_space<vmem>>
        %dma_start3A_237 = arith.constant 0 : i32
        %dma_start3A_238 = arith.constant 0 : i32
        %dma_start3A_239 = tpu.memref_slice %arg14[%dma_start3A_237, %dma_start3A_238] : memref<10240x64xf32, #tpu.memory_space<vmem_shared>> -> memref<10240x64xf32, #tpu.memory_space<vmem_shared>>
        tpu.enqueue_indirect_dma source(%arg9 : memref<100x64xf32, #tpu.memory_space<vmem>>) target(%dma_start3A_239 : memref<10240x64xf32, #tpu.memory_space<vmem_shared>>) offsets(%dma_start3A_236 : memref<100xi32, #tpu.memory_space<vmem>>) semaphore(%run_scoped3A : memref<!tpu.dma_semaphore, #tpu.memory_space<semaphore_mem>>) {add = true}
        %dma_wait3A_240 = arith.constant 0 : i32
        %dma_wait3A_241 = tpu.memref_slice %arg8[%add3A_179, %dma_wait3A_240] : memref<100x100xi32, #tpu.memory_space<vmem>> -> memref<1x100xi32, #tpu.memory_space<vmem>>
        %dma_wait3A_242 = tpu.memref_squeeze %dma_wait3A_241 : memref<1x100xi32, #tpu.memory_space<vmem>> -> memref<100xi32, #tpu.memory_space<vmem>>
        %dma_wait3A_243 = arith.constant 0 : i32
        %dma_wait3A_244 = arith.constant 0 : i32
        %dma_wait3A_245 = tpu.memref_slice %arg14[%dma_wait3A_243, %dma_wait3A_244] : memref<10240x64xf32, #tpu.memory_space<vmem_shared>> -> memref<10240x64xf32, #tpu.memory_space<vmem_shared>>
        tpu.wait_indirect_dma semaphore(%run_scoped3A : memref<!tpu.dma_semaphore, #tpu.memory_space<semaphore_mem>>) src(%arg9 : memref<100x64xf32, #tpu.memory_space<vmem>>) dst(%dma_wait3A_245 : memref<10240x64xf32, #tpu.memory_space<vmem_shared>>)
        tpu.yield
      }) : () -> ()
      %lt3A = arith.constant 24 : i32
      %lt3A_186 = arith.cmpi slt, %scan3A_174, %lt3A : i32
      %convert_element_type3A = arith.extui %lt3A_186 : i1 to i32
      %cond3A = arith.constant 0 : i32
      %cond3A_187 = arith.cmpi ne, %convert_element_type3A, %cond3A : i32
      scf.if %cond3A_187 {
        %add3A_234 = arith.constant 4 : i32
        %add3A_235 = arith.addi %add3A_179, %add3A_234 : i32
        %dma_start3A_236 = arith.constant 0 : i32
        %dma_start3A_237 = tpu.memref_slice %arg7[%add3A_235, %dma_start3A_236] : memref<100x100xi32, #tpu.memory_space<vmem>> -> memref<1x100xi32, #tpu.memory_space<vmem>>
        %dma_start3A_238 = tpu.memref_squeeze %dma_start3A_237 : memref<1x100xi32, #tpu.memory_space<vmem>> -> memref<100xi32, #tpu.memory_space<vmem>>
        %dma_start3A_239 = arith.constant 0 : i32
        %dma_start3A_240 = arith.constant 0 : i32
        %dma_start3A_241 = tpu.memref_slice %arg2[%dma_start3A_239, %dma_start3A_240] : memref<10000x64xf32, #tpu.memory_space<hbm>> -> memref<10000x64xf32, #tpu.memory_space<hbm>>
        tpu.enqueue_indirect_dma source(%dma_start3A_241 : memref<10000x64xf32, #tpu.memory_space<hbm>>) target(%arg9 : memref<100x64xf32, #tpu.memory_space<vmem>>) offsets(%dma_start3A_238 : memref<100xi32, #tpu.memory_space<vmem>>) semaphore(%arg15 : memref<!tpu.dma_semaphore, #tpu.memory_space<semaphore_mem>>)
      } else {
      }
      %mul3A_188 = arith.constant 4 : i32
      %mul3A_189 = arith.muli %scan3A_174, %mul3A_188 : i32
      %add3A_190 = arith.constant 1 : i32
      %add3A_191 = arith.addi %mul3A_189, %add3A_190 : i32
      %dma_wait3A_192 = arith.constant 0 : i32
      %dma_wait3A_193 = tpu.memref_slice %arg7[%add3A_191, %dma_wait3A_192] : memref<100x100xi32, #tpu.memory_space<vmem>> -> memref<1x100xi32, #tpu.memory_space<vmem>>
      %dma_wait3A_194 = tpu.memref_squeeze %dma_wait3A_193 : memref<1x100xi32, #tpu.memory_space<vmem>> -> memref<100xi32, #tpu.memory_space<vmem>>
      %dma_wait3A_195 = arith.constant 0 : i32
      %dma_wait3A_196 = arith.constant 0 : i32
      %dma_wait3A_197 = tpu.memref_slice %arg2[%dma_wait3A_195, %dma_wait3A_196] : memref<10000x64xf32, #tpu.memory_space<hbm>> -> memref<10000x64xf32, #tpu.memory_space<hbm>>
      tpu.wait_indirect_dma semaphore(%arg16 : memref<!tpu.dma_semaphore, #tpu.memory_space<semaphore_mem>>) src(%dma_wait3A_197 : memref<10000x64xf32, #tpu.memory_space<hbm>>) dst(%arg10 : memref<100x64xf32, #tpu.memory_space<vmem>>)
      "tpu.region"() ({
        %run_scoped3A = tpu.sem_alloc : memref<!tpu.dma_semaphore, #tpu.memory_space<semaphore_mem>>
        %dma_start3A_234 = arith.constant 0 : i32
        %dma_start3A_235 = tpu.memref_slice %arg8[%add3A_191, %dma_start3A_234] : memref<100x100xi32, #tpu.memory_space<vmem>> -> memref<1x100xi32, #tpu.memory_space<vmem>>
        %dma_start3A_236 = tpu.memref_squeeze %dma_start3A_235 : memref<1x100xi32, #tpu.memory_space<vmem>> -> memref<100xi32, #tpu.memory_space<vmem>>
        %dma_start3A_237 = arith.constant 0 : i32
        %dma_start3A_238 = arith.constant 0 : i32
        %dma_start3A_239 = tpu.memref_slice %arg14[%dma_start3A_237, %dma_start3A_238] : memref<10240x64xf32, #tpu.memory_space<vmem_shared>> -> memref<10240x64xf32, #tpu.memory_space<vmem_shared>>
        tpu.enqueue_indirect_dma source(%arg10 : memref<100x64xf32, #tpu.memory_space<vmem>>) target(%dma_start3A_239 : memref<10240x64xf32, #tpu.memory_space<vmem_shared>>) offsets(%dma_start3A_236 : memref<100xi32, #tpu.memory_space<vmem>>) semaphore(%run_scoped3A : memref<!tpu.dma_semaphore, #tpu.memory_space<semaphore_mem>>) {add = true}
        %dma_wait3A_240 = arith.constant 0 : i32
        %dma_wait3A_241 = tpu.memref_slice %arg8[%add3A_191, %dma_wait3A_240] : memref<100x100xi32, #tpu.memory_space<vmem>> -> memref<1x100xi32, #tpu.memory_space<vmem>>
        %dma_wait3A_242 = tpu.memref_squeeze %dma_wait3A_241 : memref<1x100xi32, #tpu.memory_space<vmem>> -> memref<100xi32, #tpu.memory_space<vmem>>
        %dma_wait3A_243 = arith.constant 0 : i32
        %dma_wait3A_244 = arith.constant 0 : i32
        %dma_wait3A_245 = tpu.memref_slice %arg14[%dma_wait3A_243, %dma_wait3A_244] : memref<10240x64xf32, #tpu.memory_space<vmem_shared>> -> memref<10240x64xf32, #tpu.memory_space<vmem_shared>>
        tpu.wait_indirect_dma semaphore(%run_scoped3A : memref<!tpu.dma_semaphore, #tpu.memory_space<semaphore_mem>>) src(%arg10 : memref<100x64xf32, #tpu.memory_space<vmem>>) dst(%dma_wait3A_245 : memref<10240x64xf32, #tpu.memory_space<vmem_shared>>)
        tpu.yield
      }) : () -> ()
      %lt3A_198 = arith.constant 24 : i32
      %lt3A_199 = arith.cmpi slt, %scan3A_174, %lt3A_198 : i32
      %convert_element_type3A_200 = arith.extui %lt3A_199 : i1 to i32
      %cond3A_201 = arith.constant 0 : i32
      %cond3A_202 = arith.cmpi ne, %convert_element_type3A_200, %cond3A_201 : i32
      scf.if %cond3A_202 {
        %add3A_234 = arith.constant 4 : i32
        %add3A_235 = arith.addi %add3A_191, %add3A_234 : i32
        %dma_start3A_236 = arith.constant 0 : i32
        %dma_start3A_237 = tpu.memref_slice %arg7[%add3A_235, %dma_start3A_236] : memref<100x100xi32, #tpu.memory_space<vmem>> -> memref<1x100xi32, #tpu.memory_space<vmem>>
        %dma_start3A_238 = tpu.memref_squeeze %dma_start3A_237 : memref<1x100xi32, #tpu.memory_space<vmem>> -> memref<100xi32, #tpu.memory_space<vmem>>
        %dma_start3A_239 = arith.constant 0 : i32
        %dma_start3A_240 = arith.constant 0 : i32
        %dma_start3A_241 = tpu.memref_slice %arg2[%dma_start3A_239, %dma_start3A_240] : memref<10000x64xf32, #tpu.memory_space<hbm>> -> memref<10000x64xf32, #tpu.memory_space<hbm>>
        tpu.enqueue_indirect_dma source(%dma_start3A_241 : memref<10000x64xf32, #tpu.memory_space<hbm>>) target(%arg10 : memref<100x64xf32, #tpu.memory_space<vmem>>) offsets(%dma_start3A_238 : memref<100xi32, #tpu.memory_space<vmem>>) semaphore(%arg16 : memref<!tpu.dma_semaphore, #tpu.memory_space<semaphore_mem>>)
      } else {
      }
      %mul3A_203 = arith.constant 4 : i32
      %mul3A_204 = arith.muli %scan3A_174, %mul3A_203 : i32
      %add3A_205 = arith.constant 2 : i32
      %add3A_206 = arith.addi %mul3A_204, %add3A_205 : i32
      %dma_wait3A_207 = arith.constant 0 : i32
      %dma_wait3A_208 = tpu.memref_slice %arg7[%add3A_206, %dma_wait3A_207] : memref<100x100xi32, #tpu.memory_space<vmem>> -> memref<1x100xi32, #tpu.memory_space<vmem>>
      %dma_wait3A_209 = tpu.memref_squeeze %dma_wait3A_208 : memref<1x100xi32, #tpu.memory_space<vmem>> -> memref<100xi32, #tpu.memory_space<vmem>>
      %dma_wait3A_210 = arith.constant 0 : i32
      %dma_wait3A_211 = arith.constant 0 : i32
      %dma_wait3A_212 = tpu.memref_slice %arg2[%dma_wait3A_210, %dma_wait3A_211] : memref<10000x64xf32, #tpu.memory_space<hbm>> -> memref<10000x64xf32, #tpu.memory_space<hbm>>
      tpu.wait_indirect_dma semaphore(%arg17 : memref<!tpu.dma_semaphore, #tpu.memory_space<semaphore_mem>>) src(%dma_wait3A_212 : memref<10000x64xf32, #tpu.memory_space<hbm>>) dst(%arg11 : memref<100x64xf32, #tpu.memory_space<vmem>>)
      "tpu.region"() ({
        %run_scoped3A = tpu.sem_alloc : memref<!tpu.dma_semaphore, #tpu.memory_space<semaphore_mem>>
        %dma_start3A_234 = arith.constant 0 : i32
        %dma_start3A_235 = tpu.memref_slice %arg8[%add3A_206, %dma_start3A_234] : memref<100x100xi32, #tpu.memory_space<vmem>> -> memref<1x100xi32, #tpu.memory_space<vmem>>
        %dma_start3A_236 = tpu.memref_squeeze %dma_start3A_235 : memref<1x100xi32, #tpu.memory_space<vmem>> -> memref<100xi32, #tpu.memory_space<vmem>>
        %dma_start3A_237 = arith.constant 0 : i32
        %dma_start3A_238 = arith.constant 0 : i32
        %dma_start3A_239 = tpu.memref_slice %arg14[%dma_start3A_237, %dma_start3A_238] : memref<10240x64xf32, #tpu.memory_space<vmem_shared>> -> memref<10240x64xf32, #tpu.memory_space<vmem_shared>>
        tpu.enqueue_indirect_dma source(%arg11 : memref<100x64xf32, #tpu.memory_space<vmem>>) target(%dma_start3A_239 : memref<10240x64xf32, #tpu.memory_space<vmem_shared>>) offsets(%dma_start3A_236 : memref<100xi32, #tpu.memory_space<vmem>>) semaphore(%run_scoped3A : memref<!tpu.dma_semaphore, #tpu.memory_space<semaphore_mem>>) {add = true}
        %dma_wait3A_240 = arith.constant 0 : i32
        %dma_wait3A_241 = tpu.memref_slice %arg8[%add3A_206, %dma_wait3A_240] : memref<100x100xi32, #tpu.memory_space<vmem>> -> memref<1x100xi32, #tpu.memory_space<vmem>>
        %dma_wait3A_242 = tpu.memref_squeeze %dma_wait3A_241 : memref<1x100xi32, #tpu.memory_space<vmem>> -> memref<100xi32, #tpu.memory_space<vmem>>
        %dma_wait3A_243 = arith.constant 0 : i32
        %dma_wait3A_244 = arith.constant 0 : i32
        %dma_wait3A_245 = tpu.memref_slice %arg14[%dma_wait3A_243, %dma_wait3A_244] : memref<10240x64xf32, #tpu.memory_space<vmem_shared>> -> memref<10240x64xf32, #tpu.memory_space<vmem_shared>>
        tpu.wait_indirect_dma semaphore(%run_scoped3A : memref<!tpu.dma_semaphore, #tpu.memory_space<semaphore_mem>>) src(%arg11 : memref<100x64xf32, #tpu.memory_space<vmem>>) dst(%dma_wait3A_245 : memref<10240x64xf32, #tpu.memory_space<vmem_shared>>)
        tpu.yield
      }) : () -> ()
      %lt3A_213 = arith.constant 24 : i32
      %lt3A_214 = arith.cmpi slt, %scan3A_174, %lt3A_213 : i32
      %convert_element_type3A_215 = arith.extui %lt3A_214 : i1 to i32
      %cond3A_216 = arith.constant 0 : i32
      %cond3A_217 = arith.cmpi ne, %convert_element_type3A_215, %cond3A_216 : i32
      scf.if %cond3A_217 {
        %add3A_234 = arith.constant 4 : i32
        %add3A_235 = arith.addi %add3A_206, %add3A_234 : i32
        %dma_start3A_236 = arith.constant 0 : i32
        %dma_start3A_237 = tpu.memref_slice %arg7[%add3A_235, %dma_start3A_236] : memref<100x100xi32, #tpu.memory_space<vmem>> -> memref<1x100xi32, #tpu.memory_space<vmem>>
        %dma_start3A_238 = tpu.memref_squeeze %dma_start3A_237 : memref<1x100xi32, #tpu.memory_space<vmem>> -> memref<100xi32, #tpu.memory_space<vmem>>
        %dma_start3A_239 = arith.constant 0 : i32
        %dma_start3A_240 = arith.constant 0 : i32
        %dma_start3A_241 = tpu.memref_slice %arg2[%dma_start3A_239, %dma_start3A_240] : memref<10000x64xf32, #tpu.memory_space<hbm>> -> memref<10000x64xf32, #tpu.memory_space<hbm>>
        tpu.enqueue_indirect_dma source(%dma_start3A_241 : memref<10000x64xf32, #tpu.memory_space<hbm>>) target(%arg11 : memref<100x64xf32, #tpu.memory_space<vmem>>) offsets(%dma_start3A_238 : memref<100xi32, #tpu.memory_space<vmem>>) semaphore(%arg17 : memref<!tpu.dma_semaphore, #tpu.memory_space<semaphore_mem>>)
      } else {
      }
      %mul3A_218 = arith.constant 4 : i32
      %mul3A_219 = arith.muli %scan3A_174, %mul3A_218 : i32
      %add3A_220 = arith.constant 3 : i32
      %add3A_221 = arith.addi %mul3A_219, %add3A_220 : i32
      %dma_wait3A_222 = arith.constant 0 : i32
      %dma_wait3A_223 = tpu.memref_slice %arg7[%add3A_221, %dma_wait3A_222] : memref<100x100xi32, #tpu.memory_space<vmem>> -> memref<1x100xi32, #tpu.memory_space<vmem>>
      %dma_wait3A_224 = tpu.memref_squeeze %dma_wait3A_223 : memref<1x100xi32, #tpu.memory_space<vmem>> -> memref<100xi32, #tpu.memory_space<vmem>>
      %dma_wait3A_225 = arith.constant 0 : i32
      %dma_wait3A_226 = arith.constant 0 : i32
      %dma_wait3A_227 = tpu.memref_slice %arg2[%dma_wait3A_225, %dma_wait3A_226] : memref<10000x64xf32, #tpu.memory_space<hbm>> -> memref<10000x64xf32, #tpu.memory_space<hbm>>
      tpu.wait_indirect_dma semaphore(%arg18 : memref<!tpu.dma_semaphore, #tpu.memory_space<semaphore_mem>>) src(%dma_wait3A_227 : memref<10000x64xf32, #tpu.memory_space<hbm>>) dst(%arg12 : memref<100x64xf32, #tpu.memory_space<vmem>>)
      "tpu.region"() ({
        %run_scoped3A = tpu.sem_alloc : memref<!tpu.dma_semaphore, #tpu.memory_space<semaphore_mem>>
        %dma_start3A_234 = arith.constant 0 : i32
        %dma_start3A_235 = tpu.memref_slice %arg8[%add3A_221, %dma_start3A_234] : memref<100x100xi32, #tpu.memory_space<vmem>> -> memref<1x100xi32, #tpu.memory_space<vmem>>
        %dma_start3A_236 = tpu.memref_squeeze %dma_start3A_235 : memref<1x100xi32, #tpu.memory_space<vmem>> -> memref<100xi32, #tpu.memory_space<vmem>>
        %dma_start3A_237 = arith.constant 0 : i32
        %dma_start3A_238 = arith.constant 0 : i32
        %dma_start3A_239 = tpu.memref_slice %arg14[%dma_start3A_237, %dma_start3A_238] : memref<10240x64xf32, #tpu.memory_space<vmem_shared>> -> memref<10240x64xf32, #tpu.memory_space<vmem_shared>>
        tpu.enqueue_indirect_dma source(%arg12 : memref<100x64xf32, #tpu.memory_space<vmem>>) target(%dma_start3A_239 : memref<10240x64xf32, #tpu.memory_space<vmem_shared>>) offsets(%dma_start3A_236 : memref<100xi32, #tpu.memory_space<vmem>>) semaphore(%run_scoped3A : memref<!tpu.dma_semaphore, #tpu.memory_space<semaphore_mem>>) {add = true}
        %dma_wait3A_240 = arith.constant 0 : i32
        %dma_wait3A_241 = tpu.memref_slice %arg8[%add3A_221, %dma_wait3A_240] : memref<100x100xi32, #tpu.memory_space<vmem>> -> memref<1x100xi32, #tpu.memory_space<vmem>>
        %dma_wait3A_242 = tpu.memref_squeeze %dma_wait3A_241 : memref<1x100xi32, #tpu.memory_space<vmem>> -> memref<100xi32, #tpu.memory_space<vmem>>
        %dma_wait3A_243 = arith.constant 0 : i32
        %dma_wait3A_244 = arith.constant 0 : i32
        %dma_wait3A_245 = tpu.memref_slice %arg14[%dma_wait3A_243, %dma_wait3A_244] : memref<10240x64xf32, #tpu.memory_space<vmem_shared>> -> memref<10240x64xf32, #tpu.memory_space<vmem_shared>>
        tpu.wait_indirect_dma semaphore(%run_scoped3A : memref<!tpu.dma_semaphore, #tpu.memory_space<semaphore_mem>>) src(%arg12 : memref<100x64xf32, #tpu.memory_space<vmem>>) dst(%dma_wait3A_245 : memref<10240x64xf32, #tpu.memory_space<vmem_shared>>)
        tpu.yield
      }) : () -> ()
      %lt3A_228 = arith.constant 24 : i32
      %lt3A_229 = arith.cmpi slt, %scan3A_174, %lt3A_228 : i32
      %convert_element_type3A_230 = arith.extui %lt3A_229 : i1 to i32
      %cond3A_231 = arith.constant 0 : i32
      %cond3A_232 = arith.cmpi ne, %convert_element_type3A_230, %cond3A_231 : i32
      scf.if %cond3A_232 {
        %add3A_234 = arith.constant 4 : i32
        %add3A_235 = arith.addi %add3A_221, %add3A_234 : i32
        %dma_start3A_236 = arith.constant 0 : i32
        %dma_start3A_237 = tpu.memref_slice %arg7[%add3A_235, %dma_start3A_236] : memref<100x100xi32, #tpu.memory_space<vmem>> -> memref<1x100xi32, #tpu.memory_space<vmem>>
        %dma_start3A_238 = tpu.memref_squeeze %dma_start3A_237 : memref<1x100xi32, #tpu.memory_space<vmem>> -> memref<100xi32, #tpu.memory_space<vmem>>
        %dma_start3A_239 = arith.constant 0 : i32
        %dma_start3A_240 = arith.constant 0 : i32
        %dma_start3A_241 = tpu.memref_slice %arg2[%dma_start3A_239, %dma_start3A_240] : memref<10000x64xf32, #tpu.memory_space<hbm>> -> memref<10000x64xf32, #tpu.memory_space<hbm>>
        tpu.enqueue_indirect_dma source(%dma_start3A_241 : memref<10000x64xf32, #tpu.memory_space<hbm>>) target(%arg12 : memref<100x64xf32, #tpu.memory_space<vmem>>) offsets(%dma_start3A_238 : memref<100xi32, #tpu.memory_space<vmem>>) semaphore(%arg18 : memref<!tpu.dma_semaphore, #tpu.memory_space<semaphore_mem>>)
      } else {
      }
      %scan3A_233 = arith.constant 0 : i32
      scf.yield %scan3A_233 : i32
    }
    %scan3A_53 = arith.constant 25 : i32
    %barrier3A_54 = arith.constant 0 : index
    tpu.barrier barrier_id(%barrier3A_54)
    %mul3A_55 = arith.constant 640 : i32
    %mul3A_56 = arith.muli %arg1, %mul3A_55 : i32
    %add3A_57 = arith.constant 0 : i32
    %add3A_58 = arith.addi %mul3A_56, %add3A_57 : i32
    %dma_start3A_59 = arith.constant 0 : i32
    %dma_start3A_60 = arith.constant 0 : i32
    %dma_start3A_61 = tpu.memref_slice %arg6[%arg0, %dma_start3A_59, %dma_start3A_60] : memref<2x10240x64xf32, #tpu.memory_space<hbm>> -> memref<1x10240x64xf32, #tpu.memory_space<hbm>>
    %dma_start3A_62 = tpu.memref_squeeze %dma_start3A_61 : memref<1x10240x64xf32, #tpu.memory_space<hbm>> -> memref<10240x64xf32, #tpu.memory_space<hbm>>
    %dma_start3A_63 = arith.constant 0 : i32
    %dma_start3A_64 = tpu.memref_slice %dma_start3A_62[%add3A_58, %dma_start3A_63] : memref<10240x64xf32, #tpu.memory_space<hbm>> -> memref<128x64xf32, #tpu.memory_space<hbm>>
    %dma_start3A_65 = arith.constant 0 : i32
    %dma_start3A_66 = tpu.memref_slice %arg14[%add3A_58, %dma_start3A_65] : memref<10240x64xf32, #tpu.memory_space<vmem_shared>> -> memref<128x64xf32, #tpu.memory_space<vmem_shared>>
    tpu.enqueue_dma source(%dma_start3A_66 : memref<128x64xf32, #tpu.memory_space<vmem_shared>>) target(%dma_start3A_64 : memref<128x64xf32, #tpu.memory_space<hbm>>) target_semaphore(%arg15 : memref<!tpu.dma_semaphore, #tpu.memory_space<semaphore_mem>>)
    %mul3A_67 = arith.constant 640 : i32
    %mul3A_68 = arith.muli %arg1, %mul3A_67 : i32
    %add3A_69 = arith.constant 128 : i32
    %add3A_70 = arith.addi %mul3A_68, %add3A_69 : i32
    %dma_start3A_71 = arith.constant 0 : i32
    %dma_start3A_72 = arith.constant 0 : i32
    %dma_start3A_73 = tpu.memref_slice %arg6[%arg0, %dma_start3A_71, %dma_start3A_72] : memref<2x10240x64xf32, #tpu.memory_space<hbm>> -> memref<1x10240x64xf32, #tpu.memory_space<hbm>>
    %dma_start3A_74 = tpu.memref_squeeze %dma_start3A_73 : memref<1x10240x64xf32, #tpu.memory_space<hbm>> -> memref<10240x64xf32, #tpu.memory_space<hbm>>
    %dma_start3A_75 = arith.constant 0 : i32
    %dma_start3A_76 = tpu.memref_slice %dma_start3A_74[%add3A_70, %dma_start3A_75] : memref<10240x64xf32, #tpu.memory_space<hbm>> -> memref<128x64xf32, #tpu.memory_space<hbm>>
    %dma_start3A_77 = arith.constant 0 : i32
    %dma_start3A_78 = tpu.memref_slice %arg14[%add3A_70, %dma_start3A_77] : memref<10240x64xf32, #tpu.memory_space<vmem_shared>> -> memref<128x64xf32, #tpu.memory_space<vmem_shared>>
    tpu.enqueue_dma source(%dma_start3A_78 : memref<128x64xf32, #tpu.memory_space<vmem_shared>>) target(%dma_start3A_76 : memref<128x64xf32, #tpu.memory_space<hbm>>) target_semaphore(%arg16 : memref<!tpu.dma_semaphore, #tpu.memory_space<semaphore_mem>>)
    %mul3A_79 = arith.constant 640 : i32
    %mul3A_80 = arith.muli %arg1, %mul3A_79 : i32
    %add3A_81 = arith.constant 256 : i32
    %add3A_82 = arith.addi %mul3A_80, %add3A_81 : i32
    %dma_start3A_83 = arith.constant 0 : i32
    %dma_start3A_84 = arith.constant 0 : i32
    %dma_start3A_85 = tpu.memref_slice %arg6[%arg0, %dma_start3A_83, %dma_start3A_84] : memref<2x10240x64xf32, #tpu.memory_space<hbm>> -> memref<1x10240x64xf32, #tpu.memory_space<hbm>>
    %dma_start3A_86 = tpu.memref_squeeze %dma_start3A_85 : memref<1x10240x64xf32, #tpu.memory_space<hbm>> -> memref<10240x64xf32, #tpu.memory_space<hbm>>
    %dma_start3A_87 = arith.constant 0 : i32
    %dma_start3A_88 = tpu.memref_slice %dma_start3A_86[%add3A_82, %dma_start3A_87] : memref<10240x64xf32, #tpu.memory_space<hbm>> -> memref<128x64xf32, #tpu.memory_space<hbm>>
    %dma_start3A_89 = arith.constant 0 : i32
    %dma_start3A_90 = tpu.memref_slice %arg14[%add3A_82, %dma_start3A_89] : memref<10240x64xf32, #tpu.memory_space<vmem_shared>> -> memref<128x64xf32, #tpu.memory_space<vmem_shared>>
    tpu.enqueue_dma source(%dma_start3A_90 : memref<128x64xf32, #tpu.memory_space<vmem_shared>>) target(%dma_start3A_88 : memref<128x64xf32, #tpu.memory_space<hbm>>) target_semaphore(%arg17 : memref<!tpu.dma_semaphore, #tpu.memory_space<semaphore_mem>>)
    %mul3A_91 = arith.constant 640 : i32
    %mul3A_92 = arith.muli %arg1, %mul3A_91 : i32
    %add3A_93 = arith.constant 384 : i32
    %add3A_94 = arith.addi %mul3A_92, %add3A_93 : i32
    %dma_start3A_95 = arith.constant 0 : i32
    %dma_start3A_96 = arith.constant 0 : i32
    %dma_start3A_97 = tpu.memref_slice %arg6[%arg0, %dma_start3A_95, %dma_start3A_96] : memref<2x10240x64xf32, #tpu.memory_space<hbm>> -> memref<1x10240x64xf32, #tpu.memory_space<hbm>>
    %dma_start3A_98 = tpu.memref_squeeze %dma_start3A_97 : memref<1x10240x64xf32, #tpu.memory_space<hbm>> -> memref<10240x64xf32, #tpu.memory_space<hbm>>
    %dma_start3A_99 = arith.constant 0 : i32
    %dma_start3A_100 = tpu.memref_slice %dma_start3A_98[%add3A_94, %dma_start3A_99] : memref<10240x64xf32, #tpu.memory_space<hbm>> -> memref<128x64xf32, #tpu.memory_space<hbm>>
    %dma_start3A_101 = arith.constant 0 : i32
    %dma_start3A_102 = tpu.memref_slice %arg14[%add3A_94, %dma_start3A_101] : memref<10240x64xf32, #tpu.memory_space<vmem_shared>> -> memref<128x64xf32, #tpu.memory_space<vmem_shared>>
    tpu.enqueue_dma source(%dma_start3A_102 : memref<128x64xf32, #tpu.memory_space<vmem_shared>>) target(%dma_start3A_100 : memref<128x64xf32, #tpu.memory_space<hbm>>) target_semaphore(%arg18 : memref<!tpu.dma_semaphore, #tpu.memory_space<semaphore_mem>>)
    %mul3A_103 = arith.constant 640 : i32
    %mul3A_104 = arith.muli %arg1, %mul3A_103 : i32
    %add3A_105 = arith.constant 512 : i32
    %add3A_106 = arith.addi %mul3A_104, %add3A_105 : i32
    %dma_start3A_107 = arith.constant 0 : i32
    %dma_start3A_108 = arith.constant 0 : i32
    %dma_start3A_109 = tpu.memref_slice %arg6[%arg0, %dma_start3A_107, %dma_start3A_108] : memref<2x10240x64xf32, #tpu.memory_space<hbm>> -> memref<1x10240x64xf32, #tpu.memory_space<hbm>>
    %dma_start3A_110 = tpu.memref_squeeze %dma_start3A_109 : memref<1x10240x64xf32, #tpu.memory_space<hbm>> -> memref<10240x64xf32, #tpu.memory_space<hbm>>
    %dma_start3A_111 = arith.constant 0 : i32
    %dma_start3A_112 = tpu.memref_slice %dma_start3A_110[%add3A_106, %dma_start3A_111] : memref<10240x64xf32, #tpu.memory_space<hbm>> -> memref<128x64xf32, #tpu.memory_space<hbm>>
    %dma_start3A_113 = arith.constant 0 : i32
    %dma_start3A_114 = tpu.memref_slice %arg14[%add3A_106, %dma_start3A_113] : memref<10240x64xf32, #tpu.memory_space<vmem_shared>> -> memref<128x64xf32, #tpu.memory_space<vmem_shared>>
    tpu.enqueue_dma source(%dma_start3A_114 : memref<128x64xf32, #tpu.memory_space<vmem_shared>>) target(%dma_start3A_112 : memref<128x64xf32, #tpu.memory_space<hbm>>) target_semaphore(%arg15 : memref<!tpu.dma_semaphore, #tpu.memory_space<semaphore_mem>>)
    %mul3A_115 = arith.constant 640 : i32
    %mul3A_116 = arith.muli %arg1, %mul3A_115 : i32
    %add3A_117 = arith.constant 0 : i32
    %add3A_118 = arith.addi %mul3A_116, %add3A_117 : i32
    %dma_wait3A = arith.constant 0 : i32
    %dma_wait3A_119 = arith.constant 0 : i32
    %dma_wait3A_120 = tpu.memref_slice %arg6[%arg0, %dma_wait3A, %dma_wait3A_119] : memref<2x10240x64xf32, #tpu.memory_space<hbm>> -> memref<1x10240x64xf32, #tpu.memory_space<hbm>>
    %dma_wait3A_121 = tpu.memref_squeeze %dma_wait3A_120 : memref<1x10240x64xf32, #tpu.memory_space<hbm>> -> memref<10240x64xf32, #tpu.memory_space<hbm>>
    %dma_wait3A_122 = arith.constant 0 : i32
    %dma_wait3A_123 = tpu.memref_slice %dma_wait3A_121[%add3A_118, %dma_wait3A_122] : memref<10240x64xf32, #tpu.memory_space<hbm>> -> memref<128x64xf32, #tpu.memory_space<hbm>>
    %dma_wait3A_124 = arith.constant 0 : i32
    %dma_wait3A_125 = tpu.memref_slice %arg14[%add3A_118, %dma_wait3A_124] : memref<10240x64xf32, #tpu.memory_space<vmem_shared>> -> memref<128x64xf32, #tpu.memory_space<vmem_shared>>
    tpu.wait_dma2 semaphore(%arg15 : memref<!tpu.dma_semaphore, #tpu.memory_space<semaphore_mem>>) src(%dma_wait3A_125 : memref<128x64xf32, #tpu.memory_space<vmem_shared>>) dst(%dma_wait3A_123 : memref<128x64xf32, #tpu.memory_space<hbm>>)
    %mul3A_126 = arith.constant 640 : i32
    %mul3A_127 = arith.muli %arg1, %mul3A_126 : i32
    %add3A_128 = arith.constant 128 : i32
    %add3A_129 = arith.addi %mul3A_127, %add3A_128 : i32
    %dma_wait3A_130 = arith.constant 0 : i32
    %dma_wait3A_131 = arith.constant 0 : i32
    %dma_wait3A_132 = tpu.memref_slice %arg6[%arg0, %dma_wait3A_130, %dma_wait3A_131] : memref<2x10240x64xf32, #tpu.memory_space<hbm>> -> memref<1x10240x64xf32, #tpu.memory_space<hbm>>
    %dma_wait3A_133 = tpu.memref_squeeze %dma_wait3A_132 : memref<1x10240x64xf32, #tpu.memory_space<hbm>> -> memref<10240x64xf32, #tpu.memory_space<hbm>>
    %dma_wait3A_134 = arith.constant 0 : i32
    %dma_wait3A_135 = tpu.memref_slice %dma_wait3A_133[%add3A_129, %dma_wait3A_134] : memref<10240x64xf32, #tpu.memory_space<hbm>> -> memref<128x64xf32, #tpu.memory_space<hbm>>
    %dma_wait3A_136 = arith.constant 0 : i32
    %dma_wait3A_137 = tpu.memref_slice %arg14[%add3A_129, %dma_wait3A_136] : memref<10240x64xf32, #tpu.memory_space<vmem_shared>> -> memref<128x64xf32, #tpu.memory_space<vmem_shared>>
    tpu.wait_dma2 semaphore(%arg16 : memref<!tpu.dma_semaphore, #tpu.memory_space<semaphore_mem>>) src(%dma_wait3A_137 : memref<128x64xf32, #tpu.memory_space<vmem_shared>>) dst(%dma_wait3A_135 : memref<128x64xf32, #tpu.memory_space<hbm>>)
    %mul3A_138 = arith.constant 640 : i32
    %mul3A_139 = arith.muli %arg1, %mul3A_138 : i32
    %add3A_140 = arith.constant 256 : i32
    %add3A_141 = arith.addi %mul3A_139, %add3A_140 : i32
    %dma_wait3A_142 = arith.constant 0 : i32
    %dma_wait3A_143 = arith.constant 0 : i32
    %dma_wait3A_144 = tpu.memref_slice %arg6[%arg0, %dma_wait3A_142, %dma_wait3A_143] : memref<2x10240x64xf32, #tpu.memory_space<hbm>> -> memref<1x10240x64xf32, #tpu.memory_space<hbm>>
    %dma_wait3A_145 = tpu.memref_squeeze %dma_wait3A_144 : memref<1x10240x64xf32, #tpu.memory_space<hbm>> -> memref<10240x64xf32, #tpu.memory_space<hbm>>
    %dma_wait3A_146 = arith.constant 0 : i32
    %dma_wait3A_147 = tpu.memref_slice %dma_wait3A_145[%add3A_141, %dma_wait3A_146] : memref<10240x64xf32, #tpu.memory_space<hbm>> -> memref<128x64xf32, #tpu.memory_space<hbm>>
    %dma_wait3A_148 = arith.constant 0 : i32
    %dma_wait3A_149 = tpu.memref_slice %arg14[%add3A_141, %dma_wait3A_148] : memref<10240x64xf32, #tpu.memory_space<vmem_shared>> -> memref<128x64xf32, #tpu.memory_space<vmem_shared>>
    tpu.wait_dma2 semaphore(%arg17 : memref<!tpu.dma_semaphore, #tpu.memory_space<semaphore_mem>>) src(%dma_wait3A_149 : memref<128x64xf32, #tpu.memory_space<vmem_shared>>) dst(%dma_wait3A_147 : memref<128x64xf32, #tpu.memory_space<hbm>>)
    %mul3A_150 = arith.constant 640 : i32
    %mul3A_151 = arith.muli %arg1, %mul3A_150 : i32
    %add3A_152 = arith.constant 384 : i32
    %add3A_153 = arith.addi %mul3A_151, %add3A_152 : i32
    %dma_wait3A_154 = arith.constant 0 : i32
    %dma_wait3A_155 = arith.constant 0 : i32
    %dma_wait3A_156 = tpu.memref_slice %arg6[%arg0, %dma_wait3A_154, %dma_wait3A_155] : memref<2x10240x64xf32, #tpu.memory_space<hbm>> -> memref<1x10240x64xf32, #tpu.memory_space<hbm>>
    %dma_wait3A_157 = tpu.memref_squeeze %dma_wait3A_156 : memref<1x10240x64xf32, #tpu.memory_space<hbm>> -> memref<10240x64xf32, #tpu.memory_space<hbm>>
    %dma_wait3A_158 = arith.constant 0 : i32
    %dma_wait3A_159 = tpu.memref_slice %dma_wait3A_157[%add3A_153, %dma_wait3A_158] : memref<10240x64xf32, #tpu.memory_space<hbm>> -> memref<128x64xf32, #tpu.memory_space<hbm>>
    %dma_wait3A_160 = arith.constant 0 : i32
    %dma_wait3A_161 = tpu.memref_slice %arg14[%add3A_153, %dma_wait3A_160] : memref<10240x64xf32, #tpu.memory_space<vmem_shared>> -> memref<128x64xf32, #tpu.memory_space<vmem_shared>>
    tpu.wait_dma2 semaphore(%arg18 : memref<!tpu.dma_semaphore, #tpu.memory_space<semaphore_mem>>) src(%dma_wait3A_161 : memref<128x64xf32, #tpu.memory_space<vmem_shared>>) dst(%dma_wait3A_159 : memref<128x64xf32, #tpu.memory_space<hbm>>)
    %mul3A_162 = arith.constant 640 : i32
    %mul3A_163 = arith.muli %arg1, %mul3A_162 : i32
    %add3A_164 = arith.constant 512 : i32
    %add3A_165 = arith.addi %mul3A_163, %add3A_164 : i32
    %dma_wait3A_166 = arith.constant 0 : i32
    %dma_wait3A_167 = arith.constant 0 : i32
    %dma_wait3A_168 = tpu.memref_slice %arg6[%arg0, %dma_wait3A_166, %dma_wait3A_167] : memref<2x10240x64xf32, #tpu.memory_space<hbm>> -> memref<1x10240x64xf32, #tpu.memory_space<hbm>>
    %dma_wait3A_169 = tpu.memref_squeeze %dma_wait3A_168 : memref<1x10240x64xf32, #tpu.memory_space<hbm>> -> memref<10240x64xf32, #tpu.memory_space<hbm>>
    %dma_wait3A_170 = arith.constant 0 : i32
    %dma_wait3A_171 = tpu.memref_slice %dma_wait3A_169[%add3A_165, %dma_wait3A_170] : memref<10240x64xf32, #tpu.memory_space<hbm>> -> memref<128x64xf32, #tpu.memory_space<hbm>>
    %dma_wait3A_172 = arith.constant 0 : i32
    %dma_wait3A_173 = tpu.memref_slice %arg14[%add3A_165, %dma_wait3A_172] : memref<10240x64xf32, #tpu.memory_space<vmem_shared>> -> memref<128x64xf32, #tpu.memory_space<vmem_shared>>
    tpu.wait_dma2 semaphore(%arg15 : memref<!tpu.dma_semaphore, #tpu.memory_space<semaphore_mem>>) src(%dma_wait3A_173 : memref<128x64xf32, #tpu.memory_space<vmem_shared>>) dst(%dma_wait3A_171 : memref<128x64xf32, #tpu.memory_space<hbm>>)
    return
  }
}

module attributes {stable_mosaic.version = 14 : i64} {
  func.func @body(%arg0: i32, %arg1: memref<2000x128xf32, #tpu.memory_space<vmem>>, %arg2: memref<128x64xf32, #tpu.memory_space<vmem>>, %arg3: memref<2000x64xf32, #tpu.memory_space<vmem>>) attributes {dimension_semantics = [#tpu.dimension_semantics<arbitrary>], iteration_bounds = array<i64: 5>, scalar_prefetch = 0 : i64, scratch_operands = 0 : i64, tpu.core_type = #tpu.core_type<tc>, window_params = [{transform_indices = @transform_0, window_bounds = array<i64: 2000, 128>}, {pipeline_mode = #tpu.pipeline_mode<synchronous>, transform_indices = @transform_1, window_bounds = array<i64: 128, 64>}, {transform_indices = @transform_2, window_bounds = array<i64: 2000, 64>}]} {
    %get3A = arith.constant 0 : index
    %get3A_0 = arith.constant 0 : index
    %get3A_1 = vector.load %arg1[%get3A, %get3A_0] : memref<2000x128xf32, #tpu.memory_space<vmem>>, vector<2000x128xf32>
    %get3A_2 = arith.constant 0 : index
    %get3A_3 = arith.constant 0 : index
    %get3A_4 = vector.load %arg2[%get3A_2, %get3A_3] : memref<128x64xf32, #tpu.memory_space<vmem>>, vector<128x64xf32>
    %dot_general3A = arith.constant dense<0.000000e+00> : vector<2000x64xf32>
    %dot_general3A_5 = tpu.matmul %get3A_1, %get3A_4, %dot_general3A {dimension_numbers = #tpu.dot_dimension_numbers<[1], [0], [0], [1], [0, 0, 1, 1], [], []>, precision = #tpu.contract_precision<fp32>, transpose_lhs_hint = false} : vector<2000x128xf32>, vector<128x64xf32>, vector<2000x64xf32> -> vector<2000x64xf32>
    %swap3A = arith.constant 0 : index
    %swap3A_6 = arith.constant 0 : index
    %swap3A_7 = vector.load %arg3[%swap3A, %swap3A_6] : memref<2000x64xf32, #tpu.memory_space<vmem>>, vector<2000x64xf32>
    tpu.vector_store %arg3[%swap3A, %swap3A_6], %dot_general3A_5 {strides = array<i32>} : memref<2000x64xf32, #tpu.memory_space<vmem>>, vector<2000x64xf32>,
    return
  }
  func.func @transform_0(%arg0: i32) -> (i32, i32) {
    %c0_i32 = arith.constant 0 : i32
    %c0_i32_0 = arith.constant 0 : i32
    return %arg0, %c0_i32 : i32, i32
  }
  func.func @transform_1(%arg0: i32) -> (i32, i32) {
    %c0_i32 = arith.constant 0 : i32
    %c0_i32_0 = arith.constant 0 : i32
    %c0_i32_1 = arith.constant 0 : i32
    return %c0_i32, %c0_i32_0 : i32, i32
  }
  func.func @transform_2(%arg0: i32) -> (i32, i32) {
    %c0_i32 = arith.constant 0 : i32
    %c0_i32_0 = arith.constant 0 : i32
    return %arg0, %c0_i32 : i32, i32
  }
}

module attributes {stable_mosaic.version = 14 : i64} {
  func.func @body(%arg0: i32, %arg1: memref<2000x64xf32, #tpu.memory_space<vmem>>, %arg2: memref<2x2000x64xf32, #tpu.memory_space<vmem>>, %arg3: memref<1x64xf32, #tpu.memory_space<vmem>>, %arg4: memref<64x64xf32, #tpu.memory_space<vmem>>, %arg5: memref<1x64xf32, #tpu.memory_space<vmem>>, %arg6: memref<1x64xf32, #tpu.memory_space<vmem>>, %arg7: memref<1x64xf32, #tpu.memory_space<vmem>>, %arg8: memref<64x64xf32, #tpu.memory_space<vmem>>, %arg9: memref<2000x64xf32, #tpu.memory_space<vmem>>) attributes {dimension_semantics = [#tpu.dimension_semantics<arbitrary>], iteration_bounds = array<i64: 5>, scalar_prefetch = 0 : i64, scratch_operands = 0 : i64, tpu.core_type = #tpu.core_type<tc>, window_params = [{transform_indices = @transform_0, window_bounds = array<i64: 2000, 64>}, {transform_indices = @transform_1, window_bounds = array<i64: 2, 2000, 64>}, {pipeline_mode = #tpu.pipeline_mode<synchronous>, transform_indices = @transform_2, window_bounds = array<i64: 1, 64>}, {pipeline_mode = #tpu.pipeline_mode<synchronous>, transform_indices = @transform_3, window_bounds = array<i64: 64, 64>}, {pipeline_mode = #tpu.pipeline_mode<synchronous>, transform_indices = @transform_4, window_bounds = array<i64: 1, 64>}, {pipeline_mode = #tpu.pipeline_mode<synchronous>, transform_indices = @transform_5, window_bounds = array<i64: 1, 64>}, {pipeline_mode = #tpu.pipeline_mode<synchronous>, transform_indices = @transform_6, window_bounds = array<i64: 1, 64>}, {pipeline_mode = #tpu.pipeline_mode<synchronous>, transform_indices = @transform_7, window_bounds = array<i64: 64, 64>}, {transform_indices = @transform_8, window_bounds = array<i64: 2000, 64>}]} {
    %get3A = arith.constant 0 : index
    %get3A_0 = arith.constant 0 : index
    %get3A_1 = vector.load %arg1[%get3A, %get3A_0] : memref<2000x64xf32, #tpu.memory_space<vmem>>, vector<2000x64xf32>
    %get3A_2 = arith.constant 0 : index
    %get3A_3 = arith.constant 0 : index
    %get3A_4 = arith.constant 0 : index
    %get3A_5 = vector.load %arg2[%get3A_2, %get3A_3, %get3A_4] : memref<2x2000x64xf32, #tpu.memory_space<vmem>>, vector<1x2000x64xf32>
    %get3A_6 = vector.shape_cast %get3A_5 : vector<1x2000x64xf32> to vector<2000x64xf32>
    %add3A = arith.addf %get3A_1, %get3A_6 : vector<2000x64xf32>
    %get3A_7 = arith.constant 1 : index
    %get3A_8 = arith.constant 0 : index
    %get3A_9 = arith.constant 0 : index
    %get3A_10 = vector.load %arg2[%get3A_7, %get3A_8, %get3A_9] : memref<2x2000x64xf32, #tpu.memory_space<vmem>>, vector<1x2000x64xf32>
    %get3A_11 = vector.shape_cast %get3A_10 : vector<1x2000x64xf32> to vector<2000x64xf32>
    %add3A_12 = arith.addf %add3A, %get3A_11 : vector<2000x64xf32>
    %get3A_13 = arith.constant 0 : index
    %get3A_14 = arith.constant 0 : index
    %get3A_15 = vector.load %arg3[%get3A_13, %get3A_14] : memref<1x64xf32, #tpu.memory_space<vmem>>, vector<1x64xf32>
    %add3A_16 = vector.broadcast %get3A_15 : vector<1x64xf32> to vector<2000x64xf32>
    %add3A_17 = arith.addf %add3A_12, %add3A_16 : vector<2000x64xf32>
    %max3A = arith.constant 0.000000e+00 : f32
    %max3A_18 = vector.broadcast %max3A : f32 to vector<2000x64xf32>
    %max3A_19 = arith.maximumf %add3A_17, %max3A_18 : vector<2000x64xf32>
    %get3A_20 = arith.constant 0 : index
    %get3A_21 = arith.constant 0 : index
    %get3A_22 = vector.load %arg4[%get3A_20, %get3A_21] : memref<64x64xf32, #tpu.memory_space<vmem>>, vector<64x64xf32>
    %dot_general3A = arith.constant dense<0.000000e+00> : vector<2000x64xf32>
    %dot_general3A_23 = tpu.matmul %max3A_19, %get3A_22, %dot_general3A {dimension_numbers = #tpu.dot_dimension_numbers<[1], [0], [0], [1], [0, 0, 1, 1], [], []>, precision = #tpu.contract_precision<fp32>, transpose_lhs_hint = false} : vector<2000x64xf32>, vector<64x64xf32>, vector<2000x64xf32> -> vector<2000x64xf32>
    %get3A_24 = arith.constant 0 : index
    %get3A_25 = arith.constant 0 : index
    %get3A_26 = vector.load %arg5[%get3A_24, %get3A_25] : memref<1x64xf32, #tpu.memory_space<vmem>>, vector<1x64xf32>
    %add3A_27 = vector.broadcast %get3A_26 : vector<1x64xf32> to vector<2000x64xf32>
    %add3A_28 = arith.addf %dot_general3A_23, %add3A_27 : vector<2000x64xf32>
    %reduce_sum3A = arith.constant dense<0.000000e+00> : vector<2000xf32>
    %reduce_sum3A_29 = vector.multi_reduction <add>, %add3A_28, %reduce_sum3A [1] : vector<2000x64xf32> to vector<2000xf32>
    %broadcast_in_dim3A = vector.shape_cast %reduce_sum3A_29 : vector<2000xf32> to vector<2000x1xf32>
    %div3A = arith.constant 6.400000e+01 : f32
    %div3A_30 = vector.broadcast %div3A : f32 to vector<2000x1xf32>
    %div3A_31 = arith.divf %broadcast_in_dim3A, %div3A_30 : vector<2000x1xf32>
    %sub3A = vector.broadcast %div3A_31 : vector<2000x1xf32> to vector<2000x64xf32>
    %sub3A_32 = arith.subf %add3A_28, %sub3A : vector<2000x64xf32>
    %integer_pow3A = arith.mulf %sub3A_32, %sub3A_32 : vector<2000x64xf32>
    %reduce_sum3A_33 = arith.constant dense<0.000000e+00> : vector<2000xf32>
    %reduce_sum3A_34 = vector.multi_reduction <add>, %integer_pow3A, %reduce_sum3A_33 [1] : vector<2000x64xf32> to vector<2000xf32>
    %broadcast_in_dim3A_35 = vector.shape_cast %reduce_sum3A_34 : vector<2000xf32> to vector<2000x1xf32>
    %div3A_36 = arith.constant 6.400000e+01 : f32
    %div3A_37 = vector.broadcast %div3A_36 : f32 to vector<2000x1xf32>
    %div3A_38 = arith.divf %broadcast_in_dim3A_35, %div3A_37 : vector<2000x1xf32>
    %sub3A_39 = vector.broadcast %div3A_31 : vector<2000x1xf32> to vector<2000x64xf32>
    %sub3A_40 = arith.subf %add3A_28, %sub3A_39 : vector<2000x64xf32>
    %add3A_41 = arith.constant 9.99999974E-6 : f32
    %add3A_42 = vector.broadcast %add3A_41 : f32 to vector<2000x1xf32>
    %add3A_43 = arith.addf %div3A_38, %add3A_42 : vector<2000x1xf32>
    %sqrt3A = math.sqrt %add3A_43 : vector<2000x1xf32>
    %div3A_44 = vector.broadcast %sqrt3A : vector<2000x1xf32> to vector<2000x64xf32>
    %div3A_45 = arith.divf %sub3A_40, %div3A_44 : vector<2000x64xf32>
    %get3A_46 = arith.constant 0 : index
    %get3A_47 = arith.constant 0 : index
    %get3A_48 = vector.load %arg6[%get3A_46, %get3A_47] : memref<1x64xf32, #tpu.memory_space<vmem>>, vector<1x64xf32>
    %mul3A = vector.broadcast %get3A_48 : vector<1x64xf32> to vector<2000x64xf32>
    %mul3A_49 = arith.mulf %div3A_45, %mul3A : vector<2000x64xf32>
    %get3A_50 = arith.constant 0 : index
    %get3A_51 = arith.constant 0 : index
    %get3A_52 = vector.load %arg7[%get3A_50, %get3A_51] : memref<1x64xf32, #tpu.memory_space<vmem>>, vector<1x64xf32>
    %add3A_53 = vector.broadcast %get3A_52 : vector<1x64xf32> to vector<2000x64xf32>
    %add3A_54 = arith.addf %mul3A_49, %add3A_53 : vector<2000x64xf32>
    %max3A_55 = arith.constant 0.000000e+00 : f32
    %max3A_56 = vector.broadcast %max3A_55 : f32 to vector<2000x64xf32>
    %max3A_57 = arith.maximumf %add3A_54, %max3A_56 : vector<2000x64xf32>
    %get3A_58 = arith.constant 0 : index
    %get3A_59 = arith.constant 0 : index
    %get3A_60 = vector.load %arg8[%get3A_58, %get3A_59] : memref<64x64xf32, #tpu.memory_space<vmem>>, vector<64x64xf32>
    %dot_general3A_61 = arith.constant dense<0.000000e+00> : vector<2000x64xf32>
    %dot_general3A_62 = tpu.matmul %max3A_57, %get3A_60, %dot_general3A_61 {dimension_numbers = #tpu.dot_dimension_numbers<[1], [0], [0], [1], [0, 0, 1, 1], [], []>, precision = #tpu.contract_precision<fp32>, transpose_lhs_hint = false} : vector<2000x64xf32>, vector<64x64xf32>, vector<2000x64xf32> -> vector<2000x64xf32>
    %swap3A = arith.constant 0 : index
    %swap3A_63 = arith.constant 0 : index
    %swap3A_64 = vector.load %arg9[%swap3A, %swap3A_63] : memref<2000x64xf32, #tpu.memory_space<vmem>>, vector<2000x64xf32>
    tpu.vector_store %arg9[%swap3A, %swap3A_63], %dot_general3A_62 {strides = array<i32>} : memref<2000x64xf32, #tpu.memory_space<vmem>>, vector<2000x64xf32>,
    return
  }
  func.func @transform_0(%arg0: i32) -> (i32, i32) {
    %c0_i32 = arith.constant 0 : i32
    %c0_i32_0 = arith.constant 0 : i32
    return %arg0, %c0_i32 : i32, i32
  }
  func.func @transform_1(%arg0: i32) -> (i32, i32, i32) {
    %c0_i32 = arith.constant 0 : i32
    %c0_i32_0 = arith.constant 0 : i32
    %c0_i32_1 = arith.constant 0 : i32
    return %c0_i32, %arg0, %c0_i32_0 : i32, i32, i32
  }
  func.func @transform_2(%arg0: i32) -> (i32, i32) {
    %c0_i32 = arith.constant 0 : i32
    %c0_i32_0 = arith.constant 0 : i32
    %c0_i32_1 = arith.constant 0 : i32
    return %c0_i32, %c0_i32_0 : i32, i32
  }
  func.func @transform_3(%arg0: i32) -> (i32, i32) {
    %c0_i32 = arith.constant 0 : i32
    %c0_i32_0 = arith.constant 0 : i32
    %c0_i32_1 = arith.constant 0 : i32
    return %c0_i32, %c0_i32_0 : i32, i32
  }
  func.func @transform_4(%arg0: i32) -> (i32, i32) {
    %c0_i32 = arith.constant 0 : i32
    %c0_i32_0 = arith.constant 0 : i32
    %c0_i32_1 = arith.constant 0 : i32
    return %c0_i32, %c0_i32_0 : i32, i32
  }
  func.func @transform_5(%arg0: i32) -> (i32, i32) {
    %c0_i32 = arith.constant 0 : i32
    %c0_i32_0 = arith.constant 0 : i32
    %c0_i32_1 = arith.constant 0 : i32
    return %c0_i32, %c0_i32_0 : i32, i32
  }
  func.func @transform_6(%arg0: i32) -> (i32, i32) {
    %c0_i32 = arith.constant 0 : i32
    %c0_i32_0 = arith.constant 0 : i32
    %c0_i32_1 = arith.constant 0 : i32
    return %c0_i32, %c0_i32_0 : i32, i32
  }
  func.func @transform_7(%arg0: i32) -> (i32, i32) {
    %c0_i32 = arith.constant 0 : i32
    %c0_i32_0 = arith.constant 0 : i32
    %c0_i32_1 = arith.constant 0 : i32
    return %c0_i32, %c0_i32_0 : i32, i32
  }
  func.func @transform_8(%arg0: i32) -> (i32, i32) {
    %c0_i32 = arith.constant 0 : i32
    %c0_i32_0 = arith.constant 0 : i32
    return %arg0, %c0_i32 : i32, i32
  }
}

module attributes {stable_mosaic.version = 14 : i64} {
  func.func @body(%arg0: i32, %arg1: memref<2000x64xf32, #tpu.memory_space<vmem>>, %arg2: memref<2x2000x64xf32, #tpu.memory_space<vmem>>, %arg3: memref<1x64xf32, #tpu.memory_space<vmem>>, %arg4: memref<64x128xf32, #tpu.memory_space<vmem>>, %arg5: memref<1x128xf32, #tpu.memory_space<vmem>>, %arg6: memref<2000x128xf32, #tpu.memory_space<vmem>>) attributes {dimension_semantics = [#tpu.dimension_semantics<arbitrary>], iteration_bounds = array<i64: 5>, scalar_prefetch = 0 : i64, scratch_operands = 0 : i64, tpu.core_type = #tpu.core_type<tc>, window_params = [{transform_indices = @transform_0, window_bounds = array<i64: 2000, 64>}, {transform_indices = @transform_1, window_bounds = array<i64: 2, 2000, 64>}, {pipeline_mode = #tpu.pipeline_mode<synchronous>, transform_indices = @transform_2, window_bounds = array<i64: 1, 64>}, {pipeline_mode = #tpu.pipeline_mode<synchronous>, transform_indices = @transform_3, window_bounds = array<i64: 64, 128>}, {pipeline_mode = #tpu.pipeline_mode<synchronous>, transform_indices = @transform_4, window_bounds = array<i64: 1, 128>}, {transform_indices = @transform_5, window_bounds = array<i64: 2000, 128>}]} {
    %get3A = arith.constant 0 : index
    %get3A_0 = arith.constant 0 : index
    %get3A_1 = vector.load %arg1[%get3A, %get3A_0] : memref<2000x64xf32, #tpu.memory_space<vmem>>, vector<2000x64xf32>
    %get3A_2 = arith.constant 0 : index
    %get3A_3 = arith.constant 0 : index
    %get3A_4 = arith.constant 0 : index
    %get3A_5 = vector.load %arg2[%get3A_2, %get3A_3, %get3A_4] : memref<2x2000x64xf32, #tpu.memory_space<vmem>>, vector<1x2000x64xf32>
    %get3A_6 = vector.shape_cast %get3A_5 : vector<1x2000x64xf32> to vector<2000x64xf32>
    %add3A = arith.addf %get3A_1, %get3A_6 : vector<2000x64xf32>
    %get3A_7 = arith.constant 1 : index
    %get3A_8 = arith.constant 0 : index
    %get3A_9 = arith.constant 0 : index
    %get3A_10 = vector.load %arg2[%get3A_7, %get3A_8, %get3A_9] : memref<2x2000x64xf32, #tpu.memory_space<vmem>>, vector<1x2000x64xf32>
    %get3A_11 = vector.shape_cast %get3A_10 : vector<1x2000x64xf32> to vector<2000x64xf32>
    %add3A_12 = arith.addf %add3A, %get3A_11 : vector<2000x64xf32>
    %get3A_13 = arith.constant 0 : index
    %get3A_14 = arith.constant 0 : index
    %get3A_15 = vector.load %arg3[%get3A_13, %get3A_14] : memref<1x64xf32, #tpu.memory_space<vmem>>, vector<1x64xf32>
    %add3A_16 = vector.broadcast %get3A_15 : vector<1x64xf32> to vector<2000x64xf32>
    %add3A_17 = arith.addf %add3A_12, %add3A_16 : vector<2000x64xf32>
    %max3A = arith.constant 0.000000e+00 : f32
    %max3A_18 = vector.broadcast %max3A : f32 to vector<2000x64xf32>
    %max3A_19 = arith.maximumf %add3A_17, %max3A_18 : vector<2000x64xf32>
    %get3A_20 = arith.constant 0 : index
    %get3A_21 = arith.constant 0 : index
    %get3A_22 = vector.load %arg4[%get3A_20, %get3A_21] : memref<64x128xf32, #tpu.memory_space<vmem>>, vector<64x128xf32>
    %dot_general3A = arith.constant dense<0.000000e+00> : vector<2000x128xf32>
    %dot_general3A_23 = tpu.matmul %max3A_19, %get3A_22, %dot_general3A {dimension_numbers = #tpu.dot_dimension_numbers<[1], [0], [0], [1], [0, 0, 1, 1], [], []>, precision = #tpu.contract_precision<fp32>, transpose_lhs_hint = false} : vector<2000x64xf32>, vector<64x128xf32>, vector<2000x128xf32> -> vector<2000x128xf32>
    %get3A_24 = arith.constant 0 : index
    %get3A_25 = arith.constant 0 : index
    %get3A_26 = vector.load %arg5[%get3A_24, %get3A_25] : memref<1x128xf32, #tpu.memory_space<vmem>>, vector<1x128xf32>
    %add3A_27 = vector.broadcast %get3A_26 : vector<1x128xf32> to vector<2000x128xf32>
    %add3A_28 = arith.addf %dot_general3A_23, %add3A_27 : vector<2000x128xf32>
    %swap3A = arith.constant 0 : index
    %swap3A_29 = arith.constant 0 : index
    %swap3A_30 = vector.load %arg6[%swap3A, %swap3A_29] : memref<2000x128xf32, #tpu.memory_space<vmem>>, vector<2000x128xf32>
    tpu.vector_store %arg6[%swap3A, %swap3A_29], %add3A_28 {strides = array<i32>} : memref<2000x128xf32, #tpu.memory_space<vmem>>, vector<2000x128xf32>,
    return
  }
  func.func @transform_0(%arg0: i32) -> (i32, i32) {
    %c0_i32 = arith.constant 0 : i32
    %c0_i32_0 = arith.constant 0 : i32
    return %arg0, %c0_i32 : i32, i32
  }
  func.func @transform_1(%arg0: i32) -> (i32, i32, i32) {
    %c0_i32 = arith.constant 0 : i32
    %c0_i32_0 = arith.constant 0 : i32
    %c0_i32_1 = arith.constant 0 : i32
    return %c0_i32, %arg0, %c0_i32_0 : i32, i32, i32
  }
  func.func @transform_2(%arg0: i32) -> (i32, i32) {
    %c0_i32 = arith.constant 0 : i32
    %c0_i32_0 = arith.constant 0 : i32
    %c0_i32_1 = arith.constant 0 : i32
    return %c0_i32, %c0_i32_0 : i32, i32
  }
  func.func @transform_3(%arg0: i32) -> (i32, i32) {
    %c0_i32 = arith.constant 0 : i32
    %c0_i32_0 = arith.constant 0 : i32
    %c0_i32_1 = arith.constant 0 : i32
    return %c0_i32, %c0_i32_0 : i32, i32
  }
  func.func @transform_4(%arg0: i32) -> (i32, i32) {
    %c0_i32 = arith.constant 0 : i32
    %c0_i32_0 = arith.constant 0 : i32
    %c0_i32_1 = arith.constant 0 : i32
    return %c0_i32, %c0_i32_0 : i32, i32
  }
  func.func @transform_5(%arg0: i32) -> (i32, i32) {
    %c0_i32 = arith.constant 0 : i32
    %c0_i32_0 = arith.constant 0 : i32
    return %arg0, %c0_i32 : i32, i32
  }
}

</mosaic_0001>

<sc_bundles>
// kernel: kernel.11.cloned.1.call-start
scs
__scs_entry_jumppad:
0x0: {  	(pc) =	sbr.rel $0x88, $3  }
0x1: {  	(tag) =	ssettag $0x0;
	lr =	simm.s32 $0x1  }
0x2: {  	[smem:$0x3F89] =	sst lr;
	_ =	strace $0xD0000000  }
0x3: {  	_ = 	snop  }
0x4: {  	_ = 	snop  }
0x5: {  	_ = 	snop  }
0x6: {  	_ = 	snop  }
0x7: {  	_ = 	snop  }
__scs_overlays_trampoline_lowered:
0x8: {  	[smem:$0x3F98] =	sst s0  }
0x9: {  	[smem:$0x3F99] =	sst s1  }
0xa: {  	[smem:$0x3F9A] =	sst s2  }
0xb: {  	[smem:$0x3F9B] =	sst s3  }
0xc: {  	[smem:$0x3F9C] =	sst s4  }
0xd: {  	[smem:$0x3F9D] =	sst s5  }
0xe: {  	[smem:$0x3F9E] =	sst s6  }
0xf: {  	[smem:$0x3F9F] =	sst s7  }
0x10: {  	[smem:$0x3FA0] =	sst s8  }
0x11: {  	[smem:$0x3FA1] =	sst s9;
	s0 =	simm.s32 @!p0 $0x0  }
0x12: {  	s1 =	sld [smem:$0x3F87];
	s0 =	simm.s32 @p0 $0x1  }
0x13: {  	[smem:$0x3FA2] =	sst s0;
	s0 =	simm.s32 @!p1 $0x0  }
0x14: {  	s2 =	sld [smem:$0x3F86];
	s0 =	simm.s32 @p1 $0x1  }
0x15: {  	[smem:$0x3FA3] =	sst s0;
	s0 =	simm.s32 @!p2 $0x0  }
0x16: {  	s3 =	sld [smem:$0x3FDB];
	s0 =	simm.s32 @p2 $0x1  }
0x17: {  	s4 =	simm.s32 $0x1BF5;
	[smem:$0x3FA5] =	sst s0  }
0x18: {  	s0 =	sld [smem:$0x3F88];
	_ =	swait.ge [sflag:s4], $0x0  }
0x19: {  	s7 =	sld [smem:$0x3F89]  }
0x1a: {  	s8 =	sadd.s32 $0xFFFFE003, lr  }
0x1b: {  	s9 =	sadd.s32 $0xFFFFFEF7, lr;
	s5 =	simm.s32 $0xFFFFFFFF;
	p2 =	slt.u32 s8, $0xFFFFF086  }
0x1c: {  	p1 =	slt.u32 s9, $0xF7A;
	s5 =	simm.s32 @!p2 $0x0  }
0x1d: {  	s5 =	simm.s32 @p1 $0x1;
	p0 =	seq.s32 s7, s2  }
0x1e: {  	s7 =	smul.u32 @!p0 $0xF7A, s2;
	p2 =	seq.s32 @!p0 s5, $0x0  }
0x1f: {  	s9 =	smul.u32 $0xF7A, s1;
	s8 =	simm.s32 @!p0 $0x1BF5;
	p2 =	por !p2, p0  }
0x20: {  	[sflag:s8] =	ssyncset.s32 @!p0 $0xFFFFF086;
	s6 =	sadd.s32 @!p0 s3, s7;
	s7 =	simm.s32 @!p0 $0x108  }
0x21: {  	s3 =	sadd.s32 s3, s9;
	s6 =	sadd.s32 @!p0 $0x88, s6;
	s7 =	simm.s32 @p2 $0x1082  }
0x22: {  	[simem:s7], [sflag:s8] =	dma.local @!p0 [hbm:s6], $0xF7A  }
0x23: {  	s9 =	sor.u32 $0xD0000000, s2;
	s6 =	simm.s32 $0x108;
	_ =	swait.ge @!p0 [sflag:s8], $0x0  }
0x24: {  	s3 =	sadd.s32 $0x88, s3;
	s6 =	simm.s32 @!p1 $0x1082;
	[sflag:s4] =	ssyncset.s32 $0xFFFFF086  }
0x25: {  	[simem:s6], [sflag:s4] =	dma.local [hbm:s3], $0xF7A  }
0x26: {  	[smem:$0x3F89] =	sst s1;
	(tag) =	ssettag s2;
	_ =	strace s9  }
0x27: {  	s1 =	sld [smem:$0x3F99]  }
0x28: {  	s2 =	sld [smem:$0x3F9A]  }
0x29: {  	s4 =	sld [smem:$0x3F9C]  }
0x2a: {  	p0 =	seq.s32 s5, $0x0;
	s5 =	sld [smem:$0x3F9D]  }
0x2b: {  	s6 =	sld [smem:$0x3F9E]  }
0x2c: {  	s7 =	sld [smem:$0x3F9F]  }
0x2d: {  	s3 =	simm.s32 $0x108;
	s8 =	sld [smem:$0x3FA0]  }
0x2e: {  	s3 =	simm.s32 @!p0 $0x1082;
	s9 =	sld [smem:$0x3FA1]  }
0x2f: {  	lr =	sadd.s32 s0, s3;
	s0 =	sld [smem:$0x3F98]  }
0x30: {  	s3 =	sld [smem:$0x3F9B]  }
0x31: {  	[smem:$0x3FA4] =	sst s10  }
0x32: {  	s10 =	sld [smem:$0x3FA2];
	_ =	sdelay $0x3  }
0x33: {  	p0 =	seq.s32 s10, $0x1;
	s10 =	sld [smem:$0x3FA4];
	_ =	sdelay $0x3  }
0x34: {  	[smem:$0x3FA4] =	sst s10  }
0x35: {  	s10 =	sld [smem:$0x3FA3];
	_ =	sdelay $0x3  }
0x36: {  	p1 =	seq.s32 s10, $0x1;
	s10 =	sld [smem:$0x3FA4];
	_ =	sdelay $0x3  }
0x37: {  	[smem:$0x3FA4] =	sst s10  }
0x38: {  	s10 =	sld [smem:$0x3FA5]  }
0x39: {  	_ = 	snop;
	(pc) =	sbr.ind lr, $3  }
0x3a: {  	_ = 	snop  }
0x3b: {  	_ = 	snop  }
0x3c: {  	p2 =	seq.s32 s10, $0x1;
	s10 =	sld [smem:$0x3FA4]  }
0x3d: {  	_ =	shalt  }
0x3e: {  	_ =	shalt  }
0x3f: {  	_ =	shalt  }
0x40: {  	_ =	shalt  }
0x41: {  	_ =	shalt  }
0x42: {  	_ =	shalt  }
0x43: {  	_ =	shalt  }
0x44: {  	_ =	shalt  }
0x45: {  	_ =	shalt  }
0x46: {  	_ =	shalt  }
0x47: {  	_ =	shalt  }
0x48: {  	_ =	shalt  }
0x49: {  	_ =	shalt  }
0x4a: {  	_ =	shalt  }
0x4b: {  	_ =	shalt  }
0x4c: {  	_ =	shalt  }
0x4d: {  	_ =	shalt  }
0x4e: {  	_ =	shalt  }
0x4f: {  	_ =	shalt  }
0x50: {  	_ =	shalt  }
0x51: {  	_ =	shalt  }
0x52: {  	_ =	shalt  }
0x53: {  	_ =	shalt  }
0x54: {  	_ =	shalt  }
0x55: {  	_ =	shalt  }
0x56: {  	_ =	shalt  }
0x57: {  	_ =	shalt  }
0x58: {  	_ =	shalt  }
0x59: {  	_ =	shalt  }
0x5a: {  	_ =	shalt  }
0x5b: {  	_ =	shalt  }
0x5c: {  	_ =	shalt  }
0x5d: {  	_ =	shalt  }
0x5e: {  	_ =	shalt  }
0x5f: {  	_ =	shalt  }
0x60: {  	_ =	shalt  }
0x61: {  	_ =	shalt  }
0x62: {  	_ =	shalt  }
0x63: {  	_ =	shalt  }
0x64: {  	_ =	shalt  }
0x65: {  	_ =	shalt  }
0x66: {  	_ =	shalt  }
0x67: {  	_ =	shalt  }
0x68: {  	_ =	shalt  }
0x69: {  	_ =	shalt  }
0x6a: {  	_ =	shalt  }
0x6b: {  	_ =	shalt  }
0x6c: {  	_ =	shalt  }
0x6d: {  	_ =	shalt  }
0x6e: {  	_ =	shalt  }
0x6f: {  	_ =	shalt  }
0x70: {  	_ =	shalt  }
0x71: {  	_ =	shalt  }
0x72: {  	_ =	shalt  }
0x73: {  	_ =	shalt  }
0x74: {  	_ =	shalt  }
0x75: {  	_ =	shalt  }
0x76: {  	_ =	shalt  }
0x77: {  	_ =	shalt  }
0x78: {  	_ =	shalt  }
0x79: {  	_ =	shalt  }
0x7a: {  	_ =	shalt  }
0x7b: {  	_ =	shalt  }
0x7c: {  	_ =	shalt  }
0x7d: {  	_ =	shalt  }
0x7e: {  	_ =	shalt  }
0x7f: {  	_ =	shalt  }
0x80: {  	_ =	shalt  }
0x81: {  	_ =	shalt  }
0x82: {  	_ =	shalt  }
0x83: {  	_ =	shalt  }
0x84: {  	_ =	shalt  }
0x85: {  	_ =	shalt  }
0x86: {  	_ =	shalt  }
0x87: {  	_ =	shalt  }
.Lfunc_end0:
.L_simem_size_0:
called_computation_lowered:
.L_overlay_start_0:
0x88: {  	s2 =	sld [smem:$0x3FD9]  }
0x89: {  	s3 =	sld [smem:$0x3FFE];
	_ =	sdelay $0x1  }
0x8a: {  	s1 =	srdreg.scid  }
0x8b: {  	s0 =	sand.u32 $0x1, s1  }
0x8c: {  	s17 =	sshll.u32 s0, $0xA;
	s2 =	sadd.s32 s3, s2  }
0x8d: {  	s2 =	sadd.s32 s2, s17  }
0x8e: {  	[smem:$0x3FB0] =	sst s2  }
0x8f: {  	_ = 	snop  }
0x90: {  	s2 =	sld [smem:$0x3FD0];
	(tm) =	ssettm $0x1  }
0x91: {  	s18 =	sld [smem:$0x3FFB];
	_ =	sdelay $0x3  }
0x92: {  	_ =	strace s18  }
0x93: {  	s3 =	sld [smem:$0x3FFC];
	_ =	sdelay $0x3  }
0x94: {  	_ =	strace s3  }
0x95: {  	s3 =	sld [smem:$0x3FFD];
	_ =	sdelay $0x3  }
0x96: {  	_ =	strace s3  }
0x97: {  	_ =	strace $0x8FFFFFFF  }
0x98: {  	s19 =	sld [smem:$0x3FDB];
	_ =	sdelay $0x1  }
0x99: {  	s4 =	simm.s32 $_scs_section_size  }
0x9a: {  	s5 =	simm.s32 $_size__tile_overlayer_lowered;
	s6 =	simm.s32 $_tile_overlayer_lowered  }
0x9b: {  	s22 =	simm.s32 $0x1BFF;
	s21 =	sshll.u32 s6, $0x1;
	s3 =	sadd.s32 s4, s19  }
0x9c: {  	s7 =	simm.s32 $0x0;
	s20 =	sshll.u32 s5, $0x1;
	s5 =	sadd.s32 s21, s3  }
0x9d: {  	[timem:s7], [sflag:s22] =	dma.local [hbm:s5], s20  }
0x9e: {  	_ =	swait.ge [sflag:s22], s20  }
0x9f: {  	s4 =	ssub.s32 $0x0, s20;
	[sflag:s22] =	ssyncset.done $0x0  }
0xa0: {  	[sflag:s22] =	ssyncadd.s32 s4;
	_ =	sdelay $0x1  }
0xa1: {  	s23 =	simm.s32 $0x1B8B  }
0xa2: {  	_ =	swait.ge [sflag:s23], $0x1  }
0xa3: {  	[sflag:s23] =	ssyncset.done $0x0  }
0xa4: {  	s25 =	simm.s32 $0x1B8E;
	s24 =	sld [smem:$0x3FFE];
	[sflag:s23] =	ssyncadd.s32 $0xFFFFFFFF  }
0xa5: {  	s26 =	simm.s32 $execute0_lowered;
	[smem:$0x3FD2] =	sst s25  }
0xa6: {  	s5 =	sshll.u32 s26, $0x1;
	_ =	strace $0x80000046;
	[dreg:$0x1] =	wrdreg $0xFFFFFFFF  }
0xa7: {  	s28 =	simm.s32 $_size_execute0_lowered;
	s3 =	sadd.s32 s3, s5;
	[dreg:$0x0] =	wrdreg $0x0  }
0xa8: {  	s5 =	sshll.u32 s28, $0x1;
	[dreg:$0x2] =	wrdreg s3  }
0xa9: {  	[dreg:$0x3] =	wrdreg s5  }
0xaa: {  	[dreg:$0x4] =	wrdreg $0xC0  }
0xab: {  	_ =	task [dreg:s7], $0x5FFFF  }
0xac: {  	[dreg:$0x1] =	wrdreg $0xFFFFFFFF  }
0xad: {  	[dreg:$0x0] =	wrdreg $0x60  }
0xae: {  	[dreg:$0x2] =	wrdreg s2  }
0xaf: {  	[dreg:$0x3] =	wrdreg s24  }
0xb0: {  	[dreg:$0x4] =	wrdreg $0xD5400  }
0xb1: {  	[dreg:$0x5] =	wrdreg $0x9  }
0xb2: {  	_ =	task.clear_ibuf [dreg:s7], $0x6FFFF;
	_ =	strace $0x90000046  }
0xb3: {  	s29 =	simm.s32 $0x9;
	_ =	strace $0x80000048  }
0xb4: {  	_ =	swait.ge [sflag:s29], $0x1  }
0xb5: {  	[sflag:s29] =	ssyncadd.s32 $0xFFFFFFFF  }
0xb6: {  	_ =	strace $0x90000048  }
0xb7: {  	_ =	sfence  }
0xb8: {  	s30 =	sld [smem:$0x0];
	_ =	sdelay $0x2  }
0xb9: {  	s31 =	sshll.u32 s1, $0xD;
	s1 =	sshrl.u32 s1, $0x2  }
0xba: {  	s3 =	sand.u32 $0x4000, s31;
	s1 =	sadd.s32 s1, s30  }
0xbb: {  	s0 =	sor.u32 s3, s0;
	s1 =	sshll.u32 s1, $0x11  }
0xbc: {  	s0 =	sor.u32 s1, s0  }
0xbd: {  	s0 =	sadd.s32 $0x8F2B, s0  }
0xbe: {  	[sflag:s0] =	ssyncadd.remote.s32 $0x1  }
0xbf: {  	_ =	sfence.sel $0xFFFF  }
0xc0: {  	[dreg:$0x0] =	wrdreg $0xFFFFFFFF;
	(pc) =	sbr.abs _section_cstart, $3  }
0xc1: {  	[dreg:$0x1] =	wrdreg $0xFFFFFFFF  }
0xc2: {  	_ =	task.clear_ibuf [dreg:s7], $0x2FFFF;
	_ =	strace $0x9FFFFFFF  }
0xc3: {  	(tm) =	ssettm $0x7FFFFFFF  }
tec
execute0_lowered:
.L_overlay_start_1:
0x0: {  	(tag) =	ssettag $0x1  }
0x1: {  	s0 =	rddreg [dreg:$0x0]  }
0x2: {  	s1 =	srdreg.scid;
	s2 =	rddreg [dreg:$0x1]  }
0x3: {  	s3 =	rddreg [dreg:$0x2];
	s9 =	stileid.u32;
	s4 =	simm.s32 $0x0  }
0x4: {  	s19 =	simm.s32 $0x6A40;
	s29 =	simm.s32 $0x9C40;
	s30 =	simm.s32 $0xB540  }
0x5: {  	s31 =	simm.s32 $0x1;
	s25 =	simm.s32 $0x0;
	s1 =	sand.u32 $0x1, s1  }
0x6: {  	[smem:$0x7FF] =	sst s4;
	s26 =	sadd.s32 $0x18200, s2;
	s13 =	smul.u32 $0xA000, s9  }
0x7: {  	s5 =	sshll.u32 s1, $0x4;
	_ =	strace $0x80000047;
	s6 =	smul.u32 $0x14000, s1  }
0x8: {  	s1 =	ssub.s32 $0x2, s1;
	[dreg:$0x4] =	wrdreg s26;
	s26 =	simm.s32 $0x8340  }
0x9: {  	s5 =	sor.u32 s9, s5;
	s8 =	sshrl.u32 s1, $0x1;
	s14 =	sadd.s32 $0x2000, s13  }
0xa: {  	s15 =	sadd.s32 $0x4000, s13;
	s16 =	sadd.s32 $0x6000, s13;
	s17 =	sadd.s32 $0x8000, s13  }
0xb: {  	s18 =	sshrl.u32 s13, $0x3;
	s5 =	smul.u32 $0x514, s5;
	s1 =	ssub.s32 s1, s8  }
0xc: {  	s8 =	sadd.s32 s13, s3;
	s9 =	sadd.s32 s14, s3;
	s10 =	sadd.s32 s15, s3  }
0xd: {  	s11 =	sadd.s32 s16, s3;
	s12 =	sadd.s32 s17, s3;
	s21 =	sshrl.u32 s14, $0x3  }
0xe: {  	s15 =	sshrl.u32 s15, $0x3;
	s23 =	sshrl.u32 s16, $0x3;
	s24 =	sshrl.u32 s17, $0x3  }
0xf: {  	s14 =	simm.s32 $0x5;
	s16 =	simm.s32 $0x64;
	s17 =	simm.s32 $0x5140  }
0x10: {  	s13 =	smax.u32 s1, $0x1;
	s7 =	sadd.s32 s5, s2;
	s2 =	sadd.s32 s6, s2  }
0x11: {  	s1 =	simm.s32 $0x2;
	s28 =	sadd.s32 $0xDE00, s7;
	s2 =	sadd.s32 $0x18600, s2  }
0x12: {  	s7 =	sadd.s32 $0x3A00, s7;
	[dreg:$0x5] =	wrdreg s28;
	s20 =	sadd.s32 s18, s2  }
0x13: {  	s21 =	sadd.s32 s21, s2;
	s22 =	sadd.s32 s15, s2;
	s23 =	sadd.s32 s23, s2  }
0x14: {  	s24 =	sadd.s32 s24, s2;
	s2 =	simm.s32 $0x3;
	s15 =	simm.s32 $0x4  }
.LBB2_1:
0x15: {  	s5 =	rddreg [dreg:$0x5]  }
0x16: {  	[tilespmem:s4], [sflag:$0x5] =	stream.linear.gather [hbm4b:s5+s4], $0x28A0, $0x38;
	[tilespmem:$0x17540] =	vst v63  }
0x17: {  	_ =	swait.ge [sflag:s14], $0x28A0  }
0x18: {  	[sflag:s14] =	ssyncset.done $0x0  }
0x19: {  	s18 =	simm.s32 $0x28A0;
	[sflag:s14] =	ssyncadd.s32 $0xFFFFD760  }
0x1a: {  	[tilespmem:s18], [sflag:$0x5] =	stream.linear.gather [hbm4b:s7+s4], $0x28A0, $0x38;
	[tilespmem:$0x17540] =	vst v63  }
0x1b: {  	_ =	swait.ge [sflag:s14], $0x28A0  }
0x1c: {  	[sflag:s14] =	ssyncset.done $0x0  }
0x1d: {  	[sflag:s14] =	ssyncadd.s32 $0xFFFFD760  }
0x1e: {  	[tilespmem:s17], [sflag:$0x1] =	stream.indirect.gather [hbm4b:s0+s16], $0x40, s4, s16, $0xb8;
	[tilespmem:$0x17540] =	vst v63  }
0x1f: {  	s6 =	simm.s32 $0x68  }
0x20: {  	[tilespmem:s19], [sflag:$0x2] =	stream.indirect.gather [hbm4b:s0+s16], $0x40, s6, s16, $0xb8;
	[tilespmem:$0x17540] =	vst v63  }
0x21: {  	s18 =	simm.s32 $0xD0  }
0x22: {  	[tilespmem:s26], [sflag:$0x3] =	stream.indirect.gather [hbm4b:s0+s16], $0x40, s18, s16, $0xb8;
	[tilespmem:$0x17540] =	vst v63  }
0x23: {  	s6 =	simm.s32 $0x138  }
0x24: {  	[tilespmem:s29], [sflag:$0x4] =	stream.indirect.gather [hbm4b:s0+s16], $0x40, s6, s16, $0xb8;
	[tilespmem:$0x17540] =	vst v63  }
0x25: {  	s18 =	rddreg [dreg:$0x4]  }
0x26: {  	[tilespmem:s30], [sflag:$0x5] =	stream.linear.gather [hbm4b:s18+s4], $0x2000, $0x38;
	[tilespmem:$0x17540] =	vst v63  }
0x27: {  	_ =	swait.ge [sflag:s14], $0x2000  }
0x28: {  	[sflag:s14] =	ssyncset.done $0x0  }
0x29: {  	[sflag:s14] =	ssyncadd.s32 $0xFFFFE000  }
0x2a: {  	[spmem:s8] =	stream.linear.scatter [tilespmem:s30], [sflag:$0x5], $0x2000, $0x38;
	[tilespmem:$0x17540] =	vst v63  }
0x2b: {  	_ =	swait.ge [sflag:s14], $0x2000  }
0x2c: {  	[sflag:s14] =	ssyncset.done $0x0  }
0x2d: {  	[sflag:s14] =	ssyncadd.s32 $0xFFFFE000  }
0x2e: {  	[spmem:s9] =	stream.linear.scatter [tilespmem:s30], [sflag:$0x5], $0x2000, $0x38;
	[tilespmem:$0x17540] =	vst v63  }
0x2f: {  	_ =	swait.ge [sflag:s14], $0x2000  }
0x30: {  	[sflag:s14] =	ssyncset.done $0x0  }
0x31: {  	[sflag:s14] =	ssyncadd.s32 $0xFFFFE000  }
0x32: {  	[spmem:s10] =	stream.linear.scatter [tilespmem:s30], [sflag:$0x5], $0x2000, $0x38;
	[tilespmem:$0x17540] =	vst v63  }
0x33: {  	_ =	swait.ge [sflag:s14], $0x2000  }
0x34: {  	[sflag:s14] =	ssyncset.done $0x0  }
0x35: {  	[sflag:s14] =	ssyncadd.s32 $0xFFFFE000  }
0x36: {  	[spmem:s11] =	stream.linear.scatter [tilespmem:s30], [sflag:$0x5], $0x2000, $0x38;
	[tilespmem:$0x17540] =	vst v63  }
0x37: {  	_ =	swait.ge [sflag:s14], $0x2000  }
0x38: {  	[sflag:s14] =	ssyncset.done $0x0  }
0x39: {  	[sflag:s14] =	ssyncadd.s32 $0xFFFFE000  }
0x3a: {  	[spmem:s12] =	stream.linear.scatter [tilespmem:s30], [sflag:$0x5], $0x2000, $0x38;
	[tilespmem:$0x17540] =	vst v63  }
0x3b: {  	_ =	swait.ge [sflag:s14], $0x2000  }
0x3c: {  	[sflag:s14] =	ssyncset.done $0x0  }
0x3d: {  	[sflag:s14] =	ssyncadd.s32 $0xFFFFE000  }
0x3e: {  	[bflag:$0x0] =	sbarrier.arrive $0xFFFF  }
0x3f: {  	_ =	swait.ge [sflag:s31], $0x1900  }
0x40: {  	[sflag:s31] =	ssyncset.done $0x0  }
0x41: {  	s18 =	simm.s32 $0x28A0;
	[sflag:s31] =	ssyncadd.s32 $0xFFFFE700  }
0x42: {  	[spmem:s3] =	stream.indirect.scatter.add.f32 [tilespmem:s17], [sflag:$0x5], $0x40, s18, s16, $0xb8;
	[tilespmem:$0x17540] =	vst v63  }
0x43: {  	_ =	swait.ge [sflag:s14], $0x1900  }
0x44: {  	[sflag:s14] =	ssyncset.done $0x0  }
0x45: {  	s5 =	simm.s32 $0x1A0;
	[sflag:s14] =	ssyncadd.s32 $0xFFFFE700  }
0x46: {  	[tilespmem:s17], [sflag:$0x1] =	stream.indirect.gather [hbm4b:s0+s16], $0x40, s5, s16, $0xb8;
	[tilespmem:$0x17540] =	vst v63  }
0x47: {  	_ =	swait.ge [sflag:s1], $0x1900  }
0x48: {  	[sflag:s1] =	ssyncset.done $0x0  }
0x49: {  	s6 =	simm.s32 $0x2908;
	[sflag:s1] =	ssyncadd.s32 $0xFFFFE700  }
0x4a: {  	[spmem:s3] =	stream.indirect.scatter.add.f32 [tilespmem:s19], [sflag:$0x5], $0x40, s6, s16, $0xb8;
	[tilespmem:$0x17540] =	vst v63  }
0x4b: {  	_ =	swait.ge [sflag:s14], $0x1900  }
0x4c: {  	[sflag:s14] =	ssyncset.done $0x0  }
0x4d: {  	s5 =	simm.s32 $0x208;
	[sflag:s14] =	ssyncadd.s32 $0xFFFFE700  }
0x4e: {  	[tilespmem:s19], [sflag:$0x2] =	stream.indirect.gather [hbm4b:s0+s16], $0x40, s5, s16, $0xb8;
	[tilespmem:$0x17540] =	vst v63  }
0x4f: {  	_ =	swait.ge [sflag:s2], $0x1900  }
0x50: {  	[sflag:s2] =	ssyncset.done $0x0  }
0x51: {  	s6 =	simm.s32 $0x2970;
	[sflag:s2] =	ssyncadd.s32 $0xFFFFE700  }
0x52: {  	[spmem:s3] =	stream.indirect.scatter.add.f32 [tilespmem:s26], [sflag:$0x5], $0x40, s6, s16, $0xb8;
	[tilespmem:$0x17540] =	vst v63  }
0x53: {  	_ =	swait.ge [sflag:s14], $0x1900  }
0x54: {  	[sflag:s14] =	ssyncset.done $0x0  }
0x55: {  	s5 =	simm.s32 $0x270;
	[sflag:s14] =	ssyncadd.s32 $0xFFFFE700  }
0x56: {  	[tilespmem:s26], [sflag:$0x3] =	stream.indirect.gather [hbm4b:s0+s16], $0x40, s5, s16, $0xb8;
	[tilespmem:$0x17540] =	vst v63  }
0x57: {  	_ =	swait.ge [sflag:s15], $0x1900  }
0x58: {  	[sflag:s15] =	ssyncset.done $0x0  }
0x59: {  	s6 =	simm.s32 $0x29D8;
	[sflag:s15] =	ssyncadd.s32 $0xFFFFE700  }
0x5a: {  	[spmem:s3] =	stream.indirect.scatter.add.f32 [tilespmem:s29], [sflag:$0x5], $0x40, s6, s16, $0xb8;
	[tilespmem:$0x17540] =	vst v63  }
0x5b: {  	_ =	swait.ge [sflag:s14], $0x1900  }
0x5c: {  	[sflag:s14] =	ssyncset.done $0x0  }
0x5d: {  	s28 =	simm.s32 $0x680;
	s18 =	simm.s32 $0x2D8;
	[sflag:s14] =	ssyncadd.s32 $0xFFFFE700  }
.LBB2_2:
0x5e: {  	[tilespmem:s29], [sflag:$0x4] =	stream.indirect.gather [hbm4b:s0+s16], $0x40, s18, s16, $0xb8;
	[tilespmem:$0x17540] =	vst v63  }
0x5f: {  	s18 =	smov.u32 s28  }
0x60: {  	p0 =	sne.s32 s28, $0x9580;
	s28 =	sadd.s32 $0x680, s28;
	_ =	swait.ge [sflag:s31], $0x1900  }
0x61: {  	s18 =	sshra.s32 s18, $0x2;
	[sflag:s31] =	ssyncset.done $0x0  }
0x62: {  	s5 =	sadd.s32 $0x28A0, s18;
	[sflag:s31] =	ssyncadd.s32 $0xFFFFE700  }
0x63: {  	[spmem:s3] =	stream.indirect.scatter.add.f32 [tilespmem:s17], [sflag:$0x5], $0x40, s5, s16, $0xb8;
	[tilespmem:$0x17540] =	vst v63  }
0x64: {  	_ =	swait.ge [sflag:s14], $0x1900  }
0x65: {  	[sflag:s14] =	ssyncset.done $0x0  }
0x66: {  	s5 =	sadd.s32 $0x1A0, s18;
	[sflag:s14] =	ssyncadd.s32 $0xFFFFE700  }
0x67: {  	[tilespmem:s17], [sflag:$0x1] =	stream.indirect.gather [hbm4b:s0+s16], $0x40, s5, s16, $0xb8;
	[tilespmem:$0x17540] =	vst v63  }
0x68: {  	_ =	swait.ge [sflag:s1], $0x1900  }
0x69: {  	[sflag:s1] =	ssyncset.done $0x0  }
0x6a: {  	s5 =	sadd.s32 $0x2908, s18;
	[sflag:s1] =	ssyncadd.s32 $0xFFFFE700  }
0x6b: {  	[spmem:s3] =	stream.indirect.scatter.add.f32 [tilespmem:s19], [sflag:$0x5], $0x40, s5, s16, $0xb8;
	[tilespmem:$0x17540] =	vst v63  }
0x6c: {  	_ =	swait.ge [sflag:s14], $0x1900  }
0x6d: {  	[sflag:s14] =	ssyncset.done $0x0  }
0x6e: {  	s5 =	sadd.s32 $0x208, s18;
	[sflag:s14] =	ssyncadd.s32 $0xFFFFE700  }
0x6f: {  	[tilespmem:s19], [sflag:$0x2] =	stream.indirect.gather [hbm4b:s0+s16], $0x40, s5, s16, $0xb8;
	[tilespmem:$0x17540] =	vst v63  }
0x70: {  	_ =	swait.ge [sflag:s2], $0x1900  }
0x71: {  	[sflag:s2] =	ssyncset.done $0x0  }
0x72: {  	s5 =	sadd.s32 $0x2970, s18;
	[sflag:s2] =	ssyncadd.s32 $0xFFFFE700  }
0x73: {  	[spmem:s3] =	stream.indirect.scatter.add.f32 [tilespmem:s26], [sflag:$0x5], $0x40, s5, s16, $0xb8;
	[tilespmem:$0x17540] =	vst v63  }
0x74: {  	_ =	swait.ge [sflag:s14], $0x1900  }
0x75: {  	[sflag:s14] =	ssyncset.done $0x0  }
0x76: {  	s5 =	sadd.s32 $0x270, s18;
	[sflag:s14] =	ssyncadd.s32 $0xFFFFE700  }
0x77: {  	[tilespmem:s26], [sflag:$0x3] =	stream.indirect.gather [hbm4b:s0+s16], $0x40, s5, s16, $0xb8;
	[tilespmem:$0x17540] =	vst v63  }
0x78: {  	_ =	swait.ge [sflag:s15], $0x1900  }
0x79: {  	[sflag:s15] =	ssyncset.done $0x0  }
.Ltmp0:
0x7a: {  	s5 =	sadd.s32 $0x29D8, s18;
	[sflag:s15] =	ssyncadd.s32 $0xFFFFE700;
	(pc) =	sbr.rel @p0 .LBB2_2-.Ltmp0, $4  }
0x7b: {  	[spmem:s3] =	stream.indirect.scatter.add.f32 [tilespmem:s29], [sflag:$0x5], $0x40, s5, s16, $0xb8;
	[tilespmem:$0x17540] =	vst v63  }
0x7c: {  	_ =	swait.ge [sflag:s14], $0x1900  }
0x7d: {  	[sflag:s14] =	ssyncset.done $0x0  }
0x7e: {  	s18 =	sadd.s32 $0x2D8, s18;
	[sflag:s14] =	ssyncadd.s32 $0xFFFFE700  }
0x7f: {  	[tilespmem:s29], [sflag:$0x4] =	stream.indirect.gather [hbm4b:s0+s16], $0x40, s18, s16, $0xb8;
	[tilespmem:$0x17540] =	vst v63  }
0x80: {  	_ =	swait.ge [sflag:s31], $0x1900  }
0x81: {  	[sflag:s31] =	ssyncset.done $0x0  }
0x82: {  	s5 =	simm.s32 $0x4FA0;
	[sflag:s31] =	ssyncadd.s32 $0xFFFFE700  }
0x83: {  	[spmem:s3] =	stream.indirect.scatter.add.f32 [tilespmem:s17], [sflag:$0x5], $0x40, s5, s16, $0xb8;
	[tilespmem:$0x17540] =	vst v63  }
0x84: {  	_ =	swait.ge [sflag:s14], $0x1900  }
0x85: {  	[sflag:s14] =	ssyncset.done $0x0  }
0x86: {  	[sflag:s14] =	ssyncadd.s32 $0xFFFFE700  }
0x87: {  	_ =	swait.ge [sflag:s1], $0x1900  }
0x88: {  	[sflag:s1] =	ssyncset.done $0x0  }
0x89: {  	s18 =	simm.s32 $0x5008;
	[sflag:s1] =	ssyncadd.s32 $0xFFFFE700  }
0x8a: {  	[spmem:s3] =	stream.indirect.scatter.add.f32 [tilespmem:s19], [sflag:$0x5], $0x40, s18, s16, $0xb8;
	[tilespmem:$0x17540] =	vst v63  }
0x8b: {  	_ =	swait.ge [sflag:s14], $0x1900  }
0x8c: {  	[sflag:s14] =	ssyncset.done $0x0  }
0x8d: {  	[sflag:s14] =	ssyncadd.s32 $0xFFFFE700  }
0x8e: {  	_ =	swait.ge [sflag:s2], $0x1900  }
0x8f: {  	[sflag:s2] =	ssyncset.done $0x0  }
0x90: {  	s28 =	simm.s32 $0x5070;
	[sflag:s2] =	ssyncadd.s32 $0xFFFFE700  }
0x91: {  	[spmem:s3] =	stream.indirect.scatter.add.f32 [tilespmem:s26], [sflag:$0x5], $0x40, s28, s16, $0xb8;
	[tilespmem:$0x17540] =	vst v63  }
0x92: {  	_ =	swait.ge [sflag:s14], $0x1900  }
0x93: {  	[sflag:s14] =	ssyncset.done $0x0  }
0x94: {  	[sflag:s14] =	ssyncadd.s32 $0xFFFFE700  }
0x95: {  	_ =	swait.ge [sflag:s15], $0x1900  }
0x96: {  	[sflag:s15] =	ssyncset.done $0x0  }
0x97: {  	s6 =	simm.s32 $0x50D8;
	[sflag:s15] =	ssyncadd.s32 $0xFFFFE700  }
0x98: {  	[spmem:s3] =	stream.indirect.scatter.add.f32 [tilespmem:s29], [sflag:$0x5], $0x40, s6, s16, $0xb8;
	[tilespmem:$0x17540] =	vst v63  }
0x99: {  	_ =	swait.ge [sflag:s14], $0x1900  }
0x9a: {  	s18 =	stileid.u32;
	[sflag:s14] =	ssyncset.done $0x0  }
0x9b: {  	s5 =	sshll.u32 s18, $0x6;
	[sflag:s14] =	ssyncadd.s32 $0xFFFFE700  }
0x9c: {  	s18 =	sor.u32 $0x1C01, s5;
	s28 =	sshrl.u32 s8, $0x3;
	[bflag:$0x0] =	sbarrier.arrive $0xFFFF  }
0x9d: {  	[hbm:s20], [sflag:s18] =	dma.local [spmem:s28], $0x400  }
0x9e: {  	s6 =	sshrl.u32 s9, $0x3;
	s28 =	sor.u32 $0x1C02, s5  }
0x9f: {  	[hbm:s21], [sflag:s28] =	dma.local [spmem:s6], $0x400  }
0xa0: {  	s6 =	sor.u32 $0x1C03, s5;
	s28 =	sshrl.u32 s10, $0x3  }
0xa1: {  	[hbm:s22], [sflag:s6] =	dma.local [spmem:s28], $0x400  }
0xa2: {  	s5 =	sor.u32 $0x1C04, s5;
	s28 =	sshrl.u32 s11, $0x3  }
0xa3: {  	[hbm:s23], [sflag:s5] =	dma.local [spmem:s28], $0x400  }
0xa4: {  	s28 =	sshrl.u32 s12, $0x3  }
0xa5: {  	[hbm:s24], [sflag:s18] =	dma.local [spmem:s28], $0x400  }
0xa6: {  	_ =	swait.ge [sflag:s31], $0x400  }
0xa7: {  	[sflag:s31] =	ssyncset.done $0x0  }
0xa8: {  	[sflag:s31] =	ssyncadd.s32 $0xFFFFFC00  }
0xa9: {  	_ =	swait.ge [sflag:s1], $0x400  }
0xaa: {  	[sflag:s1] =	ssyncset.done $0x0  }
0xab: {  	[sflag:s1] =	ssyncadd.s32 $0xFFFFFC00  }
0xac: {  	_ =	swait.ge [sflag:s2], $0x400  }
0xad: {  	[sflag:s2] =	ssyncset.done $0x0  }
0xae: {  	s25 =	sadd.s32 $0x1, s25;
	[sflag:s2] =	ssyncadd.s32 $0xFFFFFC00  }
0xaf: {  	p0 =	sne.s32 s25, s13;
	_ =	swait.ge [sflag:s15], $0x400  }
.Ltmp1:
0xb0: {  	[sflag:s15] =	ssyncset.done $0x0;
	(pc) =	sbr.rel @p0 .LBB2_1-.Ltmp1, $4  }
0xb1: {  	[sflag:s15] =	ssyncadd.s32 $0xFFFFFC00  }
0xb2: {  	_ =	swait.ge [sflag:s31], $0x400  }
0xb3: {  	[sflag:s31] =	ssyncset.done $0x0  }
0xb4: {  	[sflag:s31] =	ssyncadd.s32 $0xFFFFFC00  }
0xb5: {  	_ =	sfence.sel $0x180000  }
0xb6: {  	[bflag:$0x0] =	sbarrier.arrive $0xFFFF  }
0xb7: {  	_ =	strace $0x90000047  }
0xb8: {  	s0 =	stileid.u32;
	[bflag:$0x2] =	sbarrier.arrive $0xFFFF  }
0xb9: {  	p0 =	sne.s32 s0, $0x0;
	s0 =	rddreg [dreg:$0x3]  }
0xba: {  	s0 =	sadd.s32 @!p0 $0x100000, s0  }
0xbb: {  	[sflag:s0] =	ssyncadd.tile.s32 @!p0 $0x1;
	_ =	shalt  }
.Lfunc_end2:
_tile_overlayer_lowered:
.L_overlay_start_2:
0xbc: {  	(tag) =	ssettag $0x2  }
0xbd: {  	s0 =	rddreg [dreg:$0x0];
	s2 =	stileid.u32  }
0xbe: {  	s1 =	rddreg [dreg:$0x1];
	p0 =	sne.s32 s2, $0x0  }
0xbf: {  	s3 =	rddreg [dreg:$0x2];
	[bflag:$0x3] =	sbarrier.arrive $0xFFFF;
	s2 =	simm.s32 @!p0 $0x1C05  }
0xc0: {  	[timem:s3], [sflag:s2] =	dma.local @!p0 [hbm:s0], s1  }
0xc1: {  	s0 =	simm.s32 @!p0 $0x5  }
0xc2: {  	_ =	swait.ge @!p0 [sflag:s0], s1  }
0xc3: {  	s1 =	ssub.s32 @!p0 $0x0, s1;
	[sflag:s0] =	ssyncset.done @!p0 $0x0  }
0xc4: {  	[sflag:s0] =	ssyncadd.s32 @!p0 s1  }
0xc5: {  	[bflag:$0x3] =	sbarrier.arrive $0xFFFF  }
0xc6: {  	_ =	shalt  }

// kernel: kernel.14.cloned.1.call-start
scs
__scs_entry_jumppad:
0x0: {  	(pc) =	sbr.rel $0x88, $3  }
0x1: {  	(tag) =	ssettag $0x0;
	lr =	simm.s32 $0x1  }
0x2: {  	[smem:$0x3F89] =	sst lr;
	_ =	strace $0xD0000000  }
0x3: {  	_ = 	snop  }
0x4: {  	_ = 	snop  }
0x5: {  	_ = 	snop  }
0x6: {  	_ = 	snop  }
0x7: {  	_ = 	snop  }
__scs_overlays_trampoline_lowered:
0x8: {  	[smem:$0x3F98] =	sst s0  }
0x9: {  	[smem:$0x3F99] =	sst s1  }
0xa: {  	[smem:$0x3F9A] =	sst s2  }
0xb: {  	[smem:$0x3F9B] =	sst s3  }
0xc: {  	[smem:$0x3F9C] =	sst s4  }
0xd: {  	[smem:$0x3F9D] =	sst s5  }
0xe: {  	[smem:$0x3F9E] =	sst s6  }
0xf: {  	[smem:$0x3F9F] =	sst s7  }
0x10: {  	[smem:$0x3FA0] =	sst s8  }
0x11: {  	[smem:$0x3FA1] =	sst s9;
	s0 =	simm.s32 @!p0 $0x0  }
0x12: {  	s1 =	sld [smem:$0x3F87];
	s0 =	simm.s32 @p0 $0x1  }
0x13: {  	[smem:$0x3FA2] =	sst s0;
	s0 =	simm.s32 @!p1 $0x0  }
0x14: {  	s2 =	sld [smem:$0x3F86];
	s0 =	simm.s32 @p1 $0x1  }
0x15: {  	[smem:$0x3FA3] =	sst s0;
	s0 =	simm.s32 @!p2 $0x0  }
0x16: {  	s3 =	sld [smem:$0x3FDB];
	s0 =	simm.s32 @p2 $0x1  }
0x17: {  	s4 =	simm.s32 $0x1BF5;
	[smem:$0x3FA5] =	sst s0  }
0x18: {  	s0 =	sld [smem:$0x3F88];
	_ =	swait.ge [sflag:s4], $0x0  }
0x19: {  	s7 =	sld [smem:$0x3F89]  }
0x1a: {  	s8 =	sadd.s32 $0xFFFFE003, lr  }
0x1b: {  	s9 =	sadd.s32 $0xFFFFFEF7, lr;
	s5 =	simm.s32 $0xFFFFFFFF;
	p2 =	slt.u32 s8, $0xFFFFF086  }
0x1c: {  	p1 =	slt.u32 s9, $0xF7A;
	s5 =	simm.s32 @!p2 $0x0  }
0x1d: {  	s5 =	simm.s32 @p1 $0x1;
	p0 =	seq.s32 s7, s2  }
0x1e: {  	s7 =	smul.u32 @!p0 $0xF7A, s2;
	p2 =	seq.s32 @!p0 s5, $0x0  }
0x1f: {  	s9 =	smul.u32 $0xF7A, s1;
	s8 =	simm.s32 @!p0 $0x1BF5;
	p2 =	por !p2, p0  }
0x20: {  	[sflag:s8] =	ssyncset.s32 @!p0 $0xFFFFF086;
	s6 =	sadd.s32 @!p0 s3, s7;
	s7 =	simm.s32 @!p0 $0x108  }
0x21: {  	s3 =	sadd.s32 s3, s9;
	s6 =	sadd.s32 @!p0 $0x88, s6;
	s7 =	simm.s32 @p2 $0x1082  }
0x22: {  	[simem:s7], [sflag:s8] =	dma.local @!p0 [hbm:s6], $0xF7A  }
0x23: {  	s9 =	sor.u32 $0xD0000000, s2;
	s6 =	simm.s32 $0x108;
	_ =	swait.ge @!p0 [sflag:s8], $0x0  }
0x24: {  	s3 =	sadd.s32 $0x88, s3;
	s6 =	simm.s32 @!p1 $0x1082;
	[sflag:s4] =	ssyncset.s32 $0xFFFFF086  }
0x25: {  	[simem:s6], [sflag:s4] =	dma.local [hbm:s3], $0xF7A  }
0x26: {  	[smem:$0x3F89] =	sst s1;
	(tag) =	ssettag s2;
	_ =	strace s9  }
0x27: {  	s1 =	sld [smem:$0x3F99]  }
0x28: {  	s2 =	sld [smem:$0x3F9A]  }
0x29: {  	s4 =	sld [smem:$0x3F9C]  }
0x2a: {  	p0 =	seq.s32 s5, $0x0;
	s5 =	sld [smem:$0x3F9D]  }
0x2b: {  	s6 =	sld [smem:$0x3F9E]  }
0x2c: {  	s7 =	sld [smem:$0x3F9F]  }
0x2d: {  	s3 =	simm.s32 $0x108;
	s8 =	sld [smem:$0x3FA0]  }
0x2e: {  	s3 =	simm.s32 @!p0 $0x1082;
	s9 =	sld [smem:$0x3FA1]  }
0x2f: {  	lr =	sadd.s32 s0, s3;
	s0 =	sld [smem:$0x3F98]  }
0x30: {  	s3 =	sld [smem:$0x3F9B]  }
0x31: {  	[smem:$0x3FA4] =	sst s10  }
0x32: {  	s10 =	sld [smem:$0x3FA2];
	_ =	sdelay $0x3  }
0x33: {  	p0 =	seq.s32 s10, $0x1;
	s10 =	sld [smem:$0x3FA4];
	_ =	sdelay $0x3  }
0x34: {  	[smem:$0x3FA4] =	sst s10  }
0x35: {  	s10 =	sld [smem:$0x3FA3];
	_ =	sdelay $0x3  }
0x36: {  	p1 =	seq.s32 s10, $0x1;
	s10 =	sld [smem:$0x3FA4];
	_ =	sdelay $0x3  }
0x37: {  	[smem:$0x3FA4] =	sst s10  }
0x38: {  	s10 =	sld [smem:$0x3FA5]  }
0x39: {  	_ = 	snop;
	(pc) =	sbr.ind lr, $3  }
0x3a: {  	_ = 	snop  }
0x3b: {  	_ = 	snop  }
0x3c: {  	p2 =	seq.s32 s10, $0x1;
	s10 =	sld [smem:$0x3FA4]  }
0x3d: {  	_ =	shalt  }
0x3e: {  	_ =	shalt  }
0x3f: {  	_ =	shalt  }
0x40: {  	_ =	shalt  }
0x41: {  	_ =	shalt  }
0x42: {  	_ =	shalt  }
0x43: {  	_ =	shalt  }
0x44: {  	_ =	shalt  }
0x45: {  	_ =	shalt  }
0x46: {  	_ =	shalt  }
0x47: {  	_ =	shalt  }
0x48: {  	_ =	shalt  }
0x49: {  	_ =	shalt  }
0x4a: {  	_ =	shalt  }
0x4b: {  	_ =	shalt  }
0x4c: {  	_ =	shalt  }
0x4d: {  	_ =	shalt  }
0x4e: {  	_ =	shalt  }
0x4f: {  	_ =	shalt  }
0x50: {  	_ =	shalt  }
0x51: {  	_ =	shalt  }
0x52: {  	_ =	shalt  }
0x53: {  	_ =	shalt  }
0x54: {  	_ =	shalt  }
0x55: {  	_ =	shalt  }
0x56: {  	_ =	shalt  }
0x57: {  	_ =	shalt  }
0x58: {  	_ =	shalt  }
0x59: {  	_ =	shalt  }
0x5a: {  	_ =	shalt  }
0x5b: {  	_ =	shalt  }
0x5c: {  	_ =	shalt  }
0x5d: {  	_ =	shalt  }
0x5e: {  	_ =	shalt  }
0x5f: {  	_ =	shalt  }
0x60: {  	_ =	shalt  }
0x61: {  	_ =	shalt  }
0x62: {  	_ =	shalt  }
0x63: {  	_ =	shalt  }
0x64: {  	_ =	shalt  }
0x65: {  	_ =	shalt  }
0x66: {  	_ =	shalt  }
0x67: {  	_ =	shalt  }
0x68: {  	_ =	shalt  }
0x69: {  	_ =	shalt  }
0x6a: {  	_ =	shalt  }
0x6b: {  	_ =	shalt  }
0x6c: {  	_ =	shalt  }
0x6d: {  	_ =	shalt  }
0x6e: {  	_ =	shalt  }
0x6f: {  	_ =	shalt  }
0x70: {  	_ =	shalt  }
0x71: {  	_ =	shalt  }
0x72: {  	_ =	shalt  }
0x73: {  	_ =	shalt  }
0x74: {  	_ =	shalt  }
0x75: {  	_ =	shalt  }
0x76: {  	_ =	shalt  }
0x77: {  	_ =	shalt  }
0x78: {  	_ =	shalt  }
0x79: {  	_ =	shalt  }
0x7a: {  	_ =	shalt  }
0x7b: {  	_ =	shalt  }
0x7c: {  	_ =	shalt  }
0x7d: {  	_ =	shalt  }
0x7e: {  	_ =	shalt  }
0x7f: {  	_ =	shalt  }
0x80: {  	_ =	shalt  }
0x81: {  	_ =	shalt  }
0x82: {  	_ =	shalt  }
0x83: {  	_ =	shalt  }
0x84: {  	_ =	shalt  }
0x85: {  	_ =	shalt  }
0x86: {  	_ =	shalt  }
0x87: {  	_ =	shalt  }
.Lfunc_end0:
.L_simem_size_0:
called_computation.1_lowered:
.L_overlay_start_0:
0x88: {  	s2 =	sld [smem:$0x3FD9]  }
0x89: {  	s3 =	sld [smem:$0x3FFE];
	_ =	sdelay $0x1  }
0x8a: {  	s1 =	srdreg.scid  }
0x8b: {  	s0 =	sand.u32 $0x1, s1  }
0x8c: {  	s17 =	sshll.u32 s0, $0xA;
	s2 =	sadd.s32 s3, s2  }
0x8d: {  	s2 =	sadd.s32 s2, s17  }
0x8e: {  	[smem:$0x3FB0] =	sst s2  }
0x8f: {  	_ = 	snop  }
0x90: {  	s2 =	sld [smem:$0x3FD0];
	(tm) =	ssettm $0x1  }
0x91: {  	s18 =	sld [smem:$0x3FFB];
	_ =	sdelay $0x3  }
0x92: {  	_ =	strace s18  }
0x93: {  	s3 =	sld [smem:$0x3FFC];
	_ =	sdelay $0x3  }
0x94: {  	_ =	strace s3  }
0x95: {  	s3 =	sld [smem:$0x3FFD];
	_ =	sdelay $0x3  }
0x96: {  	_ =	strace s3  }
0x97: {  	_ =	strace $0x8FFFFFFF  }
0x98: {  	s19 =	sld [smem:$0x3FDB];
	_ =	sdelay $0x1  }
0x99: {  	s4 =	simm.s32 $_scs_section_size  }
0x9a: {  	s5 =	simm.s32 $_size__tile_overlayer_lowered;
	s6 =	simm.s32 $_tile_overlayer_lowered  }
0x9b: {  	s22 =	simm.s32 $0x1BFF;
	s21 =	sshll.u32 s6, $0x1;
	s3 =	sadd.s32 s4, s19  }
0x9c: {  	s7 =	simm.s32 $0x0;
	s20 =	sshll.u32 s5, $0x1;
	s5 =	sadd.s32 s21, s3  }
0x9d: {  	[timem:s7], [sflag:s22] =	dma.local [hbm:s5], s20  }
0x9e: {  	_ =	swait.ge [sflag:s22], s20  }
0x9f: {  	s4 =	ssub.s32 $0x0, s20;
	[sflag:s22] =	ssyncset.done $0x0  }
0xa0: {  	[sflag:s22] =	ssyncadd.s32 s4;
	_ =	sdelay $0x1  }
0xa1: {  	s23 =	simm.s32 $0x1B8B  }
0xa2: {  	_ =	swait.ge [sflag:s23], $0x1  }
0xa3: {  	[sflag:s23] =	ssyncset.done $0x0  }
0xa4: {  	s25 =	simm.s32 $0x1B8E;
	s24 =	sld [smem:$0x3FFE];
	[sflag:s23] =	ssyncadd.s32 $0xFFFFFFFF  }
0xa5: {  	s26 =	simm.s32 $execute0_lowered;
	[smem:$0x3FD2] =	sst s25  }
0xa6: {  	s5 =	sshll.u32 s26, $0x1;
	_ =	strace $0x80000049;
	[dreg:$0x1] =	wrdreg $0xFFFFFFFF  }
0xa7: {  	s28 =	simm.s32 $_size_execute0_lowered;
	s3 =	sadd.s32 s3, s5;
	[dreg:$0x0] =	wrdreg $0x0  }
0xa8: {  	s5 =	sshll.u32 s28, $0x1;
	[dreg:$0x2] =	wrdreg s3  }
0xa9: {  	[dreg:$0x3] =	wrdreg s5  }
0xaa: {  	[dreg:$0x4] =	wrdreg $0xC0  }
0xab: {  	_ =	task [dreg:s7], $0x5FFFF  }
0xac: {  	[dreg:$0x1] =	wrdreg $0xFFFFFFFF  }
0xad: {  	[dreg:$0x0] =	wrdreg $0x60  }
0xae: {  	[dreg:$0x2] =	wrdreg s2  }
0xaf: {  	[dreg:$0x3] =	wrdreg s24  }
0xb0: {  	[dreg:$0x4] =	wrdreg $0xD5400  }
0xb1: {  	[dreg:$0x5] =	wrdreg $0x9  }
0xb2: {  	_ =	task.clear_ibuf [dreg:s7], $0x6FFFF;
	_ =	strace $0x90000049  }
0xb3: {  	s29 =	simm.s32 $0x9;
	_ =	strace $0x8000004B  }
0xb4: {  	_ =	swait.ge [sflag:s29], $0x1  }
0xb5: {  	[sflag:s29] =	ssyncadd.s32 $0xFFFFFFFF  }
0xb6: {  	_ =	strace $0x9000004B  }
0xb7: {  	_ =	sfence  }
0xb8: {  	s30 =	sld [smem:$0x0];
	_ =	sdelay $0x2  }
0xb9: {  	s31 =	sshll.u32 s1, $0xD;
	s1 =	sshrl.u32 s1, $0x2  }
0xba: {  	s3 =	sand.u32 $0x4000, s31;
	s1 =	sadd.s32 s1, s30  }
0xbb: {  	s0 =	sor.u32 s3, s0;
	s1 =	sshll.u32 s1, $0x11  }
0xbc: {  	s0 =	sor.u32 s1, s0  }
0xbd: {  	s0 =	sadd.s32 $0x8F2B, s0  }
0xbe: {  	[sflag:s0] =	ssyncadd.remote.s32 $0x1  }
0xbf: {  	_ =	sfence.sel $0xFFFF  }
0xc0: {  	[dreg:$0x0] =	wrdreg $0xFFFFFFFF;
	(pc) =	sbr.abs _section_cstart, $3  }
0xc1: {  	[dreg:$0x1] =	wrdreg $0xFFFFFFFF  }
0xc2: {  	_ =	task.clear_ibuf [dreg:s7], $0x2FFFF;
	_ =	strace $0x9FFFFFFF  }
0xc3: {  	(tm) =	ssettm $0x7FFFFFFF  }
tec
execute0_lowered:
.L_overlay_start_1:
0x0: {  	(tag) =	ssettag $0x1  }
0x1: {  	s0 =	rddreg [dreg:$0x0]  }
0x2: {  	s1 =	srdreg.scid;
	s2 =	rddreg [dreg:$0x1]  }
0x3: {  	s3 =	rddreg [dreg:$0x2];
	s9 =	stileid.u32;
	s4 =	simm.s32 $0x0  }
0x4: {  	s19 =	simm.s32 $0x6A40;
	s29 =	simm.s32 $0x9C40;
	s30 =	simm.s32 $0xB540  }
0x5: {  	s31 =	simm.s32 $0x1;
	s25 =	simm.s32 $0x0;
	s1 =	sand.u32 $0x1, s1  }
0x6: {  	[smem:$0x7FF] =	sst s4;
	s26 =	sadd.s32 $0x18200, s2;
	s13 =	smul.u32 $0xA000, s9  }
0x7: {  	s5 =	sshll.u32 s1, $0x4;
	_ =	strace $0x8000004A;
	s6 =	smul.u32 $0x14000, s1  }
0x8: {  	s1 =	ssub.s32 $0x2, s1;
	[dreg:$0x4] =	wrdreg s26;
	s26 =	simm.s32 $0x8340  }
0x9: {  	s5 =	sor.u32 s9, s5;
	s8 =	sshrl.u32 s1, $0x1;
	s14 =	sadd.s32 $0x2000, s13  }
0xa: {  	s15 =	sadd.s32 $0x4000, s13;
	s16 =	sadd.s32 $0x6000, s13;
	s17 =	sadd.s32 $0x8000, s13  }
0xb: {  	s18 =	sshrl.u32 s13, $0x3;
	s5 =	smul.u32 $0x514, s5;
	s1 =	ssub.s32 s1, s8  }
0xc: {  	s8 =	sadd.s32 s13, s3;
	s9 =	sadd.s32 s14, s3;
	s10 =	sadd.s32 s15, s3  }
0xd: {  	s11 =	sadd.s32 s16, s3;
	s12 =	sadd.s32 s17, s3;
	s21 =	sshrl.u32 s14, $0x3  }
0xe: {  	s15 =	sshrl.u32 s15, $0x3;
	s23 =	sshrl.u32 s16, $0x3;
	s24 =	sshrl.u32 s17, $0x3  }
0xf: {  	s14 =	simm.s32 $0x5;
	s16 =	simm.s32 $0x64;
	s17 =	simm.s32 $0x5140  }
0x10: {  	s13 =	smax.u32 s1, $0x1;
	s7 =	sadd.s32 s5, s2;
	s2 =	sadd.s32 s6, s2  }
0x11: {  	s1 =	simm.s32 $0x2;
	s28 =	sadd.s32 $0xDE00, s7;
	s2 =	sadd.s32 $0x18600, s2  }
0x12: {  	s7 =	sadd.s32 $0x3A00, s7;
	[dreg:$0x5] =	wrdreg s28;
	s20 =	sadd.s32 s18, s2  }
0x13: {  	s21 =	sadd.s32 s21, s2;
	s22 =	sadd.s32 s15, s2;
	s23 =	sadd.s32 s23, s2  }
0x14: {  	s24 =	sadd.s32 s24, s2;
	s2 =	simm.s32 $0x3;
	s15 =	simm.s32 $0x4  }
.LBB2_1:
0x15: {  	s5 =	rddreg [dreg:$0x5]  }
0x16: {  	[tilespmem:s4], [sflag:$0x5] =	stream.linear.gather [hbm4b:s5+s4], $0x28A0, $0x38;
	[tilespmem:$0x17540] =	vst v63  }
0x17: {  	_ =	swait.ge [sflag:s14], $0x28A0  }
0x18: {  	[sflag:s14] =	ssyncset.done $0x0  }
0x19: {  	s18 =	simm.s32 $0x28A0;
	[sflag:s14] =	ssyncadd.s32 $0xFFFFD760  }
0x1a: {  	[tilespmem:s18], [sflag:$0x5] =	stream.linear.gather [hbm4b:s7+s4], $0x28A0, $0x38;
	[tilespmem:$0x17540] =	vst v63  }
0x1b: {  	_ =	swait.ge [sflag:s14], $0x28A0  }
0x1c: {  	[sflag:s14] =	ssyncset.done $0x0  }
0x1d: {  	[sflag:s14] =	ssyncadd.s32 $0xFFFFD760  }
0x1e: {  	[tilespmem:s17], [sflag:$0x1] =	stream.indirect.gather [hbm4b:s0+s16], $0x40, s4, s16, $0xb8;
	[tilespmem:$0x17540] =	vst v63  }
0x1f: {  	s6 =	simm.s32 $0x68  }
0x20: {  	[tilespmem:s19], [sflag:$0x2] =	stream.indirect.gather [hbm4b:s0+s16], $0x40, s6, s16, $0xb8;
	[tilespmem:$0x17540] =	vst v63  }
0x21: {  	s18 =	simm.s32 $0xD0  }
0x22: {  	[tilespmem:s26], [sflag:$0x3] =	stream.indirect.gather [hbm4b:s0+s16], $0x40, s18, s16, $0xb8;
	[tilespmem:$0x17540] =	vst v63  }
0x23: {  	s6 =	simm.s32 $0x138  }
0x24: {  	[tilespmem:s29], [sflag:$0x4] =	stream.indirect.gather [hbm4b:s0+s16], $0x40, s6, s16, $0xb8;
	[tilespmem:$0x17540] =	vst v63  }
0x25: {  	s18 =	rddreg [dreg:$0x4]  }
0x26: {  	[tilespmem:s30], [sflag:$0x5] =	stream.linear.gather [hbm4b:s18+s4], $0x2000, $0x38;
	[tilespmem:$0x17540] =	vst v63  }
0x27: {  	_ =	swait.ge [sflag:s14], $0x2000  }
0x28: {  	[sflag:s14] =	ssyncset.done $0x0  }
0x29: {  	[sflag:s14] =	ssyncadd.s32 $0xFFFFE000  }
0x2a: {  	[spmem:s8] =	stream.linear.scatter [tilespmem:s30], [sflag:$0x5], $0x2000, $0x38;
	[tilespmem:$0x17540] =	vst v63  }
0x2b: {  	_ =	swait.ge [sflag:s14], $0x2000  }
0x2c: {  	[sflag:s14] =	ssyncset.done $0x0  }
0x2d: {  	[sflag:s14] =	ssyncadd.s32 $0xFFFFE000  }
0x2e: {  	[spmem:s9] =	stream.linear.scatter [tilespmem:s30], [sflag:$0x5], $0x2000, $0x38;
	[tilespmem:$0x17540] =	vst v63  }
0x2f: {  	_ =	swait.ge [sflag:s14], $0x2000  }
0x30: {  	[sflag:s14] =	ssyncset.done $0x0  }
0x31: {  	[sflag:s14] =	ssyncadd.s32 $0xFFFFE000  }
0x32: {  	[spmem:s10] =	stream.linear.scatter [tilespmem:s30], [sflag:$0x5], $0x2000, $0x38;
	[tilespmem:$0x17540] =	vst v63  }
0x33: {  	_ =	swait.ge [sflag:s14], $0x2000  }
0x34: {  	[sflag:s14] =	ssyncset.done $0x0  }
0x35: {  	[sflag:s14] =	ssyncadd.s32 $0xFFFFE000  }
0x36: {  	[spmem:s11] =	stream.linear.scatter [tilespmem:s30], [sflag:$0x5], $0x2000, $0x38;
	[tilespmem:$0x17540] =	vst v63  }
0x37: {  	_ =	swait.ge [sflag:s14], $0x2000  }
0x38: {  	[sflag:s14] =	ssyncset.done $0x0  }
0x39: {  	[sflag:s14] =	ssyncadd.s32 $0xFFFFE000  }
0x3a: {  	[spmem:s12] =	stream.linear.scatter [tilespmem:s30], [sflag:$0x5], $0x2000, $0x38;
	[tilespmem:$0x17540] =	vst v63  }
0x3b: {  	_ =	swait.ge [sflag:s14], $0x2000  }
0x3c: {  	[sflag:s14] =	ssyncset.done $0x0  }
0x3d: {  	[sflag:s14] =	ssyncadd.s32 $0xFFFFE000  }
0x3e: {  	[bflag:$0x0] =	sbarrier.arrive $0xFFFF  }
0x3f: {  	_ =	swait.ge [sflag:s31], $0x1900  }
0x40: {  	[sflag:s31] =	ssyncset.done $0x0  }
0x41: {  	s18 =	simm.s32 $0x28A0;
	[sflag:s31] =	ssyncadd.s32 $0xFFFFE700  }
0x42: {  	[spmem:s3] =	stream.indirect.scatter.add.f32 [tilespmem:s17], [sflag:$0x5], $0x40, s18, s16, $0xb8;
	[tilespmem:$0x17540] =	vst v63  }
0x43: {  	_ =	swait.ge [sflag:s14], $0x1900  }
0x44: {  	[sflag:s14] =	ssyncset.done $0x0  }
0x45: {  	s5 =	simm.s32 $0x1A0;
	[sflag:s14] =	ssyncadd.s32 $0xFFFFE700  }
0x46: {  	[tilespmem:s17], [sflag:$0x1] =	stream.indirect.gather [hbm4b:s0+s16], $0x40, s5, s16, $0xb8;
	[tilespmem:$0x17540] =	vst v63  }
0x47: {  	_ =	swait.ge [sflag:s1], $0x1900  }
0x48: {  	[sflag:s1] =	ssyncset.done $0x0  }
0x49: {  	s6 =	simm.s32 $0x2908;
	[sflag:s1] =	ssyncadd.s32 $0xFFFFE700  }
0x4a: {  	[spmem:s3] =	stream.indirect.scatter.add.f32 [tilespmem:s19], [sflag:$0x5], $0x40, s6, s16, $0xb8;
	[tilespmem:$0x17540] =	vst v63  }
0x4b: {  	_ =	swait.ge [sflag:s14], $0x1900  }
0x4c: {  	[sflag:s14] =	ssyncset.done $0x0  }
0x4d: {  	s5 =	simm.s32 $0x208;
	[sflag:s14] =	ssyncadd.s32 $0xFFFFE700  }
0x4e: {  	[tilespmem:s19], [sflag:$0x2] =	stream.indirect.gather [hbm4b:s0+s16], $0x40, s5, s16, $0xb8;
	[tilespmem:$0x17540] =	vst v63  }
0x4f: {  	_ =	swait.ge [sflag:s2], $0x1900  }
0x50: {  	[sflag:s2] =	ssyncset.done $0x0  }
0x51: {  	s6 =	simm.s32 $0x2970;
	[sflag:s2] =	ssyncadd.s32 $0xFFFFE700  }
0x52: {  	[spmem:s3] =	stream.indirect.scatter.add.f32 [tilespmem:s26], [sflag:$0x5], $0x40, s6, s16, $0xb8;
	[tilespmem:$0x17540] =	vst v63  }
0x53: {  	_ =	swait.ge [sflag:s14], $0x1900  }
0x54: {  	[sflag:s14] =	ssyncset.done $0x0  }
0x55: {  	s5 =	simm.s32 $0x270;
	[sflag:s14] =	ssyncadd.s32 $0xFFFFE700  }
0x56: {  	[tilespmem:s26], [sflag:$0x3] =	stream.indirect.gather [hbm4b:s0+s16], $0x40, s5, s16, $0xb8;
	[tilespmem:$0x17540] =	vst v63  }
0x57: {  	_ =	swait.ge [sflag:s15], $0x1900  }
0x58: {  	[sflag:s15] =	ssyncset.done $0x0  }
0x59: {  	s6 =	simm.s32 $0x29D8;
	[sflag:s15] =	ssyncadd.s32 $0xFFFFE700  }
0x5a: {  	[spmem:s3] =	stream.indirect.scatter.add.f32 [tilespmem:s29], [sflag:$0x5], $0x40, s6, s16, $0xb8;
	[tilespmem:$0x17540] =	vst v63  }
0x5b: {  	_ =	swait.ge [sflag:s14], $0x1900  }
0x5c: {  	[sflag:s14] =	ssyncset.done $0x0  }
0x5d: {  	s28 =	simm.s32 $0x680;
	s18 =	simm.s32 $0x2D8;
	[sflag:s14] =	ssyncadd.s32 $0xFFFFE700  }
.LBB2_2:
0x5e: {  	[tilespmem:s29], [sflag:$0x4] =	stream.indirect.gather [hbm4b:s0+s16], $0x40, s18, s16, $0xb8;
	[tilespmem:$0x17540] =	vst v63  }
0x5f: {  	s18 =	smov.u32 s28  }
0x60: {  	p0 =	sne.s32 s28, $0x9580;
	s28 =	sadd.s32 $0x680, s28;
	_ =	swait.ge [sflag:s31], $0x1900  }
0x61: {  	s18 =	sshra.s32 s18, $0x2;
	[sflag:s31] =	ssyncset.done $0x0  }
0x62: {  	s5 =	sadd.s32 $0x28A0, s18;
	[sflag:s31] =	ssyncadd.s32 $0xFFFFE700  }
0x63: {  	[spmem:s3] =	stream.indirect.scatter.add.f32 [tilespmem:s17], [sflag:$0x5], $0x40, s5, s16, $0xb8;
	[tilespmem:$0x17540] =	vst v63  }
0x64: {  	_ =	swait.ge [sflag:s14], $0x1900  }
0x65: {  	[sflag:s14] =	ssyncset.done $0x0  }
0x66: {  	s5 =	sadd.s32 $0x1A0, s18;
	[sflag:s14] =	ssyncadd.s32 $0xFFFFE700  }
0x67: {  	[tilespmem:s17], [sflag:$0x1] =	stream.indirect.gather [hbm4b:s0+s16], $0x40, s5, s16, $0xb8;
	[tilespmem:$0x17540] =	vst v63  }
0x68: {  	_ =	swait.ge [sflag:s1], $0x1900  }
0x69: {  	[sflag:s1] =	ssyncset.done $0x0  }
0x6a: {  	s5 =	sadd.s32 $0x2908, s18;
	[sflag:s1] =	ssyncadd.s32 $0xFFFFE700  }
0x6b: {  	[spmem:s3] =	stream.indirect.scatter.add.f32 [tilespmem:s19], [sflag:$0x5], $0x40, s5, s16, $0xb8;
	[tilespmem:$0x17540] =	vst v63  }
0x6c: {  	_ =	swait.ge [sflag:s14], $0x1900  }
0x6d: {  	[sflag:s14] =	ssyncset.done $0x0  }
0x6e: {  	s5 =	sadd.s32 $0x208, s18;
	[sflag:s14] =	ssyncadd.s32 $0xFFFFE700  }
0x6f: {  	[tilespmem:s19], [sflag:$0x2] =	stream.indirect.gather [hbm4b:s0+s16], $0x40, s5, s16, $0xb8;
	[tilespmem:$0x17540] =	vst v63  }
0x70: {  	_ =	swait.ge [sflag:s2], $0x1900  }
0x71: {  	[sflag:s2] =	ssyncset.done $0x0  }
0x72: {  	s5 =	sadd.s32 $0x2970, s18;
	[sflag:s2] =	ssyncadd.s32 $0xFFFFE700  }
0x73: {  	[spmem:s3] =	stream.indirect.scatter.add.f32 [tilespmem:s26], [sflag:$0x5], $0x40, s5, s16, $0xb8;
	[tilespmem:$0x17540] =	vst v63  }
0x74: {  	_ =	swait.ge [sflag:s14], $0x1900  }
0x75: {  	[sflag:s14] =	ssyncset.done $0x0  }
0x76: {  	s5 =	sadd.s32 $0x270, s18;
	[sflag:s14] =	ssyncadd.s32 $0xFFFFE700  }
0x77: {  	[tilespmem:s26], [sflag:$0x3] =	stream.indirect.gather [hbm4b:s0+s16], $0x40, s5, s16, $0xb8;
	[tilespmem:$0x17540] =	vst v63  }
0x78: {  	_ =	swait.ge [sflag:s15], $0x1900  }
0x79: {  	[sflag:s15] =	ssyncset.done $0x0  }
.Ltmp0:
0x7a: {  	s5 =	sadd.s32 $0x29D8, s18;
	[sflag:s15] =	ssyncadd.s32 $0xFFFFE700;
	(pc) =	sbr.rel @p0 .LBB2_2-.Ltmp0, $4  }
0x7b: {  	[spmem:s3] =	stream.indirect.scatter.add.f32 [tilespmem:s29], [sflag:$0x5], $0x40, s5, s16, $0xb8;
	[tilespmem:$0x17540] =	vst v63  }
0x7c: {  	_ =	swait.ge [sflag:s14], $0x1900  }
0x7d: {  	[sflag:s14] =	ssyncset.done $0x0  }
0x7e: {  	s18 =	sadd.s32 $0x2D8, s18;
	[sflag:s14] =	ssyncadd.s32 $0xFFFFE700  }
0x7f: {  	[tilespmem:s29], [sflag:$0x4] =	stream.indirect.gather [hbm4b:s0+s16], $0x40, s18, s16, $0xb8;
	[tilespmem:$0x17540] =	vst v63  }
0x80: {  	_ =	swait.ge [sflag:s31], $0x1900  }
0x81: {  	[sflag:s31] =	ssyncset.done $0x0  }
0x82: {  	s5 =	simm.s32 $0x4FA0;
	[sflag:s31] =	ssyncadd.s32 $0xFFFFE700  }
0x83: {  	[spmem:s3] =	stream.indirect.scatter.add.f32 [tilespmem:s17], [sflag:$0x5], $0x40, s5, s16, $0xb8;
	[tilespmem:$0x17540] =	vst v63  }
0x84: {  	_ =	swait.ge [sflag:s14], $0x1900  }
0x85: {  	[sflag:s14] =	ssyncset.done $0x0  }
0x86: {  	[sflag:s14] =	ssyncadd.s32 $0xFFFFE700  }
0x87: {  	_ =	swait.ge [sflag:s1], $0x1900  }
0x88: {  	[sflag:s1] =	ssyncset.done $0x0  }
0x89: {  	s18 =	simm.s32 $0x5008;
	[sflag:s1] =	ssyncadd.s32 $0xFFFFE700  }
0x8a: {  	[spmem:s3] =	stream.indirect.scatter.add.f32 [tilespmem:s19], [sflag:$0x5], $0x40, s18, s16, $0xb8;
	[tilespmem:$0x17540] =	vst v63  }
0x8b: {  	_ =	swait.ge [sflag:s14], $0x1900  }
0x8c: {  	[sflag:s14] =	ssyncset.done $0x0  }
0x8d: {  	[sflag:s14] =	ssyncadd.s32 $0xFFFFE700  }
0x8e: {  	_ =	swait.ge [sflag:s2], $0x1900  }
0x8f: {  	[sflag:s2] =	ssyncset.done $0x0  }
0x90: {  	s28 =	simm.s32 $0x5070;
	[sflag:s2] =	ssyncadd.s32 $0xFFFFE700  }
0x91: {  	[spmem:s3] =	stream.indirect.scatter.add.f32 [tilespmem:s26], [sflag:$0x5], $0x40, s28, s16, $0xb8;
	[tilespmem:$0x17540] =	vst v63  }
0x92: {  	_ =	swait.ge [sflag:s14], $0x1900  }
0x93: {  	[sflag:s14] =	ssyncset.done $0x0  }
0x94: {  	[sflag:s14] =	ssyncadd.s32 $0xFFFFE700  }
0x95: {  	_ =	swait.ge [sflag:s15], $0x1900  }
0x96: {  	[sflag:s15] =	ssyncset.done $0x0  }
0x97: {  	s6 =	simm.s32 $0x50D8;
	[sflag:s15] =	ssyncadd.s32 $0xFFFFE700  }
0x98: {  	[spmem:s3] =	stream.indirect.scatter.add.f32 [tilespmem:s29], [sflag:$0x5], $0x40, s6, s16, $0xb8;
	[tilespmem:$0x17540] =	vst v63  }
0x99: {  	_ =	swait.ge [sflag:s14], $0x1900  }
0x9a: {  	s18 =	stileid.u32;
	[sflag:s14] =	ssyncset.done $0x0  }
0x9b: {  	s5 =	sshll.u32 s18, $0x6;
	[sflag:s14] =	ssyncadd.s32 $0xFFFFE700  }
0x9c: {  	s18 =	sor.u32 $0x1C01, s5;
	s28 =	sshrl.u32 s8, $0x3;
	[bflag:$0x0] =	sbarrier.arrive $0xFFFF  }
0x9d: {  	[hbm:s20], [sflag:s18] =	dma.local [spmem:s28], $0x400  }
0x9e: {  	s6 =	sshrl.u32 s9, $0x3;
	s28 =	sor.u32 $0x1C02, s5  }
0x9f: {  	[hbm:s21], [sflag:s28] =	dma.local [spmem:s6], $0x400  }
0xa0: {  	s6 =	sor.u32 $0x1C03, s5;
	s28 =	sshrl.u32 s10, $0x3  }
0xa1: {  	[hbm:s22], [sflag:s6] =	dma.local [spmem:s28], $0x400  }
0xa2: {  	s5 =	sor.u32 $0x1C04, s5;
	s28 =	sshrl.u32 s11, $0x3  }
0xa3: {  	[hbm:s23], [sflag:s5] =	dma.local [spmem:s28], $0x400  }
0xa4: {  	s28 =	sshrl.u32 s12, $0x3  }
0xa5: {  	[hbm:s24], [sflag:s18] =	dma.local [spmem:s28], $0x400  }
0xa6: {  	_ =	swait.ge [sflag:s31], $0x400  }
0xa7: {  	[sflag:s31] =	ssyncset.done $0x0  }
0xa8: {  	[sflag:s31] =	ssyncadd.s32 $0xFFFFFC00  }
0xa9: {  	_ =	swait.ge [sflag:s1], $0x400  }
0xaa: {  	[sflag:s1] =	ssyncset.done $0x0  }
0xab: {  	[sflag:s1] =	ssyncadd.s32 $0xFFFFFC00  }
0xac: {  	_ =	swait.ge [sflag:s2], $0x400  }
0xad: {  	[sflag:s2] =	ssyncset.done $0x0  }
0xae: {  	s25 =	sadd.s32 $0x1, s25;
	[sflag:s2] =	ssyncadd.s32 $0xFFFFFC00  }
0xaf: {  	p0 =	sne.s32 s25, s13;
	_ =	swait.ge [sflag:s15], $0x400  }
.Ltmp1:
0xb0: {  	[sflag:s15] =	ssyncset.done $0x0;
	(pc) =	sbr.rel @p0 .LBB2_1-.Ltmp1, $4  }
0xb1: {  	[sflag:s15] =	ssyncadd.s32 $0xFFFFFC00  }
0xb2: {  	_ =	swait.ge [sflag:s31], $0x400  }
0xb3: {  	[sflag:s31] =	ssyncset.done $0x0  }
0xb4: {  	[sflag:s31] =	ssyncadd.s32 $0xFFFFFC00  }
0xb5: {  	_ =	sfence.sel $0x180000  }
0xb6: {  	[bflag:$0x0] =	sbarrier.arrive $0xFFFF  }
0xb7: {  	_ =	strace $0x9000004A  }
0xb8: {  	s0 =	stileid.u32;
	[bflag:$0x2] =	sbarrier.arrive $0xFFFF  }
0xb9: {  	p0 =	sne.s32 s0, $0x0;
	s0 =	rddreg [dreg:$0x3]  }
0xba: {  	s0 =	sadd.s32 @!p0 $0x100000, s0  }
0xbb: {  	[sflag:s0] =	ssyncadd.tile.s32 @!p0 $0x1;
	_ =	shalt  }
.Lfunc_end2:
_tile_overlayer_lowered:
.L_overlay_start_2:
0xbc: {  	(tag) =	ssettag $0x2  }
0xbd: {  	s0 =	rddreg [dreg:$0x0];
	s2 =	stileid.u32  }
0xbe: {  	s1 =	rddreg [dreg:$0x1];
	p0 =	sne.s32 s2, $0x0  }
0xbf: {  	s3 =	rddreg [dreg:$0x2];
	[bflag:$0x3] =	sbarrier.arrive $0xFFFF;
	s2 =	simm.s32 @!p0 $0x1C05  }
0xc0: {  	[timem:s3], [sflag:s2] =	dma.local @!p0 [hbm:s0], s1  }
0xc1: {  	s0 =	simm.s32 @!p0 $0x5  }
0xc2: {  	_ =	swait.ge @!p0 [sflag:s0], s1  }
0xc3: {  	s1 =	ssub.s32 @!p0 $0x0, s1;
	[sflag:s0] =	ssyncset.done @!p0 $0x0  }
0xc4: {  	[sflag:s0] =	ssyncadd.s32 @!p0 s1  }
0xc5: {  	[bflag:$0x3] =	sbarrier.arrive $0xFFFF  }
0xc6: {  	_ =	shalt  }

// kernel: kernel.17.cloned.1.call-start
scs
__scs_entry_jumppad:
0x0: {  	(pc) =	sbr.rel $0x88, $3  }
0x1: {  	(tag) =	ssettag $0x0;
	lr =	simm.s32 $0x1  }
0x2: {  	[smem:$0x3F89] =	sst lr;
	_ =	strace $0xD0000000  }
0x3: {  	_ = 	snop  }
0x4: {  	_ = 	snop  }
0x5: {  	_ = 	snop  }
0x6: {  	_ = 	snop  }
0x7: {  	_ = 	snop  }
__scs_overlays_trampoline_lowered:
0x8: {  	[smem:$0x3F98] =	sst s0  }
0x9: {  	[smem:$0x3F99] =	sst s1  }
0xa: {  	[smem:$0x3F9A] =	sst s2  }
0xb: {  	[smem:$0x3F9B] =	sst s3  }
0xc: {  	[smem:$0x3F9C] =	sst s4  }
0xd: {  	[smem:$0x3F9D] =	sst s5  }
0xe: {  	[smem:$0x3F9E] =	sst s6  }
0xf: {  	[smem:$0x3F9F] =	sst s7  }
0x10: {  	[smem:$0x3FA0] =	sst s8  }
0x11: {  	[smem:$0x3FA1] =	sst s9;
	s0 =	simm.s32 @!p0 $0x0  }
0x12: {  	s1 =	sld [smem:$0x3F87];
	s0 =	simm.s32 @p0 $0x1  }
0x13: {  	[smem:$0x3FA2] =	sst s0;
	s0 =	simm.s32 @!p1 $0x0  }
0x14: {  	s2 =	sld [smem:$0x3F86];
	s0 =	simm.s32 @p1 $0x1  }
0x15: {  	[smem:$0x3FA3] =	sst s0;
	s0 =	simm.s32 @!p2 $0x0  }
0x16: {  	s3 =	sld [smem:$0x3FDB];
	s0 =	simm.s32 @p2 $0x1  }
0x17: {  	s4 =	simm.s32 $0x1BF5;
	[smem:$0x3FA5] =	sst s0  }
0x18: {  	s0 =	sld [smem:$0x3F88];
	_ =	swait.ge [sflag:s4], $0x0  }
0x19: {  	s7 =	sld [smem:$0x3F89]  }
0x1a: {  	s8 =	sadd.s32 $0xFFFFE003, lr  }
0x1b: {  	s9 =	sadd.s32 $0xFFFFFEF7, lr;
	s5 =	simm.s32 $0xFFFFFFFF;
	p2 =	slt.u32 s8, $0xFFFFF086  }
0x1c: {  	p1 =	slt.u32 s9, $0xF7A;
	s5 =	simm.s32 @!p2 $0x0  }
0x1d: {  	s5 =	simm.s32 @p1 $0x1;
	p0 =	seq.s32 s7, s2  }
0x1e: {  	s7 =	smul.u32 @!p0 $0xF7A, s2;
	p2 =	seq.s32 @!p0 s5, $0x0  }
0x1f: {  	s9 =	smul.u32 $0xF7A, s1;
	s8 =	simm.s32 @!p0 $0x1BF5;
	p2 =	por !p2, p0  }
0x20: {  	[sflag:s8] =	ssyncset.s32 @!p0 $0xFFFFF086;
	s6 =	sadd.s32 @!p0 s3, s7;
	s7 =	simm.s32 @!p0 $0x108  }
0x21: {  	s3 =	sadd.s32 s3, s9;
	s6 =	sadd.s32 @!p0 $0x88, s6;
	s7 =	simm.s32 @p2 $0x1082  }
0x22: {  	[simem:s7], [sflag:s8] =	dma.local @!p0 [hbm:s6], $0xF7A  }
0x23: {  	s9 =	sor.u32 $0xD0000000, s2;
	s6 =	simm.s32 $0x108;
	_ =	swait.ge @!p0 [sflag:s8], $0x0  }
0x24: {  	s3 =	sadd.s32 $0x88, s3;
	s6 =	simm.s32 @!p1 $0x1082;
	[sflag:s4] =	ssyncset.s32 $0xFFFFF086  }
0x25: {  	[simem:s6], [sflag:s4] =	dma.local [hbm:s3], $0xF7A  }
0x26: {  	[smem:$0x3F89] =	sst s1;
	(tag) =	ssettag s2;
	_ =	strace s9  }
0x27: {  	s1 =	sld [smem:$0x3F99]  }
0x28: {  	s2 =	sld [smem:$0x3F9A]  }
0x29: {  	s4 =	sld [smem:$0x3F9C]  }
0x2a: {  	p0 =	seq.s32 s5, $0x0;
	s5 =	sld [smem:$0x3F9D]  }
0x2b: {  	s6 =	sld [smem:$0x3F9E]  }
0x2c: {  	s7 =	sld [smem:$0x3F9F]  }
0x2d: {  	s3 =	simm.s32 $0x108;
	s8 =	sld [smem:$0x3FA0]  }
0x2e: {  	s3 =	simm.s32 @!p0 $0x1082;
	s9 =	sld [smem:$0x3FA1]  }
0x2f: {  	lr =	sadd.s32 s0, s3;
	s0 =	sld [smem:$0x3F98]  }
0x30: {  	s3 =	sld [smem:$0x3F9B]  }
0x31: {  	[smem:$0x3FA4] =	sst s10  }
0x32: {  	s10 =	sld [smem:$0x3FA2];
	_ =	sdelay $0x3  }
0x33: {  	p0 =	seq.s32 s10, $0x1;
	s10 =	sld [smem:$0x3FA4];
	_ =	sdelay $0x3  }
0x34: {  	[smem:$0x3FA4] =	sst s10  }
0x35: {  	s10 =	sld [smem:$0x3FA3];
	_ =	sdelay $0x3  }
0x36: {  	p1 =	seq.s32 s10, $0x1;
	s10 =	sld [smem:$0x3FA4];
	_ =	sdelay $0x3  }
0x37: {  	[smem:$0x3FA4] =	sst s10  }
0x38: {  	s10 =	sld [smem:$0x3FA5]  }
0x39: {  	_ = 	snop;
	(pc) =	sbr.ind lr, $3  }
0x3a: {  	_ = 	snop  }
0x3b: {  	_ = 	snop  }
0x3c: {  	p2 =	seq.s32 s10, $0x1;
	s10 =	sld [smem:$0x3FA4]  }
0x3d: {  	_ =	shalt  }
0x3e: {  	_ =	shalt  }
0x3f: {  	_ =	shalt  }
0x40: {  	_ =	shalt  }
0x41: {  	_ =	shalt  }
0x42: {  	_ =	shalt  }
0x43: {  	_ =	shalt  }
0x44: {  	_ =	shalt  }
0x45: {  	_ =	shalt  }
0x46: {  	_ =	shalt  }
0x47: {  	_ =	shalt  }
0x48: {  	_ =	shalt  }
0x49: {  	_ =	shalt  }
0x4a: {  	_ =	shalt  }
0x4b: {  	_ =	shalt  }
0x4c: {  	_ =	shalt  }
0x4d: {  	_ =	shalt  }
0x4e: {  	_ =	shalt  }
0x4f: {  	_ =	shalt  }
0x50: {  	_ =	shalt  }
0x51: {  	_ =	shalt  }
0x52: {  	_ =	shalt  }
0x53: {  	_ =	shalt  }
0x54: {  	_ =	shalt  }
0x55: {  	_ =	shalt  }
0x56: {  	_ =	shalt  }
0x57: {  	_ =	shalt  }
0x58: {  	_ =	shalt  }
0x59: {  	_ =	shalt  }
0x5a: {  	_ =	shalt  }
0x5b: {  	_ =	shalt  }
0x5c: {  	_ =	shalt  }
0x5d: {  	_ =	shalt  }
0x5e: {  	_ =	shalt  }
0x5f: {  	_ =	shalt  }
0x60: {  	_ =	shalt  }
0x61: {  	_ =	shalt  }
0x62: {  	_ =	shalt  }
0x63: {  	_ =	shalt  }
0x64: {  	_ =	shalt  }
0x65: {  	_ =	shalt  }
0x66: {  	_ =	shalt  }
0x67: {  	_ =	shalt  }
0x68: {  	_ =	shalt  }
0x69: {  	_ =	shalt  }
0x6a: {  	_ =	shalt  }
0x6b: {  	_ =	shalt  }
0x6c: {  	_ =	shalt  }
0x6d: {  	_ =	shalt  }
0x6e: {  	_ =	shalt  }
0x6f: {  	_ =	shalt  }
0x70: {  	_ =	shalt  }
0x71: {  	_ =	shalt  }
0x72: {  	_ =	shalt  }
0x73: {  	_ =	shalt  }
0x74: {  	_ =	shalt  }
0x75: {  	_ =	shalt  }
0x76: {  	_ =	shalt  }
0x77: {  	_ =	shalt  }
0x78: {  	_ =	shalt  }
0x79: {  	_ =	shalt  }
0x7a: {  	_ =	shalt  }
0x7b: {  	_ =	shalt  }
0x7c: {  	_ =	shalt  }
0x7d: {  	_ =	shalt  }
0x7e: {  	_ =	shalt  }
0x7f: {  	_ =	shalt  }
0x80: {  	_ =	shalt  }
0x81: {  	_ =	shalt  }
0x82: {  	_ =	shalt  }
0x83: {  	_ =	shalt  }
0x84: {  	_ =	shalt  }
0x85: {  	_ =	shalt  }
0x86: {  	_ =	shalt  }
0x87: {  	_ =	shalt  }
.Lfunc_end0:
.L_simem_size_0:
called_computation.2_lowered:
.L_overlay_start_0:
0x88: {  	s2 =	sld [smem:$0x3FD9]  }
0x89: {  	s3 =	sld [smem:$0x3FFE];
	_ =	sdelay $0x1  }
0x8a: {  	s1 =	srdreg.scid  }
0x8b: {  	s0 =	sand.u32 $0x1, s1  }
0x8c: {  	s17 =	sshll.u32 s0, $0xA;
	s2 =	sadd.s32 s3, s2  }
0x8d: {  	s2 =	sadd.s32 s2, s17  }
0x8e: {  	[smem:$0x3FB0] =	sst s2  }
0x8f: {  	_ = 	snop  }
0x90: {  	s2 =	sld [smem:$0x3FD0];
	(tm) =	ssettm $0x1  }
0x91: {  	s18 =	sld [smem:$0x3FFB];
	_ =	sdelay $0x3  }
0x92: {  	_ =	strace s18  }
0x93: {  	s3 =	sld [smem:$0x3FFC];
	_ =	sdelay $0x3  }
0x94: {  	_ =	strace s3  }
0x95: {  	s3 =	sld [smem:$0x3FFD];
	_ =	sdelay $0x3  }
0x96: {  	_ =	strace s3  }
0x97: {  	_ =	strace $0x8FFFFFFF  }
0x98: {  	s19 =	sld [smem:$0x3FDB];
	_ =	sdelay $0x1  }
0x99: {  	s4 =	simm.s32 $_scs_section_size  }
0x9a: {  	s5 =	simm.s32 $_size__tile_overlayer_lowered;
	s6 =	simm.s32 $_tile_overlayer_lowered  }
0x9b: {  	s22 =	simm.s32 $0x1BFF;
	s21 =	sshll.u32 s6, $0x1;
	s3 =	sadd.s32 s4, s19  }
0x9c: {  	s7 =	simm.s32 $0x0;
	s20 =	sshll.u32 s5, $0x1;
	s5 =	sadd.s32 s21, s3  }
0x9d: {  	[timem:s7], [sflag:s22] =	dma.local [hbm:s5], s20  }
0x9e: {  	_ =	swait.ge [sflag:s22], s20  }
0x9f: {  	s4 =	ssub.s32 $0x0, s20;
	[sflag:s22] =	ssyncset.done $0x0  }
0xa0: {  	[sflag:s22] =	ssyncadd.s32 s4;
	_ =	sdelay $0x1  }
0xa1: {  	s23 =	simm.s32 $0x1B8B  }
0xa2: {  	_ =	swait.ge [sflag:s23], $0x1  }
0xa3: {  	[sflag:s23] =	ssyncset.done $0x0  }
0xa4: {  	s25 =	simm.s32 $0x1B8E;
	s24 =	sld [smem:$0x3FFE];
	[sflag:s23] =	ssyncadd.s32 $0xFFFFFFFF  }
0xa5: {  	s26 =	simm.s32 $execute0_lowered;
	[smem:$0x3FD2] =	sst s25  }
0xa6: {  	s5 =	sshll.u32 s26, $0x1;
	_ =	strace $0x8000004C;
	[dreg:$0x1] =	wrdreg $0xFFFFFFFF  }
0xa7: {  	s28 =	simm.s32 $_size_execute0_lowered;
	s3 =	sadd.s32 s3, s5;
	[dreg:$0x0] =	wrdreg $0x0  }
0xa8: {  	s5 =	sshll.u32 s28, $0x1;
	[dreg:$0x2] =	wrdreg s3  }
0xa9: {  	[dreg:$0x3] =	wrdreg s5  }
0xaa: {  	[dreg:$0x4] =	wrdreg $0xC0  }
0xab: {  	_ =	task [dreg:s7], $0x5FFFF  }
0xac: {  	[dreg:$0x1] =	wrdreg $0xFFFFFFFF  }
0xad: {  	[dreg:$0x0] =	wrdreg $0x60  }
0xae: {  	[dreg:$0x2] =	wrdreg s2  }
0xaf: {  	[dreg:$0x3] =	wrdreg s24  }
0xb0: {  	[dreg:$0x4] =	wrdreg $0xD5400  }
0xb1: {  	[dreg:$0x5] =	wrdreg $0x9  }
0xb2: {  	_ =	task.clear_ibuf [dreg:s7], $0x6FFFF;
	_ =	strace $0x9000004C  }
0xb3: {  	s29 =	simm.s32 $0x9;
	_ =	strace $0x8000004E  }
0xb4: {  	_ =	swait.ge [sflag:s29], $0x1  }
0xb5: {  	[sflag:s29] =	ssyncadd.s32 $0xFFFFFFFF  }
0xb6: {  	_ =	strace $0x9000004E  }
0xb7: {  	_ =	sfence  }
0xb8: {  	s30 =	sld [smem:$0x0];
	_ =	sdelay $0x2  }
0xb9: {  	s31 =	sshll.u32 s1, $0xD;
	s1 =	sshrl.u32 s1, $0x2  }
0xba: {  	s3 =	sand.u32 $0x4000, s31;
	s1 =	sadd.s32 s1, s30  }
0xbb: {  	s0 =	sor.u32 s3, s0;
	s1 =	sshll.u32 s1, $0x11  }
0xbc: {  	s0 =	sor.u32 s1, s0  }
0xbd: {  	s0 =	sadd.s32 $0x8F2B, s0  }
0xbe: {  	[sflag:s0] =	ssyncadd.remote.s32 $0x1  }
0xbf: {  	_ =	sfence.sel $0xFFFF  }
0xc0: {  	[dreg:$0x0] =	wrdreg $0xFFFFFFFF;
	(pc) =	sbr.abs _section_cstart, $3  }
0xc1: {  	[dreg:$0x1] =	wrdreg $0xFFFFFFFF  }
0xc2: {  	_ =	task.clear_ibuf [dreg:s7], $0x2FFFF;
	_ =	strace $0x9FFFFFFF  }
0xc3: {  	(tm) =	ssettm $0x7FFFFFFF  }
tec
execute0_lowered:
.L_overlay_start_1:
0x0: {  	(tag) =	ssettag $0x1  }
0x1: {  	s0 =	rddreg [dreg:$0x0]  }
0x2: {  	s1 =	srdreg.scid;
	s2 =	rddreg [dreg:$0x1]  }
0x3: {  	s3 =	rddreg [dreg:$0x2];
	s9 =	stileid.u32;
	s4 =	simm.s32 $0x0  }
0x4: {  	s19 =	simm.s32 $0x6A40;
	s29 =	simm.s32 $0x9C40;
	s30 =	simm.s32 $0xB540  }
0x5: {  	s31 =	simm.s32 $0x1;
	s25 =	simm.s32 $0x0;
	s1 =	sand.u32 $0x1, s1  }
0x6: {  	[smem:$0x7FF] =	sst s4;
	s26 =	sadd.s32 $0x18200, s2;
	s13 =	smul.u32 $0xA000, s9  }
0x7: {  	s5 =	sshll.u32 s1, $0x4;
	_ =	strace $0x8000004D;
	s6 =	smul.u32 $0x14000, s1  }
0x8: {  	s1 =	ssub.s32 $0x2, s1;
	[dreg:$0x4] =	wrdreg s26;
	s26 =	simm.s32 $0x8340  }
0x9: {  	s5 =	sor.u32 s9, s5;
	s8 =	sshrl.u32 s1, $0x1;
	s14 =	sadd.s32 $0x2000, s13  }
0xa: {  	s15 =	sadd.s32 $0x4000, s13;
	s16 =	sadd.s32 $0x6000, s13;
	s17 =	sadd.s32 $0x8000, s13  }
0xb: {  	s18 =	sshrl.u32 s13, $0x3;
	s5 =	smul.u32 $0x514, s5;
	s1 =	ssub.s32 s1, s8  }
0xc: {  	s8 =	sadd.s32 s13, s3;
	s9 =	sadd.s32 s14, s3;
	s10 =	sadd.s32 s15, s3  }
0xd: {  	s11 =	sadd.s32 s16, s3;
	s12 =	sadd.s32 s17, s3;
	s21 =	sshrl.u32 s14, $0x3  }
0xe: {  	s15 =	sshrl.u32 s15, $0x3;
	s23 =	sshrl.u32 s16, $0x3;
	s24 =	sshrl.u32 s17, $0x3  }
0xf: {  	s14 =	simm.s32 $0x5;
	s16 =	simm.s32 $0x64;
	s17 =	simm.s32 $0x5140  }
0x10: {  	s13 =	smax.u32 s1, $0x1;
	s7 =	sadd.s32 s5, s2;
	s2 =	sadd.s32 s6, s2  }
0x11: {  	s1 =	simm.s32 $0x2;
	s28 =	sadd.s32 $0xDE00, s7;
	s2 =	sadd.s32 $0x18600, s2  }
0x12: {  	s7 =	sadd.s32 $0x3A00, s7;
	[dreg:$0x5] =	wrdreg s28;
	s20 =	sadd.s32 s18, s2  }
0x13: {  	s21 =	sadd.s32 s21, s2;
	s22 =	sadd.s32 s15, s2;
	s23 =	sadd.s32 s23, s2  }
0x14: {  	s24 =	sadd.s32 s24, s2;
	s2 =	simm.s32 $0x3;
	s15 =	simm.s32 $0x4  }
.LBB2_1:
0x15: {  	s5 =	rddreg [dreg:$0x5]  }
0x16: {  	[tilespmem:s4], [sflag:$0x5] =	stream.linear.gather [hbm4b:s5+s4], $0x28A0, $0x38;
	[tilespmem:$0x17540] =	vst v63  }
0x17: {  	_ =	swait.ge [sflag:s14], $0x28A0  }
0x18: {  	[sflag:s14] =	ssyncset.done $0x0  }
0x19: {  	s18 =	simm.s32 $0x28A0;
	[sflag:s14] =	ssyncadd.s32 $0xFFFFD760  }
0x1a: {  	[tilespmem:s18], [sflag:$0x5] =	stream.linear.gather [hbm4b:s7+s4], $0x28A0, $0x38;
	[tilespmem:$0x17540] =	vst v63  }
0x1b: {  	_ =	swait.ge [sflag:s14], $0x28A0  }
0x1c: {  	[sflag:s14] =	ssyncset.done $0x0  }
0x1d: {  	[sflag:s14] =	ssyncadd.s32 $0xFFFFD760  }
0x1e: {  	[tilespmem:s17], [sflag:$0x1] =	stream.indirect.gather [hbm4b:s0+s16], $0x40, s4, s16, $0xb8;
	[tilespmem:$0x17540] =	vst v63  }
0x1f: {  	s6 =	simm.s32 $0x68  }
0x20: {  	[tilespmem:s19], [sflag:$0x2] =	stream.indirect.gather [hbm4b:s0+s16], $0x40, s6, s16, $0xb8;
	[tilespmem:$0x17540] =	vst v63  }
0x21: {  	s18 =	simm.s32 $0xD0  }
0x22: {  	[tilespmem:s26], [sflag:$0x3] =	stream.indirect.gather [hbm4b:s0+s16], $0x40, s18, s16, $0xb8;
	[tilespmem:$0x17540] =	vst v63  }
0x23: {  	s6 =	simm.s32 $0x138  }
0x24: {  	[tilespmem:s29], [sflag:$0x4] =	stream.indirect.gather [hbm4b:s0+s16], $0x40, s6, s16, $0xb8;
	[tilespmem:$0x17540] =	vst v63  }
0x25: {  	s18 =	rddreg [dreg:$0x4]  }
0x26: {  	[tilespmem:s30], [sflag:$0x5] =	stream.linear.gather [hbm4b:s18+s4], $0x2000, $0x38;
	[tilespmem:$0x17540] =	vst v63  }
0x27: {  	_ =	swait.ge [sflag:s14], $0x2000  }
0x28: {  	[sflag:s14] =	ssyncset.done $0x0  }
0x29: {  	[sflag:s14] =	ssyncadd.s32 $0xFFFFE000  }
0x2a: {  	[spmem:s8] =	stream.linear.scatter [tilespmem:s30], [sflag:$0x5], $0x2000, $0x38;
	[tilespmem:$0x17540] =	vst v63  }
0x2b: {  	_ =	swait.ge [sflag:s14], $0x2000  }
0x2c: {  	[sflag:s14] =	ssyncset.done $0x0  }
0x2d: {  	[sflag:s14] =	ssyncadd.s32 $0xFFFFE000  }
0x2e: {  	[spmem:s9] =	stream.linear.scatter [tilespmem:s30], [sflag:$0x5], $0x2000, $0x38;
	[tilespmem:$0x17540] =	vst v63  }
0x2f: {  	_ =	swait.ge [sflag:s14], $0x2000  }
0x30: {  	[sflag:s14] =	ssyncset.done $0x0  }
0x31: {  	[sflag:s14] =	ssyncadd.s32 $0xFFFFE000  }
0x32: {  	[spmem:s10] =	stream.linear.scatter [tilespmem:s30], [sflag:$0x5], $0x2000, $0x38;
	[tilespmem:$0x17540] =	vst v63  }
0x33: {  	_ =	swait.ge [sflag:s14], $0x2000  }
0x34: {  	[sflag:s14] =	ssyncset.done $0x0  }
0x35: {  	[sflag:s14] =	ssyncadd.s32 $0xFFFFE000  }
0x36: {  	[spmem:s11] =	stream.linear.scatter [tilespmem:s30], [sflag:$0x5], $0x2000, $0x38;
	[tilespmem:$0x17540] =	vst v63  }
0x37: {  	_ =	swait.ge [sflag:s14], $0x2000  }
0x38: {  	[sflag:s14] =	ssyncset.done $0x0  }
0x39: {  	[sflag:s14] =	ssyncadd.s32 $0xFFFFE000  }
0x3a: {  	[spmem:s12] =	stream.linear.scatter [tilespmem:s30], [sflag:$0x5], $0x2000, $0x38;
	[tilespmem:$0x17540] =	vst v63  }
0x3b: {  	_ =	swait.ge [sflag:s14], $0x2000  }
0x3c: {  	[sflag:s14] =	ssyncset.done $0x0  }
0x3d: {  	[sflag:s14] =	ssyncadd.s32 $0xFFFFE000  }
0x3e: {  	[bflag:$0x0] =	sbarrier.arrive $0xFFFF  }
0x3f: {  	_ =	swait.ge [sflag:s31], $0x1900  }
0x40: {  	[sflag:s31] =	ssyncset.done $0x0  }
0x41: {  	s18 =	simm.s32 $0x28A0;
	[sflag:s31] =	ssyncadd.s32 $0xFFFFE700  }
0x42: {  	[spmem:s3] =	stream.indirect.scatter.add.f32 [tilespmem:s17], [sflag:$0x5], $0x40, s18, s16, $0xb8;
	[tilespmem:$0x17540] =	vst v63  }
0x43: {  	_ =	swait.ge [sflag:s14], $0x1900  }
0x44: {  	[sflag:s14] =	ssyncset.done $0x0  }
0x45: {  	s5 =	simm.s32 $0x1A0;
	[sflag:s14] =	ssyncadd.s32 $0xFFFFE700  }
0x46: {  	[tilespmem:s17], [sflag:$0x1] =	stream.indirect.gather [hbm4b:s0+s16], $0x40, s5, s16, $0xb8;
	[tilespmem:$0x17540] =	vst v63  }
0x47: {  	_ =	swait.ge [sflag:s1], $0x1900  }
0x48: {  	[sflag:s1] =	ssyncset.done $0x0  }
0x49: {  	s6 =	simm.s32 $0x2908;
	[sflag:s1] =	ssyncadd.s32 $0xFFFFE700  }
0x4a: {  	[spmem:s3] =	stream.indirect.scatter.add.f32 [tilespmem:s19], [sflag:$0x5], $0x40, s6, s16, $0xb8;
	[tilespmem:$0x17540] =	vst v63  }
0x4b: {  	_ =	swait.ge [sflag:s14], $0x1900  }
0x4c: {  	[sflag:s14] =	ssyncset.done $0x0  }
0x4d: {  	s5 =	simm.s32 $0x208;
	[sflag:s14] =	ssyncadd.s32 $0xFFFFE700  }
0x4e: {  	[tilespmem:s19], [sflag:$0x2] =	stream.indirect.gather [hbm4b:s0+s16], $0x40, s5, s16, $0xb8;
	[tilespmem:$0x17540] =	vst v63  }
0x4f: {  	_ =	swait.ge [sflag:s2], $0x1900  }
0x50: {  	[sflag:s2] =	ssyncset.done $0x0  }
0x51: {  	s6 =	simm.s32 $0x2970;
	[sflag:s2] =	ssyncadd.s32 $0xFFFFE700  }
0x52: {  	[spmem:s3] =	stream.indirect.scatter.add.f32 [tilespmem:s26], [sflag:$0x5], $0x40, s6, s16, $0xb8;
	[tilespmem:$0x17540] =	vst v63  }
0x53: {  	_ =	swait.ge [sflag:s14], $0x1900  }
0x54: {  	[sflag:s14] =	ssyncset.done $0x0  }
0x55: {  	s5 =	simm.s32 $0x270;
	[sflag:s14] =	ssyncadd.s32 $0xFFFFE700  }
0x56: {  	[tilespmem:s26], [sflag:$0x3] =	stream.indirect.gather [hbm4b:s0+s16], $0x40, s5, s16, $0xb8;
	[tilespmem:$0x17540] =	vst v63  }
0x57: {  	_ =	swait.ge [sflag:s15], $0x1900  }
0x58: {  	[sflag:s15] =	ssyncset.done $0x0  }
0x59: {  	s6 =	simm.s32 $0x29D8;
	[sflag:s15] =	ssyncadd.s32 $0xFFFFE700  }
0x5a: {  	[spmem:s3] =	stream.indirect.scatter.add.f32 [tilespmem:s29], [sflag:$0x5], $0x40, s6, s16, $0xb8;
	[tilespmem:$0x17540] =	vst v63  }
0x5b: {  	_ =	swait.ge [sflag:s14], $0x1900  }
0x5c: {  	[sflag:s14] =	ssyncset.done $0x0  }
0x5d: {  	s28 =	simm.s32 $0x680;
	s18 =	simm.s32 $0x2D8;
	[sflag:s14] =	ssyncadd.s32 $0xFFFFE700  }
.LBB2_2:
0x5e: {  	[tilespmem:s29], [sflag:$0x4] =	stream.indirect.gather [hbm4b:s0+s16], $0x40, s18, s16, $0xb8;
	[tilespmem:$0x17540] =	vst v63  }
0x5f: {  	s18 =	smov.u32 s28  }
0x60: {  	p0 =	sne.s32 s28, $0x9580;
	s28 =	sadd.s32 $0x680, s28;
	_ =	swait.ge [sflag:s31], $0x1900  }
0x61: {  	s18 =	sshra.s32 s18, $0x2;
	[sflag:s31] =	ssyncset.done $0x0  }
0x62: {  	s5 =	sadd.s32 $0x28A0, s18;
	[sflag:s31] =	ssyncadd.s32 $0xFFFFE700  }
0x63: {  	[spmem:s3] =	stream.indirect.scatter.add.f32 [tilespmem:s17], [sflag:$0x5], $0x40, s5, s16, $0xb8;
	[tilespmem:$0x17540] =	vst v63  }
0x64: {  	_ =	swait.ge [sflag:s14], $0x1900  }
0x65: {  	[sflag:s14] =	ssyncset.done $0x0  }
0x66: {  	s5 =	sadd.s32 $0x1A0, s18;
	[sflag:s14] =	ssyncadd.s32 $0xFFFFE700  }
0x67: {  	[tilespmem:s17], [sflag:$0x1] =	stream.indirect.gather [hbm4b:s0+s16], $0x40, s5, s16, $0xb8;
	[tilespmem:$0x17540] =	vst v63  }
0x68: {  	_ =	swait.ge [sflag:s1], $0x1900  }
0x69: {  	[sflag:s1] =	ssyncset.done $0x0  }
0x6a: {  	s5 =	sadd.s32 $0x2908, s18;
	[sflag:s1] =	ssyncadd.s32 $0xFFFFE700  }
0x6b: {  	[spmem:s3] =	stream.indirect.scatter.add.f32 [tilespmem:s19], [sflag:$0x5], $0x40, s5, s16, $0xb8;
	[tilespmem:$0x17540] =	vst v63  }
0x6c: {  	_ =	swait.ge [sflag:s14], $0x1900  }
0x6d: {  	[sflag:s14] =	ssyncset.done $0x0  }
0x6e: {  	s5 =	sadd.s32 $0x208, s18;
	[sflag:s14] =	ssyncadd.s32 $0xFFFFE700  }
0x6f: {  	[tilespmem:s19], [sflag:$0x2] =	stream.indirect.gather [hbm4b:s0+s16], $0x40, s5, s16, $0xb8;
	[tilespmem:$0x17540] =	vst v63  }
0x70: {  	_ =	swait.ge [sflag:s2], $0x1900  }
0x71: {  	[sflag:s2] =	ssyncset.done $0x0  }
0x72: {  	s5 =	sadd.s32 $0x2970, s18;
	[sflag:s2] =	ssyncadd.s32 $0xFFFFE700  }
0x73: {  	[spmem:s3] =	stream.indirect.scatter.add.f32 [tilespmem:s26], [sflag:$0x5], $0x40, s5, s16, $0xb8;
	[tilespmem:$0x17540] =	vst v63  }
0x74: {  	_ =	swait.ge [sflag:s14], $0x1900  }
0x75: {  	[sflag:s14] =	ssyncset.done $0x0  }
0x76: {  	s5 =	sadd.s32 $0x270, s18;
	[sflag:s14] =	ssyncadd.s32 $0xFFFFE700  }
0x77: {  	[tilespmem:s26], [sflag:$0x3] =	stream.indirect.gather [hbm4b:s0+s16], $0x40, s5, s16, $0xb8;
	[tilespmem:$0x17540] =	vst v63  }
0x78: {  	_ =	swait.ge [sflag:s15], $0x1900  }
0x79: {  	[sflag:s15] =	ssyncset.done $0x0  }
.Ltmp0:
0x7a: {  	s5 =	sadd.s32 $0x29D8, s18;
	[sflag:s15] =	ssyncadd.s32 $0xFFFFE700;
	(pc) =	sbr.rel @p0 .LBB2_2-.Ltmp0, $4  }
0x7b: {  	[spmem:s3] =	stream.indirect.scatter.add.f32 [tilespmem:s29], [sflag:$0x5], $0x40, s5, s16, $0xb8;
	[tilespmem:$0x17540] =	vst v63  }
0x7c: {  	_ =	swait.ge [sflag:s14], $0x1900  }
0x7d: {  	[sflag:s14] =	ssyncset.done $0x0  }
0x7e: {  	s18 =	sadd.s32 $0x2D8, s18;
	[sflag:s14] =	ssyncadd.s32 $0xFFFFE700  }
0x7f: {  	[tilespmem:s29], [sflag:$0x4] =	stream.indirect.gather [hbm4b:s0+s16], $0x40, s18, s16, $0xb8;
	[tilespmem:$0x17540] =	vst v63  }
0x80: {  	_ =	swait.ge [sflag:s31], $0x1900  }
0x81: {  	[sflag:s31] =	ssyncset.done $0x0  }
0x82: {  	s5 =	simm.s32 $0x4FA0;
	[sflag:s31] =	ssyncadd.s32 $0xFFFFE700  }
0x83: {  	[spmem:s3] =	stream.indirect.scatter.add.f32 [tilespmem:s17], [sflag:$0x5], $0x40, s5, s16, $0xb8;
	[tilespmem:$0x17540] =	vst v63  }
0x84: {  	_ =	swait.ge [sflag:s14], $0x1900  }
0x85: {  	[sflag:s14] =	ssyncset.done $0x0  }
0x86: {  	[sflag:s14] =	ssyncadd.s32 $0xFFFFE700  }
0x87: {  	_ =	swait.ge [sflag:s1], $0x1900  }
0x88: {  	[sflag:s1] =	ssyncset.done $0x0  }
0x89: {  	s18 =	simm.s32 $0x5008;
	[sflag:s1] =	ssyncadd.s32 $0xFFFFE700  }
0x8a: {  	[spmem:s3] =	stream.indirect.scatter.add.f32 [tilespmem:s19], [sflag:$0x5], $0x40, s18, s16, $0xb8;
	[tilespmem:$0x17540] =	vst v63  }
0x8b: {  	_ =	swait.ge [sflag:s14], $0x1900  }
0x8c: {  	[sflag:s14] =	ssyncset.done $0x0  }
0x8d: {  	[sflag:s14] =	ssyncadd.s32 $0xFFFFE700  }
0x8e: {  	_ =	swait.ge [sflag:s2], $0x1900  }
0x8f: {  	[sflag:s2] =	ssyncset.done $0x0  }
0x90: {  	s28 =	simm.s32 $0x5070;
	[sflag:s2] =	ssyncadd.s32 $0xFFFFE700  }
0x91: {  	[spmem:s3] =	stream.indirect.scatter.add.f32 [tilespmem:s26], [sflag:$0x5], $0x40, s28, s16, $0xb8;
	[tilespmem:$0x17540] =	vst v63  }
0x92: {  	_ =	swait.ge [sflag:s14], $0x1900  }
0x93: {  	[sflag:s14] =	ssyncset.done $0x0  }
0x94: {  	[sflag:s14] =	ssyncadd.s32 $0xFFFFE700  }
0x95: {  	_ =	swait.ge [sflag:s15], $0x1900  }
0x96: {  	[sflag:s15] =	ssyncset.done $0x0  }
0x97: {  	s6 =	simm.s32 $0x50D8;
	[sflag:s15] =	ssyncadd.s32 $0xFFFFE700  }
0x98: {  	[spmem:s3] =	stream.indirect.scatter.add.f32 [tilespmem:s29], [sflag:$0x5], $0x40, s6, s16, $0xb8;
	[tilespmem:$0x17540] =	vst v63  }
0x99: {  	_ =	swait.ge [sflag:s14], $0x1900  }
0x9a: {  	s18 =	stileid.u32;
	[sflag:s14] =	ssyncset.done $0x0  }
0x9b: {  	s5 =	sshll.u32 s18, $0x6;
	[sflag:s14] =	ssyncadd.s32 $0xFFFFE700  }
0x9c: {  	s18 =	sor.u32 $0x1C01, s5;
	s28 =	sshrl.u32 s8, $0x3;
	[bflag:$0x0] =	sbarrier.arrive $0xFFFF  }
0x9d: {  	[hbm:s20], [sflag:s18] =	dma.local [spmem:s28], $0x400  }
0x9e: {  	s6 =	sshrl.u32 s9, $0x3;
	s28 =	sor.u32 $0x1C02, s5  }
0x9f: {  	[hbm:s21], [sflag:s28] =	dma.local [spmem:s6], $0x400  }
0xa0: {  	s6 =	sor.u32 $0x1C03, s5;
	s28 =	sshrl.u32 s10, $0x3  }
0xa1: {  	[hbm:s22], [sflag:s6] =	dma.local [spmem:s28], $0x400  }
0xa2: {  	s5 =	sor.u32 $0x1C04, s5;
	s28 =	sshrl.u32 s11, $0x3  }
0xa3: {  	[hbm:s23], [sflag:s5] =	dma.local [spmem:s28], $0x400  }
0xa4: {  	s28 =	sshrl.u32 s12, $0x3  }
0xa5: {  	[hbm:s24], [sflag:s18] =	dma.local [spmem:s28], $0x400  }
0xa6: {  	_ =	swait.ge [sflag:s31], $0x400  }
0xa7: {  	[sflag:s31] =	ssyncset.done $0x0  }
0xa8: {  	[sflag:s31] =	ssyncadd.s32 $0xFFFFFC00  }
0xa9: {  	_ =	swait.ge [sflag:s1], $0x400  }
0xaa: {  	[sflag:s1] =	ssyncset.done $0x0  }
0xab: {  	[sflag:s1] =	ssyncadd.s32 $0xFFFFFC00  }
0xac: {  	_ =	swait.ge [sflag:s2], $0x400  }
0xad: {  	[sflag:s2] =	ssyncset.done $0x0  }
0xae: {  	s25 =	sadd.s32 $0x1, s25;
	[sflag:s2] =	ssyncadd.s32 $0xFFFFFC00  }
0xaf: {  	p0 =	sne.s32 s25, s13;
	_ =	swait.ge [sflag:s15], $0x400  }
.Ltmp1:
0xb0: {  	[sflag:s15] =	ssyncset.done $0x0;
	(pc) =	sbr.rel @p0 .LBB2_1-.Ltmp1, $4  }
0xb1: {  	[sflag:s15] =	ssyncadd.s32 $0xFFFFFC00  }
0xb2: {  	_ =	swait.ge [sflag:s31], $0x400  }
0xb3: {  	[sflag:s31] =	ssyncset.done $0x0  }
0xb4: {  	[sflag:s31] =	ssyncadd.s32 $0xFFFFFC00  }
0xb5: {  	_ =	sfence.sel $0x180000  }
0xb6: {  	[bflag:$0x0] =	sbarrier.arrive $0xFFFF  }
0xb7: {  	_ =	strace $0x9000004D  }
0xb8: {  	s0 =	stileid.u32;
	[bflag:$0x2] =	sbarrier.arrive $0xFFFF  }
0xb9: {  	p0 =	sne.s32 s0, $0x0;
	s0 =	rddreg [dreg:$0x3]  }
0xba: {  	s0 =	sadd.s32 @!p0 $0x100000, s0  }
0xbb: {  	[sflag:s0] =	ssyncadd.tile.s32 @!p0 $0x1;
	_ =	shalt  }
.Lfunc_end2:
_tile_overlayer_lowered:
.L_overlay_start_2:
0xbc: {  	(tag) =	ssettag $0x2  }
0xbd: {  	s0 =	rddreg [dreg:$0x0];
	s2 =	stileid.u32  }
0xbe: {  	s1 =	rddreg [dreg:$0x1];
	p0 =	sne.s32 s2, $0x0  }
0xbf: {  	s3 =	rddreg [dreg:$0x2];
	[bflag:$0x3] =	sbarrier.arrive $0xFFFF;
	s2 =	simm.s32 @!p0 $0x1C05  }
0xc0: {  	[timem:s3], [sflag:s2] =	dma.local @!p0 [hbm:s0], s1  }
0xc1: {  	s0 =	simm.s32 @!p0 $0x5  }
0xc2: {  	_ =	swait.ge @!p0 [sflag:s0], s1  }
0xc3: {  	s1 =	ssub.s32 @!p0 $0x0, s1;
	[sflag:s0] =	ssyncset.done @!p0 $0x0  }
0xc4: {  	[sflag:s0] =	ssyncadd.s32 @!p0 s1  }
0xc5: {  	[bflag:$0x3] =	sbarrier.arrive $0xFFFF  }
0xc6: {  	_ =	shalt  }

// kernel: kernel.20.cloned.1.call-start
scs
__scs_entry_jumppad:
0x0: {  	(pc) =	sbr.rel $0x88, $3  }
0x1: {  	(tag) =	ssettag $0x0;
	lr =	simm.s32 $0x1  }
0x2: {  	[smem:$0x3F89] =	sst lr;
	_ =	strace $0xD0000000  }
0x3: {  	_ = 	snop  }
0x4: {  	_ = 	snop  }
0x5: {  	_ = 	snop  }
0x6: {  	_ = 	snop  }
0x7: {  	_ = 	snop  }
__scs_overlays_trampoline_lowered:
0x8: {  	[smem:$0x3F98] =	sst s0  }
0x9: {  	[smem:$0x3F99] =	sst s1  }
0xa: {  	[smem:$0x3F9A] =	sst s2  }
0xb: {  	[smem:$0x3F9B] =	sst s3  }
0xc: {  	[smem:$0x3F9C] =	sst s4  }
0xd: {  	[smem:$0x3F9D] =	sst s5  }
0xe: {  	[smem:$0x3F9E] =	sst s6  }
0xf: {  	[smem:$0x3F9F] =	sst s7  }
0x10: {  	[smem:$0x3FA0] =	sst s8  }
0x11: {  	[smem:$0x3FA1] =	sst s9;
	s0 =	simm.s32 @!p0 $0x0  }
0x12: {  	s1 =	sld [smem:$0x3F87];
	s0 =	simm.s32 @p0 $0x1  }
0x13: {  	[smem:$0x3FA2] =	sst s0;
	s0 =	simm.s32 @!p1 $0x0  }
0x14: {  	s2 =	sld [smem:$0x3F86];
	s0 =	simm.s32 @p1 $0x1  }
0x15: {  	[smem:$0x3FA3] =	sst s0;
	s0 =	simm.s32 @!p2 $0x0  }
0x16: {  	s3 =	sld [smem:$0x3FDB];
	s0 =	simm.s32 @p2 $0x1  }
0x17: {  	s4 =	simm.s32 $0x1BF5;
	[smem:$0x3FA5] =	sst s0  }
0x18: {  	s0 =	sld [smem:$0x3F88];
	_ =	swait.ge [sflag:s4], $0x0  }
0x19: {  	s7 =	sld [smem:$0x3F89]  }
0x1a: {  	s8 =	sadd.s32 $0xFFFFE003, lr  }
0x1b: {  	s9 =	sadd.s32 $0xFFFFFEF7, lr;
	s5 =	simm.s32 $0xFFFFFFFF;
	p2 =	slt.u32 s8, $0xFFFFF086  }
0x1c: {  	p1 =	slt.u32 s9, $0xF7A;
	s5 =	simm.s32 @!p2 $0x0  }
0x1d: {  	s5 =	simm.s32 @p1 $0x1;
	p0 =	seq.s32 s7, s2  }
0x1e: {  	s7 =	smul.u32 @!p0 $0xF7A, s2;
	p2 =	seq.s32 @!p0 s5, $0x0  }
0x1f: {  	s9 =	smul.u32 $0xF7A, s1;
	s8 =	simm.s32 @!p0 $0x1BF5;
	p2 =	por !p2, p0  }
0x20: {  	[sflag:s8] =	ssyncset.s32 @!p0 $0xFFFFF086;
	s6 =	sadd.s32 @!p0 s3, s7;
	s7 =	simm.s32 @!p0 $0x108  }
0x21: {  	s3 =	sadd.s32 s3, s9;
	s6 =	sadd.s32 @!p0 $0x88, s6;
	s7 =	simm.s32 @p2 $0x1082  }
0x22: {  	[simem:s7], [sflag:s8] =	dma.local @!p0 [hbm:s6], $0xF7A  }
0x23: {  	s9 =	sor.u32 $0xD0000000, s2;
	s6 =	simm.s32 $0x108;
	_ =	swait.ge @!p0 [sflag:s8], $0x0  }
0x24: {  	s3 =	sadd.s32 $0x88, s3;
	s6 =	simm.s32 @!p1 $0x1082;
	[sflag:s4] =	ssyncset.s32 $0xFFFFF086  }
0x25: {  	[simem:s6], [sflag:s4] =	dma.local [hbm:s3], $0xF7A  }
0x26: {  	[smem:$0x3F89] =	sst s1;
	(tag) =	ssettag s2;
	_ =	strace s9  }
0x27: {  	s1 =	sld [smem:$0x3F99]  }
0x28: {  	s2 =	sld [smem:$0x3F9A]  }
0x29: {  	s4 =	sld [smem:$0x3F9C]  }
0x2a: {  	p0 =	seq.s32 s5, $0x0;
	s5 =	sld [smem:$0x3F9D]  }
0x2b: {  	s6 =	sld [smem:$0x3F9E]  }
0x2c: {  	s7 =	sld [smem:$0x3F9F]  }
0x2d: {  	s3 =	simm.s32 $0x108;
	s8 =	sld [smem:$0x3FA0]  }
0x2e: {  	s3 =	simm.s32 @!p0 $0x1082;
	s9 =	sld [smem:$0x3FA1]  }
0x2f: {  	lr =	sadd.s32 s0, s3;
	s0 =	sld [smem:$0x3F98]  }
0x30: {  	s3 =	sld [smem:$0x3F9B]  }
0x31: {  	[smem:$0x3FA4] =	sst s10  }
0x32: {  	s10 =	sld [smem:$0x3FA2];
	_ =	sdelay $0x3  }
0x33: {  	p0 =	seq.s32 s10, $0x1;
	s10 =	sld [smem:$0x3FA4];
	_ =	sdelay $0x3  }
0x34: {  	[smem:$0x3FA4] =	sst s10  }
0x35: {  	s10 =	sld [smem:$0x3FA3];
	_ =	sdelay $0x3  }
0x36: {  	p1 =	seq.s32 s10, $0x1;
	s10 =	sld [smem:$0x3FA4];
	_ =	sdelay $0x3  }
0x37: {  	[smem:$0x3FA4] =	sst s10  }
0x38: {  	s10 =	sld [smem:$0x3FA5]  }
0x39: {  	_ = 	snop;
	(pc) =	sbr.ind lr, $3  }
0x3a: {  	_ = 	snop  }
0x3b: {  	_ = 	snop  }
0x3c: {  	p2 =	seq.s32 s10, $0x1;
	s10 =	sld [smem:$0x3FA4]  }
0x3d: {  	_ =	shalt  }
0x3e: {  	_ =	shalt  }
0x3f: {  	_ =	shalt  }
0x40: {  	_ =	shalt  }
0x41: {  	_ =	shalt  }
0x42: {  	_ =	shalt  }
0x43: {  	_ =	shalt  }
0x44: {  	_ =	shalt  }
0x45: {  	_ =	shalt  }
0x46: {  	_ =	shalt  }
0x47: {  	_ =	shalt  }
0x48: {  	_ =	shalt  }
0x49: {  	_ =	shalt  }
0x4a: {  	_ =	shalt  }
0x4b: {  	_ =	shalt  }
0x4c: {  	_ =	shalt  }
0x4d: {  	_ =	shalt  }
0x4e: {  	_ =	shalt  }
0x4f: {  	_ =	shalt  }
0x50: {  	_ =	shalt  }
0x51: {  	_ =	shalt  }
0x52: {  	_ =	shalt  }
0x53: {  	_ =	shalt  }
0x54: {  	_ =	shalt  }
0x55: {  	_ =	shalt  }
0x56: {  	_ =	shalt  }
0x57: {  	_ =	shalt  }
0x58: {  	_ =	shalt  }
0x59: {  	_ =	shalt  }
0x5a: {  	_ =	shalt  }
0x5b: {  	_ =	shalt  }
0x5c: {  	_ =	shalt  }
0x5d: {  	_ =	shalt  }
0x5e: {  	_ =	shalt  }
0x5f: {  	_ =	shalt  }
0x60: {  	_ =	shalt  }
0x61: {  	_ =	shalt  }
0x62: {  	_ =	shalt  }
0x63: {  	_ =	shalt  }
0x64: {  	_ =	shalt  }
0x65: {  	_ =	shalt  }
0x66: {  	_ =	shalt  }
0x67: {  	_ =	shalt  }
0x68: {  	_ =	shalt  }
0x69: {  	_ =	shalt  }
0x6a: {  	_ =	shalt  }
0x6b: {  	_ =	shalt  }
0x6c: {  	_ =	shalt  }
0x6d: {  	_ =	shalt  }
0x6e: {  	_ =	shalt  }
0x6f: {  	_ =	shalt  }
0x70: {  	_ =	shalt  }
0x71: {  	_ =	shalt  }
0x72: {  	_ =	shalt  }
0x73: {  	_ =	shalt  }
0x74: {  	_ =	shalt  }
0x75: {  	_ =	shalt  }
0x76: {  	_ =	shalt  }
0x77: {  	_ =	shalt  }
0x78: {  	_ =	shalt  }
0x79: {  	_ =	shalt  }
0x7a: {  	_ =	shalt  }
0x7b: {  	_ =	shalt  }
0x7c: {  	_ =	shalt  }
0x7d: {  	_ =	shalt  }
0x7e: {  	_ =	shalt  }
0x7f: {  	_ =	shalt  }
0x80: {  	_ =	shalt  }
0x81: {  	_ =	shalt  }
0x82: {  	_ =	shalt  }
0x83: {  	_ =	shalt  }
0x84: {  	_ =	shalt  }
0x85: {  	_ =	shalt  }
0x86: {  	_ =	shalt  }
0x87: {  	_ =	shalt  }
.Lfunc_end0:
.L_simem_size_0:
called_computation.3_lowered:
.L_overlay_start_0:
0x88: {  	s2 =	sld [smem:$0x3FD9]  }
0x89: {  	s3 =	sld [smem:$0x3FFE];
	_ =	sdelay $0x1  }
0x8a: {  	s1 =	srdreg.scid  }
0x8b: {  	s0 =	sand.u32 $0x1, s1  }
0x8c: {  	s17 =	sshll.u32 s0, $0xA;
	s2 =	sadd.s32 s3, s2  }
0x8d: {  	s2 =	sadd.s32 s2, s17  }
0x8e: {  	[smem:$0x3FB0] =	sst s2  }
0x8f: {  	_ = 	snop  }
0x90: {  	s2 =	sld [smem:$0x3FD0];
	(tm) =	ssettm $0x1  }
0x91: {  	s18 =	sld [smem:$0x3FFB];
	_ =	sdelay $0x3  }
0x92: {  	_ =	strace s18  }
0x93: {  	s3 =	sld [smem:$0x3FFC];
	_ =	sdelay $0x3  }
0x94: {  	_ =	strace s3  }
0x95: {  	s3 =	sld [smem:$0x3FFD];
	_ =	sdelay $0x3  }
0x96: {  	_ =	strace s3  }
0x97: {  	_ =	strace $0x8FFFFFFF  }
0x98: {  	s19 =	sld [smem:$0x3FDB];
	_ =	sdelay $0x1  }
0x99: {  	s4 =	simm.s32 $_scs_section_size  }
0x9a: {  	s5 =	simm.s32 $_size__tile_overlayer_lowered;
	s6 =	simm.s32 $_tile_overlayer_lowered  }
0x9b: {  	s22 =	simm.s32 $0x1BFF;
	s21 =	sshll.u32 s6, $0x1;
	s3 =	sadd.s32 s4, s19  }
0x9c: {  	s7 =	simm.s32 $0x0;
	s20 =	sshll.u32 s5, $0x1;
	s5 =	sadd.s32 s21, s3  }
0x9d: {  	[timem:s7], [sflag:s22] =	dma.local [hbm:s5], s20  }
0x9e: {  	_ =	swait.ge [sflag:s22], s20  }
0x9f: {  	s4 =	ssub.s32 $0x0, s20;
	[sflag:s22] =	ssyncset.done $0x0  }
0xa0: {  	[sflag:s22] =	ssyncadd.s32 s4;
	_ =	sdelay $0x1  }
0xa1: {  	s23 =	simm.s32 $0x1B8B  }
0xa2: {  	_ =	swait.ge [sflag:s23], $0x1  }
0xa3: {  	[sflag:s23] =	ssyncset.done $0x0  }
0xa4: {  	s25 =	simm.s32 $0x1B8E;
	s24 =	sld [smem:$0x3FFE];
	[sflag:s23] =	ssyncadd.s32 $0xFFFFFFFF  }
0xa5: {  	s26 =	simm.s32 $execute0_lowered;
	[smem:$0x3FD2] =	sst s25  }
0xa6: {  	s5 =	sshll.u32 s26, $0x1;
	_ =	strace $0x8000004F;
	[dreg:$0x1] =	wrdreg $0xFFFFFFFF  }
0xa7: {  	s28 =	simm.s32 $_size_execute0_lowered;
	s3 =	sadd.s32 s3, s5;
	[dreg:$0x0] =	wrdreg $0x0  }
0xa8: {  	s5 =	sshll.u32 s28, $0x1;
	[dreg:$0x2] =	wrdreg s3  }
0xa9: {  	[dreg:$0x3] =	wrdreg s5  }
0xaa: {  	[dreg:$0x4] =	wrdreg $0xC0  }
0xab: {  	_ =	task [dreg:s7], $0x5FFFF  }
0xac: {  	[dreg:$0x1] =	wrdreg $0xFFFFFFFF  }
0xad: {  	[dreg:$0x0] =	wrdreg $0x60  }
0xae: {  	[dreg:$0x2] =	wrdreg s2  }
0xaf: {  	[dreg:$0x3] =	wrdreg s24  }
0xb0: {  	[dreg:$0x4] =	wrdreg $0xD5400  }
0xb1: {  	[dreg:$0x5] =	wrdreg $0x9  }
0xb2: {  	_ =	task.clear_ibuf [dreg:s7], $0x6FFFF;
	_ =	strace $0x9000004F  }
0xb3: {  	s29 =	simm.s32 $0x9;
	_ =	strace $0x80000051  }
0xb4: {  	_ =	swait.ge [sflag:s29], $0x1  }
0xb5: {  	[sflag:s29] =	ssyncadd.s32 $0xFFFFFFFF  }
0xb6: {  	_ =	strace $0x90000051  }
0xb7: {  	_ =	sfence  }
0xb8: {  	s30 =	sld [smem:$0x0];
	_ =	sdelay $0x2  }
0xb9: {  	s31 =	sshll.u32 s1, $0xD;
	s1 =	sshrl.u32 s1, $0x2  }
0xba: {  	s3 =	sand.u32 $0x4000, s31;
	s1 =	sadd.s32 s1, s30  }
0xbb: {  	s0 =	sor.u32 s3, s0;
	s1 =	sshll.u32 s1, $0x11  }
0xbc: {  	s0 =	sor.u32 s1, s0  }
0xbd: {  	s0 =	sadd.s32 $0x8F2B, s0  }
0xbe: {  	[sflag:s0] =	ssyncadd.remote.s32 $0x1  }
0xbf: {  	_ =	sfence.sel $0xFFFF  }
0xc0: {  	[dreg:$0x0] =	wrdreg $0xFFFFFFFF;
	(pc) =	sbr.abs _section_cstart, $3  }
0xc1: {  	[dreg:$0x1] =	wrdreg $0xFFFFFFFF  }
0xc2: {  	_ =	task.clear_ibuf [dreg:s7], $0x2FFFF;
	_ =	strace $0x9FFFFFFF  }
0xc3: {  	(tm) =	ssettm $0x7FFFFFFF  }
tec
execute0_lowered:
.L_overlay_start_1:
0x0: {  	(tag) =	ssettag $0x1  }
0x1: {  	s0 =	rddreg [dreg:$0x0]  }
0x2: {  	s1 =	srdreg.scid;
	s2 =	rddreg [dreg:$0x1]  }
0x3: {  	s3 =	rddreg [dreg:$0x2];
	s9 =	stileid.u32;
	s4 =	simm.s32 $0x0  }
0x4: {  	s19 =	simm.s32 $0x6A40;
	s29 =	simm.s32 $0x9C40;
	s30 =	simm.s32 $0xB540  }
0x5: {  	s31 =	simm.s32 $0x1;
	s25 =	simm.s32 $0x0;
	s1 =	sand.u32 $0x1, s1  }
0x6: {  	[smem:$0x7FF] =	sst s4;
	s26 =	sadd.s32 $0x18200, s2;
	s13 =	smul.u32 $0xA000, s9  }
0x7: {  	s5 =	sshll.u32 s1, $0x4;
	_ =	strace $0x80000050;
	s6 =	smul.u32 $0x14000, s1  }
0x8: {  	s1 =	ssub.s32 $0x2, s1;
	[dreg:$0x4] =	wrdreg s26;
	s26 =	simm.s32 $0x8340  }
0x9: {  	s5 =	sor.u32 s9, s5;
	s8 =	sshrl.u32 s1, $0x1;
	s14 =	sadd.s32 $0x2000, s13  }
0xa: {  	s15 =	sadd.s32 $0x4000, s13;
	s16 =	sadd.s32 $0x6000, s13;
	s17 =	sadd.s32 $0x8000, s13  }
0xb: {  	s18 =	sshrl.u32 s13, $0x3;
	s5 =	smul.u32 $0x514, s5;
	s1 =	ssub.s32 s1, s8  }
0xc: {  	s8 =	sadd.s32 s13, s3;
	s9 =	sadd.s32 s14, s3;
	s10 =	sadd.s32 s15, s3  }
0xd: {  	s11 =	sadd.s32 s16, s3;
	s12 =	sadd.s32 s17, s3;
	s21 =	sshrl.u32 s14, $0x3  }
0xe: {  	s15 =	sshrl.u32 s15, $0x3;
	s23 =	sshrl.u32 s16, $0x3;
	s24 =	sshrl.u32 s17, $0x3  }
0xf: {  	s14 =	simm.s32 $0x5;
	s16 =	simm.s32 $0x64;
	s17 =	simm.s32 $0x5140  }
0x10: {  	s13 =	smax.u32 s1, $0x1;
	s7 =	sadd.s32 s5, s2;
	s2 =	sadd.s32 s6, s2  }
0x11: {  	s1 =	simm.s32 $0x2;
	s28 =	sadd.s32 $0xDE00, s7;
	s2 =	sadd.s32 $0x18600, s2  }
0x12: {  	s7 =	sadd.s32 $0x3A00, s7;
	[dreg:$0x5] =	wrdreg s28;
	s20 =	sadd.s32 s18, s2  }
0x13: {  	s21 =	sadd.s32 s21, s2;
	s22 =	sadd.s32 s15, s2;
	s23 =	sadd.s32 s23, s2  }
0x14: {  	s24 =	sadd.s32 s24, s2;
	s2 =	simm.s32 $0x3;
	s15 =	simm.s32 $0x4  }
.LBB2_1:
0x15: {  	s5 =	rddreg [dreg:$0x5]  }
0x16: {  	[tilespmem:s4], [sflag:$0x5] =	stream.linear.gather [hbm4b:s5+s4], $0x28A0, $0x38;
	[tilespmem:$0x17540] =	vst v63  }
0x17: {  	_ =	swait.ge [sflag:s14], $0x28A0  }
0x18: {  	[sflag:s14] =	ssyncset.done $0x0  }
0x19: {  	s18 =	simm.s32 $0x28A0;
	[sflag:s14] =	ssyncadd.s32 $0xFFFFD760  }
0x1a: {  	[tilespmem:s18], [sflag:$0x5] =	stream.linear.gather [hbm4b:s7+s4], $0x28A0, $0x38;
	[tilespmem:$0x17540] =	vst v63  }
0x1b: {  	_ =	swait.ge [sflag:s14], $0x28A0  }
0x1c: {  	[sflag:s14] =	ssyncset.done $0x0  }
0x1d: {  	[sflag:s14] =	ssyncadd.s32 $0xFFFFD760  }
0x1e: {  	[tilespmem:s17], [sflag:$0x1] =	stream.indirect.gather [hbm4b:s0+s16], $0x40, s4, s16, $0xb8;
	[tilespmem:$0x17540] =	vst v63  }
0x1f: {  	s6 =	simm.s32 $0x68  }
0x20: {  	[tilespmem:s19], [sflag:$0x2] =	stream.indirect.gather [hbm4b:s0+s16], $0x40, s6, s16, $0xb8;
	[tilespmem:$0x17540] =	vst v63  }
0x21: {  	s18 =	simm.s32 $0xD0  }
0x22: {  	[tilespmem:s26], [sflag:$0x3] =	stream.indirect.gather [hbm4b:s0+s16], $0x40, s18, s16, $0xb8;
	[tilespmem:$0x17540] =	vst v63  }
0x23: {  	s6 =	simm.s32 $0x138  }
0x24: {  	[tilespmem:s29], [sflag:$0x4] =	stream.indirect.gather [hbm4b:s0+s16], $0x40, s6, s16, $0xb8;
	[tilespmem:$0x17540] =	vst v63  }
0x25: {  	s18 =	rddreg [dreg:$0x4]  }
0x26: {  	[tilespmem:s30], [sflag:$0x5] =	stream.linear.gather [hbm4b:s18+s4], $0x2000, $0x38;
	[tilespmem:$0x17540] =	vst v63  }
0x27: {  	_ =	swait.ge [sflag:s14], $0x2000  }
0x28: {  	[sflag:s14] =	ssyncset.done $0x0  }
0x29: {  	[sflag:s14] =	ssyncadd.s32 $0xFFFFE000  }
0x2a: {  	[spmem:s8] =	stream.linear.scatter [tilespmem:s30], [sflag:$0x5], $0x2000, $0x38;
	[tilespmem:$0x17540] =	vst v63  }
0x2b: {  	_ =	swait.ge [sflag:s14], $0x2000  }
0x2c: {  	[sflag:s14] =	ssyncset.done $0x0  }
0x2d: {  	[sflag:s14] =	ssyncadd.s32 $0xFFFFE000  }
0x2e: {  	[spmem:s9] =	stream.linear.scatter [tilespmem:s30], [sflag:$0x5], $0x2000, $0x38;
	[tilespmem:$0x17540] =	vst v63  }
0x2f: {  	_ =	swait.ge [sflag:s14], $0x2000  }
0x30: {  	[sflag:s14] =	ssyncset.done $0x0  }
0x31: {  	[sflag:s14] =	ssyncadd.s32 $0xFFFFE000  }
0x32: {  	[spmem:s10] =	stream.linear.scatter [tilespmem:s30], [sflag:$0x5], $0x2000, $0x38;
	[tilespmem:$0x17540] =	vst v63  }
0x33: {  	_ =	swait.ge [sflag:s14], $0x2000  }
0x34: {  	[sflag:s14] =	ssyncset.done $0x0  }
0x35: {  	[sflag:s14] =	ssyncadd.s32 $0xFFFFE000  }
0x36: {  	[spmem:s11] =	stream.linear.scatter [tilespmem:s30], [sflag:$0x5], $0x2000, $0x38;
	[tilespmem:$0x17540] =	vst v63  }
0x37: {  	_ =	swait.ge [sflag:s14], $0x2000  }
0x38: {  	[sflag:s14] =	ssyncset.done $0x0  }
0x39: {  	[sflag:s14] =	ssyncadd.s32 $0xFFFFE000  }
0x3a: {  	[spmem:s12] =	stream.linear.scatter [tilespmem:s30], [sflag:$0x5], $0x2000, $0x38;
	[tilespmem:$0x17540] =	vst v63  }
0x3b: {  	_ =	swait.ge [sflag:s14], $0x2000  }
0x3c: {  	[sflag:s14] =	ssyncset.done $0x0  }
0x3d: {  	[sflag:s14] =	ssyncadd.s32 $0xFFFFE000  }
0x3e: {  	[bflag:$0x0] =	sbarrier.arrive $0xFFFF  }
0x3f: {  	_ =	swait.ge [sflag:s31], $0x1900  }
0x40: {  	[sflag:s31] =	ssyncset.done $0x0  }
0x41: {  	s18 =	simm.s32 $0x28A0;
	[sflag:s31] =	ssyncadd.s32 $0xFFFFE700  }
0x42: {  	[spmem:s3] =	stream.indirect.scatter.add.f32 [tilespmem:s17], [sflag:$0x5], $0x40, s18, s16, $0xb8;
	[tilespmem:$0x17540] =	vst v63  }
0x43: {  	_ =	swait.ge [sflag:s14], $0x1900  }
0x44: {  	[sflag:s14] =	ssyncset.done $0x0  }
0x45: {  	s5 =	simm.s32 $0x1A0;
	[sflag:s14] =	ssyncadd.s32 $0xFFFFE700  }
0x46: {  	[tilespmem:s17], [sflag:$0x1] =	stream.indirect.gather [hbm4b:s0+s16], $0x40, s5, s16, $0xb8;
	[tilespmem:$0x17540] =	vst v63  }
0x47: {  	_ =	swait.ge [sflag:s1], $0x1900  }
0x48: {  	[sflag:s1] =	ssyncset.done $0x0  }
0x49: {  	s6 =	simm.s32 $0x2908;
	[sflag:s1] =	ssyncadd.s32 $0xFFFFE700  }
0x4a: {  	[spmem:s3] =	stream.indirect.scatter.add.f32 [tilespmem:s19], [sflag:$0x5], $0x40, s6, s16, $0xb8;
	[tilespmem:$0x17540] =	vst v63  }
0x4b: {  	_ =	swait.ge [sflag:s14], $0x1900  }
0x4c: {  	[sflag:s14] =	ssyncset.done $0x0  }
0x4d: {  	s5 =	simm.s32 $0x208;
	[sflag:s14] =	ssyncadd.s32 $0xFFFFE700  }
0x4e: {  	[tilespmem:s19], [sflag:$0x2] =	stream.indirect.gather [hbm4b:s0+s16], $0x40, s5, s16, $0xb8;
	[tilespmem:$0x17540] =	vst v63  }
0x4f: {  	_ =	swait.ge [sflag:s2], $0x1900  }
0x50: {  	[sflag:s2] =	ssyncset.done $0x0  }
0x51: {  	s6 =	simm.s32 $0x2970;
	[sflag:s2] =	ssyncadd.s32 $0xFFFFE700  }
0x52: {  	[spmem:s3] =	stream.indirect.scatter.add.f32 [tilespmem:s26], [sflag:$0x5], $0x40, s6, s16, $0xb8;
	[tilespmem:$0x17540] =	vst v63  }
0x53: {  	_ =	swait.ge [sflag:s14], $0x1900  }
0x54: {  	[sflag:s14] =	ssyncset.done $0x0  }
0x55: {  	s5 =	simm.s32 $0x270;
	[sflag:s14] =	ssyncadd.s32 $0xFFFFE700  }
0x56: {  	[tilespmem:s26], [sflag:$0x3] =	stream.indirect.gather [hbm4b:s0+s16], $0x40, s5, s16, $0xb8;
	[tilespmem:$0x17540] =	vst v63  }
0x57: {  	_ =	swait.ge [sflag:s15], $0x1900  }
0x58: {  	[sflag:s15] =	ssyncset.done $0x0  }
0x59: {  	s6 =	simm.s32 $0x29D8;
	[sflag:s15] =	ssyncadd.s32 $0xFFFFE700  }
0x5a: {  	[spmem:s3] =	stream.indirect.scatter.add.f32 [tilespmem:s29], [sflag:$0x5], $0x40, s6, s16, $0xb8;
	[tilespmem:$0x17540] =	vst v63  }
0x5b: {  	_ =	swait.ge [sflag:s14], $0x1900  }
0x5c: {  	[sflag:s14] =	ssyncset.done $0x0  }
0x5d: {  	s28 =	simm.s32 $0x680;
	s18 =	simm.s32 $0x2D8;
	[sflag:s14] =	ssyncadd.s32 $0xFFFFE700  }
.LBB2_2:
0x5e: {  	[tilespmem:s29], [sflag:$0x4] =	stream.indirect.gather [hbm4b:s0+s16], $0x40, s18, s16, $0xb8;
	[tilespmem:$0x17540] =	vst v63  }
0x5f: {  	s18 =	smov.u32 s28  }
0x60: {  	p0 =	sne.s32 s28, $0x9580;
	s28 =	sadd.s32 $0x680, s28;
	_ =	swait.ge [sflag:s31], $0x1900  }
0x61: {  	s18 =	sshra.s32 s18, $0x2;
	[sflag:s31] =	ssyncset.done $0x0  }
0x62: {  	s5 =	sadd.s32 $0x28A0, s18;
	[sflag:s31] =	ssyncadd.s32 $0xFFFFE700  }
0x63: {  	[spmem:s3] =	stream.indirect.scatter.add.f32 [tilespmem:s17], [sflag:$0x5], $0x40, s5, s16, $0xb8;
	[tilespmem:$0x17540] =	vst v63  }
0x64: {  	_ =	swait.ge [sflag:s14], $0x1900  }
0x65: {  	[sflag:s14] =	ssyncset.done $0x0  }
0x66: {  	s5 =	sadd.s32 $0x1A0, s18;
	[sflag:s14] =	ssyncadd.s32 $0xFFFFE700  }
0x67: {  	[tilespmem:s17], [sflag:$0x1] =	stream.indirect.gather [hbm4b:s0+s16], $0x40, s5, s16, $0xb8;
	[tilespmem:$0x17540] =	vst v63  }
0x68: {  	_ =	swait.ge [sflag:s1], $0x1900  }
0x69: {  	[sflag:s1] =	ssyncset.done $0x0  }
0x6a: {  	s5 =	sadd.s32 $0x2908, s18;
	[sflag:s1] =	ssyncadd.s32 $0xFFFFE700  }
0x6b: {  	[spmem:s3] =	stream.indirect.scatter.add.f32 [tilespmem:s19], [sflag:$0x5], $0x40, s5, s16, $0xb8;
	[tilespmem:$0x17540] =	vst v63  }
0x6c: {  	_ =	swait.ge [sflag:s14], $0x1900  }
0x6d: {  	[sflag:s14] =	ssyncset.done $0x0  }
0x6e: {  	s5 =	sadd.s32 $0x208, s18;
	[sflag:s14] =	ssyncadd.s32 $0xFFFFE700  }
0x6f: {  	[tilespmem:s19], [sflag:$0x2] =	stream.indirect.gather [hbm4b:s0+s16], $0x40, s5, s16, $0xb8;
	[tilespmem:$0x17540] =	vst v63  }
0x70: {  	_ =	swait.ge [sflag:s2], $0x1900  }
0x71: {  	[sflag:s2] =	ssyncset.done $0x0  }
0x72: {  	s5 =	sadd.s32 $0x2970, s18;
	[sflag:s2] =	ssyncadd.s32 $0xFFFFE700  }
0x73: {  	[spmem:s3] =	stream.indirect.scatter.add.f32 [tilespmem:s26], [sflag:$0x5], $0x40, s5, s16, $0xb8;
	[tilespmem:$0x17540] =	vst v63  }
0x74: {  	_ =	swait.ge [sflag:s14], $0x1900  }
0x75: {  	[sflag:s14] =	ssyncset.done $0x0  }
0x76: {  	s5 =	sadd.s32 $0x270, s18;
	[sflag:s14] =	ssyncadd.s32 $0xFFFFE700  }
0x77: {  	[tilespmem:s26], [sflag:$0x3] =	stream.indirect.gather [hbm4b:s0+s16], $0x40, s5, s16, $0xb8;
	[tilespmem:$0x17540] =	vst v63  }
0x78: {  	_ =	swait.ge [sflag:s15], $0x1900  }
0x79: {  	[sflag:s15] =	ssyncset.done $0x0  }
.Ltmp0:
0x7a: {  	s5 =	sadd.s32 $0x29D8, s18;
	[sflag:s15] =	ssyncadd.s32 $0xFFFFE700;
	(pc) =	sbr.rel @p0 .LBB2_2-.Ltmp0, $4  }
0x7b: {  	[spmem:s3] =	stream.indirect.scatter.add.f32 [tilespmem:s29], [sflag:$0x5], $0x40, s5, s16, $0xb8;
	[tilespmem:$0x17540] =	vst v63  }
0x7c: {  	_ =	swait.ge [sflag:s14], $0x1900  }
0x7d: {  	[sflag:s14] =	ssyncset.done $0x0  }
0x7e: {  	s18 =	sadd.s32 $0x2D8, s18;
	[sflag:s14] =	ssyncadd.s32 $0xFFFFE700  }
0x7f: {  	[tilespmem:s29], [sflag:$0x4] =	stream.indirect.gather [hbm4b:s0+s16], $0x40, s18, s16, $0xb8;
	[tilespmem:$0x17540] =	vst v63  }
0x80: {  	_ =	swait.ge [sflag:s31], $0x1900  }
0x81: {  	[sflag:s31] =	ssyncset.done $0x0  }
0x82: {  	s5 =	simm.s32 $0x4FA0;
	[sflag:s31] =	ssyncadd.s32 $0xFFFFE700  }
0x83: {  	[spmem:s3] =	stream.indirect.scatter.add.f32 [tilespmem:s17], [sflag:$0x5], $0x40, s5, s16, $0xb8;
	[tilespmem:$0x17540] =	vst v63  }
0x84: {  	_ =	swait.ge [sflag:s14], $0x1900  }
0x85: {  	[sflag:s14] =	ssyncset.done $0x0  }
0x86: {  	[sflag:s14] =	ssyncadd.s32 $0xFFFFE700  }
0x87: {  	_ =	swait.ge [sflag:s1], $0x1900  }
0x88: {  	[sflag:s1] =	ssyncset.done $0x0  }
0x89: {  	s18 =	simm.s32 $0x5008;
	[sflag:s1] =	ssyncadd.s32 $0xFFFFE700  }
0x8a: {  	[spmem:s3] =	stream.indirect.scatter.add.f32 [tilespmem:s19], [sflag:$0x5], $0x40, s18, s16, $0xb8;
	[tilespmem:$0x17540] =	vst v63  }
0x8b: {  	_ =	swait.ge [sflag:s14], $0x1900  }
0x8c: {  	[sflag:s14] =	ssyncset.done $0x0  }
0x8d: {  	[sflag:s14] =	ssyncadd.s32 $0xFFFFE700  }
0x8e: {  	_ =	swait.ge [sflag:s2], $0x1900  }
0x8f: {  	[sflag:s2] =	ssyncset.done $0x0  }
0x90: {  	s28 =	simm.s32 $0x5070;
	[sflag:s2] =	ssyncadd.s32 $0xFFFFE700  }
0x91: {  	[spmem:s3] =	stream.indirect.scatter.add.f32 [tilespmem:s26], [sflag:$0x5], $0x40, s28, s16, $0xb8;
	[tilespmem:$0x17540] =	vst v63  }
0x92: {  	_ =	swait.ge [sflag:s14], $0x1900  }
0x93: {  	[sflag:s14] =	ssyncset.done $0x0  }
0x94: {  	[sflag:s14] =	ssyncadd.s32 $0xFFFFE700  }
0x95: {  	_ =	swait.ge [sflag:s15], $0x1900  }
0x96: {  	[sflag:s15] =	ssyncset.done $0x0  }
0x97: {  	s6 =	simm.s32 $0x50D8;
	[sflag:s15] =	ssyncadd.s32 $0xFFFFE700  }
0x98: {  	[spmem:s3] =	stream.indirect.scatter.add.f32 [tilespmem:s29], [sflag:$0x5], $0x40, s6, s16, $0xb8;
	[tilespmem:$0x17540] =	vst v63  }
0x99: {  	_ =	swait.ge [sflag:s14], $0x1900  }
0x9a: {  	s18 =	stileid.u32;
	[sflag:s14] =	ssyncset.done $0x0  }
0x9b: {  	s5 =	sshll.u32 s18, $0x6;
	[sflag:s14] =	ssyncadd.s32 $0xFFFFE700  }
0x9c: {  	s18 =	sor.u32 $0x1C01, s5;
	s28 =	sshrl.u32 s8, $0x3;
	[bflag:$0x0] =	sbarrier.arrive $0xFFFF  }
0x9d: {  	[hbm:s20], [sflag:s18] =	dma.local [spmem:s28], $0x400  }
0x9e: {  	s6 =	sshrl.u32 s9, $0x3;
	s28 =	sor.u32 $0x1C02, s5  }
0x9f: {  	[hbm:s21], [sflag:s28] =	dma.local [spmem:s6], $0x400  }
0xa0: {  	s6 =	sor.u32 $0x1C03, s5;
	s28 =	sshrl.u32 s10, $0x3  }
0xa1: {  	[hbm:s22], [sflag:s6] =	dma.local [spmem:s28], $0x400  }
0xa2: {  	s5 =	sor.u32 $0x1C04, s5;
	s28 =	sshrl.u32 s11, $0x3  }
0xa3: {  	[hbm:s23], [sflag:s5] =	dma.local [spmem:s28], $0x400  }
0xa4: {  	s28 =	sshrl.u32 s12, $0x3  }
0xa5: {  	[hbm:s24], [sflag:s18] =	dma.local [spmem:s28], $0x400  }
0xa6: {  	_ =	swait.ge [sflag:s31], $0x400  }
0xa7: {  	[sflag:s31] =	ssyncset.done $0x0  }
0xa8: {  	[sflag:s31] =	ssyncadd.s32 $0xFFFFFC00  }
0xa9: {  	_ =	swait.ge [sflag:s1], $0x400  }
0xaa: {  	[sflag:s1] =	ssyncset.done $0x0  }
0xab: {  	[sflag:s1] =	ssyncadd.s32 $0xFFFFFC00  }
0xac: {  	_ =	swait.ge [sflag:s2], $0x400  }
0xad: {  	[sflag:s2] =	ssyncset.done $0x0  }
0xae: {  	s25 =	sadd.s32 $0x1, s25;
	[sflag:s2] =	ssyncadd.s32 $0xFFFFFC00  }
0xaf: {  	p0 =	sne.s32 s25, s13;
	_ =	swait.ge [sflag:s15], $0x400  }
.Ltmp1:
0xb0: {  	[sflag:s15] =	ssyncset.done $0x0;
	(pc) =	sbr.rel @p0 .LBB2_1-.Ltmp1, $4  }
0xb1: {  	[sflag:s15] =	ssyncadd.s32 $0xFFFFFC00  }
0xb2: {  	_ =	swait.ge [sflag:s31], $0x400  }
0xb3: {  	[sflag:s31] =	ssyncset.done $0x0  }
0xb4: {  	[sflag:s31] =	ssyncadd.s32 $0xFFFFFC00  }
0xb5: {  	_ =	sfence.sel $0x180000  }
0xb6: {  	[bflag:$0x0] =	sbarrier.arrive $0xFFFF  }
0xb7: {  	_ =	strace $0x90000050  }
0xb8: {  	s0 =	stileid.u32;
	[bflag:$0x2] =	sbarrier.arrive $0xFFFF  }
0xb9: {  	p0 =	sne.s32 s0, $0x0;
	s0 =	rddreg [dreg:$0x3]  }
0xba: {  	s0 =	sadd.s32 @!p0 $0x100000, s0  }
0xbb: {  	[sflag:s0] =	ssyncadd.tile.s32 @!p0 $0x1;
	_ =	shalt  }
.Lfunc_end2:
_tile_overlayer_lowered:
.L_overlay_start_2:
0xbc: {  	(tag) =	ssettag $0x2  }
0xbd: {  	s0 =	rddreg [dreg:$0x0];
	s2 =	stileid.u32  }
0xbe: {  	s1 =	rddreg [dreg:$0x1];
	p0 =	sne.s32 s2, $0x0  }
0xbf: {  	s3 =	rddreg [dreg:$0x2];
	[bflag:$0x3] =	sbarrier.arrive $0xFFFF;
	s2 =	simm.s32 @!p0 $0x1C05  }
0xc0: {  	[timem:s3], [sflag:s2] =	dma.local @!p0 [hbm:s0], s1  }
0xc1: {  	s0 =	simm.s32 @!p0 $0x5  }
0xc2: {  	_ =	swait.ge @!p0 [sflag:s0], s1  }
0xc3: {  	s1 =	ssub.s32 @!p0 $0x0, s1;
	[sflag:s0] =	ssyncset.done @!p0 $0x0  }
0xc4: {  	[sflag:s0] =	ssyncadd.s32 @!p0 s1  }
0xc5: {  	[bflag:$0x3] =	sbarrier.arrive $0xFFFF  }
0xc6: {  	_ =	shalt  }

</sc_bundles>
